<compile_context>
chip_gen: v7x
topology: tpu7x:2x2x1
jax: 0.10.2.dev20260603
libtpu: 0.0.44.dev20260713+nightly
codegen_flags: <defaults>
</compile_context>

<pallas_src>
import functools
import math

import jax
import jax.numpy as jnp
from jax import lax
from jax.experimental import pallas as pl
from jax.experimental.pallas import tpu as pltpu
from jax.experimental.pallas import tpu_sc as plsc

N = 50000
E = 800000
HIDDEN = 64
NUM_BASIS = 8
CUTOFF = 5.0

NP = 50176
EP = 802816
C = 128
HALF = 25000
AGGROWS = 25088
TRASH = 25024

def _silu(x):
    return x / (1.0 + jnp.exp(-x))



@functools.cache
def _make_k0():
    mesh = plsc.VectorSubcoreMesh(core_axis_name="c", subcore_axis_name="s")
    return functools.partial(
        pl.kernel, mesh=mesh,
        out_type=(jax.ShapeDtypeStruct((NP, HIDDEN), jnp.float32),
                  jax.ShapeDtypeStruct((NP, 16), jnp.float32)),
        scratch_types=[pltpu.VMEM((112,), jnp.int32),
                       pltpu.VMEM((112, HIDDEN), jnp.float32),
                       pltpu.VMEM((112, 16), jnp.float32),
                       pltpu.SemaphoreType.DMA],
        compiler_params=pltpu.CompilerParams(use_tc_tiling_on_sc=False),
    )(_k0_embed)


def _k0_embed(z_hbm, emb_hbm, ae_hbm, feats_out, ae_out, zbuf, ebuf, abuf, sem):
    wid = lax.axis_index("s") * 2 + lax.axis_index("c")
    base = wid * (NP // 32)

    def step(i, _):
        e0 = base + i * 112
        pltpu.sync_copy(z_hbm.at[pl.ds(e0, 112)], zbuf)
        pltpu.async_copy(emb_hbm.at[zbuf], ebuf, sem).wait()
        pltpu.async_copy(ae_hbm.at[zbuf], abuf, sem).wait()
        pltpu.sync_copy(ebuf, feats_out.at[pl.ds(e0, 112)])
        pltpu.sync_copy(abuf, ae_out.at[pl.ds(e0, 112)])
        return 0

    lax.fori_loop(0, NP // 32 // 112, step, 0)



@functools.cache
def _make_k1():
    mesh = plsc.VectorSubcoreMesh(core_axis_name="c", subcore_axis_name="s")
    return functools.partial(
        pl.kernel, mesh=mesh,
        out_type=jax.ShapeDtypeStruct((EP, 16), jnp.float32),
        scratch_types=[pltpu.VMEM((C,), jnp.int32),
                       pltpu.VMEM((C,), jnp.int32),
                       pltpu.VMEM((C, 16), jnp.float32),
                       pltpu.VMEM((C, 16), jnp.float32),
                       pltpu.SemaphoreType.DMA],
        compiler_params=pltpu.CompilerParams(use_tc_tiling_on_sc=False),
    )(_k1_edgevec)


def _k1_edgevec(pos_hbm, row_hbm, col_hbm, diff_out, rbuf, cbuf, pc, pr, sem):
    wid = lax.axis_index("s") * 2 + lax.axis_index("c")
    base = wid * (EP // 32)

    def step(i, _):
        e0 = base + i * C
        pltpu.sync_copy(row_hbm.at[pl.ds(e0, C)], rbuf)
        pltpu.sync_copy(col_hbm.at[pl.ds(e0, C)], cbuf)
        pltpu.async_copy(pos_hbm.at[cbuf], pc, sem).wait()
        pltpu.async_copy(pos_hbm.at[rbuf], pr, sem).wait()

        @plsc.parallel_loop(0, C, step=1, unroll=4)
        def _(r):
            pc[r, pl.ds(0, 16)] = pc[r, pl.ds(0, 16)] - pr[r, pl.ds(0, 16)]
        pltpu.sync_copy(pc, diff_out.at[pl.ds(e0, C)])
        return 0

    lax.fori_loop(0, EP // 32 // C, step, 0)



@functools.cache
def _make_k3():
    mesh = plsc.VectorSubcoreMesh(core_axis_name="c", subcore_axis_name="s")
    return functools.partial(
        pl.kernel, mesh=mesh,
        out_type=jax.ShapeDtypeStruct((NP, HIDDEN), jnp.float32),
        scratch_types=[[pltpu.VMEM((C,), jnp.int32)] * 2,
                       [pltpu.VMEM((C,), jnp.int32)] * 2,
                       pltpu.VMEM((C,), jnp.int32),
                       [pltpu.VMEM((C, HIDDEN), jnp.float32)] * 2,
                       pltpu.VMEM((C, HIDDEN), jnp.float32),
                       pltpu.VMEM((8, HIDDEN), jnp.float32),
                       pltpu.VMEM_SHARED((AGGROWS, HIDDEN), jnp.float32),
                       [pltpu.SemaphoreType.DMA] * 2],
        compiler_params=pltpu.CompilerParams(use_tc_tiling_on_sc=False),
    )(_k3_conv)


def _k3_conv(feats_hbm, w_hbm, row_hbm, col_hbm, agg_out,
             rbufs, cbufs, lbuf, fbufs, wbuf, zbuf, agg_sh, gsems):
    core = lax.axis_index("c")
    sub = lax.axis_index("s")

    for r in range(8):
        for j in range(HIDDEN // 16):
            zbuf[r, pl.ds(j * 16, 16)] = jnp.zeros((16,), jnp.float32)

    zb = sub * (AGGROWS // 16)

    def zstep(i, _):
        pltpu.sync_copy(zbuf, agg_sh.at[pl.ds(zb + i * 8, 8)])
        return 0

    lax.fori_loop(0, AGGROWS // 16 // 8, zstep, 0)
    plsc.subcore_barrier()

    ebase = sub * (EP // 16)
    rlo = core * HALF
    STEPS = EP // 16 // C

    def issue(i, p):
        e0 = ebase + i * C
        pltpu.sync_copy(row_hbm.at[pl.ds(e0, C)], rbufs[p])
        pltpu.sync_copy(col_hbm.at[pl.ds(e0, C)], cbufs[p])
        pltpu.async_copy(feats_hbm.at[cbufs[p]], fbufs[p], gsems[p])

    def consume(i, p):
        e0 = ebase + i * C
        pltpu.make_async_copy(feats_hbm.at[cbufs[p]], fbufs[p], gsems[p]).wait()
        pltpu.sync_copy(w_hbm.at[pl.ds(e0, C)], wbuf)

        for j in range(C // 16):
            r16 = rbufs[p][pl.ds(j * 16, 16)]
            l = r16 - rlo
            eid = e0 + j * 16 + lax.broadcasted_iota(jnp.int32, (16,), 0)
            ok = (l >= 0) & (l < HALF) & (eid < E)
            lbuf[pl.ds(j * 16, 16)] = jnp.where(ok, l, TRASH)

        @plsc.parallel_loop(0, C, step=1, unroll=4)
        def _(r):
            for j in range(HIDDEN // 16):
                s = pl.ds(j * 16, 16)
                fbufs[p][r, s] = fbufs[p][r, s] * wbuf[r, s]

        pltpu.sync_copy(fbufs[p], agg_sh.at[lbuf], add=True)

    issue(0, 0)

    def pair(k, _):
        i = k * 2
        issue(i + 1, 1)
        consume(i, 0)

        @pl.when(i + 2 < STEPS)
        def _():
            issue(i + 2, 0)

        consume(i + 1, 1)
        return 0

    lax.fori_loop(0, STEPS // 2, pair, 0)
    plsc.subcore_barrier()

    rows_full = 1568

    @pl.when(sub < 15)
    def _():
        o = sub * rows_full
        pltpu.sync_copy(agg_sh.at[pl.ds(o, rows_full)],
                        agg_out.at[pl.ds(rlo + o, rows_full)])

    @pl.when(sub == 15)
    def _():
        o = 15 * rows_full
        pltpu.sync_copy(agg_sh.at[pl.ds(o, HALF - o)],
                        agg_out.at[pl.ds(rlo + o, HALF - o)])

    @pl.when((core == 1) & (sub == 15))
    def _():
        def zpad(i, _):
            pltpu.sync_copy(zbuf, agg_out.at[pl.ds(2 * HALF + i * 8, 8)])
            return 0

        lax.fori_loop(0, (NP - 2 * HALF) // 8, zpad, 0)



def _k2_body(diff_ref, cw_ref, ww_ref,
             w1a, b1a, w2a, b2a, w1b, b1b, w2b, b2b, w1c, b1c, w2c, b2c,
             o1, o2, o3):
    d = diff_ref[...]
    d2 = jnp.sum(d * d, axis=1, keepdims=True)
    ln = jnp.sqrt(d2)
    cut = 0.5 * (jnp.cos(ln * (math.pi / CUTOFF)) + 1.0)
    cut = cut * (ln < CUTOFF).astype(jnp.float32)
    cw = cw_ref[0:1, :]
    iw = jnp.maximum(ww_ref[0:1, :], 0.1)
    df = (ln - cw) / iw
    basis = jnp.exp(-0.5 * df * df) * cut
    for w1, b1, w2, b2, o in ((w1a, b1a, w2a, b2a, o1),
                              (w1b, b1b, w2b, b2b, o2),
                              (w1c, b1c, w2c, b2c, o3)):
        h = jnp.dot(basis, w1[...], preferred_element_type=jnp.float32)
        h = _silu(h + b1[0:1, :])
        o[...] = jnp.dot(h, w2[...], preferred_element_type=jnp.float32) + b2[0:1, :]


def _k2_radial(diff, cw, ww, wparams):
    CB = 2048
    grid = EP // CB
    full = lambda i: (0, 0)
    espec = pl.BlockSpec((CB, 16), lambda i: (i, 0))
    ospec = pl.BlockSpec((CB, HIDDEN), lambda i: (i, 0))
    wspecs = []
    args = []
    for (w1, b1, w2, b2) in wparams:
        wspecs += [pl.BlockSpec((8, HIDDEN), full), pl.BlockSpec((8, HIDDEN), full),
                   pl.BlockSpec((HIDDEN, HIDDEN), full), pl.BlockSpec((8, HIDDEN), full)]
        args += [w1, b1, w2, b2]
    return pl.pallas_call(
        _k2_body,
        grid=(grid,),
        in_specs=[espec, pl.BlockSpec((8, 8), full), pl.BlockSpec((8, 8), full)] + wspecs,
        out_specs=[ospec, ospec, ospec],
        out_shape=[jax.ShapeDtypeStruct((EP, HIDDEN), jnp.float32)] * 3,
    )(diff, cw, ww, *args)



def _k4_body(f_ref, a_ref, siw, sib, cpa, cpb, cpbias, uw1, ub1, uw2, ub2,
             g_ref, b_ref, out_ref):
    f = f_ref[...]
    a = a_ref[...]
    self_out = jnp.dot(f, siw[...], preferred_element_type=jnp.float32) + sib[0:1, :]
    conv = (jnp.dot(self_out, cpa[...], preferred_element_type=jnp.float32)
            + jnp.dot(a, cpb[...], preferred_element_type=jnp.float32)
            + cpbias[0:1, :])
    h = _silu(jnp.dot(conv, uw1[...], preferred_element_type=jnp.float32) + ub1[0:1, :])
    upd = jnp.dot(h, uw2[...], preferred_element_type=jnp.float32) + ub2[0:1, :]
    h2 = f + upd
    mu = jnp.mean(h2, axis=1, keepdims=True)
    var = jnp.mean((h2 - mu) ** 2, axis=1, keepdims=True)
    out_ref[...] = (h2 - mu) / jnp.sqrt(var + 1e-5) * g_ref[0:1, :] + b_ref[0:1, :]


def _k4_node(feats, agg, siw, sib, cpa, cpb, cpbias, uw1, ub1, uw2, ub2, g, b):
    NB = 512
    full = lambda i: (0, 0)
    nspec = pl.BlockSpec((NB, HIDDEN), lambda i: (i, 0))
    return pl.pallas_call(
        _k4_body,
        grid=(NP // NB,),
        in_specs=[nspec, nspec,
                  pl.BlockSpec((HIDDEN, HIDDEN), full), pl.BlockSpec((8, HIDDEN), full),
                  pl.BlockSpec((HIDDEN, HIDDEN), full), pl.BlockSpec((HIDDEN, HIDDEN), full),
                  pl.BlockSpec((8, HIDDEN), full),
                  pl.BlockSpec((HIDDEN, 2 * HIDDEN), full), pl.BlockSpec((8, 2 * HIDDEN), full),
                  pl.BlockSpec((2 * HIDDEN, HIDDEN), full), pl.BlockSpec((8, HIDDEN), full),
                  pl.BlockSpec((8, HIDDEN), full), pl.BlockSpec((8, HIDDEN), full)],
        out_specs=nspec,
        out_shape=jax.ShapeDtypeStruct((NP, HIDDEN), jnp.float32),
    )(feats, agg, siw, sib, cpa, cpb, cpbias, uw1, ub1, uw2, ub2, g, b)



def _k5_body(f_ref, ae_ref, w1, b1, w2, b2, w3, b3, out_ref):
    i = pl.program_id(0)
    f = f_ref[...]
    e = _silu(jnp.dot(f, w1[...], preferred_element_type=jnp.float32) + b1[0:1, :])
    e = _silu(jnp.dot(e, w2[...], preferred_element_type=jnp.float32) + b2[0:1, :])
    e = jnp.dot(e, w3[...], preferred_element_type=jnp.float32)
    ev = e[:, 0:1] + b3[0:1, 0:1] + ae_ref[:, 0:1]
    gid = i * 512 + lax.broadcasted_iota(jnp.int32, (512, 1), 0)
    ev = jnp.where(gid < N, ev, 0.0)
    part = jnp.sum(ev)
    acc = jnp.where(
        (lax.broadcasted_iota(jnp.int32, (8, 128), 0)
         + lax.broadcasted_iota(jnp.int32, (8, 128), 1)) == 0, part, 0.0)

    @pl.when(i == 0)
    def _():
        out_ref[...] = jnp.zeros((8, 128), jnp.float32)

    out_ref[...] += acc


def _k5_readout(feats, ae_g, w1, b1, w2, b2, w3, b3):
    full = lambda i: (0, 0)
    return pl.pallas_call(
        _k5_body,
        grid=(NP // 512,),
        in_specs=[pl.BlockSpec((512, HIDDEN), lambda i: (i, 0)),
                  pl.BlockSpec((512, 16), lambda i: (i, 0)),
                  pl.BlockSpec((HIDDEN, HIDDEN), full), pl.BlockSpec((8, HIDDEN), full),
                  pl.BlockSpec((HIDDEN, 32), full), pl.BlockSpec((8, 32), full),
                  pl.BlockSpec((32, 8), full), pl.BlockSpec((8, 8), full)],
        out_specs=pl.BlockSpec((8, 128), full),
        out_shape=jax.ShapeDtypeStruct((8, 128), jnp.float32),
    )(feats, ae_g, w1, b1, w2, b2, w3, b3)



def _b8(v):
    return jnp.broadcast_to(v.reshape(1, -1), (8, v.shape[-1])).astype(jnp.float32)


def kernel(atomic_numbers, pos, edge_index, centers, widths, node_emb, layers,
           readout, atomic_e):
    row = edge_index[0].astype(jnp.int32)
    col = edge_index[1].astype(jnp.int32)
    rowp = jnp.concatenate([row, jnp.zeros((EP - E,), jnp.int32)])
    colp = jnp.concatenate([col, jnp.zeros((EP - E,), jnp.int32)])
    pos16 = jnp.zeros((N, 16), jnp.float32).at[:, :3].set(pos)
    zp = jnp.concatenate([atomic_numbers.astype(jnp.int32),
                          jnp.zeros((NP - N,), jnp.int32)])
    emb_pad = jnp.zeros((128, HIDDEN), jnp.float32).at[:node_emb.shape[0]].set(node_emb)
    ae_pad = jnp.zeros((128, 16), jnp.float32).at[:atomic_e.shape[0], 0:1].set(atomic_e)

    feats, ae_g = _make_k0()(zp, emb_pad, ae_pad)
    diff = _make_k1()(pos16, rowp, colp)

    wparams = [(p['rn_W1'].T.astype(jnp.float32), _b8(p['rn_b1']),
                p['rn_W2'].T.astype(jnp.float32), _b8(p['rn_b2'])) for p in layers]
    w_all = _k2_radial(diff, _b8(centers), _b8(widths), wparams)

    for li, p in enumerate(layers):
        agg = _make_k3()(feats, w_all[li], rowp, colp)
        cpt = p['cp_W'].T
        feats = _k4_node(feats, agg,
                         p['si_W'].T.astype(jnp.float32), _b8(p['si_b']),
                         cpt[:HIDDEN].astype(jnp.float32),
                         cpt[HIDDEN:].astype(jnp.float32), _b8(p['cp_b']),
                         p['u_W1'].T.astype(jnp.float32), _b8(p['u_b1']),
                         p['u_W2'].T.astype(jnp.float32), _b8(p['u_b2']),
                         _b8(p['ln_g']), _b8(p['ln_b']))

    w3p = jnp.zeros((32, 8), jnp.float32).at[:, 0:1].set(readout['W3'].T)
    out = _k5_readout(feats, ae_g,
                      readout['W1'].T.astype(jnp.float32), _b8(readout['b1']),
                      readout['W2'].T.astype(jnp.float32), _b8(readout['b2']),
                      w3p, jnp.broadcast_to(readout['b3'].reshape(1, 1),
                                            (8, 8)).astype(jnp.float32))
    return out[0, 0]

# --- scband reference (transcript-rebuilt; emitter-appended) ---
"""Pipeline reference for scband-nequ-ip-7275674599679 (READ-ONLY COPY).

The authoritative reference and input builder live on the scoring server;
editing this copy changes nothing except your own understanding.
"""

import jax, jax.numpy as jnp
import numpy as np
import math

NUM_ATOMS = 100
HIDDEN = 64
NUM_LAYERS = 3
NUM_BASIS = 8
CUTOFF = 5.0
LMAX = 0
N = 50000
E = 800000


def silu(x):
    return x * jax.nn.sigmoid(x)


def setup_inputs(seed: int = 0) -> dict:
    key = jax.random.key(seed)

    def k(i):
        return jax.random.fold_in(key, i)

    atomic_numbers = jax.random.randint(k(0), (N,), 0, NUM_ATOMS)
    pos = jax.random.normal(k(1), (N, 3), dtype=jnp.float32)
    edge_index = jax.random.randint(k(2), (2, E), 0, N)

    centers = jnp.linspace(0.0, CUTOFF, NUM_BASIS)
    widths = jnp.ones((NUM_BASIS,), dtype=jnp.float32) * 0.5
    node_emb = jax.random.normal(k(3), (NUM_ATOMS, HIDDEN), dtype=jnp.float32) * 0.1

    layers = []
    for li in range(NUM_LAYERS):
        b = 100 + li * 20
        p = {
            'rn_W1': jax.random.normal(k(b + 0), (HIDDEN, NUM_BASIS)) * 0.1,
            'rn_b1': jnp.zeros((HIDDEN,)),
            'rn_W2': jax.random.normal(k(b + 1), (HIDDEN * (LMAX + 1), HIDDEN)) * 0.1,
            'rn_b2': jnp.zeros((HIDDEN * (LMAX + 1),)),
            'si_W': jax.random.normal(k(b + 2), (HIDDEN, HIDDEN)) * 0.1,
            'si_b': jnp.zeros((HIDDEN,)),
            'cp_W': jax.random.normal(k(b + 3), (HIDDEN, HIDDEN * (LMAX + 2))) * 0.1,
            'cp_b': jnp.zeros((HIDDEN,)),
            'u_W1': jax.random.normal(k(b + 4), (HIDDEN * 2, HIDDEN)) * 0.1,
            'u_b1': jnp.zeros((HIDDEN * 2,)),
            'u_W2': jax.random.normal(k(b + 5), (HIDDEN, HIDDEN * 2)) * 0.1,
            'u_b2': jnp.zeros((HIDDEN,)),
            'ln_g': jnp.ones((HIDDEN,)),
            'ln_b': jnp.zeros((HIDDEN,)),
        }
        layers.append(p)

    readout = {
        'W1': jax.random.normal(k(500), (HIDDEN, HIDDEN)) * 0.1,
        'b1': jnp.zeros((HIDDEN,)),
        'W2': jax.random.normal(k(501), (HIDDEN // 2, HIDDEN)) * 0.1,
        'b2': jnp.zeros((HIDDEN // 2,)),
        'W3': jax.random.normal(k(502), (1, HIDDEN // 2)) * 0.1,
        'b3': jnp.zeros((1,)),
    }
    atomic_e = jax.random.normal(k(503), (NUM_ATOMS, 1)) * 0.1

    return {
        'atomic_numbers': atomic_numbers,
        'pos': pos,
        'edge_index': edge_index,
        'centers': centers,
        'widths': widths,
        'node_emb': node_emb,
        'layers': layers,
        'readout': readout,
        'atomic_e': atomic_e,
    }


def _forward(atomic_numbers, pos, edge_index, centers, widths, node_emb, layers, readout, atomic_e):
    row = edge_index[0]
    col = edge_index[1]
    edge_vec = pos[col] - pos[row]
    edge_len = jnp.linalg.norm(edge_vec, axis=-1, keepdims=True)

    # GaussianBasis
    x = edge_len / CUTOFF
    cut = 0.5 * (jnp.cos(x * math.pi) + 1.0)
    cut = cut * (edge_len < CUTOFF).astype(jnp.float32)
    diff = edge_len - centers
    basis = jnp.exp(-0.5 * (diff / jnp.clip(widths, 0.1, None)) ** 2)
    edge_rbf = basis * cut

    # SphericalHarmonics (lmax=0); computed for faithfulness, unused by conv
    edge_sh = jnp.full((edge_vec.shape[0], 1), 0.28209479177387814, dtype=jnp.float32)

    feats = node_emb[atomic_numbers]
    for p in layers:
        # TensorProductConv
        w = silu(edge_rbf @ p['rn_W1'].T + p['rn_b1']) @ p['rn_W2'].T + p['rn_b2']
        node_j = feats[col]
        messages = (node_j[..., None] * w.reshape(-1, HIDDEN, LMAX + 1)).sum(axis=-1)
        agg = jnp.zeros_like(feats).at[row].add(messages)
        self_out = feats @ p['si_W'].T + p['si_b']
        combined = jnp.concatenate([self_out, agg], axis=-1)
        conv_out = combined @ p['cp_W'].T + p['cp_b']
        # update MLP + residual + LayerNorm
        upd = silu(conv_out @ p['u_W1'].T + p['u_b1']) @ p['u_W2'].T + p['u_b2']
        h = feats + upd
        mu = h.mean(axis=-1, keepdims=True)
        var = ((h - mu) ** 2).mean(axis=-1, keepdims=True)
        feats = (h - mu) / jnp.sqrt(var + 1e-5) * p['ln_g'] + p['ln_b']

    e = silu(feats @ readout['W1'].T + readout['b1'])
    e = silu(e @ readout['W2'].T + readout['b2'])
    e = e @ readout['W3'].T + readout['b3']
    e = e + atomic_e[atomic_numbers]
    total_energy = e.sum()
    return total_energy


def reference(atomic_numbers, pos, edge_index, centers, widths, node_emb, layers, readout, atomic_e):
    return _forward(atomic_numbers, pos, edge_index, centers, widths, node_emb, layers, readout, atomic_e)

if __name__ == "__main__":
    import jax
    _d = setup_inputs()
    print(jax.jit(kernel)(*tuple(_d.values())))

</pallas_src>

<mosaic_0001>
#map = affine_map<(d0, d1) -> (0, 0)>
#map1 = affine_map<(d0, d1) -> (0)>
module attributes {stable_mosaic.version = 14 : i64} {
  func.func @_k3_conv(%arg0: i32, %arg1: i32, %arg2: memref<50176x64xf32, #tpu.memory_space<hbm>>, %arg3: memref<802816x64xf32, #tpu.memory_space<hbm>>, %arg4: memref<802816xi32, #tpu.memory_space<hbm>>, %arg5: memref<802816xi32, #tpu.memory_space<hbm>>, %arg6: memref<50176x64xf32, #tpu.memory_space<hbm>>, %arg7: memref<128xi32, #tpu.memory_space<vmem>>, %arg8: memref<128xi32, #tpu.memory_space<vmem>>, %arg9: memref<128xi32, #tpu.memory_space<vmem>>, %arg10: memref<128xi32, #tpu.memory_space<vmem>>, %arg11: memref<128xi32, #tpu.memory_space<vmem>>, %arg12: memref<128x64xf32, #tpu.memory_space<vmem>>, %arg13: memref<128x64xf32, #tpu.memory_space<vmem>>, %arg14: memref<128x64xf32, #tpu.memory_space<vmem>>, %arg15: memref<8x64xf32, #tpu.memory_space<vmem>>, %arg16: memref<25088x64xf32, #tpu.memory_space<vmem_shared>>, %arg17: memref<!tpu.dma_semaphore, #tpu.memory_space<semaphore_mem>>, %arg18: memref<!tpu.dma_semaphore, #tpu.memory_space<semaphore_mem>>) attributes {dimension_semantics = [#tpu.dimension_semantics<core_parallel>, #tpu.dimension_semantics<subcore_parallel>], iteration_bounds = array<i64: 2, 16>, scalar_prefetch = 0 : i64, scratch_operands = 12 : i64, tpu.core_type = #tpu.core_type<sc_vector_subcore>, window_params = [{transform_indices = #map}, {transform_indices = #map}, {transform_indices = #map1}, {transform_indices = #map1}, {transform_indices = #map}]} {
    %broadcast_in_dim3A = arith.constant 0.000000e+00 : f32
    %broadcast_in_dim3A_0 = vector.broadcast %broadcast_in_dim3A : f32 to vector<16xf32>
    %swap3A = arith.constant 0 : i32
    %swap3A_1 = arith.index_cast %swap3A : i32 to index
    %swap3A_2 = arith.constant 0 : index
    %swap3A_3 = tpu.vector_load %arg15[%swap3A_1, %swap3A_2] {strides = array<i32>} : memref<8x64xf32, #tpu.memory_space<vmem>>, vector<1x16xf32>,
    %swap3A_4 = vector.shape_cast %swap3A_3 : vector<1x16xf32> to vector<16xf32>
    %swap3A_5 = vector.shape_cast %broadcast_in_dim3A_0 : vector<16xf32> to vector<1x16xf32>
    tpu.vector_store %arg15[%swap3A_1, %swap3A_2], %swap3A_5 {strides = array<i32>} : memref<8x64xf32, #tpu.memory_space<vmem>>, vector<1x16xf32>,
    %broadcast_in_dim3A_6 = arith.constant 0.000000e+00 : f32
    %broadcast_in_dim3A_7 = vector.broadcast %broadcast_in_dim3A_6 : f32 to vector<16xf32>
    %swap3A_8 = arith.constant 0 : i32
    %swap3A_9 = arith.index_cast %swap3A_8 : i32 to index
    %swap3A_10 = arith.constant 16 : index
    %swap3A_11 = tpu.vector_load %arg15[%swap3A_9, %swap3A_10] {strides = array<i32>} : memref<8x64xf32, #tpu.memory_space<vmem>>, vector<1x16xf32>,
    %swap3A_12 = vector.shape_cast %swap3A_11 : vector<1x16xf32> to vector<16xf32>
    %swap3A_13 = vector.shape_cast %broadcast_in_dim3A_7 : vector<16xf32> to vector<1x16xf32>
    tpu.vector_store %arg15[%swap3A_9, %swap3A_10], %swap3A_13 {strides = array<i32>} : memref<8x64xf32, #tpu.memory_space<vmem>>, vector<1x16xf32>,
    %broadcast_in_dim3A_14 = arith.constant 0.000000e+00 : f32
    %broadcast_in_dim3A_15 = vector.broadcast %broadcast_in_dim3A_14 : f32 to vector<16xf32>
    %swap3A_16 = arith.constant 0 : i32
    %swap3A_17 = arith.index_cast %swap3A_16 : i32 to index
    %swap3A_18 = arith.constant 32 : index
    %swap3A_19 = tpu.vector_load %arg15[%swap3A_17, %swap3A_18] {strides = array<i32>} : memref<8x64xf32, #tpu.memory_space<vmem>>, vector<1x16xf32>,
    %swap3A_20 = vector.shape_cast %swap3A_19 : vector<1x16xf32> to vector<16xf32>
    %swap3A_21 = vector.shape_cast %broadcast_in_dim3A_15 : vector<16xf32> to vector<1x16xf32>
    tpu.vector_store %arg15[%swap3A_17, %swap3A_18], %swap3A_21 {strides = array<i32>} : memref<8x64xf32, #tpu.memory_space<vmem>>, vector<1x16xf32>,
    %broadcast_in_dim3A_22 = arith.constant 0.000000e+00 : f32
    %broadcast_in_dim3A_23 = vector.broadcast %broadcast_in_dim3A_22 : f32 to vector<16xf32>
    %swap3A_24 = arith.constant 0 : i32
    %swap3A_25 = arith.index_cast %swap3A_24 : i32 to index
    %swap3A_26 = arith.constant 48 : index
    %swap3A_27 = tpu.vector_load %arg15[%swap3A_25, %swap3A_26] {strides = array<i32>} : memref<8x64xf32, #tpu.memory_space<vmem>>, vector<1x16xf32>,
    %swap3A_28 = vector.shape_cast %swap3A_27 : vector<1x16xf32> to vector<16xf32>
    %swap3A_29 = vector.shape_cast %broadcast_in_dim3A_23 : vector<16xf32> to vector<1x16xf32>
    tpu.vector_store %arg15[%swap3A_25, %swap3A_26], %swap3A_29 {strides = array<i32>} : memref<8x64xf32, #tpu.memory_space<vmem>>, vector<1x16xf32>,
    %broadcast_in_dim3A_30 = arith.constant 0.000000e+00 : f32
    %broadcast_in_dim3A_31 = vector.broadcast %broadcast_in_dim3A_30 : f32 to vector<16xf32>
    %swap3A_32 = arith.constant 1 : i32
    %swap3A_33 = arith.index_cast %swap3A_32 : i32 to index
    %swap3A_34 = arith.constant 0 : index
    %swap3A_35 = tpu.vector_load %arg15[%swap3A_33, %swap3A_34] {strides = array<i32>} : memref<8x64xf32, #tpu.memory_space<vmem>>, vector<1x16xf32>,
    %swap3A_36 = vector.shape_cast %swap3A_35 : vector<1x16xf32> to vector<16xf32>
    %swap3A_37 = vector.shape_cast %broadcast_in_dim3A_31 : vector<16xf32> to vector<1x16xf32>
    tpu.vector_store %arg15[%swap3A_33, %swap3A_34], %swap3A_37 {strides = array<i32>} : memref<8x64xf32, #tpu.memory_space<vmem>>, vector<1x16xf32>,
    %broadcast_in_dim3A_38 = arith.constant 0.000000e+00 : f32
    %broadcast_in_dim3A_39 = vector.broadcast %broadcast_in_dim3A_38 : f32 to vector<16xf32>
    %swap3A_40 = arith.constant 1 : i32
    %swap3A_41 = arith.index_cast %swap3A_40 : i32 to index
    %swap3A_42 = arith.constant 16 : index
    %swap3A_43 = tpu.vector_load %arg15[%swap3A_41, %swap3A_42] {strides = array<i32>} : memref<8x64xf32, #tpu.memory_space<vmem>>, vector<1x16xf32>,
    %swap3A_44 = vector.shape_cast %swap3A_43 : vector<1x16xf32> to vector<16xf32>
    %swap3A_45 = vector.shape_cast %broadcast_in_dim3A_39 : vector<16xf32> to vector<1x16xf32>
    tpu.vector_store %arg15[%swap3A_41, %swap3A_42], %swap3A_45 {strides = array<i32>} : memref<8x64xf32, #tpu.memory_space<vmem>>, vector<1x16xf32>,
    %broadcast_in_dim3A_46 = arith.constant 0.000000e+00 : f32
    %broadcast_in_dim3A_47 = vector.broadcast %broadcast_in_dim3A_46 : f32 to vector<16xf32>
    %swap3A_48 = arith.constant 1 : i32
    %swap3A_49 = arith.index_cast %swap3A_48 : i32 to index
    %swap3A_50 = arith.constant 32 : index
    %swap3A_51 = tpu.vector_load %arg15[%swap3A_49, %swap3A_50] {strides = array<i32>} : memref<8x64xf32, #tpu.memory_space<vmem>>, vector<1x16xf32>,
    %swap3A_52 = vector.shape_cast %swap3A_51 : vector<1x16xf32> to vector<16xf32>
    %swap3A_53 = vector.shape_cast %broadcast_in_dim3A_47 : vector<16xf32> to vector<1x16xf32>
    tpu.vector_store %arg15[%swap3A_49, %swap3A_50], %swap3A_53 {strides = array<i32>} : memref<8x64xf32, #tpu.memory_space<vmem>>, vector<1x16xf32>,
    %broadcast_in_dim3A_54 = arith.constant 0.000000e+00 : f32
    %broadcast_in_dim3A_55 = vector.broadcast %broadcast_in_dim3A_54 : f32 to vector<16xf32>
    %swap3A_56 = arith.constant 1 : i32
    %swap3A_57 = arith.index_cast %swap3A_56 : i32 to index
    %swap3A_58 = arith.constant 48 : index
    %swap3A_59 = tpu.vector_load %arg15[%swap3A_57, %swap3A_58] {strides = array<i32>} : memref<8x64xf32, #tpu.memory_space<vmem>>, vector<1x16xf32>,
    %swap3A_60 = vector.shape_cast %swap3A_59 : vector<1x16xf32> to vector<16xf32>
    %swap3A_61 = vector.shape_cast %broadcast_in_dim3A_55 : vector<16xf32> to vector<1x16xf32>
    tpu.vector_store %arg15[%swap3A_57, %swap3A_58], %swap3A_61 {strides = array<i32>} : memref<8x64xf32, #tpu.memory_space<vmem>>, vector<1x16xf32>,
    %broadcast_in_dim3A_62 = arith.constant 0.000000e+00 : f32
    %broadcast_in_dim3A_63 = vector.broadcast %broadcast_in_dim3A_62 : f32 to vector<16xf32>
    %swap3A_64 = arith.constant 2 : i32
    %swap3A_65 = arith.index_cast %swap3A_64 : i32 to index
    %swap3A_66 = arith.constant 0 : index
    %swap3A_67 = tpu.vector_load %arg15[%swap3A_65, %swap3A_66] {strides = array<i32>} : memref<8x64xf32, #tpu.memory_space<vmem>>, vector<1x16xf32>,
    %swap3A_68 = vector.shape_cast %swap3A_67 : vector<1x16xf32> to vector<16xf32>
    %swap3A_69 = vector.shape_cast %broadcast_in_dim3A_63 : vector<16xf32> to vector<1x16xf32>
    tpu.vector_store %arg15[%swap3A_65, %swap3A_66], %swap3A_69 {strides = array<i32>} : memref<8x64xf32, #tpu.memory_space<vmem>>, vector<1x16xf32>,
    %broadcast_in_dim3A_70 = arith.constant 0.000000e+00 : f32
    %broadcast_in_dim3A_71 = vector.broadcast %broadcast_in_dim3A_70 : f32 to vector<16xf32>
    %swap3A_72 = arith.constant 2 : i32
    %swap3A_73 = arith.index_cast %swap3A_72 : i32 to index
    %swap3A_74 = arith.constant 16 : index
    %swap3A_75 = tpu.vector_load %arg15[%swap3A_73, %swap3A_74] {strides = array<i32>} : memref<8x64xf32, #tpu.memory_space<vmem>>, vector<1x16xf32>,
    %swap3A_76 = vector.shape_cast %swap3A_75 : vector<1x16xf32> to vector<16xf32>
    %swap3A_77 = vector.shape_cast %broadcast_in_dim3A_71 : vector<16xf32> to vector<1x16xf32>
    tpu.vector_store %arg15[%swap3A_73, %swap3A_74], %swap3A_77 {strides = array<i32>} : memref<8x64xf32, #tpu.memory_space<vmem>>, vector<1x16xf32>,
    %broadcast_in_dim3A_78 = arith.constant 0.000000e+00 : f32
    %broadcast_in_dim3A_79 = vector.broadcast %broadcast_in_dim3A_78 : f32 to vector<16xf32>
    %swap3A_80 = arith.constant 2 : i32
    %swap3A_81 = arith.index_cast %swap3A_80 : i32 to index
    %swap3A_82 = arith.constant 32 : index
    %swap3A_83 = tpu.vector_load %arg15[%swap3A_81, %swap3A_82] {strides = array<i32>} : memref<8x64xf32, #tpu.memory_space<vmem>>, vector<1x16xf32>,
    %swap3A_84 = vector.shape_cast %swap3A_83 : vector<1x16xf32> to vector<16xf32>
    %swap3A_85 = vector.shape_cast %broadcast_in_dim3A_79 : vector<16xf32> to vector<1x16xf32>
    tpu.vector_store %arg15[%swap3A_81, %swap3A_82], %swap3A_85 {strides = array<i32>} : memref<8x64xf32, #tpu.memory_space<vmem>>, vector<1x16xf32>,
    %broadcast_in_dim3A_86 = arith.constant 0.000000e+00 : f32
    %broadcast_in_dim3A_87 = vector.broadcast %broadcast_in_dim3A_86 : f32 to vector<16xf32>
    %swap3A_88 = arith.constant 2 : i32
    %swap3A_89 = arith.index_cast %swap3A_88 : i32 to index
    %swap3A_90 = arith.constant 48 : index
    %swap3A_91 = tpu.vector_load %arg15[%swap3A_89, %swap3A_90] {strides = array<i32>} : memref<8x64xf32, #tpu.memory_space<vmem>>, vector<1x16xf32>,
    %swap3A_92 = vector.shape_cast %swap3A_91 : vector<1x16xf32> to vector<16xf32>
    %swap3A_93 = vector.shape_cast %broadcast_in_dim3A_87 : vector<16xf32> to vector<1x16xf32>
    tpu.vector_store %arg15[%swap3A_89, %swap3A_90], %swap3A_93 {strides = array<i32>} : memref<8x64xf32, #tpu.memory_space<vmem>>, vector<1x16xf32>,
    %broadcast_in_dim3A_94 = arith.constant 0.000000e+00 : f32
    %broadcast_in_dim3A_95 = vector.broadcast %broadcast_in_dim3A_94 : f32 to vector<16xf32>
    %swap3A_96 = arith.constant 3 : i32
    %swap3A_97 = arith.index_cast %swap3A_96 : i32 to index
    %swap3A_98 = arith.constant 0 : index
    %swap3A_99 = tpu.vector_load %arg15[%swap3A_97, %swap3A_98] {strides = array<i32>} : memref<8x64xf32, #tpu.memory_space<vmem>>, vector<1x16xf32>,
    %swap3A_100 = vector.shape_cast %swap3A_99 : vector<1x16xf32> to vector<16xf32>
    %swap3A_101 = vector.shape_cast %broadcast_in_dim3A_95 : vector<16xf32> to vector<1x16xf32>
    tpu.vector_store %arg15[%swap3A_97, %swap3A_98], %swap3A_101 {strides = array<i32>} : memref<8x64xf32, #tpu.memory_space<vmem>>, vector<1x16xf32>,
    %broadcast_in_dim3A_102 = arith.constant 0.000000e+00 : f32
    %broadcast_in_dim3A_103 = vector.broadcast %broadcast_in_dim3A_102 : f32 to vector<16xf32>
    %swap3A_104 = arith.constant 3 : i32
    %swap3A_105 = arith.index_cast %swap3A_104 : i32 to index
    %swap3A_106 = arith.constant 16 : index
    %swap3A_107 = tpu.vector_load %arg15[%swap3A_105, %swap3A_106] {strides = array<i32>} : memref<8x64xf32, #tpu.memory_space<vmem>>, vector<1x16xf32>,
    %swap3A_108 = vector.shape_cast %swap3A_107 : vector<1x16xf32> to vector<16xf32>
    %swap3A_109 = vector.shape_cast %broadcast_in_dim3A_103 : vector<16xf32> to vector<1x16xf32>
    tpu.vector_store %arg15[%swap3A_105, %swap3A_106], %swap3A_109 {strides = array<i32>} : memref<8x64xf32, #tpu.memory_space<vmem>>, vector<1x16xf32>,
    %broadcast_in_dim3A_110 = arith.constant 0.000000e+00 : f32
    %broadcast_in_dim3A_111 = vector.broadcast %broadcast_in_dim3A_110 : f32 to vector<16xf32>
    %swap3A_112 = arith.constant 3 : i32
    %swap3A_113 = arith.index_cast %swap3A_112 : i32 to index
    %swap3A_114 = arith.constant 32 : index
    %swap3A_115 = tpu.vector_load %arg15[%swap3A_113, %swap3A_114] {strides = array<i32>} : memref<8x64xf32, #tpu.memory_space<vmem>>, vector<1x16xf32>,
    %swap3A_116 = vector.shape_cast %swap3A_115 : vector<1x16xf32> to vector<16xf32>
    %swap3A_117 = vector.shape_cast %broadcast_in_dim3A_111 : vector<16xf32> to vector<1x16xf32>
    tpu.vector_store %arg15[%swap3A_113, %swap3A_114], %swap3A_117 {strides = array<i32>} : memref<8x64xf32, #tpu.memory_space<vmem>>, vector<1x16xf32>,
    %broadcast_in_dim3A_118 = arith.constant 0.000000e+00 : f32
    %broadcast_in_dim3A_119 = vector.broadcast %broadcast_in_dim3A_118 : f32 to vector<16xf32>
    %swap3A_120 = arith.constant 3 : i32
    %swap3A_121 = arith.index_cast %swap3A_120 : i32 to index
    %swap3A_122 = arith.constant 48 : index
    %swap3A_123 = tpu.vector_load %arg15[%swap3A_121, %swap3A_122] {strides = array<i32>} : memref<8x64xf32, #tpu.memory_space<vmem>>, vector<1x16xf32>,
    %swap3A_124 = vector.shape_cast %swap3A_123 : vector<1x16xf32> to vector<16xf32>
    %swap3A_125 = vector.shape_cast %broadcast_in_dim3A_119 : vector<16xf32> to vector<1x16xf32>
    tpu.vector_store %arg15[%swap3A_121, %swap3A_122], %swap3A_125 {strides = array<i32>} : memref<8x64xf32, #tpu.memory_space<vmem>>, vector<1x16xf32>,
    %broadcast_in_dim3A_126 = arith.constant 0.000000e+00 : f32
    %broadcast_in_dim3A_127 = vector.broadcast %broadcast_in_dim3A_126 : f32 to vector<16xf32>
    %swap3A_128 = arith.constant 4 : i32
    %swap3A_129 = arith.index_cast %swap3A_128 : i32 to index
    %swap3A_130 = arith.constant 0 : index
    %swap3A_131 = tpu.vector_load %arg15[%swap3A_129, %swap3A_130] {strides = array<i32>} : memref<8x64xf32, #tpu.memory_space<vmem>>, vector<1x16xf32>,
    %swap3A_132 = vector.shape_cast %swap3A_131 : vector<1x16xf32> to vector<16xf32>
    %swap3A_133 = vector.shape_cast %broadcast_in_dim3A_127 : vector<16xf32> to vector<1x16xf32>
    tpu.vector_store %arg15[%swap3A_129, %swap3A_130], %swap3A_133 {strides = array<i32>} : memref<8x64xf32, #tpu.memory_space<vmem>>, vector<1x16xf32>,
    %broadcast_in_dim3A_134 = arith.constant 0.000000e+00 : f32
    %broadcast_in_dim3A_135 = vector.broadcast %broadcast_in_dim3A_134 : f32 to vector<16xf32>
    %swap3A_136 = arith.constant 4 : i32
    %swap3A_137 = arith.index_cast %swap3A_136 : i32 to index
    %swap3A_138 = arith.constant 16 : index
    %swap3A_139 = tpu.vector_load %arg15[%swap3A_137, %swap3A_138] {strides = array<i32>} : memref<8x64xf32, #tpu.memory_space<vmem>>, vector<1x16xf32>,
    %swap3A_140 = vector.shape_cast %swap3A_139 : vector<1x16xf32> to vector<16xf32>
    %swap3A_141 = vector.shape_cast %broadcast_in_dim3A_135 : vector<16xf32> to vector<1x16xf32>
    tpu.vector_store %arg15[%swap3A_137, %swap3A_138], %swap3A_141 {strides = array<i32>} : memref<8x64xf32, #tpu.memory_space<vmem>>, vector<1x16xf32>,
    %broadcast_in_dim3A_142 = arith.constant 0.000000e+00 : f32
    %broadcast_in_dim3A_143 = vector.broadcast %broadcast_in_dim3A_142 : f32 to vector<16xf32>
    %swap3A_144 = arith.constant 4 : i32
    %swap3A_145 = arith.index_cast %swap3A_144 : i32 to index
    %swap3A_146 = arith.constant 32 : index
    %swap3A_147 = tpu.vector_load %arg15[%swap3A_145, %swap3A_146] {strides = array<i32>} : memref<8x64xf32, #tpu.memory_space<vmem>>, vector<1x16xf32>,
    %swap3A_148 = vector.shape_cast %swap3A_147 : vector<1x16xf32> to vector<16xf32>
    %swap3A_149 = vector.shape_cast %broadcast_in_dim3A_143 : vector<16xf32> to vector<1x16xf32>
    tpu.vector_store %arg15[%swap3A_145, %swap3A_146], %swap3A_149 {strides = array<i32>} : memref<8x64xf32, #tpu.memory_space<vmem>>, vector<1x16xf32>,
    %broadcast_in_dim3A_150 = arith.constant 0.000000e+00 : f32
    %broadcast_in_dim3A_151 = vector.broadcast %broadcast_in_dim3A_150 : f32 to vector<16xf32>
    %swap3A_152 = arith.constant 4 : i32
    %swap3A_153 = arith.index_cast %swap3A_152 : i32 to index
    %swap3A_154 = arith.constant 48 : index
    %swap3A_155 = tpu.vector_load %arg15[%swap3A_153, %swap3A_154] {strides = array<i32>} : memref<8x64xf32, #tpu.memory_space<vmem>>, vector<1x16xf32>,
    %swap3A_156 = vector.shape_cast %swap3A_155 : vector<1x16xf32> to vector<16xf32>
    %swap3A_157 = vector.shape_cast %broadcast_in_dim3A_151 : vector<16xf32> to vector<1x16xf32>
    tpu.vector_store %arg15[%swap3A_153, %swap3A_154], %swap3A_157 {strides = array<i32>} : memref<8x64xf32, #tpu.memory_space<vmem>>, vector<1x16xf32>,
    %broadcast_in_dim3A_158 = arith.constant 0.000000e+00 : f32
    %broadcast_in_dim3A_159 = vector.broadcast %broadcast_in_dim3A_158 : f32 to vector<16xf32>
    %swap3A_160 = arith.constant 5 : i32
    %swap3A_161 = arith.index_cast %swap3A_160 : i32 to index
    %swap3A_162 = arith.constant 0 : index
    %swap3A_163 = tpu.vector_load %arg15[%swap3A_161, %swap3A_162] {strides = array<i32>} : memref<8x64xf32, #tpu.memory_space<vmem>>, vector<1x16xf32>,
    %swap3A_164 = vector.shape_cast %swap3A_163 : vector<1x16xf32> to vector<16xf32>
    %swap3A_165 = vector.shape_cast %broadcast_in_dim3A_159 : vector<16xf32> to vector<1x16xf32>
    tpu.vector_store %arg15[%swap3A_161, %swap3A_162], %swap3A_165 {strides = array<i32>} : memref<8x64xf32, #tpu.memory_space<vmem>>, vector<1x16xf32>,
    %broadcast_in_dim3A_166 = arith.constant 0.000000e+00 : f32
    %broadcast_in_dim3A_167 = vector.broadcast %broadcast_in_dim3A_166 : f32 to vector<16xf32>
    %swap3A_168 = arith.constant 5 : i32
    %swap3A_169 = arith.index_cast %swap3A_168 : i32 to index
    %swap3A_170 = arith.constant 16 : index
    %swap3A_171 = tpu.vector_load %arg15[%swap3A_169, %swap3A_170] {strides = array<i32>} : memref<8x64xf32, #tpu.memory_space<vmem>>, vector<1x16xf32>,
    %swap3A_172 = vector.shape_cast %swap3A_171 : vector<1x16xf32> to vector<16xf32>
    %swap3A_173 = vector.shape_cast %broadcast_in_dim3A_167 : vector<16xf32> to vector<1x16xf32>
    tpu.vector_store %arg15[%swap3A_169, %swap3A_170], %swap3A_173 {strides = array<i32>} : memref<8x64xf32, #tpu.memory_space<vmem>>, vector<1x16xf32>,
    %broadcast_in_dim3A_174 = arith.constant 0.000000e+00 : f32
    %broadcast_in_dim3A_175 = vector.broadcast %broadcast_in_dim3A_174 : f32 to vector<16xf32>
    %swap3A_176 = arith.constant 5 : i32
    %swap3A_177 = arith.index_cast %swap3A_176 : i32 to index
    %swap3A_178 = arith.constant 32 : index
    %swap3A_179 = tpu.vector_load %arg15[%swap3A_177, %swap3A_178] {strides = array<i32>} : memref<8x64xf32, #tpu.memory_space<vmem>>, vector<1x16xf32>,
    %swap3A_180 = vector.shape_cast %swap3A_179 : vector<1x16xf32> to vector<16xf32>
    %swap3A_181 = vector.shape_cast %broadcast_in_dim3A_175 : vector<16xf32> to vector<1x16xf32>
    tpu.vector_store %arg15[%swap3A_177, %swap3A_178], %swap3A_181 {strides = array<i32>} : memref<8x64xf32, #tpu.memory_space<vmem>>, vector<1x16xf32>,
    %broadcast_in_dim3A_182 = arith.constant 0.000000e+00 : f32
    %broadcast_in_dim3A_183 = vector.broadcast %broadcast_in_dim3A_182 : f32 to vector<16xf32>
    %swap3A_184 = arith.constant 5 : i32
    %swap3A_185 = arith.index_cast %swap3A_184 : i32 to index
    %swap3A_186 = arith.constant 48 : index
    %swap3A_187 = tpu.vector_load %arg15[%swap3A_185, %swap3A_186] {strides = array<i32>} : memref<8x64xf32, #tpu.memory_space<vmem>>, vector<1x16xf32>,
    %swap3A_188 = vector.shape_cast %swap3A_187 : vector<1x16xf32> to vector<16xf32>
    %swap3A_189 = vector.shape_cast %broadcast_in_dim3A_183 : vector<16xf32> to vector<1x16xf32>
    tpu.vector_store %arg15[%swap3A_185, %swap3A_186], %swap3A_189 {strides = array<i32>} : memref<8x64xf32, #tpu.memory_space<vmem>>, vector<1x16xf32>,
    %broadcast_in_dim3A_190 = arith.constant 0.000000e+00 : f32
    %broadcast_in_dim3A_191 = vector.broadcast %broadcast_in_dim3A_190 : f32 to vector<16xf32>
    %swap3A_192 = arith.constant 6 : i32
    %swap3A_193 = arith.index_cast %swap3A_192 : i32 to index
    %swap3A_194 = arith.constant 0 : index
    %swap3A_195 = tpu.vector_load %arg15[%swap3A_193, %swap3A_194] {strides = array<i32>} : memref<8x64xf32, #tpu.memory_space<vmem>>, vector<1x16xf32>,
    %swap3A_196 = vector.shape_cast %swap3A_195 : vector<1x16xf32> to vector<16xf32>
    %swap3A_197 = vector.shape_cast %broadcast_in_dim3A_191 : vector<16xf32> to vector<1x16xf32>
    tpu.vector_store %arg15[%swap3A_193, %swap3A_194], %swap3A_197 {strides = array<i32>} : memref<8x64xf32, #tpu.memory_space<vmem>>, vector<1x16xf32>,
    %broadcast_in_dim3A_198 = arith.constant 0.000000e+00 : f32
    %broadcast_in_dim3A_199 = vector.broadcast %broadcast_in_dim3A_198 : f32 to vector<16xf32>
    %swap3A_200 = arith.constant 6 : i32
    %swap3A_201 = arith.index_cast %swap3A_200 : i32 to index
    %swap3A_202 = arith.constant 16 : index
    %swap3A_203 = tpu.vector_load %arg15[%swap3A_201, %swap3A_202] {strides = array<i32>} : memref<8x64xf32, #tpu.memory_space<vmem>>, vector<1x16xf32>,
    %swap3A_204 = vector.shape_cast %swap3A_203 : vector<1x16xf32> to vector<16xf32>
    %swap3A_205 = vector.shape_cast %broadcast_in_dim3A_199 : vector<16xf32> to vector<1x16xf32>
    tpu.vector_store %arg15[%swap3A_201, %swap3A_202], %swap3A_205 {strides = array<i32>} : memref<8x64xf32, #tpu.memory_space<vmem>>, vector<1x16xf32>,
    %broadcast_in_dim3A_206 = arith.constant 0.000000e+00 : f32
    %broadcast_in_dim3A_207 = vector.broadcast %broadcast_in_dim3A_206 : f32 to vector<16xf32>
    %swap3A_208 = arith.constant 6 : i32
    %swap3A_209 = arith.index_cast %swap3A_208 : i32 to index
    %swap3A_210 = arith.constant 32 : index
    %swap3A_211 = tpu.vector_load %arg15[%swap3A_209, %swap3A_210] {strides = array<i32>} : memref<8x64xf32, #tpu.memory_space<vmem>>, vector<1x16xf32>,
    %swap3A_212 = vector.shape_cast %swap3A_211 : vector<1x16xf32> to vector<16xf32>
    %swap3A_213 = vector.shape_cast %broadcast_in_dim3A_207 : vector<16xf32> to vector<1x16xf32>
    tpu.vector_store %arg15[%swap3A_209, %swap3A_210], %swap3A_213 {strides = array<i32>} : memref<8x64xf32, #tpu.memory_space<vmem>>, vector<1x16xf32>,
    %broadcast_in_dim3A_214 = arith.constant 0.000000e+00 : f32
    %broadcast_in_dim3A_215 = vector.broadcast %broadcast_in_dim3A_214 : f32 to vector<16xf32>
    %swap3A_216 = arith.constant 6 : i32
    %swap3A_217 = arith.index_cast %swap3A_216 : i32 to index
    %swap3A_218 = arith.constant 48 : index
    %swap3A_219 = tpu.vector_load %arg15[%swap3A_217, %swap3A_218] {strides = array<i32>} : memref<8x64xf32, #tpu.memory_space<vmem>>, vector<1x16xf32>,
    %swap3A_220 = vector.shape_cast %swap3A_219 : vector<1x16xf32> to vector<16xf32>
    %swap3A_221 = vector.shape_cast %broadcast_in_dim3A_215 : vector<16xf32> to vector<1x16xf32>
    tpu.vector_store %arg15[%swap3A_217, %swap3A_218], %swap3A_221 {strides = array<i32>} : memref<8x64xf32, #tpu.memory_space<vmem>>, vector<1x16xf32>,
    %broadcast_in_dim3A_222 = arith.constant 0.000000e+00 : f32
    %broadcast_in_dim3A_223 = vector.broadcast %broadcast_in_dim3A_222 : f32 to vector<16xf32>
    %swap3A_224 = arith.constant 7 : i32
    %swap3A_225 = arith.index_cast %swap3A_224 : i32 to index
    %swap3A_226 = arith.constant 0 : index
    %swap3A_227 = tpu.vector_load %arg15[%swap3A_225, %swap3A_226] {strides = array<i32>} : memref<8x64xf32, #tpu.memory_space<vmem>>, vector<1x16xf32>,
    %swap3A_228 = vector.shape_cast %swap3A_227 : vector<1x16xf32> to vector<16xf32>
    %swap3A_229 = vector.shape_cast %broadcast_in_dim3A_223 : vector<16xf32> to vector<1x16xf32>
    tpu.vector_store %arg15[%swap3A_225, %swap3A_226], %swap3A_229 {strides = array<i32>} : memref<8x64xf32, #tpu.memory_space<vmem>>, vector<1x16xf32>,
    %broadcast_in_dim3A_230 = arith.constant 0.000000e+00 : f32
    %broadcast_in_dim3A_231 = vector.broadcast %broadcast_in_dim3A_230 : f32 to vector<16xf32>
    %swap3A_232 = arith.constant 7 : i32
    %swap3A_233 = arith.index_cast %swap3A_232 : i32 to index
    %swap3A_234 = arith.constant 16 : index
    %swap3A_235 = tpu.vector_load %arg15[%swap3A_233, %swap3A_234] {strides = array<i32>} : memref<8x64xf32, #tpu.memory_space<vmem>>, vector<1x16xf32>,
    %swap3A_236 = vector.shape_cast %swap3A_235 : vector<1x16xf32> to vector<16xf32>
    %swap3A_237 = vector.shape_cast %broadcast_in_dim3A_231 : vector<16xf32> to vector<1x16xf32>
    tpu.vector_store %arg15[%swap3A_233, %swap3A_234], %swap3A_237 {strides = array<i32>} : memref<8x64xf32, #tpu.memory_space<vmem>>, vector<1x16xf32>,
    %broadcast_in_dim3A_238 = arith.constant 0.000000e+00 : f32
    %broadcast_in_dim3A_239 = vector.broadcast %broadcast_in_dim3A_238 : f32 to vector<16xf32>
    %swap3A_240 = arith.constant 7 : i32
    %swap3A_241 = arith.index_cast %swap3A_240 : i32 to index
    %swap3A_242 = arith.constant 32 : index
    %swap3A_243 = tpu.vector_load %arg15[%swap3A_241, %swap3A_242] {strides = array<i32>} : memref<8x64xf32, #tpu.memory_space<vmem>>, vector<1x16xf32>,
    %swap3A_244 = vector.shape_cast %swap3A_243 : vector<1x16xf32> to vector<16xf32>
    %swap3A_245 = vector.shape_cast %broadcast_in_dim3A_239 : vector<16xf32> to vector<1x16xf32>
    tpu.vector_store %arg15[%swap3A_241, %swap3A_242], %swap3A_245 {strides = array<i32>} : memref<8x64xf32, #tpu.memory_space<vmem>>, vector<1x16xf32>,
    %broadcast_in_dim3A_246 = arith.constant 0.000000e+00 : f32
    %broadcast_in_dim3A_247 = vector.broadcast %broadcast_in_dim3A_246 : f32 to vector<16xf32>
    %swap3A_248 = arith.constant 7 : i32
    %swap3A_249 = arith.index_cast %swap3A_248 : i32 to index
    %swap3A_250 = arith.constant 48 : index
    %swap3A_251 = tpu.vector_load %arg15[%swap3A_249, %swap3A_250] {strides = array<i32>} : memref<8x64xf32, #tpu.memory_space<vmem>>, vector<1x16xf32>,
    %swap3A_252 = vector.shape_cast %swap3A_251 : vector<1x16xf32> to vector<16xf32>
    %swap3A_253 = vector.shape_cast %broadcast_in_dim3A_247 : vector<16xf32> to vector<1x16xf32>
    tpu.vector_store %arg15[%swap3A_249, %swap3A_250], %swap3A_253 {strides = array<i32>} : memref<8x64xf32, #tpu.memory_space<vmem>>, vector<1x16xf32>,
    %mul3A = arith.constant 1568 : i32
    %mul3A_254 = arith.muli %arg1, %mul3A : i32
    %scan3A = arith.constant 0 : i32
    %scan3A_255 = arith.constant 0 : i32
    %scan3A_256 = arith.constant 196 : i32
    %scan3A_257 = arith.addi %scan3A_255, %scan3A_256 : i32
    %scan3A_258 = arith.constant 1 : i32
    %scan3A_259 = scf.for %scan3A_289 = %scan3A_255 to %scan3A_257 step %scan3A_258 iter_args(%scan3A_290 = %scan3A) -> (i32)  : i32 {
      %mul3A_291 = arith.constant 8 : i32
      %mul3A_292 = arith.muli %scan3A_289, %mul3A_291 : i32
      %add3A_293 = arith.addi %mul3A_254, %mul3A_292 : i32
      "tpu.region"() ({
        %run_scoped3A = tpu.sem_alloc : memref<!tpu.dma_semaphore, #tpu.memory_space<semaphore_mem>>
        %dma_start3A_295 = arith.constant 0 : i32
        %dma_start3A_296 = tpu.memref_slice %arg16[%add3A_293, %dma_start3A_295] : memref<25088x64xf32, #tpu.memory_space<vmem_shared>> -> memref<8x64xf32, #tpu.memory_space<vmem_shared>>
        %dma_start3A_297 = arith.constant 0 : i32
        %dma_start3A_298 = tpu.memref_slice %arg16[%add3A_293, %dma_start3A_297] : memref<25088x64xf32, #tpu.memory_space<vmem_shared>> -> memref<8x64xf32, #tpu.memory_space<vmem_shared>>
        tpu.enqueue_dma source(%arg15 : memref<8x64xf32, #tpu.memory_space<vmem>>) target(%dma_start3A_298 : memref<8x64xf32, #tpu.memory_space<vmem_shared>>) target_semaphore(%run_scoped3A : memref<!tpu.dma_semaphore, #tpu.memory_space<semaphore_mem>>)
        %dma_wait3A = arith.constant 0 : i32
        %dma_wait3A_299 = tpu.memref_slice %arg16[%add3A_293, %dma_wait3A] : memref<25088x64xf32, #tpu.memory_space<vmem_shared>> -> memref<8x64xf32, #tpu.memory_space<vmem_shared>>
        %dma_wait3A_300 = arith.constant 0 : i32
        %dma_wait3A_301 = tpu.memref_slice %arg16[%add3A_293, %dma_wait3A_300] : memref<25088x64xf32, #tpu.memory_space<vmem_shared>> -> memref<8x64xf32, #tpu.memory_space<vmem_shared>>
        tpu.wait_dma2 semaphore(%run_scoped3A : memref<!tpu.dma_semaphore, #tpu.memory_space<semaphore_mem>>) src(%arg15 : memref<8x64xf32, #tpu.memory_space<vmem>>) dst(%dma_wait3A_301 : memref<8x64xf32, #tpu.memory_space<vmem_shared>>)
        tpu.yield
      }) : () -> ()
      %scan3A_294 = arith.constant 0 : i32
      scf.yield %scan3A_294 : i32
    }
    %scan3A_260 = arith.constant 196 : i32
    %barrier3A = arith.constant 0 : index
    tpu.barrier barrier_id(%barrier3A)
    %mul3A_261 = arith.constant 50176 : i32
    %mul3A_262 = arith.muli %arg1, %mul3A_261 : i32
    %mul3A_263 = arith.constant 25000 : i32
    %mul3A_264 = arith.muli %arg0, %mul3A_263 : i32
    %add3A = arith.constant 0 : i32
    %add3A_265 = arith.addi %mul3A_262, %add3A : i32
    "tpu.region"() ({
      %run_scoped3A = tpu.sem_alloc : memref<!tpu.dma_semaphore, #tpu.memory_space<semaphore_mem>>
      %dma_start3A_289 = tpu.memref_slice %arg4[%add3A_265] : memref<802816xi32, #tpu.memory_space<hbm>> -> memref<128xi32, #tpu.memory_space<hbm>>
      %dma_start3A_290 = tpu.memref_slice %arg4[%add3A_265] : memref<802816xi32, #tpu.memory_space<hbm>> -> memref<128xi32, #tpu.memory_space<hbm>>
      tpu.enqueue_dma source(%dma_start3A_290 : memref<128xi32, #tpu.memory_space<hbm>>) target(%arg7 : memref<128xi32, #tpu.memory_space<vmem>>) target_semaphore(%run_scoped3A : memref<!tpu.dma_semaphore, #tpu.memory_space<semaphore_mem>>)
      %dma_wait3A = tpu.memref_slice %arg4[%add3A_265] : memref<802816xi32, #tpu.memory_space<hbm>> -> memref<128xi32, #tpu.memory_space<hbm>>
      %dma_wait3A_291 = tpu.memref_slice %arg4[%add3A_265] : memref<802816xi32, #tpu.memory_space<hbm>> -> memref<128xi32, #tpu.memory_space<hbm>>
      tpu.wait_dma2 semaphore(%run_scoped3A : memref<!tpu.dma_semaphore, #tpu.memory_space<semaphore_mem>>) src(%dma_wait3A_291 : memref<128xi32, #tpu.memory_space<hbm>>) dst(%arg7 : memref<128xi32, #tpu.memory_space<vmem>>)
      tpu.yield
    }) : () -> ()
    "tpu.region"() ({
      %run_scoped3A = tpu.sem_alloc : memref<!tpu.dma_semaphore, #tpu.memory_space<semaphore_mem>>
      %dma_start3A_289 = tpu.memref_slice %arg5[%add3A_265] : memref<802816xi32, #tpu.memory_space<hbm>> -> memref<128xi32, #tpu.memory_space<hbm>>
      %dma_start3A_290 = tpu.memref_slice %arg5[%add3A_265] : memref<802816xi32, #tpu.memory_space<hbm>> -> memref<128xi32, #tpu.memory_space<hbm>>
      tpu.enqueue_dma source(%dma_start3A_290 : memref<128xi32, #tpu.memory_space<hbm>>) target(%arg9 : memref<128xi32, #tpu.memory_space<vmem>>) target_semaphore(%run_scoped3A : memref<!tpu.dma_semaphore, #tpu.memory_space<semaphore_mem>>)
      %dma_wait3A = tpu.memref_slice %arg5[%add3A_265] : memref<802816xi32, #tpu.memory_space<hbm>> -> memref<128xi32, #tpu.memory_space<hbm>>
      %dma_wait3A_291 = tpu.memref_slice %arg5[%add3A_265] : memref<802816xi32, #tpu.memory_space<hbm>> -> memref<128xi32, #tpu.memory_space<hbm>>
      tpu.wait_dma2 semaphore(%run_scoped3A : memref<!tpu.dma_semaphore, #tpu.memory_space<semaphore_mem>>) src(%dma_wait3A_291 : memref<128xi32, #tpu.memory_space<hbm>>) dst(%arg9 : memref<128xi32, #tpu.memory_space<vmem>>)
      tpu.yield
    }) : () -> ()
    %dma_start3A = arith.constant 0 : i32
    %dma_start3A_266 = arith.constant 0 : i32
    %dma_start3A_267 = tpu.memref_slice %arg2[%dma_start3A, %dma_start3A_266] : memref<50176x64xf32, #tpu.memory_space<hbm>> -> memref<50176x64xf32, #tpu.memory_space<hbm>>
    tpu.enqueue_indirect_dma source(%dma_start3A_267 : memref<50176x64xf32, #tpu.memory_space<hbm>>) target(%arg12 : memref<128x64xf32, #tpu.memory_space<vmem>>) offsets(%arg9 : memref<128xi32, #tpu.memory_space<vmem>>) semaphore(%arg17 : memref<!tpu.dma_semaphore, #tpu.memory_space<semaphore_mem>>)
    %scan3A_268 = arith.constant 0 : i32
    %scan3A_269 = arith.constant 0 : i32
    %scan3A_270 = arith.constant 196 : i32
    %scan3A_271 = arith.addi %scan3A_269, %scan3A_270 : i32
    %scan3A_272 = arith.constant 1 : i32
    %scan3A_273 = scf.for %scan3A_289 = %scan3A_269 to %scan3A_271 step %scan3A_272 iter_args(%scan3A_290 = %scan3A_268) -> (i32)  : i32 {
      %mul3A_291 = arith.constant 2 : i32
      %mul3A_292 = arith.muli %scan3A_289, %mul3A_291 : i32
      %add3A_293 = arith.constant 1 : i32
      %add3A_294 = arith.addi %mul3A_292, %add3A_293 : i32
      %mul3A_295 = arith.constant 128 : i32
      %mul3A_296 = arith.muli %add3A_294, %mul3A_295 : i32
      %add3A_297 = arith.addi %mul3A_262, %mul3A_296 : i32
      "tpu.region"() ({
        %run_scoped3A = tpu.sem_alloc : memref<!tpu.dma_semaphore, #tpu.memory_space<semaphore_mem>>
        %dma_start3A_769 = tpu.memref_slice %arg4[%add3A_297] : memref<802816xi32, #tpu.memory_space<hbm>> -> memref<128xi32, #tpu.memory_space<hbm>>
        %dma_start3A_770 = tpu.memref_slice %arg4[%add3A_297] : memref<802816xi32, #tpu.memory_space<hbm>> -> memref<128xi32, #tpu.memory_space<hbm>>
        tpu.enqueue_dma source(%dma_start3A_770 : memref<128xi32, #tpu.memory_space<hbm>>) target(%arg8 : memref<128xi32, #tpu.memory_space<vmem>>) target_semaphore(%run_scoped3A : memref<!tpu.dma_semaphore, #tpu.memory_space<semaphore_mem>>)
        %dma_wait3A_771 = tpu.memref_slice %arg4[%add3A_297] : memref<802816xi32, #tpu.memory_space<hbm>> -> memref<128xi32, #tpu.memory_space<hbm>>
        %dma_wait3A_772 = tpu.memref_slice %arg4[%add3A_297] : memref<802816xi32, #tpu.memory_space<hbm>> -> memref<128xi32, #tpu.memory_space<hbm>>
        tpu.wait_dma2 semaphore(%run_scoped3A : memref<!tpu.dma_semaphore, #tpu.memory_space<semaphore_mem>>) src(%dma_wait3A_772 : memref<128xi32, #tpu.memory_space<hbm>>) dst(%arg8 : memref<128xi32, #tpu.memory_space<vmem>>)
        tpu.yield
      }) : () -> ()
      "tpu.region"() ({
        %run_scoped3A = tpu.sem_alloc : memref<!tpu.dma_semaphore, #tpu.memory_space<semaphore_mem>>
        %dma_start3A_769 = tpu.memref_slice %arg5[%add3A_297] : memref<802816xi32, #tpu.memory_space<hbm>> -> memref<128xi32, #tpu.memory_space<hbm>>
        %dma_start3A_770 = tpu.memref_slice %arg5[%add3A_297] : memref<802816xi32, #tpu.memory_space<hbm>> -> memref<128xi32, #tpu.memory_space<hbm>>
        tpu.enqueue_dma source(%dma_start3A_770 : memref<128xi32, #tpu.memory_space<hbm>>) target(%arg10 : memref<128xi32, #tpu.memory_space<vmem>>) target_semaphore(%run_scoped3A : memref<!tpu.dma_semaphore, #tpu.memory_space<semaphore_mem>>)
        %dma_wait3A_771 = tpu.memref_slice %arg5[%add3A_297] : memref<802816xi32, #tpu.memory_space<hbm>> -> memref<128xi32, #tpu.memory_space<hbm>>
        %dma_wait3A_772 = tpu.memref_slice %arg5[%add3A_297] : memref<802816xi32, #tpu.memory_space<hbm>> -> memref<128xi32, #tpu.memory_space<hbm>>
        tpu.wait_dma2 semaphore(%run_scoped3A : memref<!tpu.dma_semaphore, #tpu.memory_space<semaphore_mem>>) src(%dma_wait3A_772 : memref<128xi32, #tpu.memory_space<hbm>>) dst(%arg10 : memref<128xi32, #tpu.memory_space<vmem>>)
        tpu.yield
      }) : () -> ()
      %dma_start3A_298 = arith.constant 0 : i32
      %dma_start3A_299 = arith.constant 0 : i32
      %dma_start3A_300 = tpu.memref_slice %arg2[%dma_start3A_298, %dma_start3A_299] : memref<50176x64xf32, #tpu.memory_space<hbm>> -> memref<50176x64xf32, #tpu.memory_space<hbm>>
      tpu.enqueue_indirect_dma source(%dma_start3A_300 : memref<50176x64xf32, #tpu.memory_space<hbm>>) target(%arg13 : memref<128x64xf32, #tpu.memory_space<vmem>>) offsets(%arg10 : memref<128xi32, #tpu.memory_space<vmem>>) semaphore(%arg18 : memref<!tpu.dma_semaphore, #tpu.memory_space<semaphore_mem>>)
      %mul3A_301 = arith.constant 128 : i32
      %mul3A_302 = arith.muli %mul3A_292, %mul3A_301 : i32
      %add3A_303 = arith.addi %mul3A_262, %mul3A_302 : i32
      %dma_wait3A = arith.constant 0 : i32
      %dma_wait3A_304 = arith.constant 0 : i32
      %dma_wait3A_305 = tpu.memref_slice %arg2[%dma_wait3A, %dma_wait3A_304] : memref<50176x64xf32, #tpu.memory_space<hbm>> -> memref<50176x64xf32, #tpu.memory_space<hbm>>
      tpu.wait_indirect_dma semaphore(%arg17 : memref<!tpu.dma_semaphore, #tpu.memory_space<semaphore_mem>>) src(%dma_wait3A_305 : memref<50176x64xf32, #tpu.memory_space<hbm>>) dst(%arg12 : memref<128x64xf32, #tpu.memory_space<vmem>>)
      "tpu.region"() ({
        %run_scoped3A = tpu.sem_alloc : memref<!tpu.dma_semaphore, #tpu.memory_space<semaphore_mem>>
        %dma_start3A_769 = arith.constant 0 : i32
        %dma_start3A_770 = tpu.memref_slice %arg3[%add3A_303, %dma_start3A_769] : memref<802816x64xf32, #tpu.memory_space<hbm>> -> memref<128x64xf32, #tpu.memory_space<hbm>>
        %dma_start3A_771 = arith.constant 0 : i32
        %dma_start3A_772 = tpu.memref_slice %arg3[%add3A_303, %dma_start3A_771] : memref<802816x64xf32, #tpu.memory_space<hbm>> -> memref<128x64xf32, #tpu.memory_space<hbm>>
        tpu.enqueue_dma source(%dma_start3A_772 : memref<128x64xf32, #tpu.memory_space<hbm>>) target(%arg14 : memref<128x64xf32, #tpu.memory_space<vmem>>) target_semaphore(%run_scoped3A : memref<!tpu.dma_semaphore, #tpu.memory_space<semaphore_mem>>)
        %dma_wait3A_773 = arith.constant 0 : i32
        %dma_wait3A_774 = tpu.memref_slice %arg3[%add3A_303, %dma_wait3A_773] : memref<802816x64xf32, #tpu.memory_space<hbm>> -> memref<128x64xf32, #tpu.memory_space<hbm>>
        %dma_wait3A_775 = arith.constant 0 : i32
        %dma_wait3A_776 = tpu.memref_slice %arg3[%add3A_303, %dma_wait3A_775] : memref<802816x64xf32, #tpu.memory_space<hbm>> -> memref<128x64xf32, #tpu.memory_space<hbm>>
        tpu.wait_dma2 semaphore(%run_scoped3A : memref<!tpu.dma_semaphore, #tpu.memory_space<semaphore_mem>>) src(%dma_wait3A_776 : memref<128x64xf32, #tpu.memory_space<hbm>>) dst(%arg14 : memref<128x64xf32, #tpu.memory_space<vmem>>)
        tpu.yield
      }) : () -> ()
      %get3A = arith.constant 0 : index
      %get3A_306 = tpu.vector_load %arg7[%get3A] {strides = array<i32>} : memref<128xi32, #tpu.memory_space<vmem>>, vector<16xi32>,
      %get3A_307 = vector.shape_cast %get3A_306 : vector<16xi32> to vector<16xi32>
      %sub3A = vector.broadcast %mul3A_264 : i32 to vector<16xi32>
      %sub3A_308 = arith.subi %get3A_307, %sub3A : vector<16xi32>
      %add3A_309 = arith.constant 0 : i32
      %add3A_310 = arith.addi %add3A_303, %add3A_309 : i32
      %iota3A = tpu.iota {dimensions = array<i32: 0>} : vector<16xi32>
      %add3A_311 = vector.broadcast %add3A_310 : i32 to vector<16xi32>
      %add3A_312 = arith.addi %add3A_311, %iota3A : vector<16xi32>
      %ge3A = arith.constant 0 : i32
      %ge3A_313 = vector.broadcast %ge3A : i32 to vector<16xi32>
      %ge3A_314 = arith.cmpi sge, %sub3A_308, %ge3A_313 : vector<16xi32>
      %lt3A_315 = arith.constant 25000 : i32
      %lt3A_316 = vector.broadcast %lt3A_315 : i32 to vector<16xi32>
      %lt3A_317 = arith.cmpi slt, %sub3A_308, %lt3A_316 : vector<16xi32>
      %and3A_318 = arith.andi %ge3A_314, %lt3A_317 : vector<16xi1>
      %lt3A_319 = arith.constant 800000 : i32
      %lt3A_320 = vector.broadcast %lt3A_319 : i32 to vector<16xi32>
      %lt3A_321 = arith.cmpi slt, %add3A_312, %lt3A_320 : vector<16xi32>
      %and3A_322 = arith.andi %and3A_318, %lt3A_321 : vector<16xi1>
      %jit3A = arith.constant 25024 : i32
      %broadcast_in_dim3A_323 = vector.broadcast %jit3A : i32 to vector<16xi32>
      %select_n3A = arith.select %and3A_322, %sub3A_308, %broadcast_in_dim3A_323 : vector<16xi1>, vector<16xi32>
      %swap3A_324 = arith.constant 0 : index
      %swap3A_325 = tpu.vector_load %arg11[%swap3A_324] {strides = array<i32>} : memref<128xi32, #tpu.memory_space<vmem>>, vector<16xi32>,
      %swap3A_326 = vector.shape_cast %swap3A_325 : vector<16xi32> to vector<16xi32>
      %swap3A_327 = vector.shape_cast %select_n3A : vector<16xi32> to vector<16xi32>
      tpu.vector_store %arg11[%swap3A_324], %swap3A_327 {strides = array<i32>} : memref<128xi32, #tpu.memory_space<vmem>>, vector<16xi32>,
      %get3A_328 = arith.constant 16 : index
      %get3A_329 = tpu.vector_load %arg7[%get3A_328] {strides = array<i32>} : memref<128xi32, #tpu.memory_space<vmem>>, vector<16xi32>,
      %get3A_330 = vector.shape_cast %get3A_329 : vector<16xi32> to vector<16xi32>
      %sub3A_331 = vector.broadcast %mul3A_264 : i32 to vector<16xi32>
      %sub3A_332 = arith.subi %get3A_330, %sub3A_331 : vector<16xi32>
      %add3A_333 = arith.constant 16 : i32
      %add3A_334 = arith.addi %add3A_303, %add3A_333 : i32
      %iota3A_335 = tpu.iota {dimensions = array<i32: 0>} : vector<16xi32>
      %add3A_336 = vector.broadcast %add3A_334 : i32 to vector<16xi32>
      %add3A_337 = arith.addi %add3A_336, %iota3A_335 : vector<16xi32>
      %ge3A_338 = arith.constant 0 : i32
      %ge3A_339 = vector.broadcast %ge3A_338 : i32 to vector<16xi32>
      %ge3A_340 = arith.cmpi sge, %sub3A_332, %ge3A_339 : vector<16xi32>
      %lt3A_341 = arith.constant 25000 : i32
      %lt3A_342 = vector.broadcast %lt3A_341 : i32 to vector<16xi32>
      %lt3A_343 = arith.cmpi slt, %sub3A_332, %lt3A_342 : vector<16xi32>
      %and3A_344 = arith.andi %ge3A_340, %lt3A_343 : vector<16xi1>
      %lt3A_345 = arith.constant 800000 : i32
      %lt3A_346 = vector.broadcast %lt3A_345 : i32 to vector<16xi32>
      %lt3A_347 = arith.cmpi slt, %add3A_337, %lt3A_346 : vector<16xi32>
      %and3A_348 = arith.andi %and3A_344, %lt3A_347 : vector<16xi1>
      %jit3A_349 = arith.constant 25024 : i32
      %broadcast_in_dim3A_350 = vector.broadcast %jit3A_349 : i32 to vector<16xi32>
      %select_n3A_351 = arith.select %and3A_348, %sub3A_332, %broadcast_in_dim3A_350 : vector<16xi1>, vector<16xi32>
      %swap3A_352 = arith.constant 16 : index
      %swap3A_353 = tpu.vector_load %arg11[%swap3A_352] {strides = array<i32>} : memref<128xi32, #tpu.memory_space<vmem>>, vector<16xi32>,
      %swap3A_354 = vector.shape_cast %swap3A_353 : vector<16xi32> to vector<16xi32>
      %swap3A_355 = vector.shape_cast %select_n3A_351 : vector<16xi32> to vector<16xi32>
      tpu.vector_store %arg11[%swap3A_352], %swap3A_355 {strides = array<i32>} : memref<128xi32, #tpu.memory_space<vmem>>, vector<16xi32>,
      %get3A_356 = arith.constant 32 : index
      %get3A_357 = tpu.vector_load %arg7[%get3A_356] {strides = array<i32>} : memref<128xi32, #tpu.memory_space<vmem>>, vector<16xi32>,
      %get3A_358 = vector.shape_cast %get3A_357 : vector<16xi32> to vector<16xi32>
      %sub3A_359 = vector.broadcast %mul3A_264 : i32 to vector<16xi32>
      %sub3A_360 = arith.subi %get3A_358, %sub3A_359 : vector<16xi32>
      %add3A_361 = arith.constant 32 : i32
      %add3A_362 = arith.addi %add3A_303, %add3A_361 : i32
      %iota3A_363 = tpu.iota {dimensions = array<i32: 0>} : vector<16xi32>
      %add3A_364 = vector.broadcast %add3A_362 : i32 to vector<16xi32>
      %add3A_365 = arith.addi %add3A_364, %iota3A_363 : vector<16xi32>
      %ge3A_366 = arith.constant 0 : i32
      %ge3A_367 = vector.broadcast %ge3A_366 : i32 to vector<16xi32>
      %ge3A_368 = arith.cmpi sge, %sub3A_360, %ge3A_367 : vector<16xi32>
      %lt3A_369 = arith.constant 25000 : i32
      %lt3A_370 = vector.broadcast %lt3A_369 : i32 to vector<16xi32>
      %lt3A_371 = arith.cmpi slt, %sub3A_360, %lt3A_370 : vector<16xi32>
      %and3A_372 = arith.andi %ge3A_368, %lt3A_371 : vector<16xi1>
      %lt3A_373 = arith.constant 800000 : i32
      %lt3A_374 = vector.broadcast %lt3A_373 : i32 to vector<16xi32>
      %lt3A_375 = arith.cmpi slt, %add3A_365, %lt3A_374 : vector<16xi32>
      %and3A_376 = arith.andi %and3A_372, %lt3A_375 : vector<16xi1>
      %jit3A_377 = arith.constant 25024 : i32
      %broadcast_in_dim3A_378 = vector.broadcast %jit3A_377 : i32 to vector<16xi32>
      %select_n3A_379 = arith.select %and3A_376, %sub3A_360, %broadcast_in_dim3A_378 : vector<16xi1>, vector<16xi32>
      %swap3A_380 = arith.constant 32 : index
      %swap3A_381 = tpu.vector_load %arg11[%swap3A_380] {strides = array<i32>} : memref<128xi32, #tpu.memory_space<vmem>>, vector<16xi32>,
      %swap3A_382 = vector.shape_cast %swap3A_381 : vector<16xi32> to vector<16xi32>
      %swap3A_383 = vector.shape_cast %select_n3A_379 : vector<16xi32> to vector<16xi32>
      tpu.vector_store %arg11[%swap3A_380], %swap3A_383 {strides = array<i32>} : memref<128xi32, #tpu.memory_space<vmem>>, vector<16xi32>,
      %get3A_384 = arith.constant 48 : index
      %get3A_385 = tpu.vector_load %arg7[%get3A_384] {strides = array<i32>} : memref<128xi32, #tpu.memory_space<vmem>>, vector<16xi32>,
      %get3A_386 = vector.shape_cast %get3A_385 : vector<16xi32> to vector<16xi32>
      %sub3A_387 = vector.broadcast %mul3A_264 : i32 to vector<16xi32>
      %sub3A_388 = arith.subi %get3A_386, %sub3A_387 : vector<16xi32>
      %add3A_389 = arith.constant 48 : i32
      %add3A_390 = arith.addi %add3A_303, %add3A_389 : i32
      %iota3A_391 = tpu.iota {dimensions = array<i32: 0>} : vector<16xi32>
      %add3A_392 = vector.broadcast %add3A_390 : i32 to vector<16xi32>
      %add3A_393 = arith.addi %add3A_392, %iota3A_391 : vector<16xi32>
      %ge3A_394 = arith.constant 0 : i32
      %ge3A_395 = vector.broadcast %ge3A_394 : i32 to vector<16xi32>
      %ge3A_396 = arith.cmpi sge, %sub3A_388, %ge3A_395 : vector<16xi32>
      %lt3A_397 = arith.constant 25000 : i32
      %lt3A_398 = vector.broadcast %lt3A_397 : i32 to vector<16xi32>
      %lt3A_399 = arith.cmpi slt, %sub3A_388, %lt3A_398 : vector<16xi32>
      %and3A_400 = arith.andi %ge3A_396, %lt3A_399 : vector<16xi1>
      %lt3A_401 = arith.constant 800000 : i32
      %lt3A_402 = vector.broadcast %lt3A_401 : i32 to vector<16xi32>
      %lt3A_403 = arith.cmpi slt, %add3A_393, %lt3A_402 : vector<16xi32>
      %and3A_404 = arith.andi %and3A_400, %lt3A_403 : vector<16xi1>
      %jit3A_405 = arith.constant 25024 : i32
      %broadcast_in_dim3A_406 = vector.broadcast %jit3A_405 : i32 to vector<16xi32>
      %select_n3A_407 = arith.select %and3A_404, %sub3A_388, %broadcast_in_dim3A_406 : vector<16xi1>, vector<16xi32>
      %swap3A_408 = arith.constant 48 : index
      %swap3A_409 = tpu.vector_load %arg11[%swap3A_408] {strides = array<i32>} : memref<128xi32, #tpu.memory_space<vmem>>, vector<16xi32>,
      %swap3A_410 = vector.shape_cast %swap3A_409 : vector<16xi32> to vector<16xi32>
      %swap3A_411 = vector.shape_cast %select_n3A_407 : vector<16xi32> to vector<16xi32>
      tpu.vector_store %arg11[%swap3A_408], %swap3A_411 {strides = array<i32>} : memref<128xi32, #tpu.memory_space<vmem>>, vector<16xi32>,
      %get3A_412 = arith.constant 64 : index
      %get3A_413 = tpu.vector_load %arg7[%get3A_412] {strides = array<i32>} : memref<128xi32, #tpu.memory_space<vmem>>, vector<16xi32>,
      %get3A_414 = vector.shape_cast %get3A_413 : vector<16xi32> to vector<16xi32>
      %sub3A_415 = vector.broadcast %mul3A_264 : i32 to vector<16xi32>
      %sub3A_416 = arith.subi %get3A_414, %sub3A_415 : vector<16xi32>
      %add3A_417 = arith.constant 64 : i32
      %add3A_418 = arith.addi %add3A_303, %add3A_417 : i32
      %iota3A_419 = tpu.iota {dimensions = array<i32: 0>} : vector<16xi32>
      %add3A_420 = vector.broadcast %add3A_418 : i32 to vector<16xi32>
      %add3A_421 = arith.addi %add3A_420, %iota3A_419 : vector<16xi32>
      %ge3A_422 = arith.constant 0 : i32
      %ge3A_423 = vector.broadcast %ge3A_422 : i32 to vector<16xi32>
      %ge3A_424 = arith.cmpi sge, %sub3A_416, %ge3A_423 : vector<16xi32>
      %lt3A_425 = arith.constant 25000 : i32
      %lt3A_426 = vector.broadcast %lt3A_425 : i32 to vector<16xi32>
      %lt3A_427 = arith.cmpi slt, %sub3A_416, %lt3A_426 : vector<16xi32>
      %and3A_428 = arith.andi %ge3A_424, %lt3A_427 : vector<16xi1>
      %lt3A_429 = arith.constant 800000 : i32
      %lt3A_430 = vector.broadcast %lt3A_429 : i32 to vector<16xi32>
      %lt3A_431 = arith.cmpi slt, %add3A_421, %lt3A_430 : vector<16xi32>
      %and3A_432 = arith.andi %and3A_428, %lt3A_431 : vector<16xi1>
      %jit3A_433 = arith.constant 25024 : i32
      %broadcast_in_dim3A_434 = vector.broadcast %jit3A_433 : i32 to vector<16xi32>
      %select_n3A_435 = arith.select %and3A_432, %sub3A_416, %broadcast_in_dim3A_434 : vector<16xi1>, vector<16xi32>
      %swap3A_436 = arith.constant 64 : index
      %swap3A_437 = tpu.vector_load %arg11[%swap3A_436] {strides = array<i32>} : memref<128xi32, #tpu.memory_space<vmem>>, vector<16xi32>,
      %swap3A_438 = vector.shape_cast %swap3A_437 : vector<16xi32> to vector<16xi32>
      %swap3A_439 = vector.shape_cast %select_n3A_435 : vector<16xi32> to vector<16xi32>
      tpu.vector_store %arg11[%swap3A_436], %swap3A_439 {strides = array<i32>} : memref<128xi32, #tpu.memory_space<vmem>>, vector<16xi32>,
      %get3A_440 = arith.constant 80 : index
      %get3A_441 = tpu.vector_load %arg7[%get3A_440] {strides = array<i32>} : memref<128xi32, #tpu.memory_space<vmem>>, vector<16xi32>,
      %get3A_442 = vector.shape_cast %get3A_441 : vector<16xi32> to vector<16xi32>
      %sub3A_443 = vector.broadcast %mul3A_264 : i32 to vector<16xi32>
      %sub3A_444 = arith.subi %get3A_442, %sub3A_443 : vector<16xi32>
      %add3A_445 = arith.constant 80 : i32
      %add3A_446 = arith.addi %add3A_303, %add3A_445 : i32
      %iota3A_447 = tpu.iota {dimensions = array<i32: 0>} : vector<16xi32>
      %add3A_448 = vector.broadcast %add3A_446 : i32 to vector<16xi32>
      %add3A_449 = arith.addi %add3A_448, %iota3A_447 : vector<16xi32>
      %ge3A_450 = arith.constant 0 : i32
      %ge3A_451 = vector.broadcast %ge3A_450 : i32 to vector<16xi32>
      %ge3A_452 = arith.cmpi sge, %sub3A_444, %ge3A_451 : vector<16xi32>
      %lt3A_453 = arith.constant 25000 : i32
      %lt3A_454 = vector.broadcast %lt3A_453 : i32 to vector<16xi32>
      %lt3A_455 = arith.cmpi slt, %sub3A_444, %lt3A_454 : vector<16xi32>
      %and3A_456 = arith.andi %ge3A_452, %lt3A_455 : vector<16xi1>
      %lt3A_457 = arith.constant 800000 : i32
      %lt3A_458 = vector.broadcast %lt3A_457 : i32 to vector<16xi32>
      %lt3A_459 = arith.cmpi slt, %add3A_449, %lt3A_458 : vector<16xi32>
      %and3A_460 = arith.andi %and3A_456, %lt3A_459 : vector<16xi1>
      %jit3A_461 = arith.constant 25024 : i32
      %broadcast_in_dim3A_462 = vector.broadcast %jit3A_461 : i32 to vector<16xi32>
      %select_n3A_463 = arith.select %and3A_460, %sub3A_444, %broadcast_in_dim3A_462 : vector<16xi1>, vector<16xi32>
      %swap3A_464 = arith.constant 80 : index
      %swap3A_465 = tpu.vector_load %arg11[%swap3A_464] {strides = array<i32>} : memref<128xi32, #tpu.memory_space<vmem>>, vector<16xi32>,
      %swap3A_466 = vector.shape_cast %swap3A_465 : vector<16xi32> to vector<16xi32>
      %swap3A_467 = vector.shape_cast %select_n3A_463 : vector<16xi32> to vector<16xi32>
      tpu.vector_store %arg11[%swap3A_464], %swap3A_467 {strides = array<i32>} : memref<128xi32, #tpu.memory_space<vmem>>, vector<16xi32>,
      %get3A_468 = arith.constant 96 : index
      %get3A_469 = tpu.vector_load %arg7[%get3A_468] {strides = array<i32>} : memref<128xi32, #tpu.memory_space<vmem>>, vector<16xi32>,
      %get3A_470 = vector.shape_cast %get3A_469 : vector<16xi32> to vector<16xi32>
      %sub3A_471 = vector.broadcast %mul3A_264 : i32 to vector<16xi32>
      %sub3A_472 = arith.subi %get3A_470, %sub3A_471 : vector<16xi32>
      %add3A_473 = arith.constant 96 : i32
      %add3A_474 = arith.addi %add3A_303, %add3A_473 : i32
      %iota3A_475 = tpu.iota {dimensions = array<i32: 0>} : vector<16xi32>
      %add3A_476 = vector.broadcast %add3A_474 : i32 to vector<16xi32>
      %add3A_477 = arith.addi %add3A_476, %iota3A_475 : vector<16xi32>
      %ge3A_478 = arith.constant 0 : i32
      %ge3A_479 = vector.broadcast %ge3A_478 : i32 to vector<16xi32>
      %ge3A_480 = arith.cmpi sge, %sub3A_472, %ge3A_479 : vector<16xi32>
      %lt3A_481 = arith.constant 25000 : i32
      %lt3A_482 = vector.broadcast %lt3A_481 : i32 to vector<16xi32>
      %lt3A_483 = arith.cmpi slt, %sub3A_472, %lt3A_482 : vector<16xi32>
      %and3A_484 = arith.andi %ge3A_480, %lt3A_483 : vector<16xi1>
      %lt3A_485 = arith.constant 800000 : i32
      %lt3A_486 = vector.broadcast %lt3A_485 : i32 to vector<16xi32>
      %lt3A_487 = arith.cmpi slt, %add3A_477, %lt3A_486 : vector<16xi32>
      %and3A_488 = arith.andi %and3A_484, %lt3A_487 : vector<16xi1>
      %jit3A_489 = arith.constant 25024 : i32
      %broadcast_in_dim3A_490 = vector.broadcast %jit3A_489 : i32 to vector<16xi32>
      %select_n3A_491 = arith.select %and3A_488, %sub3A_472, %broadcast_in_dim3A_490 : vector<16xi1>, vector<16xi32>
      %swap3A_492 = arith.constant 96 : index
      %swap3A_493 = tpu.vector_load %arg11[%swap3A_492] {strides = array<i32>} : memref<128xi32, #tpu.memory_space<vmem>>, vector<16xi32>,
      %swap3A_494 = vector.shape_cast %swap3A_493 : vector<16xi32> to vector<16xi32>
      %swap3A_495 = vector.shape_cast %select_n3A_491 : vector<16xi32> to vector<16xi32>
      tpu.vector_store %arg11[%swap3A_492], %swap3A_495 {strides = array<i32>} : memref<128xi32, #tpu.memory_space<vmem>>, vector<16xi32>,
      %get3A_496 = arith.constant 112 : index
      %get3A_497 = tpu.vector_load %arg7[%get3A_496] {strides = array<i32>} : memref<128xi32, #tpu.memory_space<vmem>>, vector<16xi32>,
      %get3A_498 = vector.shape_cast %get3A_497 : vector<16xi32> to vector<16xi32>
      %sub3A_499 = vector.broadcast %mul3A_264 : i32 to vector<16xi32>
      %sub3A_500 = arith.subi %get3A_498, %sub3A_499 : vector<16xi32>
      %add3A_501 = arith.constant 112 : i32
      %add3A_502 = arith.addi %add3A_303, %add3A_501 : i32
      %iota3A_503 = tpu.iota {dimensions = array<i32: 0>} : vector<16xi32>
      %add3A_504 = vector.broadcast %add3A_502 : i32 to vector<16xi32>
      %add3A_505 = arith.addi %add3A_504, %iota3A_503 : vector<16xi32>
      %ge3A_506 = arith.constant 0 : i32
      %ge3A_507 = vector.broadcast %ge3A_506 : i32 to vector<16xi32>
      %ge3A_508 = arith.cmpi sge, %sub3A_500, %ge3A_507 : vector<16xi32>
      %lt3A_509 = arith.constant 25000 : i32
      %lt3A_510 = vector.broadcast %lt3A_509 : i32 to vector<16xi32>
      %lt3A_511 = arith.cmpi slt, %sub3A_500, %lt3A_510 : vector<16xi32>
      %and3A_512 = arith.andi %ge3A_508, %lt3A_511 : vector<16xi1>
      %lt3A_513 = arith.constant 800000 : i32
      %lt3A_514 = vector.broadcast %lt3A_513 : i32 to vector<16xi32>
      %lt3A_515 = arith.cmpi slt, %add3A_505, %lt3A_514 : vector<16xi32>
      %and3A_516 = arith.andi %and3A_512, %lt3A_515 : vector<16xi1>
      %jit3A_517 = arith.constant 25024 : i32
      %broadcast_in_dim3A_518 = vector.broadcast %jit3A_517 : i32 to vector<16xi32>
      %select_n3A_519 = arith.select %and3A_516, %sub3A_500, %broadcast_in_dim3A_518 : vector<16xi1>, vector<16xi32>
      %swap3A_520 = arith.constant 112 : index
      %swap3A_521 = tpu.vector_load %arg11[%swap3A_520] {strides = array<i32>} : memref<128xi32, #tpu.memory_space<vmem>>, vector<16xi32>,
      %swap3A_522 = vector.shape_cast %swap3A_521 : vector<16xi32> to vector<16xi32>
      %swap3A_523 = vector.shape_cast %select_n3A_519 : vector<16xi32> to vector<16xi32>
      tpu.vector_store %arg11[%swap3A_520], %swap3A_523 {strides = array<i32>} : memref<128xi32, #tpu.memory_space<vmem>>, vector<16xi32>,
      %parallel_loop3A = arith.constant 0 : i32
      %parallel_loop3A_524 = arith.constant 128 : i32
      %parallel_loop3A_525 = arith.constant 1 : i32
      scf.for %parallel_loop3A_769 = %parallel_loop3A to %parallel_loop3A_524 step %parallel_loop3A_525  : i32 {
        %parallel_loop3A_770 = arith.index_cast %parallel_loop3A_769 : i32 to index
        %parallel_loop3A_771 = arith.constant 0 : index
        %parallel_loop3A_772 = tpu.vector_load %arg12[%parallel_loop3A_770, %parallel_loop3A_771] {strides = array<i32>} : memref<128x64xf32, #tpu.memory_space<vmem>>, vector<1x16xf32>,
        %parallel_loop3A_773 = vector.shape_cast %parallel_loop3A_772 : vector<1x16xf32> to vector<16xf32>
        %parallel_loop3A_774 = arith.index_cast %parallel_loop3A_769 : i32 to index
        %parallel_loop3A_775 = arith.constant 0 : index
        %parallel_loop3A_776 = tpu.vector_load %arg14[%parallel_loop3A_774, %parallel_loop3A_775] {strides = array<i32>} : memref<128x64xf32, #tpu.memory_space<vmem>>, vector<1x16xf32>,
        %parallel_loop3A_777 = vector.shape_cast %parallel_loop3A_776 : vector<1x16xf32> to vector<16xf32>
        %parallel_loop3A_778 = arith.mulf %parallel_loop3A_773, %parallel_loop3A_777 : vector<16xf32>
        %parallel_loop3A_779 = arith.index_cast %parallel_loop3A_769 : i32 to index
        %parallel_loop3A_780 = arith.constant 0 : index
        %parallel_loop3A_781 = tpu.vector_load %arg12[%parallel_loop3A_779, %parallel_loop3A_780] {strides = array<i32>} : memref<128x64xf32, #tpu.memory_space<vmem>>, vector<1x16xf32>,
        %parallel_loop3A_782 = vector.shape_cast %parallel_loop3A_781 : vector<1x16xf32> to vector<16xf32>
        %parallel_loop3A_783 = vector.shape_cast %parallel_loop3A_778 : vector<16xf32> to vector<1x16xf32>
        tpu.vector_store %arg12[%parallel_loop3A_779, %parallel_loop3A_780], %parallel_loop3A_783 {strides = array<i32>} : memref<128x64xf32, #tpu.memory_space<vmem>>, vector<1x16xf32>,
        %parallel_loop3A_784 = arith.index_cast %parallel_loop3A_769 : i32 to index
        %parallel_loop3A_785 = arith.constant 16 : index
        %parallel_loop3A_786 = tpu.vector_load %arg12[%parallel_loop3A_784, %parallel_loop3A_785] {strides = array<i32>} : memref<128x64xf32, #tpu.memory_space<vmem>>, vector<1x16xf32>,
        %parallel_loop3A_787 = vector.shape_cast %parallel_loop3A_786 : vector<1x16xf32> to vector<16xf32>
        %parallel_loop3A_788 = arith.index_cast %parallel_loop3A_769 : i32 to index
        %parallel_loop3A_789 = arith.constant 16 : index
        %parallel_loop3A_790 = tpu.vector_load %arg14[%parallel_loop3A_788, %parallel_loop3A_789] {strides = array<i32>} : memref<128x64xf32, #tpu.memory_space<vmem>>, vector<1x16xf32>,
        %parallel_loop3A_791 = vector.shape_cast %parallel_loop3A_790 : vector<1x16xf32> to vector<16xf32>
        %parallel_loop3A_792 = arith.mulf %parallel_loop3A_787, %parallel_loop3A_791 : vector<16xf32>
        %parallel_loop3A_793 = arith.index_cast %parallel_loop3A_769 : i32 to index
        %parallel_loop3A_794 = arith.constant 16 : index
        %parallel_loop3A_795 = tpu.vector_load %arg12[%parallel_loop3A_793, %parallel_loop3A_794] {strides = array<i32>} : memref<128x64xf32, #tpu.memory_space<vmem>>, vector<1x16xf32>,
        %parallel_loop3A_796 = vector.shape_cast %parallel_loop3A_795 : vector<1x16xf32> to vector<16xf32>
        %parallel_loop3A_797 = vector.shape_cast %parallel_loop3A_792 : vector<16xf32> to vector<1x16xf32>
        tpu.vector_store %arg12[%parallel_loop3A_793, %parallel_loop3A_794], %parallel_loop3A_797 {strides = array<i32>} : memref<128x64xf32, #tpu.memory_space<vmem>>, vector<1x16xf32>,
        %parallel_loop3A_798 = arith.index_cast %parallel_loop3A_769 : i32 to index
        %parallel_loop3A_799 = arith.constant 32 : index
        %parallel_loop3A_800 = tpu.vector_load %arg12[%parallel_loop3A_798, %parallel_loop3A_799] {strides = array<i32>} : memref<128x64xf32, #tpu.memory_space<vmem>>, vector<1x16xf32>,
        %parallel_loop3A_801 = vector.shape_cast %parallel_loop3A_800 : vector<1x16xf32> to vector<16xf32>
        %parallel_loop3A_802 = arith.index_cast %parallel_loop3A_769 : i32 to index
        %parallel_loop3A_803 = arith.constant 32 : index
        %parallel_loop3A_804 = tpu.vector_load %arg14[%parallel_loop3A_802, %parallel_loop3A_803] {strides = array<i32>} : memref<128x64xf32, #tpu.memory_space<vmem>>, vector<1x16xf32>,
        %parallel_loop3A_805 = vector.shape_cast %parallel_loop3A_804 : vector<1x16xf32> to vector<16xf32>
        %parallel_loop3A_806 = arith.mulf %parallel_loop3A_801, %parallel_loop3A_805 : vector<16xf32>
        %parallel_loop3A_807 = arith.index_cast %parallel_loop3A_769 : i32 to index
        %parallel_loop3A_808 = arith.constant 32 : index
        %parallel_loop3A_809 = tpu.vector_load %arg12[%parallel_loop3A_807, %parallel_loop3A_808] {strides = array<i32>} : memref<128x64xf32, #tpu.memory_space<vmem>>, vector<1x16xf32>,
        %parallel_loop3A_810 = vector.shape_cast %parallel_loop3A_809 : vector<1x16xf32> to vector<16xf32>
        %parallel_loop3A_811 = vector.shape_cast %parallel_loop3A_806 : vector<16xf32> to vector<1x16xf32>
        tpu.vector_store %arg12[%parallel_loop3A_807, %parallel_loop3A_808], %parallel_loop3A_811 {strides = array<i32>} : memref<128x64xf32, #tpu.memory_space<vmem>>, vector<1x16xf32>,
        %parallel_loop3A_812 = arith.index_cast %parallel_loop3A_769 : i32 to index
        %parallel_loop3A_813 = arith.constant 48 : index
        %parallel_loop3A_814 = tpu.vector_load %arg12[%parallel_loop3A_812, %parallel_loop3A_813] {strides = array<i32>} : memref<128x64xf32, #tpu.memory_space<vmem>>, vector<1x16xf32>,
        %parallel_loop3A_815 = vector.shape_cast %parallel_loop3A_814 : vector<1x16xf32> to vector<16xf32>
        %parallel_loop3A_816 = arith.index_cast %parallel_loop3A_769 : i32 to index
        %parallel_loop3A_817 = arith.constant 48 : index
        %parallel_loop3A_818 = tpu.vector_load %arg14[%parallel_loop3A_816, %parallel_loop3A_817] {strides = array<i32>} : memref<128x64xf32, #tpu.memory_space<vmem>>, vector<1x16xf32>,
        %parallel_loop3A_819 = vector.shape_cast %parallel_loop3A_818 : vector<1x16xf32> to vector<16xf32>
        %parallel_loop3A_820 = arith.mulf %parallel_loop3A_815, %parallel_loop3A_819 : vector<16xf32>
        %parallel_loop3A_821 = arith.index_cast %parallel_loop3A_769 : i32 to index
        %parallel_loop3A_822 = arith.constant 48 : index
        %parallel_loop3A_823 = tpu.vector_load %arg12[%parallel_loop3A_821, %parallel_loop3A_822] {strides = array<i32>} : memref<128x64xf32, #tpu.memory_space<vmem>>, vector<1x16xf32>,
        %parallel_loop3A_824 = vector.shape_cast %parallel_loop3A_823 : vector<1x16xf32> to vector<16xf32>
        %parallel_loop3A_825 = vector.shape_cast %parallel_loop3A_820 : vector<16xf32> to vector<1x16xf32>
        tpu.vector_store %arg12[%parallel_loop3A_821, %parallel_loop3A_822], %parallel_loop3A_825 {strides = array<i32>} : memref<128x64xf32, #tpu.memory_space<vmem>>, vector<1x16xf32>,
      } {sc.loop_unroll_factor = 4 : i64, sc.parallel_access}
      "tpu.region"() ({
        %run_scoped3A = tpu.sem_alloc : memref<!tpu.dma_semaphore, #tpu.memory_space<semaphore_mem>>
        %dma_start3A_769 = arith.constant 0 : i32
        %dma_start3A_770 = arith.constant 0 : i32
        %dma_start3A_771 = tpu.memref_slice %arg16[%dma_start3A_769, %dma_start3A_770] : memref<25088x64xf32, #tpu.memory_space<vmem_shared>> -> memref<25088x64xf32, #tpu.memory_space<vmem_shared>>
        tpu.enqueue_indirect_dma source(%arg12 : memref<128x64xf32, #tpu.memory_space<vmem>>) target(%dma_start3A_771 : memref<25088x64xf32, #tpu.memory_space<vmem_shared>>) offsets(%arg11 : memref<128xi32, #tpu.memory_space<vmem>>) semaphore(%run_scoped3A : memref<!tpu.dma_semaphore, #tpu.memory_space<semaphore_mem>>) {add = true}
        %dma_wait3A_772 = arith.constant 0 : i32
        %dma_wait3A_773 = arith.constant 0 : i32
        %dma_wait3A_774 = tpu.memref_slice %arg16[%dma_wait3A_772, %dma_wait3A_773] : memref<25088x64xf32, #tpu.memory_space<vmem_shared>> -> memref<25088x64xf32, #tpu.memory_space<vmem_shared>>
        tpu.wait_indirect_dma semaphore(%run_scoped3A : memref<!tpu.dma_semaphore, #tpu.memory_space<semaphore_mem>>) src(%arg12 : memref<128x64xf32, #tpu.memory_space<vmem>>) dst(%dma_wait3A_774 : memref<25088x64xf32, #tpu.memory_space<vmem_shared>>)
        tpu.yield
      }) : () -> ()
      %add3A_526 = arith.constant 2 : i32
      %add3A_527 = arith.addi %mul3A_292, %add3A_526 : i32
      %lt3A_528 = arith.constant 392 : i32
      %lt3A_529 = arith.cmpi slt, %add3A_527, %lt3A_528 : i32
      %convert_element_type3A_530 = arith.extui %lt3A_529 : i1 to i32
      %cond3A_531 = arith.constant 0 : i32
      %cond3A_532 = arith.cmpi ne, %convert_element_type3A_530, %cond3A_531 : i32
      scf.if %cond3A_532 {
        %add3A_769 = arith.constant 2 : i32
        %add3A_770 = arith.addi %mul3A_292, %add3A_769 : i32
        %mul3A_771 = arith.constant 128 : i32
        %mul3A_772 = arith.muli %add3A_770, %mul3A_771 : i32
        %add3A_773 = arith.addi %mul3A_262, %mul3A_772 : i32
        "tpu.region"() ({
          %run_scoped3A = tpu.sem_alloc : memref<!tpu.dma_semaphore, #tpu.memory_space<semaphore_mem>>
          %dma_start3A_777 = tpu.memref_slice %arg4[%add3A_773] : memref<802816xi32, #tpu.memory_space<hbm>> -> memref<128xi32, #tpu.memory_space<hbm>>
          %dma_start3A_778 = tpu.memref_slice %arg4[%add3A_773] : memref<802816xi32, #tpu.memory_space<hbm>> -> memref<128xi32, #tpu.memory_space<hbm>>
          tpu.enqueue_dma source(%dma_start3A_778 : memref<128xi32, #tpu.memory_space<hbm>>) target(%arg7 : memref<128xi32, #tpu.memory_space<vmem>>) target_semaphore(%run_scoped3A : memref<!tpu.dma_semaphore, #tpu.memory_space<semaphore_mem>>)
          %dma_wait3A_779 = tpu.memref_slice %arg4[%add3A_773] : memref<802816xi32, #tpu.memory_space<hbm>> -> memref<128xi32, #tpu.memory_space<hbm>>
          %dma_wait3A_780 = tpu.memref_slice %arg4[%add3A_773] : memref<802816xi32, #tpu.memory_space<hbm>> -> memref<128xi32, #tpu.memory_space<hbm>>
          tpu.wait_dma2 semaphore(%run_scoped3A : memref<!tpu.dma_semaphore, #tpu.memory_space<semaphore_mem>>) src(%dma_wait3A_780 : memref<128xi32, #tpu.memory_space<hbm>>) dst(%arg7 : memref<128xi32, #tpu.memory_space<vmem>>)
          tpu.yield
        }) : () -> ()
        "tpu.region"() ({
          %run_scoped3A = tpu.sem_alloc : memref<!tpu.dma_semaphore, #tpu.memory_space<semaphore_mem>>
          %dma_start3A_777 = tpu.memref_slice %arg5[%add3A_773] : memref<802816xi32, #tpu.memory_space<hbm>> -> memref<128xi32, #tpu.memory_space<hbm>>
          %dma_start3A_778 = tpu.memref_slice %arg5[%add3A_773] : memref<802816xi32, #tpu.memory_space<hbm>> -> memref<128xi32, #tpu.memory_space<hbm>>
          tpu.enqueue_dma source(%dma_start3A_778 : memref<128xi32, #tpu.memory_space<hbm>>) target(%arg9 : memref<128xi32, #tpu.memory_space<vmem>>) target_semaphore(%run_scoped3A : memref<!tpu.dma_semaphore, #tpu.memory_space<semaphore_mem>>)
          %dma_wait3A_779 = tpu.memref_slice %arg5[%add3A_773] : memref<802816xi32, #tpu.memory_space<hbm>> -> memref<128xi32, #tpu.memory_space<hbm>>
          %dma_wait3A_780 = tpu.memref_slice %arg5[%add3A_773] : memref<802816xi32, #tpu.memory_space<hbm>> -> memref<128xi32, #tpu.memory_space<hbm>>
          tpu.wait_dma2 semaphore(%run_scoped3A : memref<!tpu.dma_semaphore, #tpu.memory_space<semaphore_mem>>) src(%dma_wait3A_780 : memref<128xi32, #tpu.memory_space<hbm>>) dst(%arg9 : memref<128xi32, #tpu.memory_space<vmem>>)
          tpu.yield
        }) : () -> ()
        %dma_start3A_774 = arith.constant 0 : i32
        %dma_start3A_775 = arith.constant 0 : i32
        %dma_start3A_776 = tpu.memref_slice %arg2[%dma_start3A_774, %dma_start3A_775] : memref<50176x64xf32, #tpu.memory_space<hbm>> -> memref<50176x64xf32, #tpu.memory_space<hbm>>
        tpu.enqueue_indirect_dma source(%dma_start3A_776 : memref<50176x64xf32, #tpu.memory_space<hbm>>) target(%arg12 : memref<128x64xf32, #tpu.memory_space<vmem>>) offsets(%arg9 : memref<128xi32, #tpu.memory_space<vmem>>) semaphore(%arg17 : memref<!tpu.dma_semaphore, #tpu.memory_space<semaphore_mem>>)
      } else {
      }
      %add3A_533 = arith.constant 1 : i32
      %add3A_534 = arith.addi %mul3A_292, %add3A_533 : i32
      %mul3A_535 = arith.constant 128 : i32
      %mul3A_536 = arith.muli %add3A_534, %mul3A_535 : i32
      %add3A_537 = arith.addi %mul3A_262, %mul3A_536 : i32
      %dma_wait3A_538 = arith.constant 0 : i32
      %dma_wait3A_539 = arith.constant 0 : i32
      %dma_wait3A_540 = tpu.memref_slice %arg2[%dma_wait3A_538, %dma_wait3A_539] : memref<50176x64xf32, #tpu.memory_space<hbm>> -> memref<50176x64xf32, #tpu.memory_space<hbm>>
      tpu.wait_indirect_dma semaphore(%arg18 : memref<!tpu.dma_semaphore, #tpu.memory_space<semaphore_mem>>) src(%dma_wait3A_540 : memref<50176x64xf32, #tpu.memory_space<hbm>>) dst(%arg13 : memref<128x64xf32, #tpu.memory_space<vmem>>)
      "tpu.region"() ({
        %run_scoped3A = tpu.sem_alloc : memref<!tpu.dma_semaphore, #tpu.memory_space<semaphore_mem>>
        %dma_start3A_769 = arith.constant 0 : i32
        %dma_start3A_770 = tpu.memref_slice %arg3[%add3A_537, %dma_start3A_769] : memref<802816x64xf32, #tpu.memory_space<hbm>> -> memref<128x64xf32, #tpu.memory_space<hbm>>
        %dma_start3A_771 = arith.constant 0 : i32
        %dma_start3A_772 = tpu.memref_slice %arg3[%add3A_537, %dma_start3A_771] : memref<802816x64xf32, #tpu.memory_space<hbm>> -> memref<128x64xf32, #tpu.memory_space<hbm>>
        tpu.enqueue_dma source(%dma_start3A_772 : memref<128x64xf32, #tpu.memory_space<hbm>>) target(%arg14 : memref<128x64xf32, #tpu.memory_space<vmem>>) target_semaphore(%run_scoped3A : memref<!tpu.dma_semaphore, #tpu.memory_space<semaphore_mem>>)
        %dma_wait3A_773 = arith.constant 0 : i32
        %dma_wait3A_774 = tpu.memref_slice %arg3[%add3A_537, %dma_wait3A_773] : memref<802816x64xf32, #tpu.memory_space<hbm>> -> memref<128x64xf32, #tpu.memory_space<hbm>>
        %dma_wait3A_775 = arith.constant 0 : i32
        %dma_wait3A_776 = tpu.memref_slice %arg3[%add3A_537, %dma_wait3A_775] : memref<802816x64xf32, #tpu.memory_space<hbm>> -> memref<128x64xf32, #tpu.memory_space<hbm>>
        tpu.wait_dma2 semaphore(%run_scoped3A : memref<!tpu.dma_semaphore, #tpu.memory_space<semaphore_mem>>) src(%dma_wait3A_776 : memref<128x64xf32, #tpu.memory_space<hbm>>) dst(%arg14 : memref<128x64xf32, #tpu.memory_space<vmem>>)
        tpu.yield
      }) : () -> ()
      %get3A_541 = arith.constant 0 : index
      %get3A_542 = tpu.vector_load %arg8[%get3A_541] {strides = array<i32>} : memref<128xi32, #tpu.memory_space<vmem>>, vector<16xi32>,
      %get3A_543 = vector.shape_cast %get3A_542 : vector<16xi32> to vector<16xi32>
      %sub3A_544 = vector.broadcast %mul3A_264 : i32 to vector<16xi32>
      %sub3A_545 = arith.subi %get3A_543, %sub3A_544 : vector<16xi32>
      %add3A_546 = arith.constant 0 : i32
      %add3A_547 = arith.addi %add3A_537, %add3A_546 : i32
      %iota3A_548 = tpu.iota {dimensions = array<i32: 0>} : vector<16xi32>
      %add3A_549 = vector.broadcast %add3A_547 : i32 to vector<16xi32>
      %add3A_550 = arith.addi %add3A_549, %iota3A_548 : vector<16xi32>
      %ge3A_551 = arith.constant 0 : i32
      %ge3A_552 = vector.broadcast %ge3A_551 : i32 to vector<16xi32>
      %ge3A_553 = arith.cmpi sge, %sub3A_545, %ge3A_552 : vector<16xi32>
      %lt3A_554 = arith.constant 25000 : i32
      %lt3A_555 = vector.broadcast %lt3A_554 : i32 to vector<16xi32>
      %lt3A_556 = arith.cmpi slt, %sub3A_545, %lt3A_555 : vector<16xi32>
      %and3A_557 = arith.andi %ge3A_553, %lt3A_556 : vector<16xi1>
      %lt3A_558 = arith.constant 800000 : i32
      %lt3A_559 = vector.broadcast %lt3A_558 : i32 to vector<16xi32>
      %lt3A_560 = arith.cmpi slt, %add3A_550, %lt3A_559 : vector<16xi32>
      %and3A_561 = arith.andi %and3A_557, %lt3A_560 : vector<16xi1>
      %jit3A_562 = arith.constant 25024 : i32
      %broadcast_in_dim3A_563 = vector.broadcast %jit3A_562 : i32 to vector<16xi32>
      %select_n3A_564 = arith.select %and3A_561, %sub3A_545, %broadcast_in_dim3A_563 : vector<16xi1>, vector<16xi32>
      %swap3A_565 = arith.constant 0 : index
      %swap3A_566 = tpu.vector_load %arg11[%swap3A_565] {strides = array<i32>} : memref<128xi32, #tpu.memory_space<vmem>>, vector<16xi32>,
      %swap3A_567 = vector.shape_cast %swap3A_566 : vector<16xi32> to vector<16xi32>
      %swap3A_568 = vector.shape_cast %select_n3A_564 : vector<16xi32> to vector<16xi32>
      tpu.vector_store %arg11[%swap3A_565], %swap3A_568 {strides = array<i32>} : memref<128xi32, #tpu.memory_space<vmem>>, vector<16xi32>,
      %get3A_569 = arith.constant 16 : index
      %get3A_570 = tpu.vector_load %arg8[%get3A_569] {strides = array<i32>} : memref<128xi32, #tpu.memory_space<vmem>>, vector<16xi32>,
      %get3A_571 = vector.shape_cast %get3A_570 : vector<16xi32> to vector<16xi32>
      %sub3A_572 = vector.broadcast %mul3A_264 : i32 to vector<16xi32>
      %sub3A_573 = arith.subi %get3A_571, %sub3A_572 : vector<16xi32>
      %add3A_574 = arith.constant 16 : i32
      %add3A_575 = arith.addi %add3A_537, %add3A_574 : i32
      %iota3A_576 = tpu.iota {dimensions = array<i32: 0>} : vector<16xi32>
      %add3A_577 = vector.broadcast %add3A_575 : i32 to vector<16xi32>
      %add3A_578 = arith.addi %add3A_577, %iota3A_576 : vector<16xi32>
      %ge3A_579 = arith.constant 0 : i32
      %ge3A_580 = vector.broadcast %ge3A_579 : i32 to vector<16xi32>
      %ge3A_581 = arith.cmpi sge, %sub3A_573, %ge3A_580 : vector<16xi32>
      %lt3A_582 = arith.constant 25000 : i32
      %lt3A_583 = vector.broadcast %lt3A_582 : i32 to vector<16xi32>
      %lt3A_584 = arith.cmpi slt, %sub3A_573, %lt3A_583 : vector<16xi32>
      %and3A_585 = arith.andi %ge3A_581, %lt3A_584 : vector<16xi1>
      %lt3A_586 = arith.constant 800000 : i32
      %lt3A_587 = vector.broadcast %lt3A_586 : i32 to vector<16xi32>
      %lt3A_588 = arith.cmpi slt, %add3A_578, %lt3A_587 : vector<16xi32>
      %and3A_589 = arith.andi %and3A_585, %lt3A_588 : vector<16xi1>
      %jit3A_590 = arith.constant 25024 : i32
      %broadcast_in_dim3A_591 = vector.broadcast %jit3A_590 : i32 to vector<16xi32>
      %select_n3A_592 = arith.select %and3A_589, %sub3A_573, %broadcast_in_dim3A_591 : vector<16xi1>, vector<16xi32>
      %swap3A_593 = arith.constant 16 : index
      %swap3A_594 = tpu.vector_load %arg11[%swap3A_593] {strides = array<i32>} : memref<128xi32, #tpu.memory_space<vmem>>, vector<16xi32>,
      %swap3A_595 = vector.shape_cast %swap3A_594 : vector<16xi32> to vector<16xi32>
      %swap3A_596 = vector.shape_cast %select_n3A_592 : vector<16xi32> to vector<16xi32>
      tpu.vector_store %arg11[%swap3A_593], %swap3A_596 {strides = array<i32>} : memref<128xi32, #tpu.memory_space<vmem>>, vector<16xi32>,
      %get3A_597 = arith.constant 32 : index
      %get3A_598 = tpu.vector_load %arg8[%get3A_597] {strides = array<i32>} : memref<128xi32, #tpu.memory_space<vmem>>, vector<16xi32>,
      %get3A_599 = vector.shape_cast %get3A_598 : vector<16xi32> to vector<16xi32>
      %sub3A_600 = vector.broadcast %mul3A_264 : i32 to vector<16xi32>
      %sub3A_601 = arith.subi %get3A_599, %sub3A_600 : vector<16xi32>
      %add3A_602 = arith.constant 32 : i32
      %add3A_603 = arith.addi %add3A_537, %add3A_602 : i32
      %iota3A_604 = tpu.iota {dimensions = array<i32: 0>} : vector<16xi32>
      %add3A_605 = vector.broadcast %add3A_603 : i32 to vector<16xi32>
      %add3A_606 = arith.addi %add3A_605, %iota3A_604 : vector<16xi32>
      %ge3A_607 = arith.constant 0 : i32
      %ge3A_608 = vector.broadcast %ge3A_607 : i32 to vector<16xi32>
      %ge3A_609 = arith.cmpi sge, %sub3A_601, %ge3A_608 : vector<16xi32>
      %lt3A_610 = arith.constant 25000 : i32
      %lt3A_611 = vector.broadcast %lt3A_610 : i32 to vector<16xi32>
      %lt3A_612 = arith.cmpi slt, %sub3A_601, %lt3A_611 : vector<16xi32>
      %and3A_613 = arith.andi %ge3A_609, %lt3A_612 : vector<16xi1>
      %lt3A_614 = arith.constant 800000 : i32
      %lt3A_615 = vector.broadcast %lt3A_614 : i32 to vector<16xi32>
      %lt3A_616 = arith.cmpi slt, %add3A_606, %lt3A_615 : vector<16xi32>
      %and3A_617 = arith.andi %and3A_613, %lt3A_616 : vector<16xi1>
      %jit3A_618 = arith.constant 25024 : i32
      %broadcast_in_dim3A_619 = vector.broadcast %jit3A_618 : i32 to vector<16xi32>
      %select_n3A_620 = arith.select %and3A_617, %sub3A_601, %broadcast_in_dim3A_619 : vector<16xi1>, vector<16xi32>
      %swap3A_621 = arith.constant 32 : index
      %swap3A_622 = tpu.vector_load %arg11[%swap3A_621] {strides = array<i32>} : memref<128xi32, #tpu.memory_space<vmem>>, vector<16xi32>,
      %swap3A_623 = vector.shape_cast %swap3A_622 : vector<16xi32> to vector<16xi32>
      %swap3A_624 = vector.shape_cast %select_n3A_620 : vector<16xi32> to vector<16xi32>
      tpu.vector_store %arg11[%swap3A_621], %swap3A_624 {strides = array<i32>} : memref<128xi32, #tpu.memory_space<vmem>>, vector<16xi32>,
      %get3A_625 = arith.constant 48 : index
      %get3A_626 = tpu.vector_load %arg8[%get3A_625] {strides = array<i32>} : memref<128xi32, #tpu.memory_space<vmem>>, vector<16xi32>,
      %get3A_627 = vector.shape_cast %get3A_626 : vector<16xi32> to vector<16xi32>
      %sub3A_628 = vector.broadcast %mul3A_264 : i32 to vector<16xi32>
      %sub3A_629 = arith.subi %get3A_627, %sub3A_628 : vector<16xi32>
      %add3A_630 = arith.constant 48 : i32
      %add3A_631 = arith.addi %add3A_537, %add3A_630 : i32
      %iota3A_632 = tpu.iota {dimensions = array<i32: 0>} : vector<16xi32>
      %add3A_633 = vector.broadcast %add3A_631 : i32 to vector<16xi32>
      %add3A_634 = arith.addi %add3A_633, %iota3A_632 : vector<16xi32>
      %ge3A_635 = arith.constant 0 : i32
      %ge3A_636 = vector.broadcast %ge3A_635 : i32 to vector<16xi32>
      %ge3A_637 = arith.cmpi sge, %sub3A_629, %ge3A_636 : vector<16xi32>
      %lt3A_638 = arith.constant 25000 : i32
      %lt3A_639 = vector.broadcast %lt3A_638 : i32 to vector<16xi32>
      %lt3A_640 = arith.cmpi slt, %sub3A_629, %lt3A_639 : vector<16xi32>
      %and3A_641 = arith.andi %ge3A_637, %lt3A_640 : vector<16xi1>
      %lt3A_642 = arith.constant 800000 : i32
      %lt3A_643 = vector.broadcast %lt3A_642 : i32 to vector<16xi32>
      %lt3A_644 = arith.cmpi slt, %add3A_634, %lt3A_643 : vector<16xi32>
      %and3A_645 = arith.andi %and3A_641, %lt3A_644 : vector<16xi1>
      %jit3A_646 = arith.constant 25024 : i32
      %broadcast_in_dim3A_647 = vector.broadcast %jit3A_646 : i32 to vector<16xi32>
      %select_n3A_648 = arith.select %and3A_645, %sub3A_629, %broadcast_in_dim3A_647 : vector<16xi1>, vector<16xi32>
      %swap3A_649 = arith.constant 48 : index
      %swap3A_650 = tpu.vector_load %arg11[%swap3A_649] {strides = array<i32>} : memref<128xi32, #tpu.memory_space<vmem>>, vector<16xi32>,
      %swap3A_651 = vector.shape_cast %swap3A_650 : vector<16xi32> to vector<16xi32>
      %swap3A_652 = vector.shape_cast %select_n3A_648 : vector<16xi32> to vector<16xi32>
      tpu.vector_store %arg11[%swap3A_649], %swap3A_652 {strides = array<i32>} : memref<128xi32, #tpu.memory_space<vmem>>, vector<16xi32>,
      %get3A_653 = arith.constant 64 : index
      %get3A_654 = tpu.vector_load %arg8[%get3A_653] {strides = array<i32>} : memref<128xi32, #tpu.memory_space<vmem>>, vector<16xi32>,
      %get3A_655 = vector.shape_cast %get3A_654 : vector<16xi32> to vector<16xi32>
      %sub3A_656 = vector.broadcast %mul3A_264 : i32 to vector<16xi32>
      %sub3A_657 = arith.subi %get3A_655, %sub3A_656 : vector<16xi32>
      %add3A_658 = arith.constant 64 : i32
      %add3A_659 = arith.addi %add3A_537, %add3A_658 : i32
      %iota3A_660 = tpu.iota {dimensions = array<i32: 0>} : vector<16xi32>
      %add3A_661 = vector.broadcast %add3A_659 : i32 to vector<16xi32>
      %add3A_662 = arith.addi %add3A_661, %iota3A_660 : vector<16xi32>
      %ge3A_663 = arith.constant 0 : i32
      %ge3A_664 = vector.broadcast %ge3A_663 : i32 to vector<16xi32>
      %ge3A_665 = arith.cmpi sge, %sub3A_657, %ge3A_664 : vector<16xi32>
      %lt3A_666 = arith.constant 25000 : i32
      %lt3A_667 = vector.broadcast %lt3A_666 : i32 to vector<16xi32>
      %lt3A_668 = arith.cmpi slt, %sub3A_657, %lt3A_667 : vector<16xi32>
      %and3A_669 = arith.andi %ge3A_665, %lt3A_668 : vector<16xi1>
      %lt3A_670 = arith.constant 800000 : i32
      %lt3A_671 = vector.broadcast %lt3A_670 : i32 to vector<16xi32>
      %lt3A_672 = arith.cmpi slt, %add3A_662, %lt3A_671 : vector<16xi32>
      %and3A_673 = arith.andi %and3A_669, %lt3A_672 : vector<16xi1>
      %jit3A_674 = arith.constant 25024 : i32
      %broadcast_in_dim3A_675 = vector.broadcast %jit3A_674 : i32 to vector<16xi32>
      %select_n3A_676 = arith.select %and3A_673, %sub3A_657, %broadcast_in_dim3A_675 : vector<16xi1>, vector<16xi32>
      %swap3A_677 = arith.constant 64 : index
      %swap3A_678 = tpu.vector_load %arg11[%swap3A_677] {strides = array<i32>} : memref<128xi32, #tpu.memory_space<vmem>>, vector<16xi32>,
      %swap3A_679 = vector.shape_cast %swap3A_678 : vector<16xi32> to vector<16xi32>
      %swap3A_680 = vector.shape_cast %select_n3A_676 : vector<16xi32> to vector<16xi32>
      tpu.vector_store %arg11[%swap3A_677], %swap3A_680 {strides = array<i32>} : memref<128xi32, #tpu.memory_space<vmem>>, vector<16xi32>,
      %get3A_681 = arith.constant 80 : index
      %get3A_682 = tpu.vector_load %arg8[%get3A_681] {strides = array<i32>} : memref<128xi32, #tpu.memory_space<vmem>>, vector<16xi32>,
      %get3A_683 = vector.shape_cast %get3A_682 : vector<16xi32> to vector<16xi32>
      %sub3A_684 = vector.broadcast %mul3A_264 : i32 to vector<16xi32>
      %sub3A_685 = arith.subi %get3A_683, %sub3A_684 : vector<16xi32>
      %add3A_686 = arith.constant 80 : i32
      %add3A_687 = arith.addi %add3A_537, %add3A_686 : i32
      %iota3A_688 = tpu.iota {dimensions = array<i32: 0>} : vector<16xi32>
      %add3A_689 = vector.broadcast %add3A_687 : i32 to vector<16xi32>
      %add3A_690 = arith.addi %add3A_689, %iota3A_688 : vector<16xi32>
      %ge3A_691 = arith.constant 0 : i32
      %ge3A_692 = vector.broadcast %ge3A_691 : i32 to vector<16xi32>
      %ge3A_693 = arith.cmpi sge, %sub3A_685, %ge3A_692 : vector<16xi32>
      %lt3A_694 = arith.constant 25000 : i32
      %lt3A_695 = vector.broadcast %lt3A_694 : i32 to vector<16xi32>
      %lt3A_696 = arith.cmpi slt, %sub3A_685, %lt3A_695 : vector<16xi32>
      %and3A_697 = arith.andi %ge3A_693, %lt3A_696 : vector<16xi1>
      %lt3A_698 = arith.constant 800000 : i32
      %lt3A_699 = vector.broadcast %lt3A_698 : i32 to vector<16xi32>
      %lt3A_700 = arith.cmpi slt, %add3A_690, %lt3A_699 : vector<16xi32>
      %and3A_701 = arith.andi %and3A_697, %lt3A_700 : vector<16xi1>
      %jit3A_702 = arith.constant 25024 : i32
      %broadcast_in_dim3A_703 = vector.broadcast %jit3A_702 : i32 to vector<16xi32>
      %select_n3A_704 = arith.select %and3A_701, %sub3A_685, %broadcast_in_dim3A_703 : vector<16xi1>, vector<16xi32>
      %swap3A_705 = arith.constant 80 : index
      %swap3A_706 = tpu.vector_load %arg11[%swap3A_705] {strides = array<i32>} : memref<128xi32, #tpu.memory_space<vmem>>, vector<16xi32>,
      %swap3A_707 = vector.shape_cast %swap3A_706 : vector<16xi32> to vector<16xi32>
      %swap3A_708 = vector.shape_cast %select_n3A_704 : vector<16xi32> to vector<16xi32>
      tpu.vector_store %arg11[%swap3A_705], %swap3A_708 {strides = array<i32>} : memref<128xi32, #tpu.memory_space<vmem>>, vector<16xi32>,
      %get3A_709 = arith.constant 96 : index
      %get3A_710 = tpu.vector_load %arg8[%get3A_709] {strides = array<i32>} : memref<128xi32, #tpu.memory_space<vmem>>, vector<16xi32>,
      %get3A_711 = vector.shape_cast %get3A_710 : vector<16xi32> to vector<16xi32>
      %sub3A_712 = vector.broadcast %mul3A_264 : i32 to vector<16xi32>
      %sub3A_713 = arith.subi %get3A_711, %sub3A_712 : vector<16xi32>
      %add3A_714 = arith.constant 96 : i32
      %add3A_715 = arith.addi %add3A_537, %add3A_714 : i32
      %iota3A_716 = tpu.iota {dimensions = array<i32: 0>} : vector<16xi32>
      %add3A_717 = vector.broadcast %add3A_715 : i32 to vector<16xi32>
      %add3A_718 = arith.addi %add3A_717, %iota3A_716 : vector<16xi32>
      %ge3A_719 = arith.constant 0 : i32
      %ge3A_720 = vector.broadcast %ge3A_719 : i32 to vector<16xi32>
      %ge3A_721 = arith.cmpi sge, %sub3A_713, %ge3A_720 : vector<16xi32>
      %lt3A_722 = arith.constant 25000 : i32
      %lt3A_723 = vector.broadcast %lt3A_722 : i32 to vector<16xi32>
      %lt3A_724 = arith.cmpi slt, %sub3A_713, %lt3A_723 : vector<16xi32>
      %and3A_725 = arith.andi %ge3A_721, %lt3A_724 : vector<16xi1>
      %lt3A_726 = arith.constant 800000 : i32
      %lt3A_727 = vector.broadcast %lt3A_726 : i32 to vector<16xi32>
      %lt3A_728 = arith.cmpi slt, %add3A_718, %lt3A_727 : vector<16xi32>
      %and3A_729 = arith.andi %and3A_725, %lt3A_728 : vector<16xi1>
      %jit3A_730 = arith.constant 25024 : i32
      %broadcast_in_dim3A_731 = vector.broadcast %jit3A_730 : i32 to vector<16xi32>
      %select_n3A_732 = arith.select %and3A_729, %sub3A_713, %broadcast_in_dim3A_731 : vector<16xi1>, vector<16xi32>
      %swap3A_733 = arith.constant 96 : index
      %swap3A_734 = tpu.vector_load %arg11[%swap3A_733] {strides = array<i32>} : memref<128xi32, #tpu.memory_space<vmem>>, vector<16xi32>,
      %swap3A_735 = vector.shape_cast %swap3A_734 : vector<16xi32> to vector<16xi32>
      %swap3A_736 = vector.shape_cast %select_n3A_732 : vector<16xi32> to vector<16xi32>
      tpu.vector_store %arg11[%swap3A_733], %swap3A_736 {strides = array<i32>} : memref<128xi32, #tpu.memory_space<vmem>>, vector<16xi32>,
      %get3A_737 = arith.constant 112 : index
      %get3A_738 = tpu.vector_load %arg8[%get3A_737] {strides = array<i32>} : memref<128xi32, #tpu.memory_space<vmem>>, vector<16xi32>,
      %get3A_739 = vector.shape_cast %get3A_738 : vector<16xi32> to vector<16xi32>
      %sub3A_740 = vector.broadcast %mul3A_264 : i32 to vector<16xi32>
      %sub3A_741 = arith.subi %get3A_739, %sub3A_740 : vector<16xi32>
      %add3A_742 = arith.constant 112 : i32
      %add3A_743 = arith.addi %add3A_537, %add3A_742 : i32
      %iota3A_744 = tpu.iota {dimensions = array<i32: 0>} : vector<16xi32>
      %add3A_745 = vector.broadcast %add3A_743 : i32 to vector<16xi32>
      %add3A_746 = arith.addi %add3A_745, %iota3A_744 : vector<16xi32>
      %ge3A_747 = arith.constant 0 : i32
      %ge3A_748 = vector.broadcast %ge3A_747 : i32 to vector<16xi32>
      %ge3A_749 = arith.cmpi sge, %sub3A_741, %ge3A_748 : vector<16xi32>
      %lt3A_750 = arith.constant 25000 : i32
      %lt3A_751 = vector.broadcast %lt3A_750 : i32 to vector<16xi32>
      %lt3A_752 = arith.cmpi slt, %sub3A_741, %lt3A_751 : vector<16xi32>
      %and3A_753 = arith.andi %ge3A_749, %lt3A_752 : vector<16xi1>
      %lt3A_754 = arith.constant 800000 : i32
      %lt3A_755 = vector.broadcast %lt3A_754 : i32 to vector<16xi32>
      %lt3A_756 = arith.cmpi slt, %add3A_746, %lt3A_755 : vector<16xi32>
      %and3A_757 = arith.andi %and3A_753, %lt3A_756 : vector<16xi1>
      %jit3A_758 = arith.constant 25024 : i32
      %broadcast_in_dim3A_759 = vector.broadcast %jit3A_758 : i32 to vector<16xi32>
      %select_n3A_760 = arith.select %and3A_757, %sub3A_741, %broadcast_in_dim3A_759 : vector<16xi1>, vector<16xi32>
      %swap3A_761 = arith.constant 112 : index
      %swap3A_762 = tpu.vector_load %arg11[%swap3A_761] {strides = array<i32>} : memref<128xi32, #tpu.memory_space<vmem>>, vector<16xi32>,
      %swap3A_763 = vector.shape_cast %swap3A_762 : vector<16xi32> to vector<16xi32>
      %swap3A_764 = vector.shape_cast %select_n3A_760 : vector<16xi32> to vector<16xi32>
      tpu.vector_store %arg11[%swap3A_761], %swap3A_764 {strides = array<i32>} : memref<128xi32, #tpu.memory_space<vmem>>, vector<16xi32>,
      %parallel_loop3A_765 = arith.constant 0 : i32
      %parallel_loop3A_766 = arith.constant 128 : i32
      %parallel_loop3A_767 = arith.constant 1 : i32
      scf.for %parallel_loop3A_769 = %parallel_loop3A_765 to %parallel_loop3A_766 step %parallel_loop3A_767  : i32 {
        %parallel_loop3A_770 = arith.index_cast %parallel_loop3A_769 : i32 to index
        %parallel_loop3A_771 = arith.constant 0 : index
        %parallel_loop3A_772 = tpu.vector_load %arg13[%parallel_loop3A_770, %parallel_loop3A_771] {strides = array<i32>} : memref<128x64xf32, #tpu.memory_space<vmem>>, vector<1x16xf32>,
        %parallel_loop3A_773 = vector.shape_cast %parallel_loop3A_772 : vector<1x16xf32> to vector<16xf32>
        %parallel_loop3A_774 = arith.index_cast %parallel_loop3A_769 : i32 to index
        %parallel_loop3A_775 = arith.constant 0 : index
        %parallel_loop3A_776 = tpu.vector_load %arg14[%parallel_loop3A_774, %parallel_loop3A_775] {strides = array<i32>} : memref<128x64xf32, #tpu.memory_space<vmem>>, vector<1x16xf32>,
        %parallel_loop3A_777 = vector.shape_cast %parallel_loop3A_776 : vector<1x16xf32> to vector<16xf32>
        %parallel_loop3A_778 = arith.mulf %parallel_loop3A_773, %parallel_loop3A_777 : vector<16xf32>
        %parallel_loop3A_779 = arith.index_cast %parallel_loop3A_769 : i32 to index
        %parallel_loop3A_780 = arith.constant 0 : index
        %parallel_loop3A_781 = tpu.vector_load %arg13[%parallel_loop3A_779, %parallel_loop3A_780] {strides = array<i32>} : memref<128x64xf32, #tpu.memory_space<vmem>>, vector<1x16xf32>,
        %parallel_loop3A_782 = vector.shape_cast %parallel_loop3A_781 : vector<1x16xf32> to vector<16xf32>
        %parallel_loop3A_783 = vector.shape_cast %parallel_loop3A_778 : vector<16xf32> to vector<1x16xf32>
        tpu.vector_store %arg13[%parallel_loop3A_779, %parallel_loop3A_780], %parallel_loop3A_783 {strides = array<i32>} : memref<128x64xf32, #tpu.memory_space<vmem>>, vector<1x16xf32>,
        %parallel_loop3A_784 = arith.index_cast %parallel_loop3A_769 : i32 to index
        %parallel_loop3A_785 = arith.constant 16 : index
        %parallel_loop3A_786 = tpu.vector_load %arg13[%parallel_loop3A_784, %parallel_loop3A_785] {strides = array<i32>} : memref<128x64xf32, #tpu.memory_space<vmem>>, vector<1x16xf32>,
        %parallel_loop3A_787 = vector.shape_cast %parallel_loop3A_786 : vector<1x16xf32> to vector<16xf32>
        %parallel_loop3A_788 = arith.index_cast %parallel_loop3A_769 : i32 to index
        %parallel_loop3A_789 = arith.constant 16 : index
        %parallel_loop3A_790 = tpu.vector_load %arg14[%parallel_loop3A_788, %parallel_loop3A_789] {strides = array<i32>} : memref<128x64xf32, #tpu.memory_space<vmem>>, vector<1x16xf32>,
        %parallel_loop3A_791 = vector.shape_cast %parallel_loop3A_790 : vector<1x16xf32> to vector<16xf32>
        %parallel_loop3A_792 = arith.mulf %parallel_loop3A_787, %parallel_loop3A_791 : vector<16xf32>
        %parallel_loop3A_793 = arith.index_cast %parallel_loop3A_769 : i32 to index
        %parallel_loop3A_794 = arith.constant 16 : index
        %parallel_loop3A_795 = tpu.vector_load %arg13[%parallel_loop3A_793, %parallel_loop3A_794] {strides = array<i32>} : memref<128x64xf32, #tpu.memory_space<vmem>>, vector<1x16xf32>,
        %parallel_loop3A_796 = vector.shape_cast %parallel_loop3A_795 : vector<1x16xf32> to vector<16xf32>
        %parallel_loop3A_797 = vector.shape_cast %parallel_loop3A_792 : vector<16xf32> to vector<1x16xf32>
        tpu.vector_store %arg13[%parallel_loop3A_793, %parallel_loop3A_794], %parallel_loop3A_797 {strides = array<i32>} : memref<128x64xf32, #tpu.memory_space<vmem>>, vector<1x16xf32>,
        %parallel_loop3A_798 = arith.index_cast %parallel_loop3A_769 : i32 to index
        %parallel_loop3A_799 = arith.constant 32 : index
        %parallel_loop3A_800 = tpu.vector_load %arg13[%parallel_loop3A_798, %parallel_loop3A_799] {strides = array<i32>} : memref<128x64xf32, #tpu.memory_space<vmem>>, vector<1x16xf32>,
        %parallel_loop3A_801 = vector.shape_cast %parallel_loop3A_800 : vector<1x16xf32> to vector<16xf32>
        %parallel_loop3A_802 = arith.index_cast %parallel_loop3A_769 : i32 to index
        %parallel_loop3A_803 = arith.constant 32 : index
        %parallel_loop3A_804 = tpu.vector_load %arg14[%parallel_loop3A_802, %parallel_loop3A_803] {strides = array<i32>} : memref<128x64xf32, #tpu.memory_space<vmem>>, vector<1x16xf32>,
        %parallel_loop3A_805 = vector.shape_cast %parallel_loop3A_804 : vector<1x16xf32> to vector<16xf32>
        %parallel_loop3A_806 = arith.mulf %parallel_loop3A_801, %parallel_loop3A_805 : vector<16xf32>
        %parallel_loop3A_807 = arith.index_cast %parallel_loop3A_769 : i32 to index
        %parallel_loop3A_808 = arith.constant 32 : index
        %parallel_loop3A_809 = tpu.vector_load %arg13[%parallel_loop3A_807, %parallel_loop3A_808] {strides = array<i32>} : memref<128x64xf32, #tpu.memory_space<vmem>>, vector<1x16xf32>,
        %parallel_loop3A_810 = vector.shape_cast %parallel_loop3A_809 : vector<1x16xf32> to vector<16xf32>
        %parallel_loop3A_811 = vector.shape_cast %parallel_loop3A_806 : vector<16xf32> to vector<1x16xf32>
        tpu.vector_store %arg13[%parallel_loop3A_807, %parallel_loop3A_808], %parallel_loop3A_811 {strides = array<i32>} : memref<128x64xf32, #tpu.memory_space<vmem>>, vector<1x16xf32>,
        %parallel_loop3A_812 = arith.index_cast %parallel_loop3A_769 : i32 to index
        %parallel_loop3A_813 = arith.constant 48 : index
        %parallel_loop3A_814 = tpu.vector_load %arg13[%parallel_loop3A_812, %parallel_loop3A_813] {strides = array<i32>} : memref<128x64xf32, #tpu.memory_space<vmem>>, vector<1x16xf32>,
        %parallel_loop3A_815 = vector.shape_cast %parallel_loop3A_814 : vector<1x16xf32> to vector<16xf32>
        %parallel_loop3A_816 = arith.index_cast %parallel_loop3A_769 : i32 to index
        %parallel_loop3A_817 = arith.constant 48 : index
        %parallel_loop3A_818 = tpu.vector_load %arg14[%parallel_loop3A_816, %parallel_loop3A_817] {strides = array<i32>} : memref<128x64xf32, #tpu.memory_space<vmem>>, vector<1x16xf32>,
        %parallel_loop3A_819 = vector.shape_cast %parallel_loop3A_818 : vector<1x16xf32> to vector<16xf32>
        %parallel_loop3A_820 = arith.mulf %parallel_loop3A_815, %parallel_loop3A_819 : vector<16xf32>
        %parallel_loop3A_821 = arith.index_cast %parallel_loop3A_769 : i32 to index
        %parallel_loop3A_822 = arith.constant 48 : index
        %parallel_loop3A_823 = tpu.vector_load %arg13[%parallel_loop3A_821, %parallel_loop3A_822] {strides = array<i32>} : memref<128x64xf32, #tpu.memory_space<vmem>>, vector<1x16xf32>,
        %parallel_loop3A_824 = vector.shape_cast %parallel_loop3A_823 : vector<1x16xf32> to vector<16xf32>
        %parallel_loop3A_825 = vector.shape_cast %parallel_loop3A_820 : vector<16xf32> to vector<1x16xf32>
        tpu.vector_store %arg13[%parallel_loop3A_821, %parallel_loop3A_822], %parallel_loop3A_825 {strides = array<i32>} : memref<128x64xf32, #tpu.memory_space<vmem>>, vector<1x16xf32>,
      } {sc.loop_unroll_factor = 4 : i64, sc.parallel_access}
      "tpu.region"() ({
        %run_scoped3A = tpu.sem_alloc : memref<!tpu.dma_semaphore, #tpu.memory_space<semaphore_mem>>
        %dma_start3A_769 = arith.constant 0 : i32
        %dma_start3A_770 = arith.constant 0 : i32
        %dma_start3A_771 = tpu.memref_slice %arg16[%dma_start3A_769, %dma_start3A_770] : memref<25088x64xf32, #tpu.memory_space<vmem_shared>> -> memref<25088x64xf32, #tpu.memory_space<vmem_shared>>
        tpu.enqueue_indirect_dma source(%arg13 : memref<128x64xf32, #tpu.memory_space<vmem>>) target(%dma_start3A_771 : memref<25088x64xf32, #tpu.memory_space<vmem_shared>>) offsets(%arg11 : memref<128xi32, #tpu.memory_space<vmem>>) semaphore(%run_scoped3A : memref<!tpu.dma_semaphore, #tpu.memory_space<semaphore_mem>>) {add = true}
        %dma_wait3A_772 = arith.constant 0 : i32
        %dma_wait3A_773 = arith.constant 0 : i32
        %dma_wait3A_774 = tpu.memref_slice %arg16[%dma_wait3A_772, %dma_wait3A_773] : memref<25088x64xf32, #tpu.memory_space<vmem_shared>> -> memref<25088x64xf32, #tpu.memory_space<vmem_shared>>
        tpu.wait_indirect_dma semaphore(%run_scoped3A : memref<!tpu.dma_semaphore, #tpu.memory_space<semaphore_mem>>) src(%arg13 : memref<128x64xf32, #tpu.memory_space<vmem>>) dst(%dma_wait3A_774 : memref<25088x64xf32, #tpu.memory_space<vmem_shared>>)
        tpu.yield
      }) : () -> ()
      %scan3A_768 = arith.constant 0 : i32
      scf.yield %scan3A_768 : i32
    }
    %scan3A_274 = arith.constant 196 : i32
    %barrier3A_275 = arith.constant 0 : index
    tpu.barrier barrier_id(%barrier3A_275)
    %lt3A = arith.constant 15 : i32
    %lt3A_276 = arith.cmpi slt, %arg1, %lt3A : i32
    %convert_element_type3A = arith.extui %lt3A_276 : i1 to i32
    %cond3A = arith.constant 0 : i32
    %cond3A_277 = arith.cmpi ne, %convert_element_type3A, %cond3A : i32
    scf.if %cond3A_277 {
      %mul3A_289 = arith.constant 1568 : i32
      %mul3A_290 = arith.muli %arg1, %mul3A_289 : i32
      %add3A_291 = arith.addi %mul3A_264, %mul3A_290 : i32
      "tpu.region"() ({
        %run_scoped3A = tpu.sem_alloc : memref<!tpu.dma_semaphore, #tpu.memory_space<semaphore_mem>>
        %dma_start3A_292 = arith.constant 0 : i32
        %dma_start3A_293 = tpu.memref_slice %arg6[%add3A_291, %dma_start3A_292] : memref<50176x64xf32, #tpu.memory_space<hbm>> -> memref<1568x64xf32, #tpu.memory_space<hbm>>
        %dma_start3A_294 = arith.constant 0 : i32
        %dma_start3A_295 = tpu.memref_slice %arg16[%mul3A_290, %dma_start3A_294] : memref<25088x64xf32, #tpu.memory_space<vmem_shared>> -> memref<1568x64xf32, #tpu.memory_space<vmem_shared>>
        tpu.enqueue_dma source(%dma_start3A_295 : memref<1568x64xf32, #tpu.memory_space<vmem_shared>>) target(%dma_start3A_293 : memref<1568x64xf32, #tpu.memory_space<hbm>>) target_semaphore(%run_scoped3A : memref<!tpu.dma_semaphore, #tpu.memory_space<semaphore_mem>>)
        %dma_wait3A = arith.constant 0 : i32
        %dma_wait3A_296 = tpu.memref_slice %arg6[%add3A_291, %dma_wait3A] : memref<50176x64xf32, #tpu.memory_space<hbm>> -> memref<1568x64xf32, #tpu.memory_space<hbm>>
        %dma_wait3A_297 = arith.constant 0 : i32
        %dma_wait3A_298 = tpu.memref_slice %arg16[%mul3A_290, %dma_wait3A_297] : memref<25088x64xf32, #tpu.memory_space<vmem_shared>> -> memref<1568x64xf32, #tpu.memory_space<vmem_shared>>
        tpu.wait_dma2 semaphore(%run_scoped3A : memref<!tpu.dma_semaphore, #tpu.memory_space<semaphore_mem>>) src(%dma_wait3A_298 : memref<1568x64xf32, #tpu.memory_space<vmem_shared>>) dst(%dma_wait3A_296 : memref<1568x64xf32, #tpu.memory_space<hbm>>)
        tpu.yield
      }) : () -> ()
    } else {
    }
    %eq3A = arith.constant 15 : i32
    %eq3A_278 = arith.cmpi eq, %arg1, %eq3A : i32
    %convert_element_type3A_279 = arith.extui %eq3A_278 : i1 to i32
    %cond3A_280 = arith.constant 0 : i32
    %cond3A_281 = arith.cmpi ne, %convert_element_type3A_279, %cond3A_280 : i32
    scf.if %cond3A_281 {
      %add3A_289 = arith.constant 23520 : i32
      %add3A_290 = arith.addi %mul3A_264, %add3A_289 : i32
      "tpu.region"() ({
        %run_scoped3A = tpu.sem_alloc : memref<!tpu.dma_semaphore, #tpu.memory_space<semaphore_mem>>
        %dma_start3A_291 = arith.constant 0 : i32
        %dma_start3A_292 = tpu.memref_slice %arg6[%add3A_290, %dma_start3A_291] : memref<50176x64xf32, #tpu.memory_space<hbm>> -> memref<1480x64xf32, #tpu.memory_space<hbm>>
        %dma_start3A_293 = arith.constant 23520 : i32
        %dma_start3A_294 = arith.constant 0 : i32
        %dma_start3A_295 = tpu.memref_slice %arg16[%dma_start3A_293, %dma_start3A_294] : memref<25088x64xf32, #tpu.memory_space<vmem_shared>> -> memref<1480x64xf32, #tpu.memory_space<vmem_shared>>
        tpu.enqueue_dma source(%dma_start3A_295 : memref<1480x64xf32, #tpu.memory_space<vmem_shared>>) target(%dma_start3A_292 : memref<1480x64xf32, #tpu.memory_space<hbm>>) target_semaphore(%run_scoped3A : memref<!tpu.dma_semaphore, #tpu.memory_space<semaphore_mem>>)
        %dma_wait3A = arith.constant 0 : i32
        %dma_wait3A_296 = tpu.memref_slice %arg6[%add3A_290, %dma_wait3A] : memref<50176x64xf32, #tpu.memory_space<hbm>> -> memref<1480x64xf32, #tpu.memory_space<hbm>>
        %dma_wait3A_297 = arith.constant 23520 : i32
        %dma_wait3A_298 = arith.constant 0 : i32
        %dma_wait3A_299 = tpu.memref_slice %arg16[%dma_wait3A_297, %dma_wait3A_298] : memref<25088x64xf32, #tpu.memory_space<vmem_shared>> -> memref<1480x64xf32, #tpu.memory_space<vmem_shared>>
        tpu.wait_dma2 semaphore(%run_scoped3A : memref<!tpu.dma_semaphore, #tpu.memory_space<semaphore_mem>>) src(%dma_wait3A_299 : memref<1480x64xf32, #tpu.memory_space<vmem_shared>>) dst(%dma_wait3A_296 : memref<1480x64xf32, #tpu.memory_space<hbm>>)
        tpu.yield
      }) : () -> ()
    } else {
    }
    %eq3A_282 = arith.constant 1 : i32
    %eq3A_283 = arith.cmpi eq, %arg0, %eq3A_282 : i32
    %eq3A_284 = arith.constant 15 : i32
    %eq3A_285 = arith.cmpi eq, %arg1, %eq3A_284 : i32
    %and3A = arith.andi %eq3A_283, %eq3A_285 : i1
    %convert_element_type3A_286 = arith.extui %and3A : i1 to i32
    %cond3A_287 = arith.constant 0 : i32
    %cond3A_288 = arith.cmpi ne, %convert_element_type3A_286, %cond3A_287 : i32
    scf.if %cond3A_288 {
      %scan3A_289 = arith.constant 0 : i32
      %scan3A_290 = arith.constant 0 : i32
      %scan3A_291 = arith.constant 22 : i32
      %scan3A_292 = arith.addi %scan3A_290, %scan3A_291 : i32
      %scan3A_293 = arith.constant 1 : i32
      %scan3A_294 = scf.for %scan3A_296 = %scan3A_290 to %scan3A_292 step %scan3A_293 iter_args(%scan3A_297 = %scan3A_289) -> (i32)  : i32 {
        %mul3A_298 = arith.constant 8 : i32
        %mul3A_299 = arith.muli %scan3A_296, %mul3A_298 : i32
        %add3A_300 = arith.constant 50000 : i32
        %add3A_301 = arith.addi %add3A_300, %mul3A_299 : i32
        "tpu.region"() ({
          %run_scoped3A = tpu.sem_alloc : memref<!tpu.dma_semaphore, #tpu.memory_space<semaphore_mem>>
          %dma_start3A_303 = arith.constant 0 : i32
          %dma_start3A_304 = tpu.memref_slice %arg6[%add3A_301, %dma_start3A_303] : memref<50176x64xf32, #tpu.memory_space<hbm>> -> memref<8x64xf32, #tpu.memory_space<hbm>>
          %dma_start3A_305 = arith.constant 0 : i32
          %dma_start3A_306 = tpu.memref_slice %arg6[%add3A_301, %dma_start3A_305] : memref<50176x64xf32, #tpu.memory_space<hbm>> -> memref<8x64xf32, #tpu.memory_space<hbm>>
          tpu.enqueue_dma source(%arg15 : memref<8x64xf32, #tpu.memory_space<vmem>>) target(%dma_start3A_306 : memref<8x64xf32, #tpu.memory_space<hbm>>) target_semaphore(%run_scoped3A : memref<!tpu.dma_semaphore, #tpu.memory_space<semaphore_mem>>)
          %dma_wait3A = arith.constant 0 : i32
          %dma_wait3A_307 = tpu.memref_slice %arg6[%add3A_301, %dma_wait3A] : memref<50176x64xf32, #tpu.memory_space<hbm>> -> memref<8x64xf32, #tpu.memory_space<hbm>>
          %dma_wait3A_308 = arith.constant 0 : i32
          %dma_wait3A_309 = tpu.memref_slice %arg6[%add3A_301, %dma_wait3A_308] : memref<50176x64xf32, #tpu.memory_space<hbm>> -> memref<8x64xf32, #tpu.memory_space<hbm>>
          tpu.wait_dma2 semaphore(%run_scoped3A : memref<!tpu.dma_semaphore, #tpu.memory_space<semaphore_mem>>) src(%arg15 : memref<8x64xf32, #tpu.memory_space<vmem>>) dst(%dma_wait3A_309 : memref<8x64xf32, #tpu.memory_space<hbm>>)
          tpu.yield
        }) : () -> ()
        %scan3A_302 = arith.constant 0 : i32
        scf.yield %scan3A_302 : i32
      }
      %scan3A_295 = arith.constant 22 : i32
    } else {
    }
    return
  }
}

#map = affine_map<(d0, d1) -> (0)>
#map1 = affine_map<(d0, d1) -> (0, 0)>
module attributes {stable_mosaic.version = 14 : i64} {
  func.func @_k0_embed(%arg0: i32, %arg1: i32, %arg2: memref<50176xi32, #tpu.memory_space<hbm>>, %arg3: memref<128x64xf32, #tpu.memory_space<hbm>>, %arg4: memref<128x16xf32, #tpu.memory_space<hbm>>, %arg5: memref<50176x64xf32, #tpu.memory_space<hbm>>, %arg6: memref<50176x16xf32, #tpu.memory_space<hbm>>, %arg7: memref<112xi32, #tpu.memory_space<vmem>>, %arg8: memref<112x64xf32, #tpu.memory_space<vmem>>, %arg9: memref<112x16xf32, #tpu.memory_space<vmem>>, %arg10: memref<!tpu.dma_semaphore, #tpu.memory_space<semaphore_mem>>) attributes {dimension_semantics = [#tpu.dimension_semantics<core_parallel>, #tpu.dimension_semantics<subcore_parallel>], iteration_bounds = array<i64: 2, 16>, scalar_prefetch = 0 : i64, scratch_operands = 4 : i64, tpu.core_type = #tpu.core_type<sc_vector_subcore>, window_params = [{transform_indices = #map}, {transform_indices = #map1}, {transform_indices = #map1}, {transform_indices = #map1}, {transform_indices = #map1}]} {
    %mul3A = arith.constant 2 : i32
    %mul3A_0 = arith.muli %arg1, %mul3A : i32
    %add3A = arith.addi %mul3A_0, %arg0 : i32
    %mul3A_1 = arith.constant 1568 : i32
    %mul3A_2 = arith.muli %add3A, %mul3A_1 : i32
    %scan3A = arith.constant 0 : i32
    %scan3A_3 = arith.constant 0 : i32
    %scan3A_4 = arith.constant 14 : i32
    %scan3A_5 = arith.addi %scan3A_3, %scan3A_4 : i32
    %scan3A_6 = arith.constant 1 : i32
    %scan3A_7 = scf.for %scan3A_9 = %scan3A_3 to %scan3A_5 step %scan3A_6 iter_args(%scan3A_10 = %scan3A) -> (i32)  : i32 {
      %mul3A_11 = arith.constant 112 : i32
      %mul3A_12 = arith.muli %scan3A_9, %mul3A_11 : i32
      %add3A_13 = arith.addi %mul3A_2, %mul3A_12 : i32
      "tpu.region"() ({
        %run_scoped3A = tpu.sem_alloc : memref<!tpu.dma_semaphore, #tpu.memory_space<semaphore_mem>>
        %dma_start3A_25 = tpu.memref_slice %arg2[%add3A_13] : memref<50176xi32, #tpu.memory_space<hbm>> -> memref<112xi32, #tpu.memory_space<hbm>>
        %dma_start3A_26 = tpu.memref_slice %arg2[%add3A_13] : memref<50176xi32, #tpu.memory_space<hbm>> -> memref<112xi32, #tpu.memory_space<hbm>>
        tpu.enqueue_dma source(%dma_start3A_26 : memref<112xi32, #tpu.memory_space<hbm>>) target(%arg7 : memref<112xi32, #tpu.memory_space<vmem>>) target_semaphore(%run_scoped3A : memref<!tpu.dma_semaphore, #tpu.memory_space<semaphore_mem>>)
        %dma_wait3A_27 = tpu.memref_slice %arg2[%add3A_13] : memref<50176xi32, #tpu.memory_space<hbm>> -> memref<112xi32, #tpu.memory_space<hbm>>
        %dma_wait3A_28 = tpu.memref_slice %arg2[%add3A_13] : memref<50176xi32, #tpu.memory_space<hbm>> -> memref<112xi32, #tpu.memory_space<hbm>>
        tpu.wait_dma2 semaphore(%run_scoped3A : memref<!tpu.dma_semaphore, #tpu.memory_space<semaphore_mem>>) src(%dma_wait3A_28 : memref<112xi32, #tpu.memory_space<hbm>>) dst(%arg7 : memref<112xi32, #tpu.memory_space<vmem>>)
        tpu.yield
      }) : () -> ()
      %dma_start3A = arith.constant 0 : i32
      %dma_start3A_14 = arith.constant 0 : i32
      %dma_start3A_15 = tpu.memref_slice %arg3[%dma_start3A, %dma_start3A_14] : memref<128x64xf32, #tpu.memory_space<hbm>> -> memref<128x64xf32, #tpu.memory_space<hbm>>
      tpu.enqueue_indirect_dma source(%dma_start3A_15 : memref<128x64xf32, #tpu.memory_space<hbm>>) target(%arg8 : memref<112x64xf32, #tpu.memory_space<vmem>>) offsets(%arg7 : memref<112xi32, #tpu.memory_space<vmem>>) semaphore(%arg10 : memref<!tpu.dma_semaphore, #tpu.memory_space<semaphore_mem>>)
      %dma_wait3A = arith.constant 0 : i32
      %dma_wait3A_16 = arith.constant 0 : i32
      %dma_wait3A_17 = tpu.memref_slice %arg3[%dma_wait3A, %dma_wait3A_16] : memref<128x64xf32, #tpu.memory_space<hbm>> -> memref<128x64xf32, #tpu.memory_space<hbm>>
      tpu.wait_indirect_dma semaphore(%arg10 : memref<!tpu.dma_semaphore, #tpu.memory_space<semaphore_mem>>) src(%dma_wait3A_17 : memref<128x64xf32, #tpu.memory_space<hbm>>) dst(%arg8 : memref<112x64xf32, #tpu.memory_space<vmem>>)
      %dma_start3A_18 = arith.constant 0 : i32
      %dma_start3A_19 = arith.constant 0 : i32
      %dma_start3A_20 = tpu.memref_slice %arg4[%dma_start3A_18, %dma_start3A_19] : memref<128x16xf32, #tpu.memory_space<hbm>> -> memref<128x16xf32, #tpu.memory_space<hbm>>
      tpu.enqueue_indirect_dma source(%dma_start3A_20 : memref<128x16xf32, #tpu.memory_space<hbm>>) target(%arg9 : memref<112x16xf32, #tpu.memory_space<vmem>>) offsets(%arg7 : memref<112xi32, #tpu.memory_space<vmem>>) semaphore(%arg10 : memref<!tpu.dma_semaphore, #tpu.memory_space<semaphore_mem>>)
      %dma_wait3A_21 = arith.constant 0 : i32
      %dma_wait3A_22 = arith.constant 0 : i32
      %dma_wait3A_23 = tpu.memref_slice %arg4[%dma_wait3A_21, %dma_wait3A_22] : memref<128x16xf32, #tpu.memory_space<hbm>> -> memref<128x16xf32, #tpu.memory_space<hbm>>
      tpu.wait_indirect_dma semaphore(%arg10 : memref<!tpu.dma_semaphore, #tpu.memory_space<semaphore_mem>>) src(%dma_wait3A_23 : memref<128x16xf32, #tpu.memory_space<hbm>>) dst(%arg9 : memref<112x16xf32, #tpu.memory_space<vmem>>)
      "tpu.region"() ({
        %run_scoped3A = tpu.sem_alloc : memref<!tpu.dma_semaphore, #tpu.memory_space<semaphore_mem>>
        %dma_start3A_25 = arith.constant 0 : i32
        %dma_start3A_26 = tpu.memref_slice %arg5[%add3A_13, %dma_start3A_25] : memref<50176x64xf32, #tpu.memory_space<hbm>> -> memref<112x64xf32, #tpu.memory_space<hbm>>
        %dma_start3A_27 = arith.constant 0 : i32
        %dma_start3A_28 = tpu.memref_slice %arg5[%add3A_13, %dma_start3A_27] : memref<50176x64xf32, #tpu.memory_space<hbm>> -> memref<112x64xf32, #tpu.memory_space<hbm>>
        tpu.enqueue_dma source(%arg8 : memref<112x64xf32, #tpu.memory_space<vmem>>) target(%dma_start3A_28 : memref<112x64xf32, #tpu.memory_space<hbm>>) target_semaphore(%run_scoped3A : memref<!tpu.dma_semaphore, #tpu.memory_space<semaphore_mem>>)
        %dma_wait3A_29 = arith.constant 0 : i32
        %dma_wait3A_30 = tpu.memref_slice %arg5[%add3A_13, %dma_wait3A_29] : memref<50176x64xf32, #tpu.memory_space<hbm>> -> memref<112x64xf32, #tpu.memory_space<hbm>>
        %dma_wait3A_31 = arith.constant 0 : i32
        %dma_wait3A_32 = tpu.memref_slice %arg5[%add3A_13, %dma_wait3A_31] : memref<50176x64xf32, #tpu.memory_space<hbm>> -> memref<112x64xf32, #tpu.memory_space<hbm>>
        tpu.wait_dma2 semaphore(%run_scoped3A : memref<!tpu.dma_semaphore, #tpu.memory_space<semaphore_mem>>) src(%arg8 : memref<112x64xf32, #tpu.memory_space<vmem>>) dst(%dma_wait3A_32 : memref<112x64xf32, #tpu.memory_space<hbm>>)
        tpu.yield
      }) : () -> ()
      "tpu.region"() ({
        %run_scoped3A = tpu.sem_alloc : memref<!tpu.dma_semaphore, #tpu.memory_space<semaphore_mem>>
        %dma_start3A_25 = arith.constant 0 : i32
        %dma_start3A_26 = tpu.memref_slice %arg6[%add3A_13, %dma_start3A_25] : memref<50176x16xf32, #tpu.memory_space<hbm>> -> memref<112x16xf32, #tpu.memory_space<hbm>>
        %dma_start3A_27 = arith.constant 0 : i32
        %dma_start3A_28 = tpu.memref_slice %arg6[%add3A_13, %dma_start3A_27] : memref<50176x16xf32, #tpu.memory_space<hbm>> -> memref<112x16xf32, #tpu.memory_space<hbm>>
        tpu.enqueue_dma source(%arg9 : memref<112x16xf32, #tpu.memory_space<vmem>>) target(%dma_start3A_28 : memref<112x16xf32, #tpu.memory_space<hbm>>) target_semaphore(%run_scoped3A : memref<!tpu.dma_semaphore, #tpu.memory_space<semaphore_mem>>)
        %dma_wait3A_29 = arith.constant 0 : i32
        %dma_wait3A_30 = tpu.memref_slice %arg6[%add3A_13, %dma_wait3A_29] : memref<50176x16xf32, #tpu.memory_space<hbm>> -> memref<112x16xf32, #tpu.memory_space<hbm>>
        %dma_wait3A_31 = arith.constant 0 : i32
        %dma_wait3A_32 = tpu.memref_slice %arg6[%add3A_13, %dma_wait3A_31] : memref<50176x16xf32, #tpu.memory_space<hbm>> -> memref<112x16xf32, #tpu.memory_space<hbm>>
        tpu.wait_dma2 semaphore(%run_scoped3A : memref<!tpu.dma_semaphore, #tpu.memory_space<semaphore_mem>>) src(%arg9 : memref<112x16xf32, #tpu.memory_space<vmem>>) dst(%dma_wait3A_32 : memref<112x16xf32, #tpu.memory_space<hbm>>)
        tpu.yield
      }) : () -> ()
      %scan3A_24 = arith.constant 0 : i32
      scf.yield %scan3A_24 : i32
    }
    %scan3A_8 = arith.constant 14 : i32
    return
  }
}

#map = affine_map<(d0, d1) -> (0, 0)>
#map1 = affine_map<(d0, d1) -> (0)>
module attributes {stable_mosaic.version = 14 : i64} {
  func.func @_k1_edgevec(%arg0: i32, %arg1: i32, %arg2: memref<50000x16xf32, #tpu.memory_space<hbm>>, %arg3: memref<802816xi32, #tpu.memory_space<hbm>>, %arg4: memref<802816xi32, #tpu.memory_space<hbm>>, %arg5: memref<802816x16xf32, #tpu.memory_space<hbm>>, %arg6: memref<128xi32, #tpu.memory_space<vmem>>, %arg7: memref<128xi32, #tpu.memory_space<vmem>>, %arg8: memref<128x16xf32, #tpu.memory_space<vmem>>, %arg9: memref<128x16xf32, #tpu.memory_space<vmem>>, %arg10: memref<!tpu.dma_semaphore, #tpu.memory_space<semaphore_mem>>) attributes {dimension_semantics = [#tpu.dimension_semantics<core_parallel>, #tpu.dimension_semantics<subcore_parallel>], iteration_bounds = array<i64: 2, 16>, scalar_prefetch = 0 : i64, scratch_operands = 5 : i64, tpu.core_type = #tpu.core_type<sc_vector_subcore>, window_params = [{transform_indices = #map}, {transform_indices = #map1}, {transform_indices = #map1}, {transform_indices = #map}]} {
    %mul3A = arith.constant 2 : i32
    %mul3A_0 = arith.muli %arg1, %mul3A : i32
    %add3A = arith.addi %mul3A_0, %arg0 : i32
    %mul3A_1 = arith.constant 25088 : i32
    %mul3A_2 = arith.muli %add3A, %mul3A_1 : i32
    %scan3A = arith.constant 0 : i32
    %scan3A_3 = arith.constant 0 : i32
    %scan3A_4 = arith.constant 196 : i32
    %scan3A_5 = arith.addi %scan3A_3, %scan3A_4 : i32
    %scan3A_6 = arith.constant 1 : i32
    %scan3A_7 = scf.for %scan3A_9 = %scan3A_3 to %scan3A_5 step %scan3A_6 iter_args(%scan3A_10 = %scan3A) -> (i32)  : i32 {
      %mul3A_11 = arith.constant 128 : i32
      %mul3A_12 = arith.muli %scan3A_9, %mul3A_11 : i32
      %add3A_13 = arith.addi %mul3A_2, %mul3A_12 : i32
      "tpu.region"() ({
        %run_scoped3A = tpu.sem_alloc : memref<!tpu.dma_semaphore, #tpu.memory_space<semaphore_mem>>
        %dma_start3A_27 = tpu.memref_slice %arg3[%add3A_13] : memref<802816xi32, #tpu.memory_space<hbm>> -> memref<128xi32, #tpu.memory_space<hbm>>
        %dma_start3A_28 = tpu.memref_slice %arg3[%add3A_13] : memref<802816xi32, #tpu.memory_space<hbm>> -> memref<128xi32, #tpu.memory_space<hbm>>
        tpu.enqueue_dma source(%dma_start3A_28 : memref<128xi32, #tpu.memory_space<hbm>>) target(%arg6 : memref<128xi32, #tpu.memory_space<vmem>>) target_semaphore(%run_scoped3A : memref<!tpu.dma_semaphore, #tpu.memory_space<semaphore_mem>>)
        %dma_wait3A_29 = tpu.memref_slice %arg3[%add3A_13] : memref<802816xi32, #tpu.memory_space<hbm>> -> memref<128xi32, #tpu.memory_space<hbm>>
        %dma_wait3A_30 = tpu.memref_slice %arg3[%add3A_13] : memref<802816xi32, #tpu.memory_space<hbm>> -> memref<128xi32, #tpu.memory_space<hbm>>
        tpu.wait_dma2 semaphore(%run_scoped3A : memref<!tpu.dma_semaphore, #tpu.memory_space<semaphore_mem>>) src(%dma_wait3A_30 : memref<128xi32, #tpu.memory_space<hbm>>) dst(%arg6 : memref<128xi32, #tpu.memory_space<vmem>>)
        tpu.yield
      }) : () -> ()
      "tpu.region"() ({
        %run_scoped3A = tpu.sem_alloc : memref<!tpu.dma_semaphore, #tpu.memory_space<semaphore_mem>>
        %dma_start3A_27 = tpu.memref_slice %arg4[%add3A_13] : memref<802816xi32, #tpu.memory_space<hbm>> -> memref<128xi32, #tpu.memory_space<hbm>>
        %dma_start3A_28 = tpu.memref_slice %arg4[%add3A_13] : memref<802816xi32, #tpu.memory_space<hbm>> -> memref<128xi32, #tpu.memory_space<hbm>>
        tpu.enqueue_dma source(%dma_start3A_28 : memref<128xi32, #tpu.memory_space<hbm>>) target(%arg7 : memref<128xi32, #tpu.memory_space<vmem>>) target_semaphore(%run_scoped3A : memref<!tpu.dma_semaphore, #tpu.memory_space<semaphore_mem>>)
        %dma_wait3A_29 = tpu.memref_slice %arg4[%add3A_13] : memref<802816xi32, #tpu.memory_space<hbm>> -> memref<128xi32, #tpu.memory_space<hbm>>
        %dma_wait3A_30 = tpu.memref_slice %arg4[%add3A_13] : memref<802816xi32, #tpu.memory_space<hbm>> -> memref<128xi32, #tpu.memory_space<hbm>>
        tpu.wait_dma2 semaphore(%run_scoped3A : memref<!tpu.dma_semaphore, #tpu.memory_space<semaphore_mem>>) src(%dma_wait3A_30 : memref<128xi32, #tpu.memory_space<hbm>>) dst(%arg7 : memref<128xi32, #tpu.memory_space<vmem>>)
        tpu.yield
      }) : () -> ()
      %dma_start3A = arith.constant 0 : i32
      %dma_start3A_14 = arith.constant 0 : i32
      %dma_start3A_15 = tpu.memref_slice %arg2[%dma_start3A, %dma_start3A_14] : memref<50000x16xf32, #tpu.memory_space<hbm>> -> memref<50000x16xf32, #tpu.memory_space<hbm>>
      tpu.enqueue_indirect_dma source(%dma_start3A_15 : memref<50000x16xf32, #tpu.memory_space<hbm>>) target(%arg8 : memref<128x16xf32, #tpu.memory_space<vmem>>) offsets(%arg7 : memref<128xi32, #tpu.memory_space<vmem>>) semaphore(%arg10 : memref<!tpu.dma_semaphore, #tpu.memory_space<semaphore_mem>>)
      %dma_wait3A = arith.constant 0 : i32
      %dma_wait3A_16 = arith.constant 0 : i32
      %dma_wait3A_17 = tpu.memref_slice %arg2[%dma_wait3A, %dma_wait3A_16] : memref<50000x16xf32, #tpu.memory_space<hbm>> -> memref<50000x16xf32, #tpu.memory_space<hbm>>
      tpu.wait_indirect_dma semaphore(%arg10 : memref<!tpu.dma_semaphore, #tpu.memory_space<semaphore_mem>>) src(%dma_wait3A_17 : memref<50000x16xf32, #tpu.memory_space<hbm>>) dst(%arg8 : memref<128x16xf32, #tpu.memory_space<vmem>>)
      %dma_start3A_18 = arith.constant 0 : i32
      %dma_start3A_19 = arith.constant 0 : i32
      %dma_start3A_20 = tpu.memref_slice %arg2[%dma_start3A_18, %dma_start3A_19] : memref<50000x16xf32, #tpu.memory_space<hbm>> -> memref<50000x16xf32, #tpu.memory_space<hbm>>
      tpu.enqueue_indirect_dma source(%dma_start3A_20 : memref<50000x16xf32, #tpu.memory_space<hbm>>) target(%arg9 : memref<128x16xf32, #tpu.memory_space<vmem>>) offsets(%arg6 : memref<128xi32, #tpu.memory_space<vmem>>) semaphore(%arg10 : memref<!tpu.dma_semaphore, #tpu.memory_space<semaphore_mem>>)
      %dma_wait3A_21 = arith.constant 0 : i32
      %dma_wait3A_22 = arith.constant 0 : i32
      %dma_wait3A_23 = tpu.memref_slice %arg2[%dma_wait3A_21, %dma_wait3A_22] : memref<50000x16xf32, #tpu.memory_space<hbm>> -> memref<50000x16xf32, #tpu.memory_space<hbm>>
      tpu.wait_indirect_dma semaphore(%arg10 : memref<!tpu.dma_semaphore, #tpu.memory_space<semaphore_mem>>) src(%dma_wait3A_23 : memref<50000x16xf32, #tpu.memory_space<hbm>>) dst(%arg9 : memref<128x16xf32, #tpu.memory_space<vmem>>)
      %parallel_loop3A = arith.constant 0 : i32
      %parallel_loop3A_24 = arith.constant 128 : i32
      %parallel_loop3A_25 = arith.constant 1 : i32
      scf.for %parallel_loop3A_27 = %parallel_loop3A to %parallel_loop3A_24 step %parallel_loop3A_25  : i32 {
        %parallel_loop3A_28 = arith.index_cast %parallel_loop3A_27 : i32 to index
        %parallel_loop3A_29 = arith.constant 0 : index
        %parallel_loop3A_30 = tpu.vector_load %arg8[%parallel_loop3A_28, %parallel_loop3A_29] {strides = array<i32>} : memref<128x16xf32, #tpu.memory_space<vmem>>, vector<1x16xf32>,
        %parallel_loop3A_31 = vector.shape_cast %parallel_loop3A_30 : vector<1x16xf32> to vector<16xf32>
        %parallel_loop3A_32 = arith.index_cast %parallel_loop3A_27 : i32 to index
        %parallel_loop3A_33 = arith.constant 0 : index
        %parallel_loop3A_34 = tpu.vector_load %arg9[%parallel_loop3A_32, %parallel_loop3A_33] {strides = array<i32>} : memref<128x16xf32, #tpu.memory_space<vmem>>, vector<1x16xf32>,
        %parallel_loop3A_35 = vector.shape_cast %parallel_loop3A_34 : vector<1x16xf32> to vector<16xf32>
        %parallel_loop3A_36 = arith.subf %parallel_loop3A_31, %parallel_loop3A_35 : vector<16xf32>
        %parallel_loop3A_37 = arith.index_cast %parallel_loop3A_27 : i32 to index
        %parallel_loop3A_38 = arith.constant 0 : index
        %parallel_loop3A_39 = tpu.vector_load %arg8[%parallel_loop3A_37, %parallel_loop3A_38] {strides = array<i32>} : memref<128x16xf32, #tpu.memory_space<vmem>>, vector<1x16xf32>,
        %parallel_loop3A_40 = vector.shape_cast %parallel_loop3A_39 : vector<1x16xf32> to vector<16xf32>
        %parallel_loop3A_41 = vector.shape_cast %parallel_loop3A_36 : vector<16xf32> to vector<1x16xf32>
        tpu.vector_store %arg8[%parallel_loop3A_37, %parallel_loop3A_38], %parallel_loop3A_41 {strides = array<i32>} : memref<128x16xf32, #tpu.memory_space<vmem>>, vector<1x16xf32>,
      } {sc.loop_unroll_factor = 4 : i64, sc.parallel_access}
      "tpu.region"() ({
        %run_scoped3A = tpu.sem_alloc : memref<!tpu.dma_semaphore, #tpu.memory_space<semaphore_mem>>
        %dma_start3A_27 = arith.constant 0 : i32
        %dma_start3A_28 = tpu.memref_slice %arg5[%add3A_13, %dma_start3A_27] : memref<802816x16xf32, #tpu.memory_space<hbm>> -> memref<128x16xf32, #tpu.memory_space<hbm>>
        %dma_start3A_29 = arith.constant 0 : i32
        %dma_start3A_30 = tpu.memref_slice %arg5[%add3A_13, %dma_start3A_29] : memref<802816x16xf32, #tpu.memory_space<hbm>> -> memref<128x16xf32, #tpu.memory_space<hbm>>
        tpu.enqueue_dma source(%arg8 : memref<128x16xf32, #tpu.memory_space<vmem>>) target(%dma_start3A_30 : memref<128x16xf32, #tpu.memory_space<hbm>>) target_semaphore(%run_scoped3A : memref<!tpu.dma_semaphore, #tpu.memory_space<semaphore_mem>>)
        %dma_wait3A_31 = arith.constant 0 : i32
        %dma_wait3A_32 = tpu.memref_slice %arg5[%add3A_13, %dma_wait3A_31] : memref<802816x16xf32, #tpu.memory_space<hbm>> -> memref<128x16xf32, #tpu.memory_space<hbm>>
        %dma_wait3A_33 = arith.constant 0 : i32
        %dma_wait3A_34 = tpu.memref_slice %arg5[%add3A_13, %dma_wait3A_33] : memref<802816x16xf32, #tpu.memory_space<hbm>> -> memref<128x16xf32, #tpu.memory_space<hbm>>
        tpu.wait_dma2 semaphore(%run_scoped3A : memref<!tpu.dma_semaphore, #tpu.memory_space<semaphore_mem>>) src(%arg8 : memref<128x16xf32, #tpu.memory_space<vmem>>) dst(%dma_wait3A_34 : memref<128x16xf32, #tpu.memory_space<hbm>>)
        tpu.yield
      }) : () -> ()
      %scan3A_26 = arith.constant 0 : i32
      scf.yield %scan3A_26 : i32
    }
    %scan3A_8 = arith.constant 196 : i32
    return
  }
}

#map = affine_map<(d0, d1) -> (0, 0)>
#map1 = affine_map<(d0, d1) -> (0)>
module attributes {stable_mosaic.version = 14 : i64} {
  func.func @_k3_conv(%arg0: i32, %arg1: i32, %arg2: memref<50176x64xf32, #tpu.memory_space<hbm>>, %arg3: memref<802816x64xf32, #tpu.memory_space<hbm>>, %arg4: memref<802816xi32, #tpu.memory_space<hbm>>, %arg5: memref<802816xi32, #tpu.memory_space<hbm>>, %arg6: memref<50176x64xf32, #tpu.memory_space<hbm>>, %arg7: memref<128xi32, #tpu.memory_space<vmem>>, %arg8: memref<128xi32, #tpu.memory_space<vmem>>, %arg9: memref<128xi32, #tpu.memory_space<vmem>>, %arg10: memref<128xi32, #tpu.memory_space<vmem>>, %arg11: memref<128xi32, #tpu.memory_space<vmem>>, %arg12: memref<128x64xf32, #tpu.memory_space<vmem>>, %arg13: memref<128x64xf32, #tpu.memory_space<vmem>>, %arg14: memref<128x64xf32, #tpu.memory_space<vmem>>, %arg15: memref<8x64xf32, #tpu.memory_space<vmem>>, %arg16: memref<25088x64xf32, #tpu.memory_space<vmem_shared>>, %arg17: memref<!tpu.dma_semaphore, #tpu.memory_space<semaphore_mem>>, %arg18: memref<!tpu.dma_semaphore, #tpu.memory_space<semaphore_mem>>) attributes {dimension_semantics = [#tpu.dimension_semantics<core_parallel>, #tpu.dimension_semantics<subcore_parallel>], iteration_bounds = array<i64: 2, 16>, scalar_prefetch = 0 : i64, scratch_operands = 12 : i64, tpu.core_type = #tpu.core_type<sc_vector_subcore>, window_params = [{transform_indices = #map}, {transform_indices = #map}, {transform_indices = #map1}, {transform_indices = #map1}, {transform_indices = #map}]} {
    %broadcast_in_dim3A = arith.constant 0.000000e+00 : f32
    %broadcast_in_dim3A_0 = vector.broadcast %broadcast_in_dim3A : f32 to vector<16xf32>
    %swap3A = arith.constant 0 : i32
    %swap3A_1 = arith.index_cast %swap3A : i32 to index
    %swap3A_2 = arith.constant 0 : index
    %swap3A_3 = tpu.vector_load %arg15[%swap3A_1, %swap3A_2] {strides = array<i32>} : memref<8x64xf32, #tpu.memory_space<vmem>>, vector<1x16xf32>,
    %swap3A_4 = vector.shape_cast %swap3A_3 : vector<1x16xf32> to vector<16xf32>
    %swap3A_5 = vector.shape_cast %broadcast_in_dim3A_0 : vector<16xf32> to vector<1x16xf32>
    tpu.vector_store %arg15[%swap3A_1, %swap3A_2], %swap3A_5 {strides = array<i32>} : memref<8x64xf32, #tpu.memory_space<vmem>>, vector<1x16xf32>,
    %broadcast_in_dim3A_6 = arith.constant 0.000000e+00 : f32
    %broadcast_in_dim3A_7 = vector.broadcast %broadcast_in_dim3A_6 : f32 to vector<16xf32>
    %swap3A_8 = arith.constant 0 : i32
    %swap3A_9 = arith.index_cast %swap3A_8 : i32 to index
    %swap3A_10 = arith.constant 16 : index
    %swap3A_11 = tpu.vector_load %arg15[%swap3A_9, %swap3A_10] {strides = array<i32>} : memref<8x64xf32, #tpu.memory_space<vmem>>, vector<1x16xf32>,
    %swap3A_12 = vector.shape_cast %swap3A_11 : vector<1x16xf32> to vector<16xf32>
    %swap3A_13 = vector.shape_cast %broadcast_in_dim3A_7 : vector<16xf32> to vector<1x16xf32>
    tpu.vector_store %arg15[%swap3A_9, %swap3A_10], %swap3A_13 {strides = array<i32>} : memref<8x64xf32, #tpu.memory_space<vmem>>, vector<1x16xf32>,
    %broadcast_in_dim3A_14 = arith.constant 0.000000e+00 : f32
    %broadcast_in_dim3A_15 = vector.broadcast %broadcast_in_dim3A_14 : f32 to vector<16xf32>
    %swap3A_16 = arith.constant 0 : i32
    %swap3A_17 = arith.index_cast %swap3A_16 : i32 to index
    %swap3A_18 = arith.constant 32 : index
    %swap3A_19 = tpu.vector_load %arg15[%swap3A_17, %swap3A_18] {strides = array<i32>} : memref<8x64xf32, #tpu.memory_space<vmem>>, vector<1x16xf32>,
    %swap3A_20 = vector.shape_cast %swap3A_19 : vector<1x16xf32> to vector<16xf32>
    %swap3A_21 = vector.shape_cast %broadcast_in_dim3A_15 : vector<16xf32> to vector<1x16xf32>
    tpu.vector_store %arg15[%swap3A_17, %swap3A_18], %swap3A_21 {strides = array<i32>} : memref<8x64xf32, #tpu.memory_space<vmem>>, vector<1x16xf32>,
    %broadcast_in_dim3A_22 = arith.constant 0.000000e+00 : f32
    %broadcast_in_dim3A_23 = vector.broadcast %broadcast_in_dim3A_22 : f32 to vector<16xf32>
    %swap3A_24 = arith.constant 0 : i32
    %swap3A_25 = arith.index_cast %swap3A_24 : i32 to index
    %swap3A_26 = arith.constant 48 : index
    %swap3A_27 = tpu.vector_load %arg15[%swap3A_25, %swap3A_26] {strides = array<i32>} : memref<8x64xf32, #tpu.memory_space<vmem>>, vector<1x16xf32>,
    %swap3A_28 = vector.shape_cast %swap3A_27 : vector<1x16xf32> to vector<16xf32>
    %swap3A_29 = vector.shape_cast %broadcast_in_dim3A_23 : vector<16xf32> to vector<1x16xf32>
    tpu.vector_store %arg15[%swap3A_25, %swap3A_26], %swap3A_29 {strides = array<i32>} : memref<8x64xf32, #tpu.memory_space<vmem>>, vector<1x16xf32>,
    %broadcast_in_dim3A_30 = arith.constant 0.000000e+00 : f32
    %broadcast_in_dim3A_31 = vector.broadcast %broadcast_in_dim3A_30 : f32 to vector<16xf32>
    %swap3A_32 = arith.constant 1 : i32
    %swap3A_33 = arith.index_cast %swap3A_32 : i32 to index
    %swap3A_34 = arith.constant 0 : index
    %swap3A_35 = tpu.vector_load %arg15[%swap3A_33, %swap3A_34] {strides = array<i32>} : memref<8x64xf32, #tpu.memory_space<vmem>>, vector<1x16xf32>,
    %swap3A_36 = vector.shape_cast %swap3A_35 : vector<1x16xf32> to vector<16xf32>
    %swap3A_37 = vector.shape_cast %broadcast_in_dim3A_31 : vector<16xf32> to vector<1x16xf32>
    tpu.vector_store %arg15[%swap3A_33, %swap3A_34], %swap3A_37 {strides = array<i32>} : memref<8x64xf32, #tpu.memory_space<vmem>>, vector<1x16xf32>,
    %broadcast_in_dim3A_38 = arith.constant 0.000000e+00 : f32
    %broadcast_in_dim3A_39 = vector.broadcast %broadcast_in_dim3A_38 : f32 to vector<16xf32>
    %swap3A_40 = arith.constant 1 : i32
    %swap3A_41 = arith.index_cast %swap3A_40 : i32 to index
    %swap3A_42 = arith.constant 16 : index
    %swap3A_43 = tpu.vector_load %arg15[%swap3A_41, %swap3A_42] {strides = array<i32>} : memref<8x64xf32, #tpu.memory_space<vmem>>, vector<1x16xf32>,
    %swap3A_44 = vector.shape_cast %swap3A_43 : vector<1x16xf32> to vector<16xf32>
    %swap3A_45 = vector.shape_cast %broadcast_in_dim3A_39 : vector<16xf32> to vector<1x16xf32>
    tpu.vector_store %arg15[%swap3A_41, %swap3A_42], %swap3A_45 {strides = array<i32>} : memref<8x64xf32, #tpu.memory_space<vmem>>, vector<1x16xf32>,
    %broadcast_in_dim3A_46 = arith.constant 0.000000e+00 : f32
    %broadcast_in_dim3A_47 = vector.broadcast %broadcast_in_dim3A_46 : f32 to vector<16xf32>
    %swap3A_48 = arith.constant 1 : i32
    %swap3A_49 = arith.index_cast %swap3A_48 : i32 to index
    %swap3A_50 = arith.constant 32 : index
    %swap3A_51 = tpu.vector_load %arg15[%swap3A_49, %swap3A_50] {strides = array<i32>} : memref<8x64xf32, #tpu.memory_space<vmem>>, vector<1x16xf32>,
    %swap3A_52 = vector.shape_cast %swap3A_51 : vector<1x16xf32> to vector<16xf32>
    %swap3A_53 = vector.shape_cast %broadcast_in_dim3A_47 : vector<16xf32> to vector<1x16xf32>
    tpu.vector_store %arg15[%swap3A_49, %swap3A_50], %swap3A_53 {strides = array<i32>} : memref<8x64xf32, #tpu.memory_space<vmem>>, vector<1x16xf32>,
    %broadcast_in_dim3A_54 = arith.constant 0.000000e+00 : f32
    %broadcast_in_dim3A_55 = vector.broadcast %broadcast_in_dim3A_54 : f32 to vector<16xf32>
    %swap3A_56 = arith.constant 1 : i32
    %swap3A_57 = arith.index_cast %swap3A_56 : i32 to index
    %swap3A_58 = arith.constant 48 : index
    %swap3A_59 = tpu.vector_load %arg15[%swap3A_57, %swap3A_58] {strides = array<i32>} : memref<8x64xf32, #tpu.memory_space<vmem>>, vector<1x16xf32>,
    %swap3A_60 = vector.shape_cast %swap3A_59 : vector<1x16xf32> to vector<16xf32>
    %swap3A_61 = vector.shape_cast %broadcast_in_dim3A_55 : vector<16xf32> to vector<1x16xf32>
    tpu.vector_store %arg15[%swap3A_57, %swap3A_58], %swap3A_61 {strides = array<i32>} : memref<8x64xf32, #tpu.memory_space<vmem>>, vector<1x16xf32>,
    %broadcast_in_dim3A_62 = arith.constant 0.000000e+00 : f32
    %broadcast_in_dim3A_63 = vector.broadcast %broadcast_in_dim3A_62 : f32 to vector<16xf32>
    %swap3A_64 = arith.constant 2 : i32
    %swap3A_65 = arith.index_cast %swap3A_64 : i32 to index
    %swap3A_66 = arith.constant 0 : index
    %swap3A_67 = tpu.vector_load %arg15[%swap3A_65, %swap3A_66] {strides = array<i32>} : memref<8x64xf32, #tpu.memory_space<vmem>>, vector<1x16xf32>,
    %swap3A_68 = vector.shape_cast %swap3A_67 : vector<1x16xf32> to vector<16xf32>
    %swap3A_69 = vector.shape_cast %broadcast_in_dim3A_63 : vector<16xf32> to vector<1x16xf32>
    tpu.vector_store %arg15[%swap3A_65, %swap3A_66], %swap3A_69 {strides = array<i32>} : memref<8x64xf32, #tpu.memory_space<vmem>>, vector<1x16xf32>,
    %broadcast_in_dim3A_70 = arith.constant 0.000000e+00 : f32
    %broadcast_in_dim3A_71 = vector.broadcast %broadcast_in_dim3A_70 : f32 to vector<16xf32>
    %swap3A_72 = arith.constant 2 : i32
    %swap3A_73 = arith.index_cast %swap3A_72 : i32 to index
    %swap3A_74 = arith.constant 16 : index
    %swap3A_75 = tpu.vector_load %arg15[%swap3A_73, %swap3A_74] {strides = array<i32>} : memref<8x64xf32, #tpu.memory_space<vmem>>, vector<1x16xf32>,
    %swap3A_76 = vector.shape_cast %swap3A_75 : vector<1x16xf32> to vector<16xf32>
    %swap3A_77 = vector.shape_cast %broadcast_in_dim3A_71 : vector<16xf32> to vector<1x16xf32>
    tpu.vector_store %arg15[%swap3A_73, %swap3A_74], %swap3A_77 {strides = array<i32>} : memref<8x64xf32, #tpu.memory_space<vmem>>, vector<1x16xf32>,
    %broadcast_in_dim3A_78 = arith.constant 0.000000e+00 : f32
    %broadcast_in_dim3A_79 = vector.broadcast %broadcast_in_dim3A_78 : f32 to vector<16xf32>
    %swap3A_80 = arith.constant 2 : i32
    %swap3A_81 = arith.index_cast %swap3A_80 : i32 to index
    %swap3A_82 = arith.constant 32 : index
    %swap3A_83 = tpu.vector_load %arg15[%swap3A_81, %swap3A_82] {strides = array<i32>} : memref<8x64xf32, #tpu.memory_space<vmem>>, vector<1x16xf32>,
    %swap3A_84 = vector.shape_cast %swap3A_83 : vector<1x16xf32> to vector<16xf32>
    %swap3A_85 = vector.shape_cast %broadcast_in_dim3A_79 : vector<16xf32> to vector<1x16xf32>
    tpu.vector_store %arg15[%swap3A_81, %swap3A_82], %swap3A_85 {strides = array<i32>} : memref<8x64xf32, #tpu.memory_space<vmem>>, vector<1x16xf32>,
    %broadcast_in_dim3A_86 = arith.constant 0.000000e+00 : f32
    %broadcast_in_dim3A_87 = vector.broadcast %broadcast_in_dim3A_86 : f32 to vector<16xf32>
    %swap3A_88 = arith.constant 2 : i32
    %swap3A_89 = arith.index_cast %swap3A_88 : i32 to index
    %swap3A_90 = arith.constant 48 : index
    %swap3A_91 = tpu.vector_load %arg15[%swap3A_89, %swap3A_90] {strides = array<i32>} : memref<8x64xf32, #tpu.memory_space<vmem>>, vector<1x16xf32>,
    %swap3A_92 = vector.shape_cast %swap3A_91 : vector<1x16xf32> to vector<16xf32>
    %swap3A_93 = vector.shape_cast %broadcast_in_dim3A_87 : vector<16xf32> to vector<1x16xf32>
    tpu.vector_store %arg15[%swap3A_89, %swap3A_90], %swap3A_93 {strides = array<i32>} : memref<8x64xf32, #tpu.memory_space<vmem>>, vector<1x16xf32>,
    %broadcast_in_dim3A_94 = arith.constant 0.000000e+00 : f32
    %broadcast_in_dim3A_95 = vector.broadcast %broadcast_in_dim3A_94 : f32 to vector<16xf32>
    %swap3A_96 = arith.constant 3 : i32
    %swap3A_97 = arith.index_cast %swap3A_96 : i32 to index
    %swap3A_98 = arith.constant 0 : index
    %swap3A_99 = tpu.vector_load %arg15[%swap3A_97, %swap3A_98] {strides = array<i32>} : memref<8x64xf32, #tpu.memory_space<vmem>>, vector<1x16xf32>,
    %swap3A_100 = vector.shape_cast %swap3A_99 : vector<1x16xf32> to vector<16xf32>
    %swap3A_101 = vector.shape_cast %broadcast_in_dim3A_95 : vector<16xf32> to vector<1x16xf32>
    tpu.vector_store %arg15[%swap3A_97, %swap3A_98], %swap3A_101 {strides = array<i32>} : memref<8x64xf32, #tpu.memory_space<vmem>>, vector<1x16xf32>,
    %broadcast_in_dim3A_102 = arith.constant 0.000000e+00 : f32
    %broadcast_in_dim3A_103 = vector.broadcast %broadcast_in_dim3A_102 : f32 to vector<16xf32>
    %swap3A_104 = arith.constant 3 : i32
    %swap3A_105 = arith.index_cast %swap3A_104 : i32 to index
    %swap3A_106 = arith.constant 16 : index
    %swap3A_107 = tpu.vector_load %arg15[%swap3A_105, %swap3A_106] {strides = array<i32>} : memref<8x64xf32, #tpu.memory_space<vmem>>, vector<1x16xf32>,
    %swap3A_108 = vector.shape_cast %swap3A_107 : vector<1x16xf32> to vector<16xf32>
    %swap3A_109 = vector.shape_cast %broadcast_in_dim3A_103 : vector<16xf32> to vector<1x16xf32>
    tpu.vector_store %arg15[%swap3A_105, %swap3A_106], %swap3A_109 {strides = array<i32>} : memref<8x64xf32, #tpu.memory_space<vmem>>, vector<1x16xf32>,
    %broadcast_in_dim3A_110 = arith.constant 0.000000e+00 : f32
    %broadcast_in_dim3A_111 = vector.broadcast %broadcast_in_dim3A_110 : f32 to vector<16xf32>
    %swap3A_112 = arith.constant 3 : i32
    %swap3A_113 = arith.index_cast %swap3A_112 : i32 to index
    %swap3A_114 = arith.constant 32 : index
    %swap3A_115 = tpu.vector_load %arg15[%swap3A_113, %swap3A_114] {strides = array<i32>} : memref<8x64xf32, #tpu.memory_space<vmem>>, vector<1x16xf32>,
    %swap3A_116 = vector.shape_cast %swap3A_115 : vector<1x16xf32> to vector<16xf32>
    %swap3A_117 = vector.shape_cast %broadcast_in_dim3A_111 : vector<16xf32> to vector<1x16xf32>
    tpu.vector_store %arg15[%swap3A_113, %swap3A_114], %swap3A_117 {strides = array<i32>} : memref<8x64xf32, #tpu.memory_space<vmem>>, vector<1x16xf32>,
    %broadcast_in_dim3A_118 = arith.constant 0.000000e+00 : f32
    %broadcast_in_dim3A_119 = vector.broadcast %broadcast_in_dim3A_118 : f32 to vector<16xf32>
    %swap3A_120 = arith.constant 3 : i32
    %swap3A_121 = arith.index_cast %swap3A_120 : i32 to index
    %swap3A_122 = arith.constant 48 : index
    %swap3A_123 = tpu.vector_load %arg15[%swap3A_121, %swap3A_122] {strides = array<i32>} : memref<8x64xf32, #tpu.memory_space<vmem>>, vector<1x16xf32>,
    %swap3A_124 = vector.shape_cast %swap3A_123 : vector<1x16xf32> to vector<16xf32>
    %swap3A_125 = vector.shape_cast %broadcast_in_dim3A_119 : vector<16xf32> to vector<1x16xf32>
    tpu.vector_store %arg15[%swap3A_121, %swap3A_122], %swap3A_125 {strides = array<i32>} : memref<8x64xf32, #tpu.memory_space<vmem>>, vector<1x16xf32>,
    %broadcast_in_dim3A_126 = arith.constant 0.000000e+00 : f32
    %broadcast_in_dim3A_127 = vector.broadcast %broadcast_in_dim3A_126 : f32 to vector<16xf32>
    %swap3A_128 = arith.constant 4 : i32
    %swap3A_129 = arith.index_cast %swap3A_128 : i32 to index
    %swap3A_130 = arith.constant 0 : index
    %swap3A_131 = tpu.vector_load %arg15[%swap3A_129, %swap3A_130] {strides = array<i32>} : memref<8x64xf32, #tpu.memory_space<vmem>>, vector<1x16xf32>,
    %swap3A_132 = vector.shape_cast %swap3A_131 : vector<1x16xf32> to vector<16xf32>
    %swap3A_133 = vector.shape_cast %broadcast_in_dim3A_127 : vector<16xf32> to vector<1x16xf32>
    tpu.vector_store %arg15[%swap3A_129, %swap3A_130], %swap3A_133 {strides = array<i32>} : memref<8x64xf32, #tpu.memory_space<vmem>>, vector<1x16xf32>,
    %broadcast_in_dim3A_134 = arith.constant 0.000000e+00 : f32
    %broadcast_in_dim3A_135 = vector.broadcast %broadcast_in_dim3A_134 : f32 to vector<16xf32>
    %swap3A_136 = arith.constant 4 : i32
    %swap3A_137 = arith.index_cast %swap3A_136 : i32 to index
    %swap3A_138 = arith.constant 16 : index
    %swap3A_139 = tpu.vector_load %arg15[%swap3A_137, %swap3A_138] {strides = array<i32>} : memref<8x64xf32, #tpu.memory_space<vmem>>, vector<1x16xf32>,
    %swap3A_140 = vector.shape_cast %swap3A_139 : vector<1x16xf32> to vector<16xf32>
    %swap3A_141 = vector.shape_cast %broadcast_in_dim3A_135 : vector<16xf32> to vector<1x16xf32>
    tpu.vector_store %arg15[%swap3A_137, %swap3A_138], %swap3A_141 {strides = array<i32>} : memref<8x64xf32, #tpu.memory_space<vmem>>, vector<1x16xf32>,
    %broadcast_in_dim3A_142 = arith.constant 0.000000e+00 : f32
    %broadcast_in_dim3A_143 = vector.broadcast %broadcast_in_dim3A_142 : f32 to vector<16xf32>
    %swap3A_144 = arith.constant 4 : i32
    %swap3A_145 = arith.index_cast %swap3A_144 : i32 to index
    %swap3A_146 = arith.constant 32 : index
    %swap3A_147 = tpu.vector_load %arg15[%swap3A_145, %swap3A_146] {strides = array<i32>} : memref<8x64xf32, #tpu.memory_space<vmem>>, vector<1x16xf32>,
    %swap3A_148 = vector.shape_cast %swap3A_147 : vector<1x16xf32> to vector<16xf32>
    %swap3A_149 = vector.shape_cast %broadcast_in_dim3A_143 : vector<16xf32> to vector<1x16xf32>
    tpu.vector_store %arg15[%swap3A_145, %swap3A_146], %swap3A_149 {strides = array<i32>} : memref<8x64xf32, #tpu.memory_space<vmem>>, vector<1x16xf32>,
    %broadcast_in_dim3A_150 = arith.constant 0.000000e+00 : f32
    %broadcast_in_dim3A_151 = vector.broadcast %broadcast_in_dim3A_150 : f32 to vector<16xf32>
    %swap3A_152 = arith.constant 4 : i32
    %swap3A_153 = arith.index_cast %swap3A_152 : i32 to index
    %swap3A_154 = arith.constant 48 : index
    %swap3A_155 = tpu.vector_load %arg15[%swap3A_153, %swap3A_154] {strides = array<i32>} : memref<8x64xf32, #tpu.memory_space<vmem>>, vector<1x16xf32>,
    %swap3A_156 = vector.shape_cast %swap3A_155 : vector<1x16xf32> to vector<16xf32>
    %swap3A_157 = vector.shape_cast %broadcast_in_dim3A_151 : vector<16xf32> to vector<1x16xf32>
    tpu.vector_store %arg15[%swap3A_153, %swap3A_154], %swap3A_157 {strides = array<i32>} : memref<8x64xf32, #tpu.memory_space<vmem>>, vector<1x16xf32>,
    %broadcast_in_dim3A_158 = arith.constant 0.000000e+00 : f32
    %broadcast_in_dim3A_159 = vector.broadcast %broadcast_in_dim3A_158 : f32 to vector<16xf32>
    %swap3A_160 = arith.constant 5 : i32
    %swap3A_161 = arith.index_cast %swap3A_160 : i32 to index
    %swap3A_162 = arith.constant 0 : index
    %swap3A_163 = tpu.vector_load %arg15[%swap3A_161, %swap3A_162] {strides = array<i32>} : memref<8x64xf32, #tpu.memory_space<vmem>>, vector<1x16xf32>,
    %swap3A_164 = vector.shape_cast %swap3A_163 : vector<1x16xf32> to vector<16xf32>
    %swap3A_165 = vector.shape_cast %broadcast_in_dim3A_159 : vector<16xf32> to vector<1x16xf32>
    tpu.vector_store %arg15[%swap3A_161, %swap3A_162], %swap3A_165 {strides = array<i32>} : memref<8x64xf32, #tpu.memory_space<vmem>>, vector<1x16xf32>,
    %broadcast_in_dim3A_166 = arith.constant 0.000000e+00 : f32
    %broadcast_in_dim3A_167 = vector.broadcast %broadcast_in_dim3A_166 : f32 to vector<16xf32>
    %swap3A_168 = arith.constant 5 : i32
    %swap3A_169 = arith.index_cast %swap3A_168 : i32 to index
    %swap3A_170 = arith.constant 16 : index
    %swap3A_171 = tpu.vector_load %arg15[%swap3A_169, %swap3A_170] {strides = array<i32>} : memref<8x64xf32, #tpu.memory_space<vmem>>, vector<1x16xf32>,
    %swap3A_172 = vector.shape_cast %swap3A_171 : vector<1x16xf32> to vector<16xf32>
    %swap3A_173 = vector.shape_cast %broadcast_in_dim3A_167 : vector<16xf32> to vector<1x16xf32>
    tpu.vector_store %arg15[%swap3A_169, %swap3A_170], %swap3A_173 {strides = array<i32>} : memref<8x64xf32, #tpu.memory_space<vmem>>, vector<1x16xf32>,
    %broadcast_in_dim3A_174 = arith.constant 0.000000e+00 : f32
    %broadcast_in_dim3A_175 = vector.broadcast %broadcast_in_dim3A_174 : f32 to vector<16xf32>
    %swap3A_176 = arith.constant 5 : i32
    %swap3A_177 = arith.index_cast %swap3A_176 : i32 to index
    %swap3A_178 = arith.constant 32 : index
    %swap3A_179 = tpu.vector_load %arg15[%swap3A_177, %swap3A_178] {strides = array<i32>} : memref<8x64xf32, #tpu.memory_space<vmem>>, vector<1x16xf32>,
    %swap3A_180 = vector.shape_cast %swap3A_179 : vector<1x16xf32> to vector<16xf32>
    %swap3A_181 = vector.shape_cast %broadcast_in_dim3A_175 : vector<16xf32> to vector<1x16xf32>
    tpu.vector_store %arg15[%swap3A_177, %swap3A_178], %swap3A_181 {strides = array<i32>} : memref<8x64xf32, #tpu.memory_space<vmem>>, vector<1x16xf32>,
    %broadcast_in_dim3A_182 = arith.constant 0.000000e+00 : f32
    %broadcast_in_dim3A_183 = vector.broadcast %broadcast_in_dim3A_182 : f32 to vector<16xf32>
    %swap3A_184 = arith.constant 5 : i32
    %swap3A_185 = arith.index_cast %swap3A_184 : i32 to index
    %swap3A_186 = arith.constant 48 : index
    %swap3A_187 = tpu.vector_load %arg15[%swap3A_185, %swap3A_186] {strides = array<i32>} : memref<8x64xf32, #tpu.memory_space<vmem>>, vector<1x16xf32>,
    %swap3A_188 = vector.shape_cast %swap3A_187 : vector<1x16xf32> to vector<16xf32>
    %swap3A_189 = vector.shape_cast %broadcast_in_dim3A_183 : vector<16xf32> to vector<1x16xf32>
    tpu.vector_store %arg15[%swap3A_185, %swap3A_186], %swap3A_189 {strides = array<i32>} : memref<8x64xf32, #tpu.memory_space<vmem>>, vector<1x16xf32>,
    %broadcast_in_dim3A_190 = arith.constant 0.000000e+00 : f32
    %broadcast_in_dim3A_191 = vector.broadcast %broadcast_in_dim3A_190 : f32 to vector<16xf32>
    %swap3A_192 = arith.constant 6 : i32
    %swap3A_193 = arith.index_cast %swap3A_192 : i32 to index
    %swap3A_194 = arith.constant 0 : index
    %swap3A_195 = tpu.vector_load %arg15[%swap3A_193, %swap3A_194] {strides = array<i32>} : memref<8x64xf32, #tpu.memory_space<vmem>>, vector<1x16xf32>,
    %swap3A_196 = vector.shape_cast %swap3A_195 : vector<1x16xf32> to vector<16xf32>
    %swap3A_197 = vector.shape_cast %broadcast_in_dim3A_191 : vector<16xf32> to vector<1x16xf32>
    tpu.vector_store %arg15[%swap3A_193, %swap3A_194], %swap3A_197 {strides = array<i32>} : memref<8x64xf32, #tpu.memory_space<vmem>>, vector<1x16xf32>,
    %broadcast_in_dim3A_198 = arith.constant 0.000000e+00 : f32
    %broadcast_in_dim3A_199 = vector.broadcast %broadcast_in_dim3A_198 : f32 to vector<16xf32>
    %swap3A_200 = arith.constant 6 : i32
    %swap3A_201 = arith.index_cast %swap3A_200 : i32 to index
    %swap3A_202 = arith.constant 16 : index
    %swap3A_203 = tpu.vector_load %arg15[%swap3A_201, %swap3A_202] {strides = array<i32>} : memref<8x64xf32, #tpu.memory_space<vmem>>, vector<1x16xf32>,
    %swap3A_204 = vector.shape_cast %swap3A_203 : vector<1x16xf32> to vector<16xf32>
    %swap3A_205 = vector.shape_cast %broadcast_in_dim3A_199 : vector<16xf32> to vector<1x16xf32>
    tpu.vector_store %arg15[%swap3A_201, %swap3A_202], %swap3A_205 {strides = array<i32>} : memref<8x64xf32, #tpu.memory_space<vmem>>, vector<1x16xf32>,
    %broadcast_in_dim3A_206 = arith.constant 0.000000e+00 : f32
    %broadcast_in_dim3A_207 = vector.broadcast %broadcast_in_dim3A_206 : f32 to vector<16xf32>
    %swap3A_208 = arith.constant 6 : i32
    %swap3A_209 = arith.index_cast %swap3A_208 : i32 to index
    %swap3A_210 = arith.constant 32 : index
    %swap3A_211 = tpu.vector_load %arg15[%swap3A_209, %swap3A_210] {strides = array<i32>} : memref<8x64xf32, #tpu.memory_space<vmem>>, vector<1x16xf32>,
    %swap3A_212 = vector.shape_cast %swap3A_211 : vector<1x16xf32> to vector<16xf32>
    %swap3A_213 = vector.shape_cast %broadcast_in_dim3A_207 : vector<16xf32> to vector<1x16xf32>
    tpu.vector_store %arg15[%swap3A_209, %swap3A_210], %swap3A_213 {strides = array<i32>} : memref<8x64xf32, #tpu.memory_space<vmem>>, vector<1x16xf32>,
    %broadcast_in_dim3A_214 = arith.constant 0.000000e+00 : f32
    %broadcast_in_dim3A_215 = vector.broadcast %broadcast_in_dim3A_214 : f32 to vector<16xf32>
    %swap3A_216 = arith.constant 6 : i32
    %swap3A_217 = arith.index_cast %swap3A_216 : i32 to index
    %swap3A_218 = arith.constant 48 : index
    %swap3A_219 = tpu.vector_load %arg15[%swap3A_217, %swap3A_218] {strides = array<i32>} : memref<8x64xf32, #tpu.memory_space<vmem>>, vector<1x16xf32>,
    %swap3A_220 = vector.shape_cast %swap3A_219 : vector<1x16xf32> to vector<16xf32>
    %swap3A_221 = vector.shape_cast %broadcast_in_dim3A_215 : vector<16xf32> to vector<1x16xf32>
    tpu.vector_store %arg15[%swap3A_217, %swap3A_218], %swap3A_221 {strides = array<i32>} : memref<8x64xf32, #tpu.memory_space<vmem>>, vector<1x16xf32>,
    %broadcast_in_dim3A_222 = arith.constant 0.000000e+00 : f32
    %broadcast_in_dim3A_223 = vector.broadcast %broadcast_in_dim3A_222 : f32 to vector<16xf32>
    %swap3A_224 = arith.constant 7 : i32
    %swap3A_225 = arith.index_cast %swap3A_224 : i32 to index
    %swap3A_226 = arith.constant 0 : index
    %swap3A_227 = tpu.vector_load %arg15[%swap3A_225, %swap3A_226] {strides = array<i32>} : memref<8x64xf32, #tpu.memory_space<vmem>>, vector<1x16xf32>,
    %swap3A_228 = vector.shape_cast %swap3A_227 : vector<1x16xf32> to vector<16xf32>
    %swap3A_229 = vector.shape_cast %broadcast_in_dim3A_223 : vector<16xf32> to vector<1x16xf32>
    tpu.vector_store %arg15[%swap3A_225, %swap3A_226], %swap3A_229 {strides = array<i32>} : memref<8x64xf32, #tpu.memory_space<vmem>>, vector<1x16xf32>,
    %broadcast_in_dim3A_230 = arith.constant 0.000000e+00 : f32
    %broadcast_in_dim3A_231 = vector.broadcast %broadcast_in_dim3A_230 : f32 to vector<16xf32>
    %swap3A_232 = arith.constant 7 : i32
    %swap3A_233 = arith.index_cast %swap3A_232 : i32 to index
    %swap3A_234 = arith.constant 16 : index
    %swap3A_235 = tpu.vector_load %arg15[%swap3A_233, %swap3A_234] {strides = array<i32>} : memref<8x64xf32, #tpu.memory_space<vmem>>, vector<1x16xf32>,
    %swap3A_236 = vector.shape_cast %swap3A_235 : vector<1x16xf32> to vector<16xf32>
    %swap3A_237 = vector.shape_cast %broadcast_in_dim3A_231 : vector<16xf32> to vector<1x16xf32>
    tpu.vector_store %arg15[%swap3A_233, %swap3A_234], %swap3A_237 {strides = array<i32>} : memref<8x64xf32, #tpu.memory_space<vmem>>, vector<1x16xf32>,
    %broadcast_in_dim3A_238 = arith.constant 0.000000e+00 : f32
    %broadcast_in_dim3A_239 = vector.broadcast %broadcast_in_dim3A_238 : f32 to vector<16xf32>
    %swap3A_240 = arith.constant 7 : i32
    %swap3A_241 = arith.index_cast %swap3A_240 : i32 to index
    %swap3A_242 = arith.constant 32 : index
    %swap3A_243 = tpu.vector_load %arg15[%swap3A_241, %swap3A_242] {strides = array<i32>} : memref<8x64xf32, #tpu.memory_space<vmem>>, vector<1x16xf32>,
    %swap3A_244 = vector.shape_cast %swap3A_243 : vector<1x16xf32> to vector<16xf32>
    %swap3A_245 = vector.shape_cast %broadcast_in_dim3A_239 : vector<16xf32> to vector<1x16xf32>
    tpu.vector_store %arg15[%swap3A_241, %swap3A_242], %swap3A_245 {strides = array<i32>} : memref<8x64xf32, #tpu.memory_space<vmem>>, vector<1x16xf32>,
    %broadcast_in_dim3A_246 = arith.constant 0.000000e+00 : f32
    %broadcast_in_dim3A_247 = vector.broadcast %broadcast_in_dim3A_246 : f32 to vector<16xf32>
    %swap3A_248 = arith.constant 7 : i32
    %swap3A_249 = arith.index_cast %swap3A_248 : i32 to index
    %swap3A_250 = arith.constant 48 : index
    %swap3A_251 = tpu.vector_load %arg15[%swap3A_249, %swap3A_250] {strides = array<i32>} : memref<8x64xf32, #tpu.memory_space<vmem>>, vector<1x16xf32>,
    %swap3A_252 = vector.shape_cast %swap3A_251 : vector<1x16xf32> to vector<16xf32>
    %swap3A_253 = vector.shape_cast %broadcast_in_dim3A_247 : vector<16xf32> to vector<1x16xf32>
    tpu.vector_store %arg15[%swap3A_249, %swap3A_250], %swap3A_253 {strides = array<i32>} : memref<8x64xf32, #tpu.memory_space<vmem>>, vector<1x16xf32>,
    %mul3A = arith.constant 1568 : i32
    %mul3A_254 = arith.muli %arg1, %mul3A : i32
    %scan3A = arith.constant 0 : i32
    %scan3A_255 = arith.constant 0 : i32
    %scan3A_256 = arith.constant 196 : i32
    %scan3A_257 = arith.addi %scan3A_255, %scan3A_256 : i32
    %scan3A_258 = arith.constant 1 : i32
    %scan3A_259 = scf.for %scan3A_289 = %scan3A_255 to %scan3A_257 step %scan3A_258 iter_args(%scan3A_290 = %scan3A) -> (i32)  : i32 {
      %mul3A_291 = arith.constant 8 : i32
      %mul3A_292 = arith.muli %scan3A_289, %mul3A_291 : i32
      %add3A_293 = arith.addi %mul3A_254, %mul3A_292 : i32
      "tpu.region"() ({
        %run_scoped3A = tpu.sem_alloc : memref<!tpu.dma_semaphore, #tpu.memory_space<semaphore_mem>>
        %dma_start3A_295 = arith.constant 0 : i32
        %dma_start3A_296 = tpu.memref_slice %arg16[%add3A_293, %dma_start3A_295] : memref<25088x64xf32, #tpu.memory_space<vmem_shared>> -> memref<8x64xf32, #tpu.memory_space<vmem_shared>>
        %dma_start3A_297 = arith.constant 0 : i32
        %dma_start3A_298 = tpu.memref_slice %arg16[%add3A_293, %dma_start3A_297] : memref<25088x64xf32, #tpu.memory_space<vmem_shared>> -> memref<8x64xf32, #tpu.memory_space<vmem_shared>>
        tpu.enqueue_dma source(%arg15 : memref<8x64xf32, #tpu.memory_space<vmem>>) target(%dma_start3A_298 : memref<8x64xf32, #tpu.memory_space<vmem_shared>>) target_semaphore(%run_scoped3A : memref<!tpu.dma_semaphore, #tpu.memory_space<semaphore_mem>>)
        %dma_wait3A = arith.constant 0 : i32
        %dma_wait3A_299 = tpu.memref_slice %arg16[%add3A_293, %dma_wait3A] : memref<25088x64xf32, #tpu.memory_space<vmem_shared>> -> memref<8x64xf32, #tpu.memory_space<vmem_shared>>
        %dma_wait3A_300 = arith.constant 0 : i32
        %dma_wait3A_301 = tpu.memref_slice %arg16[%add3A_293, %dma_wait3A_300] : memref<25088x64xf32, #tpu.memory_space<vmem_shared>> -> memref<8x64xf32, #tpu.memory_space<vmem_shared>>
        tpu.wait_dma2 semaphore(%run_scoped3A : memref<!tpu.dma_semaphore, #tpu.memory_space<semaphore_mem>>) src(%arg15 : memref<8x64xf32, #tpu.memory_space<vmem>>) dst(%dma_wait3A_301 : memref<8x64xf32, #tpu.memory_space<vmem_shared>>)
        tpu.yield
      }) : () -> ()
      %scan3A_294 = arith.constant 0 : i32
      scf.yield %scan3A_294 : i32
    }
    %scan3A_260 = arith.constant 196 : i32
    %barrier3A = arith.constant 0 : index
    tpu.barrier barrier_id(%barrier3A)
    %mul3A_261 = arith.constant 50176 : i32
    %mul3A_262 = arith.muli %arg1, %mul3A_261 : i32
    %mul3A_263 = arith.constant 25000 : i32
    %mul3A_264 = arith.muli %arg0, %mul3A_263 : i32
    %add3A = arith.constant 0 : i32
    %add3A_265 = arith.addi %mul3A_262, %add3A : i32
    "tpu.region"() ({
      %run_scoped3A = tpu.sem_alloc : memref<!tpu.dma_semaphore, #tpu.memory_space<semaphore_mem>>
      %dma_start3A_289 = tpu.memref_slice %arg4[%add3A_265] : memref<802816xi32, #tpu.memory_space<hbm>> -> memref<128xi32, #tpu.memory_space<hbm>>
      %dma_start3A_290 = tpu.memref_slice %arg4[%add3A_265] : memref<802816xi32, #tpu.memory_space<hbm>> -> memref<128xi32, #tpu.memory_space<hbm>>
      tpu.enqueue_dma source(%dma_start3A_290 : memref<128xi32, #tpu.memory_space<hbm>>) target(%arg7 : memref<128xi32, #tpu.memory_space<vmem>>) target_semaphore(%run_scoped3A : memref<!tpu.dma_semaphore, #tpu.memory_space<semaphore_mem>>)
      %dma_wait3A = tpu.memref_slice %arg4[%add3A_265] : memref<802816xi32, #tpu.memory_space<hbm>> -> memref<128xi32, #tpu.memory_space<hbm>>
      %dma_wait3A_291 = tpu.memref_slice %arg4[%add3A_265] : memref<802816xi32, #tpu.memory_space<hbm>> -> memref<128xi32, #tpu.memory_space<hbm>>
      tpu.wait_dma2 semaphore(%run_scoped3A : memref<!tpu.dma_semaphore, #tpu.memory_space<semaphore_mem>>) src(%dma_wait3A_291 : memref<128xi32, #tpu.memory_space<hbm>>) dst(%arg7 : memref<128xi32, #tpu.memory_space<vmem>>)
      tpu.yield
    }) : () -> ()
    "tpu.region"() ({
      %run_scoped3A = tpu.sem_alloc : memref<!tpu.dma_semaphore, #tpu.memory_space<semaphore_mem>>
      %dma_start3A_289 = tpu.memref_slice %arg5[%add3A_265] : memref<802816xi32, #tpu.memory_space<hbm>> -> memref<128xi32, #tpu.memory_space<hbm>>
      %dma_start3A_290 = tpu.memref_slice %arg5[%add3A_265] : memref<802816xi32, #tpu.memory_space<hbm>> -> memref<128xi32, #tpu.memory_space<hbm>>
      tpu.enqueue_dma source(%dma_start3A_290 : memref<128xi32, #tpu.memory_space<hbm>>) target(%arg9 : memref<128xi32, #tpu.memory_space<vmem>>) target_semaphore(%run_scoped3A : memref<!tpu.dma_semaphore, #tpu.memory_space<semaphore_mem>>)
      %dma_wait3A = tpu.memref_slice %arg5[%add3A_265] : memref<802816xi32, #tpu.memory_space<hbm>> -> memref<128xi32, #tpu.memory_space<hbm>>
      %dma_wait3A_291 = tpu.memref_slice %arg5[%add3A_265] : memref<802816xi32, #tpu.memory_space<hbm>> -> memref<128xi32, #tpu.memory_space<hbm>>
      tpu.wait_dma2 semaphore(%run_scoped3A : memref<!tpu.dma_semaphore, #tpu.memory_space<semaphore_mem>>) src(%dma_wait3A_291 : memref<128xi32, #tpu.memory_space<hbm>>) dst(%arg9 : memref<128xi32, #tpu.memory_space<vmem>>)
      tpu.yield
    }) : () -> ()
    %dma_start3A = arith.constant 0 : i32
    %dma_start3A_266 = arith.constant 0 : i32
    %dma_start3A_267 = tpu.memref_slice %arg2[%dma_start3A, %dma_start3A_266] : memref<50176x64xf32, #tpu.memory_space<hbm>> -> memref<50176x64xf32, #tpu.memory_space<hbm>>
    tpu.enqueue_indirect_dma source(%dma_start3A_267 : memref<50176x64xf32, #tpu.memory_space<hbm>>) target(%arg12 : memref<128x64xf32, #tpu.memory_space<vmem>>) offsets(%arg9 : memref<128xi32, #tpu.memory_space<vmem>>) semaphore(%arg17 : memref<!tpu.dma_semaphore, #tpu.memory_space<semaphore_mem>>)
    %scan3A_268 = arith.constant 0 : i32
    %scan3A_269 = arith.constant 0 : i32
    %scan3A_270 = arith.constant 196 : i32
    %scan3A_271 = arith.addi %scan3A_269, %scan3A_270 : i32
    %scan3A_272 = arith.constant 1 : i32
    %scan3A_273 = scf.for %scan3A_289 = %scan3A_269 to %scan3A_271 step %scan3A_272 iter_args(%scan3A_290 = %scan3A_268) -> (i32)  : i32 {
      %mul3A_291 = arith.constant 2 : i32
      %mul3A_292 = arith.muli %scan3A_289, %mul3A_291 : i32
      %add3A_293 = arith.constant 1 : i32
      %add3A_294 = arith.addi %mul3A_292, %add3A_293 : i32
      %mul3A_295 = arith.constant 128 : i32
      %mul3A_296 = arith.muli %add3A_294, %mul3A_295 : i32
      %add3A_297 = arith.addi %mul3A_262, %mul3A_296 : i32
      "tpu.region"() ({
        %run_scoped3A = tpu.sem_alloc : memref<!tpu.dma_semaphore, #tpu.memory_space<semaphore_mem>>
        %dma_start3A_769 = tpu.memref_slice %arg4[%add3A_297] : memref<802816xi32, #tpu.memory_space<hbm>> -> memref<128xi32, #tpu.memory_space<hbm>>
        %dma_start3A_770 = tpu.memref_slice %arg4[%add3A_297] : memref<802816xi32, #tpu.memory_space<hbm>> -> memref<128xi32, #tpu.memory_space<hbm>>
        tpu.enqueue_dma source(%dma_start3A_770 : memref<128xi32, #tpu.memory_space<hbm>>) target(%arg8 : memref<128xi32, #tpu.memory_space<vmem>>) target_semaphore(%run_scoped3A : memref<!tpu.dma_semaphore, #tpu.memory_space<semaphore_mem>>)
        %dma_wait3A_771 = tpu.memref_slice %arg4[%add3A_297] : memref<802816xi32, #tpu.memory_space<hbm>> -> memref<128xi32, #tpu.memory_space<hbm>>
        %dma_wait3A_772 = tpu.memref_slice %arg4[%add3A_297] : memref<802816xi32, #tpu.memory_space<hbm>> -> memref<128xi32, #tpu.memory_space<hbm>>
        tpu.wait_dma2 semaphore(%run_scoped3A : memref<!tpu.dma_semaphore, #tpu.memory_space<semaphore_mem>>) src(%dma_wait3A_772 : memref<128xi32, #tpu.memory_space<hbm>>) dst(%arg8 : memref<128xi32, #tpu.memory_space<vmem>>)
        tpu.yield
      }) : () -> ()
      "tpu.region"() ({
        %run_scoped3A = tpu.sem_alloc : memref<!tpu.dma_semaphore, #tpu.memory_space<semaphore_mem>>
        %dma_start3A_769 = tpu.memref_slice %arg5[%add3A_297] : memref<802816xi32, #tpu.memory_space<hbm>> -> memref<128xi32, #tpu.memory_space<hbm>>
        %dma_start3A_770 = tpu.memref_slice %arg5[%add3A_297] : memref<802816xi32, #tpu.memory_space<hbm>> -> memref<128xi32, #tpu.memory_space<hbm>>
        tpu.enqueue_dma source(%dma_start3A_770 : memref<128xi32, #tpu.memory_space<hbm>>) target(%arg10 : memref<128xi32, #tpu.memory_space<vmem>>) target_semaphore(%run_scoped3A : memref<!tpu.dma_semaphore, #tpu.memory_space<semaphore_mem>>)
        %dma_wait3A_771 = tpu.memref_slice %arg5[%add3A_297] : memref<802816xi32, #tpu.memory_space<hbm>> -> memref<128xi32, #tpu.memory_space<hbm>>
        %dma_wait3A_772 = tpu.memref_slice %arg5[%add3A_297] : memref<802816xi32, #tpu.memory_space<hbm>> -> memref<128xi32, #tpu.memory_space<hbm>>
        tpu.wait_dma2 semaphore(%run_scoped3A : memref<!tpu.dma_semaphore, #tpu.memory_space<semaphore_mem>>) src(%dma_wait3A_772 : memref<128xi32, #tpu.memory_space<hbm>>) dst(%arg10 : memref<128xi32, #tpu.memory_space<vmem>>)
        tpu.yield
      }) : () -> ()
      %dma_start3A_298 = arith.constant 0 : i32
      %dma_start3A_299 = arith.constant 0 : i32
      %dma_start3A_300 = tpu.memref_slice %arg2[%dma_start3A_298, %dma_start3A_299] : memref<50176x64xf32, #tpu.memory_space<hbm>> -> memref<50176x64xf32, #tpu.memory_space<hbm>>
      tpu.enqueue_indirect_dma source(%dma_start3A_300 : memref<50176x64xf32, #tpu.memory_space<hbm>>) target(%arg13 : memref<128x64xf32, #tpu.memory_space<vmem>>) offsets(%arg10 : memref<128xi32, #tpu.memory_space<vmem>>) semaphore(%arg18 : memref<!tpu.dma_semaphore, #tpu.memory_space<semaphore_mem>>)
      %mul3A_301 = arith.constant 128 : i32
      %mul3A_302 = arith.muli %mul3A_292, %mul3A_301 : i32
      %add3A_303 = arith.addi %mul3A_262, %mul3A_302 : i32
      %dma_wait3A = arith.constant 0 : i32
      %dma_wait3A_304 = arith.constant 0 : i32
      %dma_wait3A_305 = tpu.memref_slice %arg2[%dma_wait3A, %dma_wait3A_304] : memref<50176x64xf32, #tpu.memory_space<hbm>> -> memref<50176x64xf32, #tpu.memory_space<hbm>>
      tpu.wait_indirect_dma semaphore(%arg17 : memref<!tpu.dma_semaphore, #tpu.memory_space<semaphore_mem>>) src(%dma_wait3A_305 : memref<50176x64xf32, #tpu.memory_space<hbm>>) dst(%arg12 : memref<128x64xf32, #tpu.memory_space<vmem>>)
      "tpu.region"() ({
        %run_scoped3A = tpu.sem_alloc : memref<!tpu.dma_semaphore, #tpu.memory_space<semaphore_mem>>
        %dma_start3A_769 = arith.constant 0 : i32
        %dma_start3A_770 = tpu.memref_slice %arg3[%add3A_303, %dma_start3A_769] : memref<802816x64xf32, #tpu.memory_space<hbm>> -> memref<128x64xf32, #tpu.memory_space<hbm>>
        %dma_start3A_771 = arith.constant 0 : i32
        %dma_start3A_772 = tpu.memref_slice %arg3[%add3A_303, %dma_start3A_771] : memref<802816x64xf32, #tpu.memory_space<hbm>> -> memref<128x64xf32, #tpu.memory_space<hbm>>
        tpu.enqueue_dma source(%dma_start3A_772 : memref<128x64xf32, #tpu.memory_space<hbm>>) target(%arg14 : memref<128x64xf32, #tpu.memory_space<vmem>>) target_semaphore(%run_scoped3A : memref<!tpu.dma_semaphore, #tpu.memory_space<semaphore_mem>>)
        %dma_wait3A_773 = arith.constant 0 : i32
        %dma_wait3A_774 = tpu.memref_slice %arg3[%add3A_303, %dma_wait3A_773] : memref<802816x64xf32, #tpu.memory_space<hbm>> -> memref<128x64xf32, #tpu.memory_space<hbm>>
        %dma_wait3A_775 = arith.constant 0 : i32
        %dma_wait3A_776 = tpu.memref_slice %arg3[%add3A_303, %dma_wait3A_775] : memref<802816x64xf32, #tpu.memory_space<hbm>> -> memref<128x64xf32, #tpu.memory_space<hbm>>
        tpu.wait_dma2 semaphore(%run_scoped3A : memref<!tpu.dma_semaphore, #tpu.memory_space<semaphore_mem>>) src(%dma_wait3A_776 : memref<128x64xf32, #tpu.memory_space<hbm>>) dst(%arg14 : memref<128x64xf32, #tpu.memory_space<vmem>>)
        tpu.yield
      }) : () -> ()
      %get3A = arith.constant 0 : index
      %get3A_306 = tpu.vector_load %arg7[%get3A] {strides = array<i32>} : memref<128xi32, #tpu.memory_space<vmem>>, vector<16xi32>,
      %get3A_307 = vector.shape_cast %get3A_306 : vector<16xi32> to vector<16xi32>
      %sub3A = vector.broadcast %mul3A_264 : i32 to vector<16xi32>
      %sub3A_308 = arith.subi %get3A_307, %sub3A : vector<16xi32>
      %add3A_309 = arith.constant 0 : i32
      %add3A_310 = arith.addi %add3A_303, %add3A_309 : i32
      %iota3A = tpu.iota {dimensions = array<i32: 0>} : vector<16xi32>
      %add3A_311 = vector.broadcast %add3A_310 : i32 to vector<16xi32>
      %add3A_312 = arith.addi %add3A_311, %iota3A : vector<16xi32>
      %ge3A = arith.constant 0 : i32
      %ge3A_313 = vector.broadcast %ge3A : i32 to vector<16xi32>
      %ge3A_314 = arith.cmpi sge, %sub3A_308, %ge3A_313 : vector<16xi32>
      %lt3A_315 = arith.constant 25000 : i32
      %lt3A_316 = vector.broadcast %lt3A_315 : i32 to vector<16xi32>
      %lt3A_317 = arith.cmpi slt, %sub3A_308, %lt3A_316 : vector<16xi32>
      %and3A_318 = arith.andi %ge3A_314, %lt3A_317 : vector<16xi1>
      %lt3A_319 = arith.constant 800000 : i32
      %lt3A_320 = vector.broadcast %lt3A_319 : i32 to vector<16xi32>
      %lt3A_321 = arith.cmpi slt, %add3A_312, %lt3A_320 : vector<16xi32>
      %and3A_322 = arith.andi %and3A_318, %lt3A_321 : vector<16xi1>
      %jit3A = arith.constant 25024 : i32
      %broadcast_in_dim3A_323 = vector.broadcast %jit3A : i32 to vector<16xi32>
      %select_n3A = arith.select %and3A_322, %sub3A_308, %broadcast_in_dim3A_323 : vector<16xi1>, vector<16xi32>
      %swap3A_324 = arith.constant 0 : index
      %swap3A_325 = tpu.vector_load %arg11[%swap3A_324] {strides = array<i32>} : memref<128xi32, #tpu.memory_space<vmem>>, vector<16xi32>,
      %swap3A_326 = vector.shape_cast %swap3A_325 : vector<16xi32> to vector<16xi32>
      %swap3A_327 = vector.shape_cast %select_n3A : vector<16xi32> to vector<16xi32>
      tpu.vector_store %arg11[%swap3A_324], %swap3A_327 {strides = array<i32>} : memref<128xi32, #tpu.memory_space<vmem>>, vector<16xi32>,
      %get3A_328 = arith.constant 16 : index
      %get3A_329 = tpu.vector_load %arg7[%get3A_328] {strides = array<i32>} : memref<128xi32, #tpu.memory_space<vmem>>, vector<16xi32>,
      %get3A_330 = vector.shape_cast %get3A_329 : vector<16xi32> to vector<16xi32>
      %sub3A_331 = vector.broadcast %mul3A_264 : i32 to vector<16xi32>
      %sub3A_332 = arith.subi %get3A_330, %sub3A_331 : vector<16xi32>
      %add3A_333 = arith.constant 16 : i32
      %add3A_334 = arith.addi %add3A_303, %add3A_333 : i32
      %iota3A_335 = tpu.iota {dimensions = array<i32: 0>} : vector<16xi32>
      %add3A_336 = vector.broadcast %add3A_334 : i32 to vector<16xi32>
      %add3A_337 = arith.addi %add3A_336, %iota3A_335 : vector<16xi32>
      %ge3A_338 = arith.constant 0 : i32
      %ge3A_339 = vector.broadcast %ge3A_338 : i32 to vector<16xi32>
      %ge3A_340 = arith.cmpi sge, %sub3A_332, %ge3A_339 : vector<16xi32>
      %lt3A_341 = arith.constant 25000 : i32
      %lt3A_342 = vector.broadcast %lt3A_341 : i32 to vector<16xi32>
      %lt3A_343 = arith.cmpi slt, %sub3A_332, %lt3A_342 : vector<16xi32>
      %and3A_344 = arith.andi %ge3A_340, %lt3A_343 : vector<16xi1>
      %lt3A_345 = arith.constant 800000 : i32
      %lt3A_346 = vector.broadcast %lt3A_345 : i32 to vector<16xi32>
      %lt3A_347 = arith.cmpi slt, %add3A_337, %lt3A_346 : vector<16xi32>
      %and3A_348 = arith.andi %and3A_344, %lt3A_347 : vector<16xi1>
      %jit3A_349 = arith.constant 25024 : i32
      %broadcast_in_dim3A_350 = vector.broadcast %jit3A_349 : i32 to vector<16xi32>
      %select_n3A_351 = arith.select %and3A_348, %sub3A_332, %broadcast_in_dim3A_350 : vector<16xi1>, vector<16xi32>
      %swap3A_352 = arith.constant 16 : index
      %swap3A_353 = tpu.vector_load %arg11[%swap3A_352] {strides = array<i32>} : memref<128xi32, #tpu.memory_space<vmem>>, vector<16xi32>,
      %swap3A_354 = vector.shape_cast %swap3A_353 : vector<16xi32> to vector<16xi32>
      %swap3A_355 = vector.shape_cast %select_n3A_351 : vector<16xi32> to vector<16xi32>
      tpu.vector_store %arg11[%swap3A_352], %swap3A_355 {strides = array<i32>} : memref<128xi32, #tpu.memory_space<vmem>>, vector<16xi32>,
      %get3A_356 = arith.constant 32 : index
      %get3A_357 = tpu.vector_load %arg7[%get3A_356] {strides = array<i32>} : memref<128xi32, #tpu.memory_space<vmem>>, vector<16xi32>,
      %get3A_358 = vector.shape_cast %get3A_357 : vector<16xi32> to vector<16xi32>
      %sub3A_359 = vector.broadcast %mul3A_264 : i32 to vector<16xi32>
      %sub3A_360 = arith.subi %get3A_358, %sub3A_359 : vector<16xi32>
      %add3A_361 = arith.constant 32 : i32
      %add3A_362 = arith.addi %add3A_303, %add3A_361 : i32
      %iota3A_363 = tpu.iota {dimensions = array<i32: 0>} : vector<16xi32>
      %add3A_364 = vector.broadcast %add3A_362 : i32 to vector<16xi32>
      %add3A_365 = arith.addi %add3A_364, %iota3A_363 : vector<16xi32>
      %ge3A_366 = arith.constant 0 : i32
      %ge3A_367 = vector.broadcast %ge3A_366 : i32 to vector<16xi32>
      %ge3A_368 = arith.cmpi sge, %sub3A_360, %ge3A_367 : vector<16xi32>
      %lt3A_369 = arith.constant 25000 : i32
      %lt3A_370 = vector.broadcast %lt3A_369 : i32 to vector<16xi32>
      %lt3A_371 = arith.cmpi slt, %sub3A_360, %lt3A_370 : vector<16xi32>
      %and3A_372 = arith.andi %ge3A_368, %lt3A_371 : vector<16xi1>
      %lt3A_373 = arith.constant 800000 : i32
      %lt3A_374 = vector.broadcast %lt3A_373 : i32 to vector<16xi32>
      %lt3A_375 = arith.cmpi slt, %add3A_365, %lt3A_374 : vector<16xi32>
      %and3A_376 = arith.andi %and3A_372, %lt3A_375 : vector<16xi1>
      %jit3A_377 = arith.constant 25024 : i32
      %broadcast_in_dim3A_378 = vector.broadcast %jit3A_377 : i32 to vector<16xi32>
      %select_n3A_379 = arith.select %and3A_376, %sub3A_360, %broadcast_in_dim3A_378 : vector<16xi1>, vector<16xi32>
      %swap3A_380 = arith.constant 32 : index
      %swap3A_381 = tpu.vector_load %arg11[%swap3A_380] {strides = array<i32>} : memref<128xi32, #tpu.memory_space<vmem>>, vector<16xi32>,
      %swap3A_382 = vector.shape_cast %swap3A_381 : vector<16xi32> to vector<16xi32>
      %swap3A_383 = vector.shape_cast %select_n3A_379 : vector<16xi32> to vector<16xi32>
      tpu.vector_store %arg11[%swap3A_380], %swap3A_383 {strides = array<i32>} : memref<128xi32, #tpu.memory_space<vmem>>, vector<16xi32>,
      %get3A_384 = arith.constant 48 : index
      %get3A_385 = tpu.vector_load %arg7[%get3A_384] {strides = array<i32>} : memref<128xi32, #tpu.memory_space<vmem>>, vector<16xi32>,
      %get3A_386 = vector.shape_cast %get3A_385 : vector<16xi32> to vector<16xi32>
      %sub3A_387 = vector.broadcast %mul3A_264 : i32 to vector<16xi32>
      %sub3A_388 = arith.subi %get3A_386, %sub3A_387 : vector<16xi32>
      %add3A_389 = arith.constant 48 : i32
      %add3A_390 = arith.addi %add3A_303, %add3A_389 : i32
      %iota3A_391 = tpu.iota {dimensions = array<i32: 0>} : vector<16xi32>
      %add3A_392 = vector.broadcast %add3A_390 : i32 to vector<16xi32>
      %add3A_393 = arith.addi %add3A_392, %iota3A_391 : vector<16xi32>
      %ge3A_394 = arith.constant 0 : i32
      %ge3A_395 = vector.broadcast %ge3A_394 : i32 to vector<16xi32>
      %ge3A_396 = arith.cmpi sge, %sub3A_388, %ge3A_395 : vector<16xi32>
      %lt3A_397 = arith.constant 25000 : i32
      %lt3A_398 = vector.broadcast %lt3A_397 : i32 to vector<16xi32>
      %lt3A_399 = arith.cmpi slt, %sub3A_388, %lt3A_398 : vector<16xi32>
      %and3A_400 = arith.andi %ge3A_396, %lt3A_399 : vector<16xi1>
      %lt3A_401 = arith.constant 800000 : i32
      %lt3A_402 = vector.broadcast %lt3A_401 : i32 to vector<16xi32>
      %lt3A_403 = arith.cmpi slt, %add3A_393, %lt3A_402 : vector<16xi32>
      %and3A_404 = arith.andi %and3A_400, %lt3A_403 : vector<16xi1>
      %jit3A_405 = arith.constant 25024 : i32
      %broadcast_in_dim3A_406 = vector.broadcast %jit3A_405 : i32 to vector<16xi32>
      %select_n3A_407 = arith.select %and3A_404, %sub3A_388, %broadcast_in_dim3A_406 : vector<16xi1>, vector<16xi32>
      %swap3A_408 = arith.constant 48 : index
      %swap3A_409 = tpu.vector_load %arg11[%swap3A_408] {strides = array<i32>} : memref<128xi32, #tpu.memory_space<vmem>>, vector<16xi32>,
      %swap3A_410 = vector.shape_cast %swap3A_409 : vector<16xi32> to vector<16xi32>
      %swap3A_411 = vector.shape_cast %select_n3A_407 : vector<16xi32> to vector<16xi32>
      tpu.vector_store %arg11[%swap3A_408], %swap3A_411 {strides = array<i32>} : memref<128xi32, #tpu.memory_space<vmem>>, vector<16xi32>,
      %get3A_412 = arith.constant 64 : index
      %get3A_413 = tpu.vector_load %arg7[%get3A_412] {strides = array<i32>} : memref<128xi32, #tpu.memory_space<vmem>>, vector<16xi32>,
      %get3A_414 = vector.shape_cast %get3A_413 : vector<16xi32> to vector<16xi32>
      %sub3A_415 = vector.broadcast %mul3A_264 : i32 to vector<16xi32>
      %sub3A_416 = arith.subi %get3A_414, %sub3A_415 : vector<16xi32>
      %add3A_417 = arith.constant 64 : i32
      %add3A_418 = arith.addi %add3A_303, %add3A_417 : i32
      %iota3A_419 = tpu.iota {dimensions = array<i32: 0>} : vector<16xi32>
      %add3A_420 = vector.broadcast %add3A_418 : i32 to vector<16xi32>
      %add3A_421 = arith.addi %add3A_420, %iota3A_419 : vector<16xi32>
      %ge3A_422 = arith.constant 0 : i32
      %ge3A_423 = vector.broadcast %ge3A_422 : i32 to vector<16xi32>
      %ge3A_424 = arith.cmpi sge, %sub3A_416, %ge3A_423 : vector<16xi32>
      %lt3A_425 = arith.constant 25000 : i32
      %lt3A_426 = vector.broadcast %lt3A_425 : i32 to vector<16xi32>
      %lt3A_427 = arith.cmpi slt, %sub3A_416, %lt3A_426 : vector<16xi32>
      %and3A_428 = arith.andi %ge3A_424, %lt3A_427 : vector<16xi1>
      %lt3A_429 = arith.constant 800000 : i32
      %lt3A_430 = vector.broadcast %lt3A_429 : i32 to vector<16xi32>
      %lt3A_431 = arith.cmpi slt, %add3A_421, %lt3A_430 : vector<16xi32>
      %and3A_432 = arith.andi %and3A_428, %lt3A_431 : vector<16xi1>
      %jit3A_433 = arith.constant 25024 : i32
      %broadcast_in_dim3A_434 = vector.broadcast %jit3A_433 : i32 to vector<16xi32>
      %select_n3A_435 = arith.select %and3A_432, %sub3A_416, %broadcast_in_dim3A_434 : vector<16xi1>, vector<16xi32>
      %swap3A_436 = arith.constant 64 : index
      %swap3A_437 = tpu.vector_load %arg11[%swap3A_436] {strides = array<i32>} : memref<128xi32, #tpu.memory_space<vmem>>, vector<16xi32>,
      %swap3A_438 = vector.shape_cast %swap3A_437 : vector<16xi32> to vector<16xi32>
      %swap3A_439 = vector.shape_cast %select_n3A_435 : vector<16xi32> to vector<16xi32>
      tpu.vector_store %arg11[%swap3A_436], %swap3A_439 {strides = array<i32>} : memref<128xi32, #tpu.memory_space<vmem>>, vector<16xi32>,
      %get3A_440 = arith.constant 80 : index
      %get3A_441 = tpu.vector_load %arg7[%get3A_440] {strides = array<i32>} : memref<128xi32, #tpu.memory_space<vmem>>, vector<16xi32>,
      %get3A_442 = vector.shape_cast %get3A_441 : vector<16xi32> to vector<16xi32>
      %sub3A_443 = vector.broadcast %mul3A_264 : i32 to vector<16xi32>
      %sub3A_444 = arith.subi %get3A_442, %sub3A_443 : vector<16xi32>
      %add3A_445 = arith.constant 80 : i32
      %add3A_446 = arith.addi %add3A_303, %add3A_445 : i32
      %iota3A_447 = tpu.iota {dimensions = array<i32: 0>} : vector<16xi32>
      %add3A_448 = vector.broadcast %add3A_446 : i32 to vector<16xi32>
      %add3A_449 = arith.addi %add3A_448, %iota3A_447 : vector<16xi32>
      %ge3A_450 = arith.constant 0 : i32
      %ge3A_451 = vector.broadcast %ge3A_450 : i32 to vector<16xi32>
      %ge3A_452 = arith.cmpi sge, %sub3A_444, %ge3A_451 : vector<16xi32>
      %lt3A_453 = arith.constant 25000 : i32
      %lt3A_454 = vector.broadcast %lt3A_453 : i32 to vector<16xi32>
      %lt3A_455 = arith.cmpi slt, %sub3A_444, %lt3A_454 : vector<16xi32>
      %and3A_456 = arith.andi %ge3A_452, %lt3A_455 : vector<16xi1>
      %lt3A_457 = arith.constant 800000 : i32
      %lt3A_458 = vector.broadcast %lt3A_457 : i32 to vector<16xi32>
      %lt3A_459 = arith.cmpi slt, %add3A_449, %lt3A_458 : vector<16xi32>
      %and3A_460 = arith.andi %and3A_456, %lt3A_459 : vector<16xi1>
      %jit3A_461 = arith.constant 25024 : i32
      %broadcast_in_dim3A_462 = vector.broadcast %jit3A_461 : i32 to vector<16xi32>
      %select_n3A_463 = arith.select %and3A_460, %sub3A_444, %broadcast_in_dim3A_462 : vector<16xi1>, vector<16xi32>
      %swap3A_464 = arith.constant 80 : index
      %swap3A_465 = tpu.vector_load %arg11[%swap3A_464] {strides = array<i32>} : memref<128xi32, #tpu.memory_space<vmem>>, vector<16xi32>,
      %swap3A_466 = vector.shape_cast %swap3A_465 : vector<16xi32> to vector<16xi32>
      %swap3A_467 = vector.shape_cast %select_n3A_463 : vector<16xi32> to vector<16xi32>
      tpu.vector_store %arg11[%swap3A_464], %swap3A_467 {strides = array<i32>} : memref<128xi32, #tpu.memory_space<vmem>>, vector<16xi32>,
      %get3A_468 = arith.constant 96 : index
      %get3A_469 = tpu.vector_load %arg7[%get3A_468] {strides = array<i32>} : memref<128xi32, #tpu.memory_space<vmem>>, vector<16xi32>,
      %get3A_470 = vector.shape_cast %get3A_469 : vector<16xi32> to vector<16xi32>
      %sub3A_471 = vector.broadcast %mul3A_264 : i32 to vector<16xi32>
      %sub3A_472 = arith.subi %get3A_470, %sub3A_471 : vector<16xi32>
      %add3A_473 = arith.constant 96 : i32
      %add3A_474 = arith.addi %add3A_303, %add3A_473 : i32
      %iota3A_475 = tpu.iota {dimensions = array<i32: 0>} : vector<16xi32>
      %add3A_476 = vector.broadcast %add3A_474 : i32 to vector<16xi32>
      %add3A_477 = arith.addi %add3A_476, %iota3A_475 : vector<16xi32>
      %ge3A_478 = arith.constant 0 : i32
      %ge3A_479 = vector.broadcast %ge3A_478 : i32 to vector<16xi32>
      %ge3A_480 = arith.cmpi sge, %sub3A_472, %ge3A_479 : vector<16xi32>
      %lt3A_481 = arith.constant 25000 : i32
      %lt3A_482 = vector.broadcast %lt3A_481 : i32 to vector<16xi32>
      %lt3A_483 = arith.cmpi slt, %sub3A_472, %lt3A_482 : vector<16xi32>
      %and3A_484 = arith.andi %ge3A_480, %lt3A_483 : vector<16xi1>
      %lt3A_485 = arith.constant 800000 : i32
      %lt3A_486 = vector.broadcast %lt3A_485 : i32 to vector<16xi32>
      %lt3A_487 = arith.cmpi slt, %add3A_477, %lt3A_486 : vector<16xi32>
      %and3A_488 = arith.andi %and3A_484, %lt3A_487 : vector<16xi1>
      %jit3A_489 = arith.constant 25024 : i32
      %broadcast_in_dim3A_490 = vector.broadcast %jit3A_489 : i32 to vector<16xi32>
      %select_n3A_491 = arith.select %and3A_488, %sub3A_472, %broadcast_in_dim3A_490 : vector<16xi1>, vector<16xi32>
      %swap3A_492 = arith.constant 96 : index
      %swap3A_493 = tpu.vector_load %arg11[%swap3A_492] {strides = array<i32>} : memref<128xi32, #tpu.memory_space<vmem>>, vector<16xi32>,
      %swap3A_494 = vector.shape_cast %swap3A_493 : vector<16xi32> to vector<16xi32>
      %swap3A_495 = vector.shape_cast %select_n3A_491 : vector<16xi32> to vector<16xi32>
      tpu.vector_store %arg11[%swap3A_492], %swap3A_495 {strides = array<i32>} : memref<128xi32, #tpu.memory_space<vmem>>, vector<16xi32>,
      %get3A_496 = arith.constant 112 : index
      %get3A_497 = tpu.vector_load %arg7[%get3A_496] {strides = array<i32>} : memref<128xi32, #tpu.memory_space<vmem>>, vector<16xi32>,
      %get3A_498 = vector.shape_cast %get3A_497 : vector<16xi32> to vector<16xi32>
      %sub3A_499 = vector.broadcast %mul3A_264 : i32 to vector<16xi32>
      %sub3A_500 = arith.subi %get3A_498, %sub3A_499 : vector<16xi32>
      %add3A_501 = arith.constant 112 : i32
      %add3A_502 = arith.addi %add3A_303, %add3A_501 : i32
      %iota3A_503 = tpu.iota {dimensions = array<i32: 0>} : vector<16xi32>
      %add3A_504 = vector.broadcast %add3A_502 : i32 to vector<16xi32>
      %add3A_505 = arith.addi %add3A_504, %iota3A_503 : vector<16xi32>
      %ge3A_506 = arith.constant 0 : i32
      %ge3A_507 = vector.broadcast %ge3A_506 : i32 to vector<16xi32>
      %ge3A_508 = arith.cmpi sge, %sub3A_500, %ge3A_507 : vector<16xi32>
      %lt3A_509 = arith.constant 25000 : i32
      %lt3A_510 = vector.broadcast %lt3A_509 : i32 to vector<16xi32>
      %lt3A_511 = arith.cmpi slt, %sub3A_500, %lt3A_510 : vector<16xi32>
      %and3A_512 = arith.andi %ge3A_508, %lt3A_511 : vector<16xi1>
      %lt3A_513 = arith.constant 800000 : i32
      %lt3A_514 = vector.broadcast %lt3A_513 : i32 to vector<16xi32>
      %lt3A_515 = arith.cmpi slt, %add3A_505, %lt3A_514 : vector<16xi32>
      %and3A_516 = arith.andi %and3A_512, %lt3A_515 : vector<16xi1>
      %jit3A_517 = arith.constant 25024 : i32
      %broadcast_in_dim3A_518 = vector.broadcast %jit3A_517 : i32 to vector<16xi32>
      %select_n3A_519 = arith.select %and3A_516, %sub3A_500, %broadcast_in_dim3A_518 : vector<16xi1>, vector<16xi32>
      %swap3A_520 = arith.constant 112 : index
      %swap3A_521 = tpu.vector_load %arg11[%swap3A_520] {strides = array<i32>} : memref<128xi32, #tpu.memory_space<vmem>>, vector<16xi32>,
      %swap3A_522 = vector.shape_cast %swap3A_521 : vector<16xi32> to vector<16xi32>
      %swap3A_523 = vector.shape_cast %select_n3A_519 : vector<16xi32> to vector<16xi32>
      tpu.vector_store %arg11[%swap3A_520], %swap3A_523 {strides = array<i32>} : memref<128xi32, #tpu.memory_space<vmem>>, vector<16xi32>,
      %parallel_loop3A = arith.constant 0 : i32
      %parallel_loop3A_524 = arith.constant 128 : i32
      %parallel_loop3A_525 = arith.constant 1 : i32
      scf.for %parallel_loop3A_769 = %parallel_loop3A to %parallel_loop3A_524 step %parallel_loop3A_525  : i32 {
        %parallel_loop3A_770 = arith.index_cast %parallel_loop3A_769 : i32 to index
        %parallel_loop3A_771 = arith.constant 0 : index
        %parallel_loop3A_772 = tpu.vector_load %arg12[%parallel_loop3A_770, %parallel_loop3A_771] {strides = array<i32>} : memref<128x64xf32, #tpu.memory_space<vmem>>, vector<1x16xf32>,
        %parallel_loop3A_773 = vector.shape_cast %parallel_loop3A_772 : vector<1x16xf32> to vector<16xf32>
        %parallel_loop3A_774 = arith.index_cast %parallel_loop3A_769 : i32 to index
        %parallel_loop3A_775 = arith.constant 0 : index
        %parallel_loop3A_776 = tpu.vector_load %arg14[%parallel_loop3A_774, %parallel_loop3A_775] {strides = array<i32>} : memref<128x64xf32, #tpu.memory_space<vmem>>, vector<1x16xf32>,
        %parallel_loop3A_777 = vector.shape_cast %parallel_loop3A_776 : vector<1x16xf32> to vector<16xf32>
        %parallel_loop3A_778 = arith.mulf %parallel_loop3A_773, %parallel_loop3A_777 : vector<16xf32>
        %parallel_loop3A_779 = arith.index_cast %parallel_loop3A_769 : i32 to index
        %parallel_loop3A_780 = arith.constant 0 : index
        %parallel_loop3A_781 = tpu.vector_load %arg12[%parallel_loop3A_779, %parallel_loop3A_780] {strides = array<i32>} : memref<128x64xf32, #tpu.memory_space<vmem>>, vector<1x16xf32>,
        %parallel_loop3A_782 = vector.shape_cast %parallel_loop3A_781 : vector<1x16xf32> to vector<16xf32>
        %parallel_loop3A_783 = vector.shape_cast %parallel_loop3A_778 : vector<16xf32> to vector<1x16xf32>
        tpu.vector_store %arg12[%parallel_loop3A_779, %parallel_loop3A_780], %parallel_loop3A_783 {strides = array<i32>} : memref<128x64xf32, #tpu.memory_space<vmem>>, vector<1x16xf32>,
        %parallel_loop3A_784 = arith.index_cast %parallel_loop3A_769 : i32 to index
        %parallel_loop3A_785 = arith.constant 16 : index
        %parallel_loop3A_786 = tpu.vector_load %arg12[%parallel_loop3A_784, %parallel_loop3A_785] {strides = array<i32>} : memref<128x64xf32, #tpu.memory_space<vmem>>, vector<1x16xf32>,
        %parallel_loop3A_787 = vector.shape_cast %parallel_loop3A_786 : vector<1x16xf32> to vector<16xf32>
        %parallel_loop3A_788 = arith.index_cast %parallel_loop3A_769 : i32 to index
        %parallel_loop3A_789 = arith.constant 16 : index
        %parallel_loop3A_790 = tpu.vector_load %arg14[%parallel_loop3A_788, %parallel_loop3A_789] {strides = array<i32>} : memref<128x64xf32, #tpu.memory_space<vmem>>, vector<1x16xf32>,
        %parallel_loop3A_791 = vector.shape_cast %parallel_loop3A_790 : vector<1x16xf32> to vector<16xf32>
        %parallel_loop3A_792 = arith.mulf %parallel_loop3A_787, %parallel_loop3A_791 : vector<16xf32>
        %parallel_loop3A_793 = arith.index_cast %parallel_loop3A_769 : i32 to index
        %parallel_loop3A_794 = arith.constant 16 : index
        %parallel_loop3A_795 = tpu.vector_load %arg12[%parallel_loop3A_793, %parallel_loop3A_794] {strides = array<i32>} : memref<128x64xf32, #tpu.memory_space<vmem>>, vector<1x16xf32>,
        %parallel_loop3A_796 = vector.shape_cast %parallel_loop3A_795 : vector<1x16xf32> to vector<16xf32>
        %parallel_loop3A_797 = vector.shape_cast %parallel_loop3A_792 : vector<16xf32> to vector<1x16xf32>
        tpu.vector_store %arg12[%parallel_loop3A_793, %parallel_loop3A_794], %parallel_loop3A_797 {strides = array<i32>} : memref<128x64xf32, #tpu.memory_space<vmem>>, vector<1x16xf32>,
        %parallel_loop3A_798 = arith.index_cast %parallel_loop3A_769 : i32 to index
        %parallel_loop3A_799 = arith.constant 32 : index
        %parallel_loop3A_800 = tpu.vector_load %arg12[%parallel_loop3A_798, %parallel_loop3A_799] {strides = array<i32>} : memref<128x64xf32, #tpu.memory_space<vmem>>, vector<1x16xf32>,
        %parallel_loop3A_801 = vector.shape_cast %parallel_loop3A_800 : vector<1x16xf32> to vector<16xf32>
        %parallel_loop3A_802 = arith.index_cast %parallel_loop3A_769 : i32 to index
        %parallel_loop3A_803 = arith.constant 32 : index
        %parallel_loop3A_804 = tpu.vector_load %arg14[%parallel_loop3A_802, %parallel_loop3A_803] {strides = array<i32>} : memref<128x64xf32, #tpu.memory_space<vmem>>, vector<1x16xf32>,
        %parallel_loop3A_805 = vector.shape_cast %parallel_loop3A_804 : vector<1x16xf32> to vector<16xf32>
        %parallel_loop3A_806 = arith.mulf %parallel_loop3A_801, %parallel_loop3A_805 : vector<16xf32>
        %parallel_loop3A_807 = arith.index_cast %parallel_loop3A_769 : i32 to index
        %parallel_loop3A_808 = arith.constant 32 : index
        %parallel_loop3A_809 = tpu.vector_load %arg12[%parallel_loop3A_807, %parallel_loop3A_808] {strides = array<i32>} : memref<128x64xf32, #tpu.memory_space<vmem>>, vector<1x16xf32>,
        %parallel_loop3A_810 = vector.shape_cast %parallel_loop3A_809 : vector<1x16xf32> to vector<16xf32>
        %parallel_loop3A_811 = vector.shape_cast %parallel_loop3A_806 : vector<16xf32> to vector<1x16xf32>
        tpu.vector_store %arg12[%parallel_loop3A_807, %parallel_loop3A_808], %parallel_loop3A_811 {strides = array<i32>} : memref<128x64xf32, #tpu.memory_space<vmem>>, vector<1x16xf32>,
        %parallel_loop3A_812 = arith.index_cast %parallel_loop3A_769 : i32 to index
        %parallel_loop3A_813 = arith.constant 48 : index
        %parallel_loop3A_814 = tpu.vector_load %arg12[%parallel_loop3A_812, %parallel_loop3A_813] {strides = array<i32>} : memref<128x64xf32, #tpu.memory_space<vmem>>, vector<1x16xf32>,
        %parallel_loop3A_815 = vector.shape_cast %parallel_loop3A_814 : vector<1x16xf32> to vector<16xf32>
        %parallel_loop3A_816 = arith.index_cast %parallel_loop3A_769 : i32 to index
        %parallel_loop3A_817 = arith.constant 48 : index
        %parallel_loop3A_818 = tpu.vector_load %arg14[%parallel_loop3A_816, %parallel_loop3A_817] {strides = array<i32>} : memref<128x64xf32, #tpu.memory_space<vmem>>, vector<1x16xf32>,
        %parallel_loop3A_819 = vector.shape_cast %parallel_loop3A_818 : vector<1x16xf32> to vector<16xf32>
        %parallel_loop3A_820 = arith.mulf %parallel_loop3A_815, %parallel_loop3A_819 : vector<16xf32>
        %parallel_loop3A_821 = arith.index_cast %parallel_loop3A_769 : i32 to index
        %parallel_loop3A_822 = arith.constant 48 : index
        %parallel_loop3A_823 = tpu.vector_load %arg12[%parallel_loop3A_821, %parallel_loop3A_822] {strides = array<i32>} : memref<128x64xf32, #tpu.memory_space<vmem>>, vector<1x16xf32>,
        %parallel_loop3A_824 = vector.shape_cast %parallel_loop3A_823 : vector<1x16xf32> to vector<16xf32>
        %parallel_loop3A_825 = vector.shape_cast %parallel_loop3A_820 : vector<16xf32> to vector<1x16xf32>
        tpu.vector_store %arg12[%parallel_loop3A_821, %parallel_loop3A_822], %parallel_loop3A_825 {strides = array<i32>} : memref<128x64xf32, #tpu.memory_space<vmem>>, vector<1x16xf32>,
      } {sc.loop_unroll_factor = 4 : i64, sc.parallel_access}
      "tpu.region"() ({
        %run_scoped3A = tpu.sem_alloc : memref<!tpu.dma_semaphore, #tpu.memory_space<semaphore_mem>>
        %dma_start3A_769 = arith.constant 0 : i32
        %dma_start3A_770 = arith.constant 0 : i32
        %dma_start3A_771 = tpu.memref_slice %arg16[%dma_start3A_769, %dma_start3A_770] : memref<25088x64xf32, #tpu.memory_space<vmem_shared>> -> memref<25088x64xf32, #tpu.memory_space<vmem_shared>>
        tpu.enqueue_indirect_dma source(%arg12 : memref<128x64xf32, #tpu.memory_space<vmem>>) target(%dma_start3A_771 : memref<25088x64xf32, #tpu.memory_space<vmem_shared>>) offsets(%arg11 : memref<128xi32, #tpu.memory_space<vmem>>) semaphore(%run_scoped3A : memref<!tpu.dma_semaphore, #tpu.memory_space<semaphore_mem>>) {add = true}
        %dma_wait3A_772 = arith.constant 0 : i32
        %dma_wait3A_773 = arith.constant 0 : i32
        %dma_wait3A_774 = tpu.memref_slice %arg16[%dma_wait3A_772, %dma_wait3A_773] : memref<25088x64xf32, #tpu.memory_space<vmem_shared>> -> memref<25088x64xf32, #tpu.memory_space<vmem_shared>>
        tpu.wait_indirect_dma semaphore(%run_scoped3A : memref<!tpu.dma_semaphore, #tpu.memory_space<semaphore_mem>>) src(%arg12 : memref<128x64xf32, #tpu.memory_space<vmem>>) dst(%dma_wait3A_774 : memref<25088x64xf32, #tpu.memory_space<vmem_shared>>)
        tpu.yield
      }) : () -> ()
      %add3A_526 = arith.constant 2 : i32
      %add3A_527 = arith.addi %mul3A_292, %add3A_526 : i32
      %lt3A_528 = arith.constant 392 : i32
      %lt3A_529 = arith.cmpi slt, %add3A_527, %lt3A_528 : i32
      %convert_element_type3A_530 = arith.extui %lt3A_529 : i1 to i32
      %cond3A_531 = arith.constant 0 : i32
      %cond3A_532 = arith.cmpi ne, %convert_element_type3A_530, %cond3A_531 : i32
      scf.if %cond3A_532 {
        %add3A_769 = arith.constant 2 : i32
        %add3A_770 = arith.addi %mul3A_292, %add3A_769 : i32
        %mul3A_771 = arith.constant 128 : i32
        %mul3A_772 = arith.muli %add3A_770, %mul3A_771 : i32
        %add3A_773 = arith.addi %mul3A_262, %mul3A_772 : i32
        "tpu.region"() ({
          %run_scoped3A = tpu.sem_alloc : memref<!tpu.dma_semaphore, #tpu.memory_space<semaphore_mem>>
          %dma_start3A_777 = tpu.memref_slice %arg4[%add3A_773] : memref<802816xi32, #tpu.memory_space<hbm>> -> memref<128xi32, #tpu.memory_space<hbm>>
          %dma_start3A_778 = tpu.memref_slice %arg4[%add3A_773] : memref<802816xi32, #tpu.memory_space<hbm>> -> memref<128xi32, #tpu.memory_space<hbm>>
          tpu.enqueue_dma source(%dma_start3A_778 : memref<128xi32, #tpu.memory_space<hbm>>) target(%arg7 : memref<128xi32, #tpu.memory_space<vmem>>) target_semaphore(%run_scoped3A : memref<!tpu.dma_semaphore, #tpu.memory_space<semaphore_mem>>)
          %dma_wait3A_779 = tpu.memref_slice %arg4[%add3A_773] : memref<802816xi32, #tpu.memory_space<hbm>> -> memref<128xi32, #tpu.memory_space<hbm>>
          %dma_wait3A_780 = tpu.memref_slice %arg4[%add3A_773] : memref<802816xi32, #tpu.memory_space<hbm>> -> memref<128xi32, #tpu.memory_space<hbm>>
          tpu.wait_dma2 semaphore(%run_scoped3A : memref<!tpu.dma_semaphore, #tpu.memory_space<semaphore_mem>>) src(%dma_wait3A_780 : memref<128xi32, #tpu.memory_space<hbm>>) dst(%arg7 : memref<128xi32, #tpu.memory_space<vmem>>)
          tpu.yield
        }) : () -> ()
        "tpu.region"() ({
          %run_scoped3A = tpu.sem_alloc : memref<!tpu.dma_semaphore, #tpu.memory_space<semaphore_mem>>
          %dma_start3A_777 = tpu.memref_slice %arg5[%add3A_773] : memref<802816xi32, #tpu.memory_space<hbm>> -> memref<128xi32, #tpu.memory_space<hbm>>
          %dma_start3A_778 = tpu.memref_slice %arg5[%add3A_773] : memref<802816xi32, #tpu.memory_space<hbm>> -> memref<128xi32, #tpu.memory_space<hbm>>
          tpu.enqueue_dma source(%dma_start3A_778 : memref<128xi32, #tpu.memory_space<hbm>>) target(%arg9 : memref<128xi32, #tpu.memory_space<vmem>>) target_semaphore(%run_scoped3A : memref<!tpu.dma_semaphore, #tpu.memory_space<semaphore_mem>>)
          %dma_wait3A_779 = tpu.memref_slice %arg5[%add3A_773] : memref<802816xi32, #tpu.memory_space<hbm>> -> memref<128xi32, #tpu.memory_space<hbm>>
          %dma_wait3A_780 = tpu.memref_slice %arg5[%add3A_773] : memref<802816xi32, #tpu.memory_space<hbm>> -> memref<128xi32, #tpu.memory_space<hbm>>
          tpu.wait_dma2 semaphore(%run_scoped3A : memref<!tpu.dma_semaphore, #tpu.memory_space<semaphore_mem>>) src(%dma_wait3A_780 : memref<128xi32, #tpu.memory_space<hbm>>) dst(%arg9 : memref<128xi32, #tpu.memory_space<vmem>>)
          tpu.yield
        }) : () -> ()
        %dma_start3A_774 = arith.constant 0 : i32
        %dma_start3A_775 = arith.constant 0 : i32
        %dma_start3A_776 = tpu.memref_slice %arg2[%dma_start3A_774, %dma_start3A_775] : memref<50176x64xf32, #tpu.memory_space<hbm>> -> memref<50176x64xf32, #tpu.memory_space<hbm>>
        tpu.enqueue_indirect_dma source(%dma_start3A_776 : memref<50176x64xf32, #tpu.memory_space<hbm>>) target(%arg12 : memref<128x64xf32, #tpu.memory_space<vmem>>) offsets(%arg9 : memref<128xi32, #tpu.memory_space<vmem>>) semaphore(%arg17 : memref<!tpu.dma_semaphore, #tpu.memory_space<semaphore_mem>>)
      } else {
      }
      %add3A_533 = arith.constant 1 : i32
      %add3A_534 = arith.addi %mul3A_292, %add3A_533 : i32
      %mul3A_535 = arith.constant 128 : i32
      %mul3A_536 = arith.muli %add3A_534, %mul3A_535 : i32
      %add3A_537 = arith.addi %mul3A_262, %mul3A_536 : i32
      %dma_wait3A_538 = arith.constant 0 : i32
      %dma_wait3A_539 = arith.constant 0 : i32
      %dma_wait3A_540 = tpu.memref_slice %arg2[%dma_wait3A_538, %dma_wait3A_539] : memref<50176x64xf32, #tpu.memory_space<hbm>> -> memref<50176x64xf32, #tpu.memory_space<hbm>>
      tpu.wait_indirect_dma semaphore(%arg18 : memref<!tpu.dma_semaphore, #tpu.memory_space<semaphore_mem>>) src(%dma_wait3A_540 : memref<50176x64xf32, #tpu.memory_space<hbm>>) dst(%arg13 : memref<128x64xf32, #tpu.memory_space<vmem>>)
      "tpu.region"() ({
        %run_scoped3A = tpu.sem_alloc : memref<!tpu.dma_semaphore, #tpu.memory_space<semaphore_mem>>
        %dma_start3A_769 = arith.constant 0 : i32
        %dma_start3A_770 = tpu.memref_slice %arg3[%add3A_537, %dma_start3A_769] : memref<802816x64xf32, #tpu.memory_space<hbm>> -> memref<128x64xf32, #tpu.memory_space<hbm>>
        %dma_start3A_771 = arith.constant 0 : i32
        %dma_start3A_772 = tpu.memref_slice %arg3[%add3A_537, %dma_start3A_771] : memref<802816x64xf32, #tpu.memory_space<hbm>> -> memref<128x64xf32, #tpu.memory_space<hbm>>
        tpu.enqueue_dma source(%dma_start3A_772 : memref<128x64xf32, #tpu.memory_space<hbm>>) target(%arg14 : memref<128x64xf32, #tpu.memory_space<vmem>>) target_semaphore(%run_scoped3A : memref<!tpu.dma_semaphore, #tpu.memory_space<semaphore_mem>>)
        %dma_wait3A_773 = arith.constant 0 : i32
        %dma_wait3A_774 = tpu.memref_slice %arg3[%add3A_537, %dma_wait3A_773] : memref<802816x64xf32, #tpu.memory_space<hbm>> -> memref<128x64xf32, #tpu.memory_space<hbm>>
        %dma_wait3A_775 = arith.constant 0 : i32
        %dma_wait3A_776 = tpu.memref_slice %arg3[%add3A_537, %dma_wait3A_775] : memref<802816x64xf32, #tpu.memory_space<hbm>> -> memref<128x64xf32, #tpu.memory_space<hbm>>
        tpu.wait_dma2 semaphore(%run_scoped3A : memref<!tpu.dma_semaphore, #tpu.memory_space<semaphore_mem>>) src(%dma_wait3A_776 : memref<128x64xf32, #tpu.memory_space<hbm>>) dst(%arg14 : memref<128x64xf32, #tpu.memory_space<vmem>>)
        tpu.yield
      }) : () -> ()
      %get3A_541 = arith.constant 0 : index
      %get3A_542 = tpu.vector_load %arg8[%get3A_541] {strides = array<i32>} : memref<128xi32, #tpu.memory_space<vmem>>, vector<16xi32>,
      %get3A_543 = vector.shape_cast %get3A_542 : vector<16xi32> to vector<16xi32>
      %sub3A_544 = vector.broadcast %mul3A_264 : i32 to vector<16xi32>
      %sub3A_545 = arith.subi %get3A_543, %sub3A_544 : vector<16xi32>
      %add3A_546 = arith.constant 0 : i32
      %add3A_547 = arith.addi %add3A_537, %add3A_546 : i32
      %iota3A_548 = tpu.iota {dimensions = array<i32: 0>} : vector<16xi32>
      %add3A_549 = vector.broadcast %add3A_547 : i32 to vector<16xi32>
      %add3A_550 = arith.addi %add3A_549, %iota3A_548 : vector<16xi32>
      %ge3A_551 = arith.constant 0 : i32
      %ge3A_552 = vector.broadcast %ge3A_551 : i32 to vector<16xi32>
      %ge3A_553 = arith.cmpi sge, %sub3A_545, %ge3A_552 : vector<16xi32>
      %lt3A_554 = arith.constant 25000 : i32
      %lt3A_555 = vector.broadcast %lt3A_554 : i32 to vector<16xi32>
      %lt3A_556 = arith.cmpi slt, %sub3A_545, %lt3A_555 : vector<16xi32>
      %and3A_557 = arith.andi %ge3A_553, %lt3A_556 : vector<16xi1>
      %lt3A_558 = arith.constant 800000 : i32
      %lt3A_559 = vector.broadcast %lt3A_558 : i32 to vector<16xi32>
      %lt3A_560 = arith.cmpi slt, %add3A_550, %lt3A_559 : vector<16xi32>
      %and3A_561 = arith.andi %and3A_557, %lt3A_560 : vector<16xi1>
      %jit3A_562 = arith.constant 25024 : i32
      %broadcast_in_dim3A_563 = vector.broadcast %jit3A_562 : i32 to vector<16xi32>
      %select_n3A_564 = arith.select %and3A_561, %sub3A_545, %broadcast_in_dim3A_563 : vector<16xi1>, vector<16xi32>
      %swap3A_565 = arith.constant 0 : index
      %swap3A_566 = tpu.vector_load %arg11[%swap3A_565] {strides = array<i32>} : memref<128xi32, #tpu.memory_space<vmem>>, vector<16xi32>,
      %swap3A_567 = vector.shape_cast %swap3A_566 : vector<16xi32> to vector<16xi32>
      %swap3A_568 = vector.shape_cast %select_n3A_564 : vector<16xi32> to vector<16xi32>
      tpu.vector_store %arg11[%swap3A_565], %swap3A_568 {strides = array<i32>} : memref<128xi32, #tpu.memory_space<vmem>>, vector<16xi32>,
      %get3A_569 = arith.constant 16 : index
      %get3A_570 = tpu.vector_load %arg8[%get3A_569] {strides = array<i32>} : memref<128xi32, #tpu.memory_space<vmem>>, vector<16xi32>,
      %get3A_571 = vector.shape_cast %get3A_570 : vector<16xi32> to vector<16xi32>
      %sub3A_572 = vector.broadcast %mul3A_264 : i32 to vector<16xi32>
      %sub3A_573 = arith.subi %get3A_571, %sub3A_572 : vector<16xi32>
      %add3A_574 = arith.constant 16 : i32
      %add3A_575 = arith.addi %add3A_537, %add3A_574 : i32
      %iota3A_576 = tpu.iota {dimensions = array<i32: 0>} : vector<16xi32>
      %add3A_577 = vector.broadcast %add3A_575 : i32 to vector<16xi32>
      %add3A_578 = arith.addi %add3A_577, %iota3A_576 : vector<16xi32>
      %ge3A_579 = arith.constant 0 : i32
      %ge3A_580 = vector.broadcast %ge3A_579 : i32 to vector<16xi32>
      %ge3A_581 = arith.cmpi sge, %sub3A_573, %ge3A_580 : vector<16xi32>
      %lt3A_582 = arith.constant 25000 : i32
      %lt3A_583 = vector.broadcast %lt3A_582 : i32 to vector<16xi32>
      %lt3A_584 = arith.cmpi slt, %sub3A_573, %lt3A_583 : vector<16xi32>
      %and3A_585 = arith.andi %ge3A_581, %lt3A_584 : vector<16xi1>
      %lt3A_586 = arith.constant 800000 : i32
      %lt3A_587 = vector.broadcast %lt3A_586 : i32 to vector<16xi32>
      %lt3A_588 = arith.cmpi slt, %add3A_578, %lt3A_587 : vector<16xi32>
      %and3A_589 = arith.andi %and3A_585, %lt3A_588 : vector<16xi1>
      %jit3A_590 = arith.constant 25024 : i32
      %broadcast_in_dim3A_591 = vector.broadcast %jit3A_590 : i32 to vector<16xi32>
      %select_n3A_592 = arith.select %and3A_589, %sub3A_573, %broadcast_in_dim3A_591 : vector<16xi1>, vector<16xi32>
      %swap3A_593 = arith.constant 16 : index
      %swap3A_594 = tpu.vector_load %arg11[%swap3A_593] {strides = array<i32>} : memref<128xi32, #tpu.memory_space<vmem>>, vector<16xi32>,
      %swap3A_595 = vector.shape_cast %swap3A_594 : vector<16xi32> to vector<16xi32>
      %swap3A_596 = vector.shape_cast %select_n3A_592 : vector<16xi32> to vector<16xi32>
      tpu.vector_store %arg11[%swap3A_593], %swap3A_596 {strides = array<i32>} : memref<128xi32, #tpu.memory_space<vmem>>, vector<16xi32>,
      %get3A_597 = arith.constant 32 : index
      %get3A_598 = tpu.vector_load %arg8[%get3A_597] {strides = array<i32>} : memref<128xi32, #tpu.memory_space<vmem>>, vector<16xi32>,
      %get3A_599 = vector.shape_cast %get3A_598 : vector<16xi32> to vector<16xi32>
      %sub3A_600 = vector.broadcast %mul3A_264 : i32 to vector<16xi32>
      %sub3A_601 = arith.subi %get3A_599, %sub3A_600 : vector<16xi32>
      %add3A_602 = arith.constant 32 : i32
      %add3A_603 = arith.addi %add3A_537, %add3A_602 : i32
      %iota3A_604 = tpu.iota {dimensions = array<i32: 0>} : vector<16xi32>
      %add3A_605 = vector.broadcast %add3A_603 : i32 to vector<16xi32>
      %add3A_606 = arith.addi %add3A_605, %iota3A_604 : vector<16xi32>
      %ge3A_607 = arith.constant 0 : i32
      %ge3A_608 = vector.broadcast %ge3A_607 : i32 to vector<16xi32>
      %ge3A_609 = arith.cmpi sge, %sub3A_601, %ge3A_608 : vector<16xi32>
      %lt3A_610 = arith.constant 25000 : i32
      %lt3A_611 = vector.broadcast %lt3A_610 : i32 to vector<16xi32>
      %lt3A_612 = arith.cmpi slt, %sub3A_601, %lt3A_611 : vector<16xi32>
      %and3A_613 = arith.andi %ge3A_609, %lt3A_612 : vector<16xi1>
      %lt3A_614 = arith.constant 800000 : i32
      %lt3A_615 = vector.broadcast %lt3A_614 : i32 to vector<16xi32>
      %lt3A_616 = arith.cmpi slt, %add3A_606, %lt3A_615 : vector<16xi32>
      %and3A_617 = arith.andi %and3A_613, %lt3A_616 : vector<16xi1>
      %jit3A_618 = arith.constant 25024 : i32
      %broadcast_in_dim3A_619 = vector.broadcast %jit3A_618 : i32 to vector<16xi32>
      %select_n3A_620 = arith.select %and3A_617, %sub3A_601, %broadcast_in_dim3A_619 : vector<16xi1>, vector<16xi32>
      %swap3A_621 = arith.constant 32 : index
      %swap3A_622 = tpu.vector_load %arg11[%swap3A_621] {strides = array<i32>} : memref<128xi32, #tpu.memory_space<vmem>>, vector<16xi32>,
      %swap3A_623 = vector.shape_cast %swap3A_622 : vector<16xi32> to vector<16xi32>
      %swap3A_624 = vector.shape_cast %select_n3A_620 : vector<16xi32> to vector<16xi32>
      tpu.vector_store %arg11[%swap3A_621], %swap3A_624 {strides = array<i32>} : memref<128xi32, #tpu.memory_space<vmem>>, vector<16xi32>,
      %get3A_625 = arith.constant 48 : index
      %get3A_626 = tpu.vector_load %arg8[%get3A_625] {strides = array<i32>} : memref<128xi32, #tpu.memory_space<vmem>>, vector<16xi32>,
      %get3A_627 = vector.shape_cast %get3A_626 : vector<16xi32> to vector<16xi32>
      %sub3A_628 = vector.broadcast %mul3A_264 : i32 to vector<16xi32>
      %sub3A_629 = arith.subi %get3A_627, %sub3A_628 : vector<16xi32>
      %add3A_630 = arith.constant 48 : i32
      %add3A_631 = arith.addi %add3A_537, %add3A_630 : i32
      %iota3A_632 = tpu.iota {dimensions = array<i32: 0>} : vector<16xi32>
      %add3A_633 = vector.broadcast %add3A_631 : i32 to vector<16xi32>
      %add3A_634 = arith.addi %add3A_633, %iota3A_632 : vector<16xi32>
      %ge3A_635 = arith.constant 0 : i32
      %ge3A_636 = vector.broadcast %ge3A_635 : i32 to vector<16xi32>
      %ge3A_637 = arith.cmpi sge, %sub3A_629, %ge3A_636 : vector<16xi32>
      %lt3A_638 = arith.constant 25000 : i32
      %lt3A_639 = vector.broadcast %lt3A_638 : i32 to vector<16xi32>
      %lt3A_640 = arith.cmpi slt, %sub3A_629, %lt3A_639 : vector<16xi32>
      %and3A_641 = arith.andi %ge3A_637, %lt3A_640 : vector<16xi1>
      %lt3A_642 = arith.constant 800000 : i32
      %lt3A_643 = vector.broadcast %lt3A_642 : i32 to vector<16xi32>
      %lt3A_644 = arith.cmpi slt, %add3A_634, %lt3A_643 : vector<16xi32>
      %and3A_645 = arith.andi %and3A_641, %lt3A_644 : vector<16xi1>
      %jit3A_646 = arith.constant 25024 : i32
      %broadcast_in_dim3A_647 = vector.broadcast %jit3A_646 : i32 to vector<16xi32>
      %select_n3A_648 = arith.select %and3A_645, %sub3A_629, %broadcast_in_dim3A_647 : vector<16xi1>, vector<16xi32>
      %swap3A_649 = arith.constant 48 : index
      %swap3A_650 = tpu.vector_load %arg11[%swap3A_649] {strides = array<i32>} : memref<128xi32, #tpu.memory_space<vmem>>, vector<16xi32>,
      %swap3A_651 = vector.shape_cast %swap3A_650 : vector<16xi32> to vector<16xi32>
      %swap3A_652 = vector.shape_cast %select_n3A_648 : vector<16xi32> to vector<16xi32>
      tpu.vector_store %arg11[%swap3A_649], %swap3A_652 {strides = array<i32>} : memref<128xi32, #tpu.memory_space<vmem>>, vector<16xi32>,
      %get3A_653 = arith.constant 64 : index
      %get3A_654 = tpu.vector_load %arg8[%get3A_653] {strides = array<i32>} : memref<128xi32, #tpu.memory_space<vmem>>, vector<16xi32>,
      %get3A_655 = vector.shape_cast %get3A_654 : vector<16xi32> to vector<16xi32>
      %sub3A_656 = vector.broadcast %mul3A_264 : i32 to vector<16xi32>
      %sub3A_657 = arith.subi %get3A_655, %sub3A_656 : vector<16xi32>
      %add3A_658 = arith.constant 64 : i32
      %add3A_659 = arith.addi %add3A_537, %add3A_658 : i32
      %iota3A_660 = tpu.iota {dimensions = array<i32: 0>} : vector<16xi32>
      %add3A_661 = vector.broadcast %add3A_659 : i32 to vector<16xi32>
      %add3A_662 = arith.addi %add3A_661, %iota3A_660 : vector<16xi32>
      %ge3A_663 = arith.constant 0 : i32
      %ge3A_664 = vector.broadcast %ge3A_663 : i32 to vector<16xi32>
      %ge3A_665 = arith.cmpi sge, %sub3A_657, %ge3A_664 : vector<16xi32>
      %lt3A_666 = arith.constant 25000 : i32
      %lt3A_667 = vector.broadcast %lt3A_666 : i32 to vector<16xi32>
      %lt3A_668 = arith.cmpi slt, %sub3A_657, %lt3A_667 : vector<16xi32>
      %and3A_669 = arith.andi %ge3A_665, %lt3A_668 : vector<16xi1>
      %lt3A_670 = arith.constant 800000 : i32
      %lt3A_671 = vector.broadcast %lt3A_670 : i32 to vector<16xi32>
      %lt3A_672 = arith.cmpi slt, %add3A_662, %lt3A_671 : vector<16xi32>
      %and3A_673 = arith.andi %and3A_669, %lt3A_672 : vector<16xi1>
      %jit3A_674 = arith.constant 25024 : i32
      %broadcast_in_dim3A_675 = vector.broadcast %jit3A_674 : i32 to vector<16xi32>
      %select_n3A_676 = arith.select %and3A_673, %sub3A_657, %broadcast_in_dim3A_675 : vector<16xi1>, vector<16xi32>
      %swap3A_677 = arith.constant 64 : index
      %swap3A_678 = tpu.vector_load %arg11[%swap3A_677] {strides = array<i32>} : memref<128xi32, #tpu.memory_space<vmem>>, vector<16xi32>,
      %swap3A_679 = vector.shape_cast %swap3A_678 : vector<16xi32> to vector<16xi32>
      %swap3A_680 = vector.shape_cast %select_n3A_676 : vector<16xi32> to vector<16xi32>
      tpu.vector_store %arg11[%swap3A_677], %swap3A_680 {strides = array<i32>} : memref<128xi32, #tpu.memory_space<vmem>>, vector<16xi32>,
      %get3A_681 = arith.constant 80 : index
      %get3A_682 = tpu.vector_load %arg8[%get3A_681] {strides = array<i32>} : memref<128xi32, #tpu.memory_space<vmem>>, vector<16xi32>,
      %get3A_683 = vector.shape_cast %get3A_682 : vector<16xi32> to vector<16xi32>
      %sub3A_684 = vector.broadcast %mul3A_264 : i32 to vector<16xi32>
      %sub3A_685 = arith.subi %get3A_683, %sub3A_684 : vector<16xi32>
      %add3A_686 = arith.constant 80 : i32
      %add3A_687 = arith.addi %add3A_537, %add3A_686 : i32
      %iota3A_688 = tpu.iota {dimensions = array<i32: 0>} : vector<16xi32>
      %add3A_689 = vector.broadcast %add3A_687 : i32 to vector<16xi32>
      %add3A_690 = arith.addi %add3A_689, %iota3A_688 : vector<16xi32>
      %ge3A_691 = arith.constant 0 : i32
      %ge3A_692 = vector.broadcast %ge3A_691 : i32 to vector<16xi32>
      %ge3A_693 = arith.cmpi sge, %sub3A_685, %ge3A_692 : vector<16xi32>
      %lt3A_694 = arith.constant 25000 : i32
      %lt3A_695 = vector.broadcast %lt3A_694 : i32 to vector<16xi32>
      %lt3A_696 = arith.cmpi slt, %sub3A_685, %lt3A_695 : vector<16xi32>
      %and3A_697 = arith.andi %ge3A_693, %lt3A_696 : vector<16xi1>
      %lt3A_698 = arith.constant 800000 : i32
      %lt3A_699 = vector.broadcast %lt3A_698 : i32 to vector<16xi32>
      %lt3A_700 = arith.cmpi slt, %add3A_690, %lt3A_699 : vector<16xi32>
      %and3A_701 = arith.andi %and3A_697, %lt3A_700 : vector<16xi1>
      %jit3A_702 = arith.constant 25024 : i32
      %broadcast_in_dim3A_703 = vector.broadcast %jit3A_702 : i32 to vector<16xi32>
      %select_n3A_704 = arith.select %and3A_701, %sub3A_685, %broadcast_in_dim3A_703 : vector<16xi1>, vector<16xi32>
      %swap3A_705 = arith.constant 80 : index
      %swap3A_706 = tpu.vector_load %arg11[%swap3A_705] {strides = array<i32>} : memref<128xi32, #tpu.memory_space<vmem>>, vector<16xi32>,
      %swap3A_707 = vector.shape_cast %swap3A_706 : vector<16xi32> to vector<16xi32>
      %swap3A_708 = vector.shape_cast %select_n3A_704 : vector<16xi32> to vector<16xi32>
      tpu.vector_store %arg11[%swap3A_705], %swap3A_708 {strides = array<i32>} : memref<128xi32, #tpu.memory_space<vmem>>, vector<16xi32>,
      %get3A_709 = arith.constant 96 : index
      %get3A_710 = tpu.vector_load %arg8[%get3A_709] {strides = array<i32>} : memref<128xi32, #tpu.memory_space<vmem>>, vector<16xi32>,
      %get3A_711 = vector.shape_cast %get3A_710 : vector<16xi32> to vector<16xi32>
      %sub3A_712 = vector.broadcast %mul3A_264 : i32 to vector<16xi32>
      %sub3A_713 = arith.subi %get3A_711, %sub3A_712 : vector<16xi32>
      %add3A_714 = arith.constant 96 : i32
      %add3A_715 = arith.addi %add3A_537, %add3A_714 : i32
      %iota3A_716 = tpu.iota {dimensions = array<i32: 0>} : vector<16xi32>
      %add3A_717 = vector.broadcast %add3A_715 : i32 to vector<16xi32>
      %add3A_718 = arith.addi %add3A_717, %iota3A_716 : vector<16xi32>
      %ge3A_719 = arith.constant 0 : i32
      %ge3A_720 = vector.broadcast %ge3A_719 : i32 to vector<16xi32>
      %ge3A_721 = arith.cmpi sge, %sub3A_713, %ge3A_720 : vector<16xi32>
      %lt3A_722 = arith.constant 25000 : i32
      %lt3A_723 = vector.broadcast %lt3A_722 : i32 to vector<16xi32>
      %lt3A_724 = arith.cmpi slt, %sub3A_713, %lt3A_723 : vector<16xi32>
      %and3A_725 = arith.andi %ge3A_721, %lt3A_724 : vector<16xi1>
      %lt3A_726 = arith.constant 800000 : i32
      %lt3A_727 = vector.broadcast %lt3A_726 : i32 to vector<16xi32>
      %lt3A_728 = arith.cmpi slt, %add3A_718, %lt3A_727 : vector<16xi32>
      %and3A_729 = arith.andi %and3A_725, %lt3A_728 : vector<16xi1>
      %jit3A_730 = arith.constant 25024 : i32
      %broadcast_in_dim3A_731 = vector.broadcast %jit3A_730 : i32 to vector<16xi32>
      %select_n3A_732 = arith.select %and3A_729, %sub3A_713, %broadcast_in_dim3A_731 : vector<16xi1>, vector<16xi32>
      %swap3A_733 = arith.constant 96 : index
      %swap3A_734 = tpu.vector_load %arg11[%swap3A_733] {strides = array<i32>} : memref<128xi32, #tpu.memory_space<vmem>>, vector<16xi32>,
      %swap3A_735 = vector.shape_cast %swap3A_734 : vector<16xi32> to vector<16xi32>
      %swap3A_736 = vector.shape_cast %select_n3A_732 : vector<16xi32> to vector<16xi32>
      tpu.vector_store %arg11[%swap3A_733], %swap3A_736 {strides = array<i32>} : memref<128xi32, #tpu.memory_space<vmem>>, vector<16xi32>,
      %get3A_737 = arith.constant 112 : index
      %get3A_738 = tpu.vector_load %arg8[%get3A_737] {strides = array<i32>} : memref<128xi32, #tpu.memory_space<vmem>>, vector<16xi32>,
      %get3A_739 = vector.shape_cast %get3A_738 : vector<16xi32> to vector<16xi32>
      %sub3A_740 = vector.broadcast %mul3A_264 : i32 to vector<16xi32>
      %sub3A_741 = arith.subi %get3A_739, %sub3A_740 : vector<16xi32>
      %add3A_742 = arith.constant 112 : i32
      %add3A_743 = arith.addi %add3A_537, %add3A_742 : i32
      %iota3A_744 = tpu.iota {dimensions = array<i32: 0>} : vector<16xi32>
      %add3A_745 = vector.broadcast %add3A_743 : i32 to vector<16xi32>
      %add3A_746 = arith.addi %add3A_745, %iota3A_744 : vector<16xi32>
      %ge3A_747 = arith.constant 0 : i32
      %ge3A_748 = vector.broadcast %ge3A_747 : i32 to vector<16xi32>
      %ge3A_749 = arith.cmpi sge, %sub3A_741, %ge3A_748 : vector<16xi32>
      %lt3A_750 = arith.constant 25000 : i32
      %lt3A_751 = vector.broadcast %lt3A_750 : i32 to vector<16xi32>
      %lt3A_752 = arith.cmpi slt, %sub3A_741, %lt3A_751 : vector<16xi32>
      %and3A_753 = arith.andi %ge3A_749, %lt3A_752 : vector<16xi1>
      %lt3A_754 = arith.constant 800000 : i32
      %lt3A_755 = vector.broadcast %lt3A_754 : i32 to vector<16xi32>
      %lt3A_756 = arith.cmpi slt, %add3A_746, %lt3A_755 : vector<16xi32>
      %and3A_757 = arith.andi %and3A_753, %lt3A_756 : vector<16xi1>
      %jit3A_758 = arith.constant 25024 : i32
      %broadcast_in_dim3A_759 = vector.broadcast %jit3A_758 : i32 to vector<16xi32>
      %select_n3A_760 = arith.select %and3A_757, %sub3A_741, %broadcast_in_dim3A_759 : vector<16xi1>, vector<16xi32>
      %swap3A_761 = arith.constant 112 : index
      %swap3A_762 = tpu.vector_load %arg11[%swap3A_761] {strides = array<i32>} : memref<128xi32, #tpu.memory_space<vmem>>, vector<16xi32>,
      %swap3A_763 = vector.shape_cast %swap3A_762 : vector<16xi32> to vector<16xi32>
      %swap3A_764 = vector.shape_cast %select_n3A_760 : vector<16xi32> to vector<16xi32>
      tpu.vector_store %arg11[%swap3A_761], %swap3A_764 {strides = array<i32>} : memref<128xi32, #tpu.memory_space<vmem>>, vector<16xi32>,
      %parallel_loop3A_765 = arith.constant 0 : i32
      %parallel_loop3A_766 = arith.constant 128 : i32
      %parallel_loop3A_767 = arith.constant 1 : i32
      scf.for %parallel_loop3A_769 = %parallel_loop3A_765 to %parallel_loop3A_766 step %parallel_loop3A_767  : i32 {
        %parallel_loop3A_770 = arith.index_cast %parallel_loop3A_769 : i32 to index
        %parallel_loop3A_771 = arith.constant 0 : index
        %parallel_loop3A_772 = tpu.vector_load %arg13[%parallel_loop3A_770, %parallel_loop3A_771] {strides = array<i32>} : memref<128x64xf32, #tpu.memory_space<vmem>>, vector<1x16xf32>,
        %parallel_loop3A_773 = vector.shape_cast %parallel_loop3A_772 : vector<1x16xf32> to vector<16xf32>
        %parallel_loop3A_774 = arith.index_cast %parallel_loop3A_769 : i32 to index
        %parallel_loop3A_775 = arith.constant 0 : index
        %parallel_loop3A_776 = tpu.vector_load %arg14[%parallel_loop3A_774, %parallel_loop3A_775] {strides = array<i32>} : memref<128x64xf32, #tpu.memory_space<vmem>>, vector<1x16xf32>,
        %parallel_loop3A_777 = vector.shape_cast %parallel_loop3A_776 : vector<1x16xf32> to vector<16xf32>
        %parallel_loop3A_778 = arith.mulf %parallel_loop3A_773, %parallel_loop3A_777 : vector<16xf32>
        %parallel_loop3A_779 = arith.index_cast %parallel_loop3A_769 : i32 to index
        %parallel_loop3A_780 = arith.constant 0 : index
        %parallel_loop3A_781 = tpu.vector_load %arg13[%parallel_loop3A_779, %parallel_loop3A_780] {strides = array<i32>} : memref<128x64xf32, #tpu.memory_space<vmem>>, vector<1x16xf32>,
        %parallel_loop3A_782 = vector.shape_cast %parallel_loop3A_781 : vector<1x16xf32> to vector<16xf32>
        %parallel_loop3A_783 = vector.shape_cast %parallel_loop3A_778 : vector<16xf32> to vector<1x16xf32>
        tpu.vector_store %arg13[%parallel_loop3A_779, %parallel_loop3A_780], %parallel_loop3A_783 {strides = array<i32>} : memref<128x64xf32, #tpu.memory_space<vmem>>, vector<1x16xf32>,
        %parallel_loop3A_784 = arith.index_cast %parallel_loop3A_769 : i32 to index
        %parallel_loop3A_785 = arith.constant 16 : index
        %parallel_loop3A_786 = tpu.vector_load %arg13[%parallel_loop3A_784, %parallel_loop3A_785] {strides = array<i32>} : memref<128x64xf32, #tpu.memory_space<vmem>>, vector<1x16xf32>,
        %parallel_loop3A_787 = vector.shape_cast %parallel_loop3A_786 : vector<1x16xf32> to vector<16xf32>
        %parallel_loop3A_788 = arith.index_cast %parallel_loop3A_769 : i32 to index
        %parallel_loop3A_789 = arith.constant 16 : index
        %parallel_loop3A_790 = tpu.vector_load %arg14[%parallel_loop3A_788, %parallel_loop3A_789] {strides = array<i32>} : memref<128x64xf32, #tpu.memory_space<vmem>>, vector<1x16xf32>,
        %parallel_loop3A_791 = vector.shape_cast %parallel_loop3A_790 : vector<1x16xf32> to vector<16xf32>
        %parallel_loop3A_792 = arith.mulf %parallel_loop3A_787, %parallel_loop3A_791 : vector<16xf32>
        %parallel_loop3A_793 = arith.index_cast %parallel_loop3A_769 : i32 to index
        %parallel_loop3A_794 = arith.constant 16 : index
        %parallel_loop3A_795 = tpu.vector_load %arg13[%parallel_loop3A_793, %parallel_loop3A_794] {strides = array<i32>} : memref<128x64xf32, #tpu.memory_space<vmem>>, vector<1x16xf32>,
        %parallel_loop3A_796 = vector.shape_cast %parallel_loop3A_795 : vector<1x16xf32> to vector<16xf32>
        %parallel_loop3A_797 = vector.shape_cast %parallel_loop3A_792 : vector<16xf32> to vector<1x16xf32>
        tpu.vector_store %arg13[%parallel_loop3A_793, %parallel_loop3A_794], %parallel_loop3A_797 {strides = array<i32>} : memref<128x64xf32, #tpu.memory_space<vmem>>, vector<1x16xf32>,
        %parallel_loop3A_798 = arith.index_cast %parallel_loop3A_769 : i32 to index
        %parallel_loop3A_799 = arith.constant 32 : index
        %parallel_loop3A_800 = tpu.vector_load %arg13[%parallel_loop3A_798, %parallel_loop3A_799] {strides = array<i32>} : memref<128x64xf32, #tpu.memory_space<vmem>>, vector<1x16xf32>,
        %parallel_loop3A_801 = vector.shape_cast %parallel_loop3A_800 : vector<1x16xf32> to vector<16xf32>
        %parallel_loop3A_802 = arith.index_cast %parallel_loop3A_769 : i32 to index
        %parallel_loop3A_803 = arith.constant 32 : index
        %parallel_loop3A_804 = tpu.vector_load %arg14[%parallel_loop3A_802, %parallel_loop3A_803] {strides = array<i32>} : memref<128x64xf32, #tpu.memory_space<vmem>>, vector<1x16xf32>,
        %parallel_loop3A_805 = vector.shape_cast %parallel_loop3A_804 : vector<1x16xf32> to vector<16xf32>
        %parallel_loop3A_806 = arith.mulf %parallel_loop3A_801, %parallel_loop3A_805 : vector<16xf32>
        %parallel_loop3A_807 = arith.index_cast %parallel_loop3A_769 : i32 to index
        %parallel_loop3A_808 = arith.constant 32 : index
        %parallel_loop3A_809 = tpu.vector_load %arg13[%parallel_loop3A_807, %parallel_loop3A_808] {strides = array<i32>} : memref<128x64xf32, #tpu.memory_space<vmem>>, vector<1x16xf32>,
        %parallel_loop3A_810 = vector.shape_cast %parallel_loop3A_809 : vector<1x16xf32> to vector<16xf32>
        %parallel_loop3A_811 = vector.shape_cast %parallel_loop3A_806 : vector<16xf32> to vector<1x16xf32>
        tpu.vector_store %arg13[%parallel_loop3A_807, %parallel_loop3A_808], %parallel_loop3A_811 {strides = array<i32>} : memref<128x64xf32, #tpu.memory_space<vmem>>, vector<1x16xf32>,
        %parallel_loop3A_812 = arith.index_cast %parallel_loop3A_769 : i32 to index
        %parallel_loop3A_813 = arith.constant 48 : index
        %parallel_loop3A_814 = tpu.vector_load %arg13[%parallel_loop3A_812, %parallel_loop3A_813] {strides = array<i32>} : memref<128x64xf32, #tpu.memory_space<vmem>>, vector<1x16xf32>,
        %parallel_loop3A_815 = vector.shape_cast %parallel_loop3A_814 : vector<1x16xf32> to vector<16xf32>
        %parallel_loop3A_816 = arith.index_cast %parallel_loop3A_769 : i32 to index
        %parallel_loop3A_817 = arith.constant 48 : index
        %parallel_loop3A_818 = tpu.vector_load %arg14[%parallel_loop3A_816, %parallel_loop3A_817] {strides = array<i32>} : memref<128x64xf32, #tpu.memory_space<vmem>>, vector<1x16xf32>,
        %parallel_loop3A_819 = vector.shape_cast %parallel_loop3A_818 : vector<1x16xf32> to vector<16xf32>
        %parallel_loop3A_820 = arith.mulf %parallel_loop3A_815, %parallel_loop3A_819 : vector<16xf32>
        %parallel_loop3A_821 = arith.index_cast %parallel_loop3A_769 : i32 to index
        %parallel_loop3A_822 = arith.constant 48 : index
        %parallel_loop3A_823 = tpu.vector_load %arg13[%parallel_loop3A_821, %parallel_loop3A_822] {strides = array<i32>} : memref<128x64xf32, #tpu.memory_space<vmem>>, vector<1x16xf32>,
        %parallel_loop3A_824 = vector.shape_cast %parallel_loop3A_823 : vector<1x16xf32> to vector<16xf32>
        %parallel_loop3A_825 = vector.shape_cast %parallel_loop3A_820 : vector<16xf32> to vector<1x16xf32>
        tpu.vector_store %arg13[%parallel_loop3A_821, %parallel_loop3A_822], %parallel_loop3A_825 {strides = array<i32>} : memref<128x64xf32, #tpu.memory_space<vmem>>, vector<1x16xf32>,
      } {sc.loop_unroll_factor = 4 : i64, sc.parallel_access}
      "tpu.region"() ({
        %run_scoped3A = tpu.sem_alloc : memref<!tpu.dma_semaphore, #tpu.memory_space<semaphore_mem>>
        %dma_start3A_769 = arith.constant 0 : i32
        %dma_start3A_770 = arith.constant 0 : i32
        %dma_start3A_771 = tpu.memref_slice %arg16[%dma_start3A_769, %dma_start3A_770] : memref<25088x64xf32, #tpu.memory_space<vmem_shared>> -> memref<25088x64xf32, #tpu.memory_space<vmem_shared>>
        tpu.enqueue_indirect_dma source(%arg13 : memref<128x64xf32, #tpu.memory_space<vmem>>) target(%dma_start3A_771 : memref<25088x64xf32, #tpu.memory_space<vmem_shared>>) offsets(%arg11 : memref<128xi32, #tpu.memory_space<vmem>>) semaphore(%run_scoped3A : memref<!tpu.dma_semaphore, #tpu.memory_space<semaphore_mem>>) {add = true}
        %dma_wait3A_772 = arith.constant 0 : i32
        %dma_wait3A_773 = arith.constant 0 : i32
        %dma_wait3A_774 = tpu.memref_slice %arg16[%dma_wait3A_772, %dma_wait3A_773] : memref<25088x64xf32, #tpu.memory_space<vmem_shared>> -> memref<25088x64xf32, #tpu.memory_space<vmem_shared>>
        tpu.wait_indirect_dma semaphore(%run_scoped3A : memref<!tpu.dma_semaphore, #tpu.memory_space<semaphore_mem>>) src(%arg13 : memref<128x64xf32, #tpu.memory_space<vmem>>) dst(%dma_wait3A_774 : memref<25088x64xf32, #tpu.memory_space<vmem_shared>>)
        tpu.yield
      }) : () -> ()
      %scan3A_768 = arith.constant 0 : i32
      scf.yield %scan3A_768 : i32
    }
    %scan3A_274 = arith.constant 196 : i32
    %barrier3A_275 = arith.constant 0 : index
    tpu.barrier barrier_id(%barrier3A_275)
    %lt3A = arith.constant 15 : i32
    %lt3A_276 = arith.cmpi slt, %arg1, %lt3A : i32
    %convert_element_type3A = arith.extui %lt3A_276 : i1 to i32
    %cond3A = arith.constant 0 : i32
    %cond3A_277 = arith.cmpi ne, %convert_element_type3A, %cond3A : i32
    scf.if %cond3A_277 {
      %mul3A_289 = arith.constant 1568 : i32
      %mul3A_290 = arith.muli %arg1, %mul3A_289 : i32
      %add3A_291 = arith.addi %mul3A_264, %mul3A_290 : i32
      "tpu.region"() ({
        %run_scoped3A = tpu.sem_alloc : memref<!tpu.dma_semaphore, #tpu.memory_space<semaphore_mem>>
        %dma_start3A_292 = arith.constant 0 : i32
        %dma_start3A_293 = tpu.memref_slice %arg6[%add3A_291, %dma_start3A_292] : memref<50176x64xf32, #tpu.memory_space<hbm>> -> memref<1568x64xf32, #tpu.memory_space<hbm>>
        %dma_start3A_294 = arith.constant 0 : i32
        %dma_start3A_295 = tpu.memref_slice %arg16[%mul3A_290, %dma_start3A_294] : memref<25088x64xf32, #tpu.memory_space<vmem_shared>> -> memref<1568x64xf32, #tpu.memory_space<vmem_shared>>
        tpu.enqueue_dma source(%dma_start3A_295 : memref<1568x64xf32, #tpu.memory_space<vmem_shared>>) target(%dma_start3A_293 : memref<1568x64xf32, #tpu.memory_space<hbm>>) target_semaphore(%run_scoped3A : memref<!tpu.dma_semaphore, #tpu.memory_space<semaphore_mem>>)
        %dma_wait3A = arith.constant 0 : i32
        %dma_wait3A_296 = tpu.memref_slice %arg6[%add3A_291, %dma_wait3A] : memref<50176x64xf32, #tpu.memory_space<hbm>> -> memref<1568x64xf32, #tpu.memory_space<hbm>>
        %dma_wait3A_297 = arith.constant 0 : i32
        %dma_wait3A_298 = tpu.memref_slice %arg16[%mul3A_290, %dma_wait3A_297] : memref<25088x64xf32, #tpu.memory_space<vmem_shared>> -> memref<1568x64xf32, #tpu.memory_space<vmem_shared>>
        tpu.wait_dma2 semaphore(%run_scoped3A : memref<!tpu.dma_semaphore, #tpu.memory_space<semaphore_mem>>) src(%dma_wait3A_298 : memref<1568x64xf32, #tpu.memory_space<vmem_shared>>) dst(%dma_wait3A_296 : memref<1568x64xf32, #tpu.memory_space<hbm>>)
        tpu.yield
      }) : () -> ()
    } else {
    }
    %eq3A = arith.constant 15 : i32
    %eq3A_278 = arith.cmpi eq, %arg1, %eq3A : i32
    %convert_element_type3A_279 = arith.extui %eq3A_278 : i1 to i32
    %cond3A_280 = arith.constant 0 : i32
    %cond3A_281 = arith.cmpi ne, %convert_element_type3A_279, %cond3A_280 : i32
    scf.if %cond3A_281 {
      %add3A_289 = arith.constant 23520 : i32
      %add3A_290 = arith.addi %mul3A_264, %add3A_289 : i32
      "tpu.region"() ({
        %run_scoped3A = tpu.sem_alloc : memref<!tpu.dma_semaphore, #tpu.memory_space<semaphore_mem>>
        %dma_start3A_291 = arith.constant 0 : i32
        %dma_start3A_292 = tpu.memref_slice %arg6[%add3A_290, %dma_start3A_291] : memref<50176x64xf32, #tpu.memory_space<hbm>> -> memref<1480x64xf32, #tpu.memory_space<hbm>>
        %dma_start3A_293 = arith.constant 23520 : i32
        %dma_start3A_294 = arith.constant 0 : i32
        %dma_start3A_295 = tpu.memref_slice %arg16[%dma_start3A_293, %dma_start3A_294] : memref<25088x64xf32, #tpu.memory_space<vmem_shared>> -> memref<1480x64xf32, #tpu.memory_space<vmem_shared>>
        tpu.enqueue_dma source(%dma_start3A_295 : memref<1480x64xf32, #tpu.memory_space<vmem_shared>>) target(%dma_start3A_292 : memref<1480x64xf32, #tpu.memory_space<hbm>>) target_semaphore(%run_scoped3A : memref<!tpu.dma_semaphore, #tpu.memory_space<semaphore_mem>>)
        %dma_wait3A = arith.constant 0 : i32
        %dma_wait3A_296 = tpu.memref_slice %arg6[%add3A_290, %dma_wait3A] : memref<50176x64xf32, #tpu.memory_space<hbm>> -> memref<1480x64xf32, #tpu.memory_space<hbm>>
        %dma_wait3A_297 = arith.constant 23520 : i32
        %dma_wait3A_298 = arith.constant 0 : i32
        %dma_wait3A_299 = tpu.memref_slice %arg16[%dma_wait3A_297, %dma_wait3A_298] : memref<25088x64xf32, #tpu.memory_space<vmem_shared>> -> memref<1480x64xf32, #tpu.memory_space<vmem_shared>>
        tpu.wait_dma2 semaphore(%run_scoped3A : memref<!tpu.dma_semaphore, #tpu.memory_space<semaphore_mem>>) src(%dma_wait3A_299 : memref<1480x64xf32, #tpu.memory_space<vmem_shared>>) dst(%dma_wait3A_296 : memref<1480x64xf32, #tpu.memory_space<hbm>>)
        tpu.yield
      }) : () -> ()
    } else {
    }
    %eq3A_282 = arith.constant 1 : i32
    %eq3A_283 = arith.cmpi eq, %arg0, %eq3A_282 : i32
    %eq3A_284 = arith.constant 15 : i32
    %eq3A_285 = arith.cmpi eq, %arg1, %eq3A_284 : i32
    %and3A = arith.andi %eq3A_283, %eq3A_285 : i1
    %convert_element_type3A_286 = arith.extui %and3A : i1 to i32
    %cond3A_287 = arith.constant 0 : i32
    %cond3A_288 = arith.cmpi ne, %convert_element_type3A_286, %cond3A_287 : i32
    scf.if %cond3A_288 {
      %scan3A_289 = arith.constant 0 : i32
      %scan3A_290 = arith.constant 0 : i32
      %scan3A_291 = arith.constant 22 : i32
      %scan3A_292 = arith.addi %scan3A_290, %scan3A_291 : i32
      %scan3A_293 = arith.constant 1 : i32
      %scan3A_294 = scf.for %scan3A_296 = %scan3A_290 to %scan3A_292 step %scan3A_293 iter_args(%scan3A_297 = %scan3A_289) -> (i32)  : i32 {
        %mul3A_298 = arith.constant 8 : i32
        %mul3A_299 = arith.muli %scan3A_296, %mul3A_298 : i32
        %add3A_300 = arith.constant 50000 : i32
        %add3A_301 = arith.addi %add3A_300, %mul3A_299 : i32
        "tpu.region"() ({
          %run_scoped3A = tpu.sem_alloc : memref<!tpu.dma_semaphore, #tpu.memory_space<semaphore_mem>>
          %dma_start3A_303 = arith.constant 0 : i32
          %dma_start3A_304 = tpu.memref_slice %arg6[%add3A_301, %dma_start3A_303] : memref<50176x64xf32, #tpu.memory_space<hbm>> -> memref<8x64xf32, #tpu.memory_space<hbm>>
          %dma_start3A_305 = arith.constant 0 : i32
          %dma_start3A_306 = tpu.memref_slice %arg6[%add3A_301, %dma_start3A_305] : memref<50176x64xf32, #tpu.memory_space<hbm>> -> memref<8x64xf32, #tpu.memory_space<hbm>>
          tpu.enqueue_dma source(%arg15 : memref<8x64xf32, #tpu.memory_space<vmem>>) target(%dma_start3A_306 : memref<8x64xf32, #tpu.memory_space<hbm>>) target_semaphore(%run_scoped3A : memref<!tpu.dma_semaphore, #tpu.memory_space<semaphore_mem>>)
          %dma_wait3A = arith.constant 0 : i32
          %dma_wait3A_307 = tpu.memref_slice %arg6[%add3A_301, %dma_wait3A] : memref<50176x64xf32, #tpu.memory_space<hbm>> -> memref<8x64xf32, #tpu.memory_space<hbm>>
          %dma_wait3A_308 = arith.constant 0 : i32
          %dma_wait3A_309 = tpu.memref_slice %arg6[%add3A_301, %dma_wait3A_308] : memref<50176x64xf32, #tpu.memory_space<hbm>> -> memref<8x64xf32, #tpu.memory_space<hbm>>
          tpu.wait_dma2 semaphore(%run_scoped3A : memref<!tpu.dma_semaphore, #tpu.memory_space<semaphore_mem>>) src(%arg15 : memref<8x64xf32, #tpu.memory_space<vmem>>) dst(%dma_wait3A_309 : memref<8x64xf32, #tpu.memory_space<hbm>>)
          tpu.yield
        }) : () -> ()
        %scan3A_302 = arith.constant 0 : i32
        scf.yield %scan3A_302 : i32
      }
      %scan3A_295 = arith.constant 22 : i32
    } else {
    }
    return
  }
}

#map = affine_map<(d0, d1) -> (0, 0)>
#map1 = affine_map<(d0, d1) -> (0)>
module attributes {stable_mosaic.version = 14 : i64} {
  func.func @_k3_conv(%arg0: i32, %arg1: i32, %arg2: memref<50176x64xf32, #tpu.memory_space<hbm>>, %arg3: memref<802816x64xf32, #tpu.memory_space<hbm>>, %arg4: memref<802816xi32, #tpu.memory_space<hbm>>, %arg5: memref<802816xi32, #tpu.memory_space<hbm>>, %arg6: memref<50176x64xf32, #tpu.memory_space<hbm>>, %arg7: memref<128xi32, #tpu.memory_space<vmem>>, %arg8: memref<128xi32, #tpu.memory_space<vmem>>, %arg9: memref<128xi32, #tpu.memory_space<vmem>>, %arg10: memref<128xi32, #tpu.memory_space<vmem>>, %arg11: memref<128xi32, #tpu.memory_space<vmem>>, %arg12: memref<128x64xf32, #tpu.memory_space<vmem>>, %arg13: memref<128x64xf32, #tpu.memory_space<vmem>>, %arg14: memref<128x64xf32, #tpu.memory_space<vmem>>, %arg15: memref<8x64xf32, #tpu.memory_space<vmem>>, %arg16: memref<25088x64xf32, #tpu.memory_space<vmem_shared>>, %arg17: memref<!tpu.dma_semaphore, #tpu.memory_space<semaphore_mem>>, %arg18: memref<!tpu.dma_semaphore, #tpu.memory_space<semaphore_mem>>) attributes {dimension_semantics = [#tpu.dimension_semantics<core_parallel>, #tpu.dimension_semantics<subcore_parallel>], iteration_bounds = array<i64: 2, 16>, scalar_prefetch = 0 : i64, scratch_operands = 12 : i64, tpu.core_type = #tpu.core_type<sc_vector_subcore>, window_params = [{transform_indices = #map}, {transform_indices = #map}, {transform_indices = #map1}, {transform_indices = #map1}, {transform_indices = #map}]} {
    %broadcast_in_dim3A = arith.constant 0.000000e+00 : f32
    %broadcast_in_dim3A_0 = vector.broadcast %broadcast_in_dim3A : f32 to vector<16xf32>
    %swap3A = arith.constant 0 : i32
    %swap3A_1 = arith.index_cast %swap3A : i32 to index
    %swap3A_2 = arith.constant 0 : index
    %swap3A_3 = tpu.vector_load %arg15[%swap3A_1, %swap3A_2] {strides = array<i32>} : memref<8x64xf32, #tpu.memory_space<vmem>>, vector<1x16xf32>,
    %swap3A_4 = vector.shape_cast %swap3A_3 : vector<1x16xf32> to vector<16xf32>
    %swap3A_5 = vector.shape_cast %broadcast_in_dim3A_0 : vector<16xf32> to vector<1x16xf32>
    tpu.vector_store %arg15[%swap3A_1, %swap3A_2], %swap3A_5 {strides = array<i32>} : memref<8x64xf32, #tpu.memory_space<vmem>>, vector<1x16xf32>,
    %broadcast_in_dim3A_6 = arith.constant 0.000000e+00 : f32
    %broadcast_in_dim3A_7 = vector.broadcast %broadcast_in_dim3A_6 : f32 to vector<16xf32>
    %swap3A_8 = arith.constant 0 : i32
    %swap3A_9 = arith.index_cast %swap3A_8 : i32 to index
    %swap3A_10 = arith.constant 16 : index
    %swap3A_11 = tpu.vector_load %arg15[%swap3A_9, %swap3A_10] {strides = array<i32>} : memref<8x64xf32, #tpu.memory_space<vmem>>, vector<1x16xf32>,
    %swap3A_12 = vector.shape_cast %swap3A_11 : vector<1x16xf32> to vector<16xf32>
    %swap3A_13 = vector.shape_cast %broadcast_in_dim3A_7 : vector<16xf32> to vector<1x16xf32>
    tpu.vector_store %arg15[%swap3A_9, %swap3A_10], %swap3A_13 {strides = array<i32>} : memref<8x64xf32, #tpu.memory_space<vmem>>, vector<1x16xf32>,
    %broadcast_in_dim3A_14 = arith.constant 0.000000e+00 : f32
    %broadcast_in_dim3A_15 = vector.broadcast %broadcast_in_dim3A_14 : f32 to vector<16xf32>
    %swap3A_16 = arith.constant 0 : i32
    %swap3A_17 = arith.index_cast %swap3A_16 : i32 to index
    %swap3A_18 = arith.constant 32 : index
    %swap3A_19 = tpu.vector_load %arg15[%swap3A_17, %swap3A_18] {strides = array<i32>} : memref<8x64xf32, #tpu.memory_space<vmem>>, vector<1x16xf32>,
    %swap3A_20 = vector.shape_cast %swap3A_19 : vector<1x16xf32> to vector<16xf32>
    %swap3A_21 = vector.shape_cast %broadcast_in_dim3A_15 : vector<16xf32> to vector<1x16xf32>
    tpu.vector_store %arg15[%swap3A_17, %swap3A_18], %swap3A_21 {strides = array<i32>} : memref<8x64xf32, #tpu.memory_space<vmem>>, vector<1x16xf32>,
    %broadcast_in_dim3A_22 = arith.constant 0.000000e+00 : f32
    %broadcast_in_dim3A_23 = vector.broadcast %broadcast_in_dim3A_22 : f32 to vector<16xf32>
    %swap3A_24 = arith.constant 0 : i32
    %swap3A_25 = arith.index_cast %swap3A_24 : i32 to index
    %swap3A_26 = arith.constant 48 : index
    %swap3A_27 = tpu.vector_load %arg15[%swap3A_25, %swap3A_26] {strides = array<i32>} : memref<8x64xf32, #tpu.memory_space<vmem>>, vector<1x16xf32>,
    %swap3A_28 = vector.shape_cast %swap3A_27 : vector<1x16xf32> to vector<16xf32>
    %swap3A_29 = vector.shape_cast %broadcast_in_dim3A_23 : vector<16xf32> to vector<1x16xf32>
    tpu.vector_store %arg15[%swap3A_25, %swap3A_26], %swap3A_29 {strides = array<i32>} : memref<8x64xf32, #tpu.memory_space<vmem>>, vector<1x16xf32>,
    %broadcast_in_dim3A_30 = arith.constant 0.000000e+00 : f32
    %broadcast_in_dim3A_31 = vector.broadcast %broadcast_in_dim3A_30 : f32 to vector<16xf32>
    %swap3A_32 = arith.constant 1 : i32
    %swap3A_33 = arith.index_cast %swap3A_32 : i32 to index
    %swap3A_34 = arith.constant 0 : index
    %swap3A_35 = tpu.vector_load %arg15[%swap3A_33, %swap3A_34] {strides = array<i32>} : memref<8x64xf32, #tpu.memory_space<vmem>>, vector<1x16xf32>,
    %swap3A_36 = vector.shape_cast %swap3A_35 : vector<1x16xf32> to vector<16xf32>
    %swap3A_37 = vector.shape_cast %broadcast_in_dim3A_31 : vector<16xf32> to vector<1x16xf32>
    tpu.vector_store %arg15[%swap3A_33, %swap3A_34], %swap3A_37 {strides = array<i32>} : memref<8x64xf32, #tpu.memory_space<vmem>>, vector<1x16xf32>,
    %broadcast_in_dim3A_38 = arith.constant 0.000000e+00 : f32
    %broadcast_in_dim3A_39 = vector.broadcast %broadcast_in_dim3A_38 : f32 to vector<16xf32>
    %swap3A_40 = arith.constant 1 : i32
    %swap3A_41 = arith.index_cast %swap3A_40 : i32 to index
    %swap3A_42 = arith.constant 16 : index
    %swap3A_43 = tpu.vector_load %arg15[%swap3A_41, %swap3A_42] {strides = array<i32>} : memref<8x64xf32, #tpu.memory_space<vmem>>, vector<1x16xf32>,
    %swap3A_44 = vector.shape_cast %swap3A_43 : vector<1x16xf32> to vector<16xf32>
    %swap3A_45 = vector.shape_cast %broadcast_in_dim3A_39 : vector<16xf32> to vector<1x16xf32>
    tpu.vector_store %arg15[%swap3A_41, %swap3A_42], %swap3A_45 {strides = array<i32>} : memref<8x64xf32, #tpu.memory_space<vmem>>, vector<1x16xf32>,
    %broadcast_in_dim3A_46 = arith.constant 0.000000e+00 : f32
    %broadcast_in_dim3A_47 = vector.broadcast %broadcast_in_dim3A_46 : f32 to vector<16xf32>
    %swap3A_48 = arith.constant 1 : i32
    %swap3A_49 = arith.index_cast %swap3A_48 : i32 to index
    %swap3A_50 = arith.constant 32 : index
    %swap3A_51 = tpu.vector_load %arg15[%swap3A_49, %swap3A_50] {strides = array<i32>} : memref<8x64xf32, #tpu.memory_space<vmem>>, vector<1x16xf32>,
    %swap3A_52 = vector.shape_cast %swap3A_51 : vector<1x16xf32> to vector<16xf32>
    %swap3A_53 = vector.shape_cast %broadcast_in_dim3A_47 : vector<16xf32> to vector<1x16xf32>
    tpu.vector_store %arg15[%swap3A_49, %swap3A_50], %swap3A_53 {strides = array<i32>} : memref<8x64xf32, #tpu.memory_space<vmem>>, vector<1x16xf32>,
    %broadcast_in_dim3A_54 = arith.constant 0.000000e+00 : f32
    %broadcast_in_dim3A_55 = vector.broadcast %broadcast_in_dim3A_54 : f32 to vector<16xf32>
    %swap3A_56 = arith.constant 1 : i32
    %swap3A_57 = arith.index_cast %swap3A_56 : i32 to index
    %swap3A_58 = arith.constant 48 : index
    %swap3A_59 = tpu.vector_load %arg15[%swap3A_57, %swap3A_58] {strides = array<i32>} : memref<8x64xf32, #tpu.memory_space<vmem>>, vector<1x16xf32>,
    %swap3A_60 = vector.shape_cast %swap3A_59 : vector<1x16xf32> to vector<16xf32>
    %swap3A_61 = vector.shape_cast %broadcast_in_dim3A_55 : vector<16xf32> to vector<1x16xf32>
    tpu.vector_store %arg15[%swap3A_57, %swap3A_58], %swap3A_61 {strides = array<i32>} : memref<8x64xf32, #tpu.memory_space<vmem>>, vector<1x16xf32>,
    %broadcast_in_dim3A_62 = arith.constant 0.000000e+00 : f32
    %broadcast_in_dim3A_63 = vector.broadcast %broadcast_in_dim3A_62 : f32 to vector<16xf32>
    %swap3A_64 = arith.constant 2 : i32
    %swap3A_65 = arith.index_cast %swap3A_64 : i32 to index
    %swap3A_66 = arith.constant 0 : index
    %swap3A_67 = tpu.vector_load %arg15[%swap3A_65, %swap3A_66] {strides = array<i32>} : memref<8x64xf32, #tpu.memory_space<vmem>>, vector<1x16xf32>,
    %swap3A_68 = vector.shape_cast %swap3A_67 : vector<1x16xf32> to vector<16xf32>
    %swap3A_69 = vector.shape_cast %broadcast_in_dim3A_63 : vector<16xf32> to vector<1x16xf32>
    tpu.vector_store %arg15[%swap3A_65, %swap3A_66], %swap3A_69 {strides = array<i32>} : memref<8x64xf32, #tpu.memory_space<vmem>>, vector<1x16xf32>,
    %broadcast_in_dim3A_70 = arith.constant 0.000000e+00 : f32
    %broadcast_in_dim3A_71 = vector.broadcast %broadcast_in_dim3A_70 : f32 to vector<16xf32>
    %swap3A_72 = arith.constant 2 : i32
    %swap3A_73 = arith.index_cast %swap3A_72 : i32 to index
    %swap3A_74 = arith.constant 16 : index
    %swap3A_75 = tpu.vector_load %arg15[%swap3A_73, %swap3A_74] {strides = array<i32>} : memref<8x64xf32, #tpu.memory_space<vmem>>, vector<1x16xf32>,
    %swap3A_76 = vector.shape_cast %swap3A_75 : vector<1x16xf32> to vector<16xf32>
    %swap3A_77 = vector.shape_cast %broadcast_in_dim3A_71 : vector<16xf32> to vector<1x16xf32>
    tpu.vector_store %arg15[%swap3A_73, %swap3A_74], %swap3A_77 {strides = array<i32>} : memref<8x64xf32, #tpu.memory_space<vmem>>, vector<1x16xf32>,
    %broadcast_in_dim3A_78 = arith.constant 0.000000e+00 : f32
    %broadcast_in_dim3A_79 = vector.broadcast %broadcast_in_dim3A_78 : f32 to vector<16xf32>
    %swap3A_80 = arith.constant 2 : i32
    %swap3A_81 = arith.index_cast %swap3A_80 : i32 to index
    %swap3A_82 = arith.constant 32 : index
    %swap3A_83 = tpu.vector_load %arg15[%swap3A_81, %swap3A_82] {strides = array<i32>} : memref<8x64xf32, #tpu.memory_space<vmem>>, vector<1x16xf32>,
    %swap3A_84 = vector.shape_cast %swap3A_83 : vector<1x16xf32> to vector<16xf32>
    %swap3A_85 = vector.shape_cast %broadcast_in_dim3A_79 : vector<16xf32> to vector<1x16xf32>
    tpu.vector_store %arg15[%swap3A_81, %swap3A_82], %swap3A_85 {strides = array<i32>} : memref<8x64xf32, #tpu.memory_space<vmem>>, vector<1x16xf32>,
    %broadcast_in_dim3A_86 = arith.constant 0.000000e+00 : f32
    %broadcast_in_dim3A_87 = vector.broadcast %broadcast_in_dim3A_86 : f32 to vector<16xf32>
    %swap3A_88 = arith.constant 2 : i32
    %swap3A_89 = arith.index_cast %swap3A_88 : i32 to index
    %swap3A_90 = arith.constant 48 : index
    %swap3A_91 = tpu.vector_load %arg15[%swap3A_89, %swap3A_90] {strides = array<i32>} : memref<8x64xf32, #tpu.memory_space<vmem>>, vector<1x16xf32>,
    %swap3A_92 = vector.shape_cast %swap3A_91 : vector<1x16xf32> to vector<16xf32>
    %swap3A_93 = vector.shape_cast %broadcast_in_dim3A_87 : vector<16xf32> to vector<1x16xf32>
    tpu.vector_store %arg15[%swap3A_89, %swap3A_90], %swap3A_93 {strides = array<i32>} : memref<8x64xf32, #tpu.memory_space<vmem>>, vector<1x16xf32>,
    %broadcast_in_dim3A_94 = arith.constant 0.000000e+00 : f32
    %broadcast_in_dim3A_95 = vector.broadcast %broadcast_in_dim3A_94 : f32 to vector<16xf32>
    %swap3A_96 = arith.constant 3 : i32
    %swap3A_97 = arith.index_cast %swap3A_96 : i32 to index
    %swap3A_98 = arith.constant 0 : index
    %swap3A_99 = tpu.vector_load %arg15[%swap3A_97, %swap3A_98] {strides = array<i32>} : memref<8x64xf32, #tpu.memory_space<vmem>>, vector<1x16xf32>,
    %swap3A_100 = vector.shape_cast %swap3A_99 : vector<1x16xf32> to vector<16xf32>
    %swap3A_101 = vector.shape_cast %broadcast_in_dim3A_95 : vector<16xf32> to vector<1x16xf32>
    tpu.vector_store %arg15[%swap3A_97, %swap3A_98], %swap3A_101 {strides = array<i32>} : memref<8x64xf32, #tpu.memory_space<vmem>>, vector<1x16xf32>,
    %broadcast_in_dim3A_102 = arith.constant 0.000000e+00 : f32
    %broadcast_in_dim3A_103 = vector.broadcast %broadcast_in_dim3A_102 : f32 to vector<16xf32>
    %swap3A_104 = arith.constant 3 : i32
    %swap3A_105 = arith.index_cast %swap3A_104 : i32 to index
    %swap3A_106 = arith.constant 16 : index
    %swap3A_107 = tpu.vector_load %arg15[%swap3A_105, %swap3A_106] {strides = array<i32>} : memref<8x64xf32, #tpu.memory_space<vmem>>, vector<1x16xf32>,
    %swap3A_108 = vector.shape_cast %swap3A_107 : vector<1x16xf32> to vector<16xf32>
    %swap3A_109 = vector.shape_cast %broadcast_in_dim3A_103 : vector<16xf32> to vector<1x16xf32>
    tpu.vector_store %arg15[%swap3A_105, %swap3A_106], %swap3A_109 {strides = array<i32>} : memref<8x64xf32, #tpu.memory_space<vmem>>, vector<1x16xf32>,
    %broadcast_in_dim3A_110 = arith.constant 0.000000e+00 : f32
    %broadcast_in_dim3A_111 = vector.broadcast %broadcast_in_dim3A_110 : f32 to vector<16xf32>
    %swap3A_112 = arith.constant 3 : i32
    %swap3A_113 = arith.index_cast %swap3A_112 : i32 to index
    %swap3A_114 = arith.constant 32 : index
    %swap3A_115 = tpu.vector_load %arg15[%swap3A_113, %swap3A_114] {strides = array<i32>} : memref<8x64xf32, #tpu.memory_space<vmem>>, vector<1x16xf32>,
    %swap3A_116 = vector.shape_cast %swap3A_115 : vector<1x16xf32> to vector<16xf32>
    %swap3A_117 = vector.shape_cast %broadcast_in_dim3A_111 : vector<16xf32> to vector<1x16xf32>
    tpu.vector_store %arg15[%swap3A_113, %swap3A_114], %swap3A_117 {strides = array<i32>} : memref<8x64xf32, #tpu.memory_space<vmem>>, vector<1x16xf32>,
    %broadcast_in_dim3A_118 = arith.constant 0.000000e+00 : f32
    %broadcast_in_dim3A_119 = vector.broadcast %broadcast_in_dim3A_118 : f32 to vector<16xf32>
    %swap3A_120 = arith.constant 3 : i32
    %swap3A_121 = arith.index_cast %swap3A_120 : i32 to index
    %swap3A_122 = arith.constant 48 : index
    %swap3A_123 = tpu.vector_load %arg15[%swap3A_121, %swap3A_122] {strides = array<i32>} : memref<8x64xf32, #tpu.memory_space<vmem>>, vector<1x16xf32>,
    %swap3A_124 = vector.shape_cast %swap3A_123 : vector<1x16xf32> to vector<16xf32>
    %swap3A_125 = vector.shape_cast %broadcast_in_dim3A_119 : vector<16xf32> to vector<1x16xf32>
    tpu.vector_store %arg15[%swap3A_121, %swap3A_122], %swap3A_125 {strides = array<i32>} : memref<8x64xf32, #tpu.memory_space<vmem>>, vector<1x16xf32>,
    %broadcast_in_dim3A_126 = arith.constant 0.000000e+00 : f32
    %broadcast_in_dim3A_127 = vector.broadcast %broadcast_in_dim3A_126 : f32 to vector<16xf32>
    %swap3A_128 = arith.constant 4 : i32
    %swap3A_129 = arith.index_cast %swap3A_128 : i32 to index
    %swap3A_130 = arith.constant 0 : index
    %swap3A_131 = tpu.vector_load %arg15[%swap3A_129, %swap3A_130] {strides = array<i32>} : memref<8x64xf32, #tpu.memory_space<vmem>>, vector<1x16xf32>,
    %swap3A_132 = vector.shape_cast %swap3A_131 : vector<1x16xf32> to vector<16xf32>
    %swap3A_133 = vector.shape_cast %broadcast_in_dim3A_127 : vector<16xf32> to vector<1x16xf32>
    tpu.vector_store %arg15[%swap3A_129, %swap3A_130], %swap3A_133 {strides = array<i32>} : memref<8x64xf32, #tpu.memory_space<vmem>>, vector<1x16xf32>,
    %broadcast_in_dim3A_134 = arith.constant 0.000000e+00 : f32
    %broadcast_in_dim3A_135 = vector.broadcast %broadcast_in_dim3A_134 : f32 to vector<16xf32>
    %swap3A_136 = arith.constant 4 : i32
    %swap3A_137 = arith.index_cast %swap3A_136 : i32 to index
    %swap3A_138 = arith.constant 16 : index
    %swap3A_139 = tpu.vector_load %arg15[%swap3A_137, %swap3A_138] {strides = array<i32>} : memref<8x64xf32, #tpu.memory_space<vmem>>, vector<1x16xf32>,
    %swap3A_140 = vector.shape_cast %swap3A_139 : vector<1x16xf32> to vector<16xf32>
    %swap3A_141 = vector.shape_cast %broadcast_in_dim3A_135 : vector<16xf32> to vector<1x16xf32>
    tpu.vector_store %arg15[%swap3A_137, %swap3A_138], %swap3A_141 {strides = array<i32>} : memref<8x64xf32, #tpu.memory_space<vmem>>, vector<1x16xf32>,
    %broadcast_in_dim3A_142 = arith.constant 0.000000e+00 : f32
    %broadcast_in_dim3A_143 = vector.broadcast %broadcast_in_dim3A_142 : f32 to vector<16xf32>
    %swap3A_144 = arith.constant 4 : i32
    %swap3A_145 = arith.index_cast %swap3A_144 : i32 to index
    %swap3A_146 = arith.constant 32 : index
    %swap3A_147 = tpu.vector_load %arg15[%swap3A_145, %swap3A_146] {strides = array<i32>} : memref<8x64xf32, #tpu.memory_space<vmem>>, vector<1x16xf32>,
    %swap3A_148 = vector.shape_cast %swap3A_147 : vector<1x16xf32> to vector<16xf32>
    %swap3A_149 = vector.shape_cast %broadcast_in_dim3A_143 : vector<16xf32> to vector<1x16xf32>
    tpu.vector_store %arg15[%swap3A_145, %swap3A_146], %swap3A_149 {strides = array<i32>} : memref<8x64xf32, #tpu.memory_space<vmem>>, vector<1x16xf32>,
    %broadcast_in_dim3A_150 = arith.constant 0.000000e+00 : f32
    %broadcast_in_dim3A_151 = vector.broadcast %broadcast_in_dim3A_150 : f32 to vector<16xf32>
    %swap3A_152 = arith.constant 4 : i32
    %swap3A_153 = arith.index_cast %swap3A_152 : i32 to index
    %swap3A_154 = arith.constant 48 : index
    %swap3A_155 = tpu.vector_load %arg15[%swap3A_153, %swap3A_154] {strides = array<i32>} : memref<8x64xf32, #tpu.memory_space<vmem>>, vector<1x16xf32>,
    %swap3A_156 = vector.shape_cast %swap3A_155 : vector<1x16xf32> to vector<16xf32>
    %swap3A_157 = vector.shape_cast %broadcast_in_dim3A_151 : vector<16xf32> to vector<1x16xf32>
    tpu.vector_store %arg15[%swap3A_153, %swap3A_154], %swap3A_157 {strides = array<i32>} : memref<8x64xf32, #tpu.memory_space<vmem>>, vector<1x16xf32>,
    %broadcast_in_dim3A_158 = arith.constant 0.000000e+00 : f32
    %broadcast_in_dim3A_159 = vector.broadcast %broadcast_in_dim3A_158 : f32 to vector<16xf32>
    %swap3A_160 = arith.constant 5 : i32
    %swap3A_161 = arith.index_cast %swap3A_160 : i32 to index
    %swap3A_162 = arith.constant 0 : index
    %swap3A_163 = tpu.vector_load %arg15[%swap3A_161, %swap3A_162] {strides = array<i32>} : memref<8x64xf32, #tpu.memory_space<vmem>>, vector<1x16xf32>,
    %swap3A_164 = vector.shape_cast %swap3A_163 : vector<1x16xf32> to vector<16xf32>
    %swap3A_165 = vector.shape_cast %broadcast_in_dim3A_159 : vector<16xf32> to vector<1x16xf32>
    tpu.vector_store %arg15[%swap3A_161, %swap3A_162], %swap3A_165 {strides = array<i32>} : memref<8x64xf32, #tpu.memory_space<vmem>>, vector<1x16xf32>,
    %broadcast_in_dim3A_166 = arith.constant 0.000000e+00 : f32
    %broadcast_in_dim3A_167 = vector.broadcast %broadcast_in_dim3A_166 : f32 to vector<16xf32>
    %swap3A_168 = arith.constant 5 : i32
    %swap3A_169 = arith.index_cast %swap3A_168 : i32 to index
    %swap3A_170 = arith.constant 16 : index
    %swap3A_171 = tpu.vector_load %arg15[%swap3A_169, %swap3A_170] {strides = array<i32>} : memref<8x64xf32, #tpu.memory_space<vmem>>, vector<1x16xf32>,
    %swap3A_172 = vector.shape_cast %swap3A_171 : vector<1x16xf32> to vector<16xf32>
    %swap3A_173 = vector.shape_cast %broadcast_in_dim3A_167 : vector<16xf32> to vector<1x16xf32>
    tpu.vector_store %arg15[%swap3A_169, %swap3A_170], %swap3A_173 {strides = array<i32>} : memref<8x64xf32, #tpu.memory_space<vmem>>, vector<1x16xf32>,
    %broadcast_in_dim3A_174 = arith.constant 0.000000e+00 : f32
    %broadcast_in_dim3A_175 = vector.broadcast %broadcast_in_dim3A_174 : f32 to vector<16xf32>
    %swap3A_176 = arith.constant 5 : i32
    %swap3A_177 = arith.index_cast %swap3A_176 : i32 to index
    %swap3A_178 = arith.constant 32 : index
    %swap3A_179 = tpu.vector_load %arg15[%swap3A_177, %swap3A_178] {strides = array<i32>} : memref<8x64xf32, #tpu.memory_space<vmem>>, vector<1x16xf32>,
    %swap3A_180 = vector.shape_cast %swap3A_179 : vector<1x16xf32> to vector<16xf32>
    %swap3A_181 = vector.shape_cast %broadcast_in_dim3A_175 : vector<16xf32> to vector<1x16xf32>
    tpu.vector_store %arg15[%swap3A_177, %swap3A_178], %swap3A_181 {strides = array<i32>} : memref<8x64xf32, #tpu.memory_space<vmem>>, vector<1x16xf32>,
    %broadcast_in_dim3A_182 = arith.constant 0.000000e+00 : f32
    %broadcast_in_dim3A_183 = vector.broadcast %broadcast_in_dim3A_182 : f32 to vector<16xf32>
    %swap3A_184 = arith.constant 5 : i32
    %swap3A_185 = arith.index_cast %swap3A_184 : i32 to index
    %swap3A_186 = arith.constant 48 : index
    %swap3A_187 = tpu.vector_load %arg15[%swap3A_185, %swap3A_186] {strides = array<i32>} : memref<8x64xf32, #tpu.memory_space<vmem>>, vector<1x16xf32>,
    %swap3A_188 = vector.shape_cast %swap3A_187 : vector<1x16xf32> to vector<16xf32>
    %swap3A_189 = vector.shape_cast %broadcast_in_dim3A_183 : vector<16xf32> to vector<1x16xf32>
    tpu.vector_store %arg15[%swap3A_185, %swap3A_186], %swap3A_189 {strides = array<i32>} : memref<8x64xf32, #tpu.memory_space<vmem>>, vector<1x16xf32>,
    %broadcast_in_dim3A_190 = arith.constant 0.000000e+00 : f32
    %broadcast_in_dim3A_191 = vector.broadcast %broadcast_in_dim3A_190 : f32 to vector<16xf32>
    %swap3A_192 = arith.constant 6 : i32
    %swap3A_193 = arith.index_cast %swap3A_192 : i32 to index
    %swap3A_194 = arith.constant 0 : index
    %swap3A_195 = tpu.vector_load %arg15[%swap3A_193, %swap3A_194] {strides = array<i32>} : memref<8x64xf32, #tpu.memory_space<vmem>>, vector<1x16xf32>,
    %swap3A_196 = vector.shape_cast %swap3A_195 : vector<1x16xf32> to vector<16xf32>
    %swap3A_197 = vector.shape_cast %broadcast_in_dim3A_191 : vector<16xf32> to vector<1x16xf32>
    tpu.vector_store %arg15[%swap3A_193, %swap3A_194], %swap3A_197 {strides = array<i32>} : memref<8x64xf32, #tpu.memory_space<vmem>>, vector<1x16xf32>,
    %broadcast_in_dim3A_198 = arith.constant 0.000000e+00 : f32
    %broadcast_in_dim3A_199 = vector.broadcast %broadcast_in_dim3A_198 : f32 to vector<16xf32>
    %swap3A_200 = arith.constant 6 : i32
    %swap3A_201 = arith.index_cast %swap3A_200 : i32 to index
    %swap3A_202 = arith.constant 16 : index
    %swap3A_203 = tpu.vector_load %arg15[%swap3A_201, %swap3A_202] {strides = array<i32>} : memref<8x64xf32, #tpu.memory_space<vmem>>, vector<1x16xf32>,
    %swap3A_204 = vector.shape_cast %swap3A_203 : vector<1x16xf32> to vector<16xf32>
    %swap3A_205 = vector.shape_cast %broadcast_in_dim3A_199 : vector<16xf32> to vector<1x16xf32>
    tpu.vector_store %arg15[%swap3A_201, %swap3A_202], %swap3A_205 {strides = array<i32>} : memref<8x64xf32, #tpu.memory_space<vmem>>, vector<1x16xf32>,
    %broadcast_in_dim3A_206 = arith.constant 0.000000e+00 : f32
    %broadcast_in_dim3A_207 = vector.broadcast %broadcast_in_dim3A_206 : f32 to vector<16xf32>
    %swap3A_208 = arith.constant 6 : i32
    %swap3A_209 = arith.index_cast %swap3A_208 : i32 to index
    %swap3A_210 = arith.constant 32 : index
    %swap3A_211 = tpu.vector_load %arg15[%swap3A_209, %swap3A_210] {strides = array<i32>} : memref<8x64xf32, #tpu.memory_space<vmem>>, vector<1x16xf32>,
    %swap3A_212 = vector.shape_cast %swap3A_211 : vector<1x16xf32> to vector<16xf32>
    %swap3A_213 = vector.shape_cast %broadcast_in_dim3A_207 : vector<16xf32> to vector<1x16xf32>
    tpu.vector_store %arg15[%swap3A_209, %swap3A_210], %swap3A_213 {strides = array<i32>} : memref<8x64xf32, #tpu.memory_space<vmem>>, vector<1x16xf32>,
    %broadcast_in_dim3A_214 = arith.constant 0.000000e+00 : f32
    %broadcast_in_dim3A_215 = vector.broadcast %broadcast_in_dim3A_214 : f32 to vector<16xf32>
    %swap3A_216 = arith.constant 6 : i32
    %swap3A_217 = arith.index_cast %swap3A_216 : i32 to index
    %swap3A_218 = arith.constant 48 : index
    %swap3A_219 = tpu.vector_load %arg15[%swap3A_217, %swap3A_218] {strides = array<i32>} : memref<8x64xf32, #tpu.memory_space<vmem>>, vector<1x16xf32>,
    %swap3A_220 = vector.shape_cast %swap3A_219 : vector<1x16xf32> to vector<16xf32>
    %swap3A_221 = vector.shape_cast %broadcast_in_dim3A_215 : vector<16xf32> to vector<1x16xf32>
    tpu.vector_store %arg15[%swap3A_217, %swap3A_218], %swap3A_221 {strides = array<i32>} : memref<8x64xf32, #tpu.memory_space<vmem>>, vector<1x16xf32>,
    %broadcast_in_dim3A_222 = arith.constant 0.000000e+00 : f32
    %broadcast_in_dim3A_223 = vector.broadcast %broadcast_in_dim3A_222 : f32 to vector<16xf32>
    %swap3A_224 = arith.constant 7 : i32
    %swap3A_225 = arith.index_cast %swap3A_224 : i32 to index
    %swap3A_226 = arith.constant 0 : index
    %swap3A_227 = tpu.vector_load %arg15[%swap3A_225, %swap3A_226] {strides = array<i32>} : memref<8x64xf32, #tpu.memory_space<vmem>>, vector<1x16xf32>,
    %swap3A_228 = vector.shape_cast %swap3A_227 : vector<1x16xf32> to vector<16xf32>
    %swap3A_229 = vector.shape_cast %broadcast_in_dim3A_223 : vector<16xf32> to vector<1x16xf32>
    tpu.vector_store %arg15[%swap3A_225, %swap3A_226], %swap3A_229 {strides = array<i32>} : memref<8x64xf32, #tpu.memory_space<vmem>>, vector<1x16xf32>,
    %broadcast_in_dim3A_230 = arith.constant 0.000000e+00 : f32
    %broadcast_in_dim3A_231 = vector.broadcast %broadcast_in_dim3A_230 : f32 to vector<16xf32>
    %swap3A_232 = arith.constant 7 : i32
    %swap3A_233 = arith.index_cast %swap3A_232 : i32 to index
    %swap3A_234 = arith.constant 16 : index
    %swap3A_235 = tpu.vector_load %arg15[%swap3A_233, %swap3A_234] {strides = array<i32>} : memref<8x64xf32, #tpu.memory_space<vmem>>, vector<1x16xf32>,
    %swap3A_236 = vector.shape_cast %swap3A_235 : vector<1x16xf32> to vector<16xf32>
    %swap3A_237 = vector.shape_cast %broadcast_in_dim3A_231 : vector<16xf32> to vector<1x16xf32>
    tpu.vector_store %arg15[%swap3A_233, %swap3A_234], %swap3A_237 {strides = array<i32>} : memref<8x64xf32, #tpu.memory_space<vmem>>, vector<1x16xf32>,
    %broadcast_in_dim3A_238 = arith.constant 0.000000e+00 : f32
    %broadcast_in_dim3A_239 = vector.broadcast %broadcast_in_dim3A_238 : f32 to vector<16xf32>
    %swap3A_240 = arith.constant 7 : i32
    %swap3A_241 = arith.index_cast %swap3A_240 : i32 to index
    %swap3A_242 = arith.constant 32 : index
    %swap3A_243 = tpu.vector_load %arg15[%swap3A_241, %swap3A_242] {strides = array<i32>} : memref<8x64xf32, #tpu.memory_space<vmem>>, vector<1x16xf32>,
    %swap3A_244 = vector.shape_cast %swap3A_243 : vector<1x16xf32> to vector<16xf32>
    %swap3A_245 = vector.shape_cast %broadcast_in_dim3A_239 : vector<16xf32> to vector<1x16xf32>
    tpu.vector_store %arg15[%swap3A_241, %swap3A_242], %swap3A_245 {strides = array<i32>} : memref<8x64xf32, #tpu.memory_space<vmem>>, vector<1x16xf32>,
    %broadcast_in_dim3A_246 = arith.constant 0.000000e+00 : f32
    %broadcast_in_dim3A_247 = vector.broadcast %broadcast_in_dim3A_246 : f32 to vector<16xf32>
    %swap3A_248 = arith.constant 7 : i32
    %swap3A_249 = arith.index_cast %swap3A_248 : i32 to index
    %swap3A_250 = arith.constant 48 : index
    %swap3A_251 = tpu.vector_load %arg15[%swap3A_249, %swap3A_250] {strides = array<i32>} : memref<8x64xf32, #tpu.memory_space<vmem>>, vector<1x16xf32>,
    %swap3A_252 = vector.shape_cast %swap3A_251 : vector<1x16xf32> to vector<16xf32>
    %swap3A_253 = vector.shape_cast %broadcast_in_dim3A_247 : vector<16xf32> to vector<1x16xf32>
    tpu.vector_store %arg15[%swap3A_249, %swap3A_250], %swap3A_253 {strides = array<i32>} : memref<8x64xf32, #tpu.memory_space<vmem>>, vector<1x16xf32>,
    %mul3A = arith.constant 1568 : i32
    %mul3A_254 = arith.muli %arg1, %mul3A : i32
    %scan3A = arith.constant 0 : i32
    %scan3A_255 = arith.constant 0 : i32
    %scan3A_256 = arith.constant 196 : i32
    %scan3A_257 = arith.addi %scan3A_255, %scan3A_256 : i32
    %scan3A_258 = arith.constant 1 : i32
    %scan3A_259 = scf.for %scan3A_289 = %scan3A_255 to %scan3A_257 step %scan3A_258 iter_args(%scan3A_290 = %scan3A) -> (i32)  : i32 {
      %mul3A_291 = arith.constant 8 : i32
      %mul3A_292 = arith.muli %scan3A_289, %mul3A_291 : i32
      %add3A_293 = arith.addi %mul3A_254, %mul3A_292 : i32
      "tpu.region"() ({
        %run_scoped3A = tpu.sem_alloc : memref<!tpu.dma_semaphore, #tpu.memory_space<semaphore_mem>>
        %dma_start3A_295 = arith.constant 0 : i32
        %dma_start3A_296 = tpu.memref_slice %arg16[%add3A_293, %dma_start3A_295] : memref<25088x64xf32, #tpu.memory_space<vmem_shared>> -> memref<8x64xf32, #tpu.memory_space<vmem_shared>>
        %dma_start3A_297 = arith.constant 0 : i32
        %dma_start3A_298 = tpu.memref_slice %arg16[%add3A_293, %dma_start3A_297] : memref<25088x64xf32, #tpu.memory_space<vmem_shared>> -> memref<8x64xf32, #tpu.memory_space<vmem_shared>>
        tpu.enqueue_dma source(%arg15 : memref<8x64xf32, #tpu.memory_space<vmem>>) target(%dma_start3A_298 : memref<8x64xf32, #tpu.memory_space<vmem_shared>>) target_semaphore(%run_scoped3A : memref<!tpu.dma_semaphore, #tpu.memory_space<semaphore_mem>>)
        %dma_wait3A = arith.constant 0 : i32
        %dma_wait3A_299 = tpu.memref_slice %arg16[%add3A_293, %dma_wait3A] : memref<25088x64xf32, #tpu.memory_space<vmem_shared>> -> memref<8x64xf32, #tpu.memory_space<vmem_shared>>
        %dma_wait3A_300 = arith.constant 0 : i32
        %dma_wait3A_301 = tpu.memref_slice %arg16[%add3A_293, %dma_wait3A_300] : memref<25088x64xf32, #tpu.memory_space<vmem_shared>> -> memref<8x64xf32, #tpu.memory_space<vmem_shared>>
        tpu.wait_dma2 semaphore(%run_scoped3A : memref<!tpu.dma_semaphore, #tpu.memory_space<semaphore_mem>>) src(%arg15 : memref<8x64xf32, #tpu.memory_space<vmem>>) dst(%dma_wait3A_301 : memref<8x64xf32, #tpu.memory_space<vmem_shared>>)
        tpu.yield
      }) : () -> ()
      %scan3A_294 = arith.constant 0 : i32
      scf.yield %scan3A_294 : i32
    }
    %scan3A_260 = arith.constant 196 : i32
    %barrier3A = arith.constant 0 : index
    tpu.barrier barrier_id(%barrier3A)
    %mul3A_261 = arith.constant 50176 : i32
    %mul3A_262 = arith.muli %arg1, %mul3A_261 : i32
    %mul3A_263 = arith.constant 25000 : i32
    %mul3A_264 = arith.muli %arg0, %mul3A_263 : i32
    %add3A = arith.constant 0 : i32
    %add3A_265 = arith.addi %mul3A_262, %add3A : i32
    "tpu.region"() ({
      %run_scoped3A = tpu.sem_alloc : memref<!tpu.dma_semaphore, #tpu.memory_space<semaphore_mem>>
      %dma_start3A_289 = tpu.memref_slice %arg4[%add3A_265] : memref<802816xi32, #tpu.memory_space<hbm>> -> memref<128xi32, #tpu.memory_space<hbm>>
      %dma_start3A_290 = tpu.memref_slice %arg4[%add3A_265] : memref<802816xi32, #tpu.memory_space<hbm>> -> memref<128xi32, #tpu.memory_space<hbm>>
      tpu.enqueue_dma source(%dma_start3A_290 : memref<128xi32, #tpu.memory_space<hbm>>) target(%arg7 : memref<128xi32, #tpu.memory_space<vmem>>) target_semaphore(%run_scoped3A : memref<!tpu.dma_semaphore, #tpu.memory_space<semaphore_mem>>)
      %dma_wait3A = tpu.memref_slice %arg4[%add3A_265] : memref<802816xi32, #tpu.memory_space<hbm>> -> memref<128xi32, #tpu.memory_space<hbm>>
      %dma_wait3A_291 = tpu.memref_slice %arg4[%add3A_265] : memref<802816xi32, #tpu.memory_space<hbm>> -> memref<128xi32, #tpu.memory_space<hbm>>
      tpu.wait_dma2 semaphore(%run_scoped3A : memref<!tpu.dma_semaphore, #tpu.memory_space<semaphore_mem>>) src(%dma_wait3A_291 : memref<128xi32, #tpu.memory_space<hbm>>) dst(%arg7 : memref<128xi32, #tpu.memory_space<vmem>>)
      tpu.yield
    }) : () -> ()
    "tpu.region"() ({
      %run_scoped3A = tpu.sem_alloc : memref<!tpu.dma_semaphore, #tpu.memory_space<semaphore_mem>>
      %dma_start3A_289 = tpu.memref_slice %arg5[%add3A_265] : memref<802816xi32, #tpu.memory_space<hbm>> -> memref<128xi32, #tpu.memory_space<hbm>>
      %dma_start3A_290 = tpu.memref_slice %arg5[%add3A_265] : memref<802816xi32, #tpu.memory_space<hbm>> -> memref<128xi32, #tpu.memory_space<hbm>>
      tpu.enqueue_dma source(%dma_start3A_290 : memref<128xi32, #tpu.memory_space<hbm>>) target(%arg9 : memref<128xi32, #tpu.memory_space<vmem>>) target_semaphore(%run_scoped3A : memref<!tpu.dma_semaphore, #tpu.memory_space<semaphore_mem>>)
      %dma_wait3A = tpu.memref_slice %arg5[%add3A_265] : memref<802816xi32, #tpu.memory_space<hbm>> -> memref<128xi32, #tpu.memory_space<hbm>>
      %dma_wait3A_291 = tpu.memref_slice %arg5[%add3A_265] : memref<802816xi32, #tpu.memory_space<hbm>> -> memref<128xi32, #tpu.memory_space<hbm>>
      tpu.wait_dma2 semaphore(%run_scoped3A : memref<!tpu.dma_semaphore, #tpu.memory_space<semaphore_mem>>) src(%dma_wait3A_291 : memref<128xi32, #tpu.memory_space<hbm>>) dst(%arg9 : memref<128xi32, #tpu.memory_space<vmem>>)
      tpu.yield
    }) : () -> ()
    %dma_start3A = arith.constant 0 : i32
    %dma_start3A_266 = arith.constant 0 : i32
    %dma_start3A_267 = tpu.memref_slice %arg2[%dma_start3A, %dma_start3A_266] : memref<50176x64xf32, #tpu.memory_space<hbm>> -> memref<50176x64xf32, #tpu.memory_space<hbm>>
    tpu.enqueue_indirect_dma source(%dma_start3A_267 : memref<50176x64xf32, #tpu.memory_space<hbm>>) target(%arg12 : memref<128x64xf32, #tpu.memory_space<vmem>>) offsets(%arg9 : memref<128xi32, #tpu.memory_space<vmem>>) semaphore(%arg17 : memref<!tpu.dma_semaphore, #tpu.memory_space<semaphore_mem>>)
    %scan3A_268 = arith.constant 0 : i32
    %scan3A_269 = arith.constant 0 : i32
    %scan3A_270 = arith.constant 196 : i32
    %scan3A_271 = arith.addi %scan3A_269, %scan3A_270 : i32
    %scan3A_272 = arith.constant 1 : i32
    %scan3A_273 = scf.for %scan3A_289 = %scan3A_269 to %scan3A_271 step %scan3A_272 iter_args(%scan3A_290 = %scan3A_268) -> (i32)  : i32 {
      %mul3A_291 = arith.constant 2 : i32
      %mul3A_292 = arith.muli %scan3A_289, %mul3A_291 : i32
      %add3A_293 = arith.constant 1 : i32
      %add3A_294 = arith.addi %mul3A_292, %add3A_293 : i32
      %mul3A_295 = arith.constant 128 : i32
      %mul3A_296 = arith.muli %add3A_294, %mul3A_295 : i32
      %add3A_297 = arith.addi %mul3A_262, %mul3A_296 : i32
      "tpu.region"() ({
        %run_scoped3A = tpu.sem_alloc : memref<!tpu.dma_semaphore, #tpu.memory_space<semaphore_mem>>
        %dma_start3A_769 = tpu.memref_slice %arg4[%add3A_297] : memref<802816xi32, #tpu.memory_space<hbm>> -> memref<128xi32, #tpu.memory_space<hbm>>
        %dma_start3A_770 = tpu.memref_slice %arg4[%add3A_297] : memref<802816xi32, #tpu.memory_space<hbm>> -> memref<128xi32, #tpu.memory_space<hbm>>
        tpu.enqueue_dma source(%dma_start3A_770 : memref<128xi32, #tpu.memory_space<hbm>>) target(%arg8 : memref<128xi32, #tpu.memory_space<vmem>>) target_semaphore(%run_scoped3A : memref<!tpu.dma_semaphore, #tpu.memory_space<semaphore_mem>>)
        %dma_wait3A_771 = tpu.memref_slice %arg4[%add3A_297] : memref<802816xi32, #tpu.memory_space<hbm>> -> memref<128xi32, #tpu.memory_space<hbm>>
        %dma_wait3A_772 = tpu.memref_slice %arg4[%add3A_297] : memref<802816xi32, #tpu.memory_space<hbm>> -> memref<128xi32, #tpu.memory_space<hbm>>
        tpu.wait_dma2 semaphore(%run_scoped3A : memref<!tpu.dma_semaphore, #tpu.memory_space<semaphore_mem>>) src(%dma_wait3A_772 : memref<128xi32, #tpu.memory_space<hbm>>) dst(%arg8 : memref<128xi32, #tpu.memory_space<vmem>>)
        tpu.yield
      }) : () -> ()
      "tpu.region"() ({
        %run_scoped3A = tpu.sem_alloc : memref<!tpu.dma_semaphore, #tpu.memory_space<semaphore_mem>>
        %dma_start3A_769 = tpu.memref_slice %arg5[%add3A_297] : memref<802816xi32, #tpu.memory_space<hbm>> -> memref<128xi32, #tpu.memory_space<hbm>>
        %dma_start3A_770 = tpu.memref_slice %arg5[%add3A_297] : memref<802816xi32, #tpu.memory_space<hbm>> -> memref<128xi32, #tpu.memory_space<hbm>>
        tpu.enqueue_dma source(%dma_start3A_770 : memref<128xi32, #tpu.memory_space<hbm>>) target(%arg10 : memref<128xi32, #tpu.memory_space<vmem>>) target_semaphore(%run_scoped3A : memref<!tpu.dma_semaphore, #tpu.memory_space<semaphore_mem>>)
        %dma_wait3A_771 = tpu.memref_slice %arg5[%add3A_297] : memref<802816xi32, #tpu.memory_space<hbm>> -> memref<128xi32, #tpu.memory_space<hbm>>
        %dma_wait3A_772 = tpu.memref_slice %arg5[%add3A_297] : memref<802816xi32, #tpu.memory_space<hbm>> -> memref<128xi32, #tpu.memory_space<hbm>>
        tpu.wait_dma2 semaphore(%run_scoped3A : memref<!tpu.dma_semaphore, #tpu.memory_space<semaphore_mem>>) src(%dma_wait3A_772 : memref<128xi32, #tpu.memory_space<hbm>>) dst(%arg10 : memref<128xi32, #tpu.memory_space<vmem>>)
        tpu.yield
      }) : () -> ()
      %dma_start3A_298 = arith.constant 0 : i32
      %dma_start3A_299 = arith.constant 0 : i32
      %dma_start3A_300 = tpu.memref_slice %arg2[%dma_start3A_298, %dma_start3A_299] : memref<50176x64xf32, #tpu.memory_space<hbm>> -> memref<50176x64xf32, #tpu.memory_space<hbm>>
      tpu.enqueue_indirect_dma source(%dma_start3A_300 : memref<50176x64xf32, #tpu.memory_space<hbm>>) target(%arg13 : memref<128x64xf32, #tpu.memory_space<vmem>>) offsets(%arg10 : memref<128xi32, #tpu.memory_space<vmem>>) semaphore(%arg18 : memref<!tpu.dma_semaphore, #tpu.memory_space<semaphore_mem>>)
      %mul3A_301 = arith.constant 128 : i32
      %mul3A_302 = arith.muli %mul3A_292, %mul3A_301 : i32
      %add3A_303 = arith.addi %mul3A_262, %mul3A_302 : i32
      %dma_wait3A = arith.constant 0 : i32
      %dma_wait3A_304 = arith.constant 0 : i32
      %dma_wait3A_305 = tpu.memref_slice %arg2[%dma_wait3A, %dma_wait3A_304] : memref<50176x64xf32, #tpu.memory_space<hbm>> -> memref<50176x64xf32, #tpu.memory_space<hbm>>
      tpu.wait_indirect_dma semaphore(%arg17 : memref<!tpu.dma_semaphore, #tpu.memory_space<semaphore_mem>>) src(%dma_wait3A_305 : memref<50176x64xf32, #tpu.memory_space<hbm>>) dst(%arg12 : memref<128x64xf32, #tpu.memory_space<vmem>>)
      "tpu.region"() ({
        %run_scoped3A = tpu.sem_alloc : memref<!tpu.dma_semaphore, #tpu.memory_space<semaphore_mem>>
        %dma_start3A_769 = arith.constant 0 : i32
        %dma_start3A_770 = tpu.memref_slice %arg3[%add3A_303, %dma_start3A_769] : memref<802816x64xf32, #tpu.memory_space<hbm>> -> memref<128x64xf32, #tpu.memory_space<hbm>>
        %dma_start3A_771 = arith.constant 0 : i32
        %dma_start3A_772 = tpu.memref_slice %arg3[%add3A_303, %dma_start3A_771] : memref<802816x64xf32, #tpu.memory_space<hbm>> -> memref<128x64xf32, #tpu.memory_space<hbm>>
        tpu.enqueue_dma source(%dma_start3A_772 : memref<128x64xf32, #tpu.memory_space<hbm>>) target(%arg14 : memref<128x64xf32, #tpu.memory_space<vmem>>) target_semaphore(%run_scoped3A : memref<!tpu.dma_semaphore, #tpu.memory_space<semaphore_mem>>)
        %dma_wait3A_773 = arith.constant 0 : i32
        %dma_wait3A_774 = tpu.memref_slice %arg3[%add3A_303, %dma_wait3A_773] : memref<802816x64xf32, #tpu.memory_space<hbm>> -> memref<128x64xf32, #tpu.memory_space<hbm>>
        %dma_wait3A_775 = arith.constant 0 : i32
        %dma_wait3A_776 = tpu.memref_slice %arg3[%add3A_303, %dma_wait3A_775] : memref<802816x64xf32, #tpu.memory_space<hbm>> -> memref<128x64xf32, #tpu.memory_space<hbm>>
        tpu.wait_dma2 semaphore(%run_scoped3A : memref<!tpu.dma_semaphore, #tpu.memory_space<semaphore_mem>>) src(%dma_wait3A_776 : memref<128x64xf32, #tpu.memory_space<hbm>>) dst(%arg14 : memref<128x64xf32, #tpu.memory_space<vmem>>)
        tpu.yield
      }) : () -> ()
      %get3A = arith.constant 0 : index
      %get3A_306 = tpu.vector_load %arg7[%get3A] {strides = array<i32>} : memref<128xi32, #tpu.memory_space<vmem>>, vector<16xi32>,
      %get3A_307 = vector.shape_cast %get3A_306 : vector<16xi32> to vector<16xi32>
      %sub3A = vector.broadcast %mul3A_264 : i32 to vector<16xi32>
      %sub3A_308 = arith.subi %get3A_307, %sub3A : vector<16xi32>
      %add3A_309 = arith.constant 0 : i32
      %add3A_310 = arith.addi %add3A_303, %add3A_309 : i32
      %iota3A = tpu.iota {dimensions = array<i32: 0>} : vector<16xi32>
      %add3A_311 = vector.broadcast %add3A_310 : i32 to vector<16xi32>
      %add3A_312 = arith.addi %add3A_311, %iota3A : vector<16xi32>
      %ge3A = arith.constant 0 : i32
      %ge3A_313 = vector.broadcast %ge3A : i32 to vector<16xi32>
      %ge3A_314 = arith.cmpi sge, %sub3A_308, %ge3A_313 : vector<16xi32>
      %lt3A_315 = arith.constant 25000 : i32
      %lt3A_316 = vector.broadcast %lt3A_315 : i32 to vector<16xi32>
      %lt3A_317 = arith.cmpi slt, %sub3A_308, %lt3A_316 : vector<16xi32>
      %and3A_318 = arith.andi %ge3A_314, %lt3A_317 : vector<16xi1>
      %lt3A_319 = arith.constant 800000 : i32
      %lt3A_320 = vector.broadcast %lt3A_319 : i32 to vector<16xi32>
      %lt3A_321 = arith.cmpi slt, %add3A_312, %lt3A_320 : vector<16xi32>
      %and3A_322 = arith.andi %and3A_318, %lt3A_321 : vector<16xi1>
      %jit3A = arith.constant 25024 : i32
      %broadcast_in_dim3A_323 = vector.broadcast %jit3A : i32 to vector<16xi32>
      %select_n3A = arith.select %and3A_322, %sub3A_308, %broadcast_in_dim3A_323 : vector<16xi1>, vector<16xi32>
      %swap3A_324 = arith.constant 0 : index
      %swap3A_325 = tpu.vector_load %arg11[%swap3A_324] {strides = array<i32>} : memref<128xi32, #tpu.memory_space<vmem>>, vector<16xi32>,
      %swap3A_326 = vector.shape_cast %swap3A_325 : vector<16xi32> to vector<16xi32>
      %swap3A_327 = vector.shape_cast %select_n3A : vector<16xi32> to vector<16xi32>
      tpu.vector_store %arg11[%swap3A_324], %swap3A_327 {strides = array<i32>} : memref<128xi32, #tpu.memory_space<vmem>>, vector<16xi32>,
      %get3A_328 = arith.constant 16 : index
      %get3A_329 = tpu.vector_load %arg7[%get3A_328] {strides = array<i32>} : memref<128xi32, #tpu.memory_space<vmem>>, vector<16xi32>,
      %get3A_330 = vector.shape_cast %get3A_329 : vector<16xi32> to vector<16xi32>
      %sub3A_331 = vector.broadcast %mul3A_264 : i32 to vector<16xi32>
      %sub3A_332 = arith.subi %get3A_330, %sub3A_331 : vector<16xi32>
      %add3A_333 = arith.constant 16 : i32
      %add3A_334 = arith.addi %add3A_303, %add3A_333 : i32
      %iota3A_335 = tpu.iota {dimensions = array<i32: 0>} : vector<16xi32>
      %add3A_336 = vector.broadcast %add3A_334 : i32 to vector<16xi32>
      %add3A_337 = arith.addi %add3A_336, %iota3A_335 : vector<16xi32>
      %ge3A_338 = arith.constant 0 : i32
      %ge3A_339 = vector.broadcast %ge3A_338 : i32 to vector<16xi32>
      %ge3A_340 = arith.cmpi sge, %sub3A_332, %ge3A_339 : vector<16xi32>
      %lt3A_341 = arith.constant 25000 : i32
      %lt3A_342 = vector.broadcast %lt3A_341 : i32 to vector<16xi32>
      %lt3A_343 = arith.cmpi slt, %sub3A_332, %lt3A_342 : vector<16xi32>
      %and3A_344 = arith.andi %ge3A_340, %lt3A_343 : vector<16xi1>
      %lt3A_345 = arith.constant 800000 : i32
      %lt3A_346 = vector.broadcast %lt3A_345 : i32 to vector<16xi32>
      %lt3A_347 = arith.cmpi slt, %add3A_337, %lt3A_346 : vector<16xi32>
      %and3A_348 = arith.andi %and3A_344, %lt3A_347 : vector<16xi1>
      %jit3A_349 = arith.constant 25024 : i32
      %broadcast_in_dim3A_350 = vector.broadcast %jit3A_349 : i32 to vector<16xi32>
      %select_n3A_351 = arith.select %and3A_348, %sub3A_332, %broadcast_in_dim3A_350 : vector<16xi1>, vector<16xi32>
      %swap3A_352 = arith.constant 16 : index
      %swap3A_353 = tpu.vector_load %arg11[%swap3A_352] {strides = array<i32>} : memref<128xi32, #tpu.memory_space<vmem>>, vector<16xi32>,
      %swap3A_354 = vector.shape_cast %swap3A_353 : vector<16xi32> to vector<16xi32>
      %swap3A_355 = vector.shape_cast %select_n3A_351 : vector<16xi32> to vector<16xi32>
      tpu.vector_store %arg11[%swap3A_352], %swap3A_355 {strides = array<i32>} : memref<128xi32, #tpu.memory_space<vmem>>, vector<16xi32>,
      %get3A_356 = arith.constant 32 : index
      %get3A_357 = tpu.vector_load %arg7[%get3A_356] {strides = array<i32>} : memref<128xi32, #tpu.memory_space<vmem>>, vector<16xi32>,
      %get3A_358 = vector.shape_cast %get3A_357 : vector<16xi32> to vector<16xi32>
      %sub3A_359 = vector.broadcast %mul3A_264 : i32 to vector<16xi32>
      %sub3A_360 = arith.subi %get3A_358, %sub3A_359 : vector<16xi32>
      %add3A_361 = arith.constant 32 : i32
      %add3A_362 = arith.addi %add3A_303, %add3A_361 : i32
      %iota3A_363 = tpu.iota {dimensions = array<i32: 0>} : vector<16xi32>
      %add3A_364 = vector.broadcast %add3A_362 : i32 to vector<16xi32>
      %add3A_365 = arith.addi %add3A_364, %iota3A_363 : vector<16xi32>
      %ge3A_366 = arith.constant 0 : i32
      %ge3A_367 = vector.broadcast %ge3A_366 : i32 to vector<16xi32>
      %ge3A_368 = arith.cmpi sge, %sub3A_360, %ge3A_367 : vector<16xi32>
      %lt3A_369 = arith.constant 25000 : i32
      %lt3A_370 = vector.broadcast %lt3A_369 : i32 to vector<16xi32>
      %lt3A_371 = arith.cmpi slt, %sub3A_360, %lt3A_370 : vector<16xi32>
      %and3A_372 = arith.andi %ge3A_368, %lt3A_371 : vector<16xi1>
      %lt3A_373 = arith.constant 800000 : i32
      %lt3A_374 = vector.broadcast %lt3A_373 : i32 to vector<16xi32>
      %lt3A_375 = arith.cmpi slt, %add3A_365, %lt3A_374 : vector<16xi32>
      %and3A_376 = arith.andi %and3A_372, %lt3A_375 : vector<16xi1>
      %jit3A_377 = arith.constant 25024 : i32
      %broadcast_in_dim3A_378 = vector.broadcast %jit3A_377 : i32 to vector<16xi32>
      %select_n3A_379 = arith.select %and3A_376, %sub3A_360, %broadcast_in_dim3A_378 : vector<16xi1>, vector<16xi32>
      %swap3A_380 = arith.constant 32 : index
      %swap3A_381 = tpu.vector_load %arg11[%swap3A_380] {strides = array<i32>} : memref<128xi32, #tpu.memory_space<vmem>>, vector<16xi32>,
      %swap3A_382 = vector.shape_cast %swap3A_381 : vector<16xi32> to vector<16xi32>
      %swap3A_383 = vector.shape_cast %select_n3A_379 : vector<16xi32> to vector<16xi32>
      tpu.vector_store %arg11[%swap3A_380], %swap3A_383 {strides = array<i32>} : memref<128xi32, #tpu.memory_space<vmem>>, vector<16xi32>,
      %get3A_384 = arith.constant 48 : index
      %get3A_385 = tpu.vector_load %arg7[%get3A_384] {strides = array<i32>} : memref<128xi32, #tpu.memory_space<vmem>>, vector<16xi32>,
      %get3A_386 = vector.shape_cast %get3A_385 : vector<16xi32> to vector<16xi32>
      %sub3A_387 = vector.broadcast %mul3A_264 : i32 to vector<16xi32>
      %sub3A_388 = arith.subi %get3A_386, %sub3A_387 : vector<16xi32>
      %add3A_389 = arith.constant 48 : i32
      %add3A_390 = arith.addi %add3A_303, %add3A_389 : i32
      %iota3A_391 = tpu.iota {dimensions = array<i32: 0>} : vector<16xi32>
      %add3A_392 = vector.broadcast %add3A_390 : i32 to vector<16xi32>
      %add3A_393 = arith.addi %add3A_392, %iota3A_391 : vector<16xi32>
      %ge3A_394 = arith.constant 0 : i32
      %ge3A_395 = vector.broadcast %ge3A_394 : i32 to vector<16xi32>
      %ge3A_396 = arith.cmpi sge, %sub3A_388, %ge3A_395 : vector<16xi32>
      %lt3A_397 = arith.constant 25000 : i32
      %lt3A_398 = vector.broadcast %lt3A_397 : i32 to vector<16xi32>
      %lt3A_399 = arith.cmpi slt, %sub3A_388, %lt3A_398 : vector<16xi32>
      %and3A_400 = arith.andi %ge3A_396, %lt3A_399 : vector<16xi1>
      %lt3A_401 = arith.constant 800000 : i32
      %lt3A_402 = vector.broadcast %lt3A_401 : i32 to vector<16xi32>
      %lt3A_403 = arith.cmpi slt, %add3A_393, %lt3A_402 : vector<16xi32>
      %and3A_404 = arith.andi %and3A_400, %lt3A_403 : vector<16xi1>
      %jit3A_405 = arith.constant 25024 : i32
      %broadcast_in_dim3A_406 = vector.broadcast %jit3A_405 : i32 to vector<16xi32>
      %select_n3A_407 = arith.select %and3A_404, %sub3A_388, %broadcast_in_dim3A_406 : vector<16xi1>, vector<16xi32>
      %swap3A_408 = arith.constant 48 : index
      %swap3A_409 = tpu.vector_load %arg11[%swap3A_408] {strides = array<i32>} : memref<128xi32, #tpu.memory_space<vmem>>, vector<16xi32>,
      %swap3A_410 = vector.shape_cast %swap3A_409 : vector<16xi32> to vector<16xi32>
      %swap3A_411 = vector.shape_cast %select_n3A_407 : vector<16xi32> to vector<16xi32>
      tpu.vector_store %arg11[%swap3A_408], %swap3A_411 {strides = array<i32>} : memref<128xi32, #tpu.memory_space<vmem>>, vector<16xi32>,
      %get3A_412 = arith.constant 64 : index
      %get3A_413 = tpu.vector_load %arg7[%get3A_412] {strides = array<i32>} : memref<128xi32, #tpu.memory_space<vmem>>, vector<16xi32>,
      %get3A_414 = vector.shape_cast %get3A_413 : vector<16xi32> to vector<16xi32>
      %sub3A_415 = vector.broadcast %mul3A_264 : i32 to vector<16xi32>
      %sub3A_416 = arith.subi %get3A_414, %sub3A_415 : vector<16xi32>
      %add3A_417 = arith.constant 64 : i32
      %add3A_418 = arith.addi %add3A_303, %add3A_417 : i32
      %iota3A_419 = tpu.iota {dimensions = array<i32: 0>} : vector<16xi32>
      %add3A_420 = vector.broadcast %add3A_418 : i32 to vector<16xi32>
      %add3A_421 = arith.addi %add3A_420, %iota3A_419 : vector<16xi32>
      %ge3A_422 = arith.constant 0 : i32
      %ge3A_423 = vector.broadcast %ge3A_422 : i32 to vector<16xi32>
      %ge3A_424 = arith.cmpi sge, %sub3A_416, %ge3A_423 : vector<16xi32>
      %lt3A_425 = arith.constant 25000 : i32
      %lt3A_426 = vector.broadcast %lt3A_425 : i32 to vector<16xi32>
      %lt3A_427 = arith.cmpi slt, %sub3A_416, %lt3A_426 : vector<16xi32>
      %and3A_428 = arith.andi %ge3A_424, %lt3A_427 : vector<16xi1>
      %lt3A_429 = arith.constant 800000 : i32
      %lt3A_430 = vector.broadcast %lt3A_429 : i32 to vector<16xi32>
      %lt3A_431 = arith.cmpi slt, %add3A_421, %lt3A_430 : vector<16xi32>
      %and3A_432 = arith.andi %and3A_428, %lt3A_431 : vector<16xi1>
      %jit3A_433 = arith.constant 25024 : i32
      %broadcast_in_dim3A_434 = vector.broadcast %jit3A_433 : i32 to vector<16xi32>
      %select_n3A_435 = arith.select %and3A_432, %sub3A_416, %broadcast_in_dim3A_434 : vector<16xi1>, vector<16xi32>
      %swap3A_436 = arith.constant 64 : index
      %swap3A_437 = tpu.vector_load %arg11[%swap3A_436] {strides = array<i32>} : memref<128xi32, #tpu.memory_space<vmem>>, vector<16xi32>,
      %swap3A_438 = vector.shape_cast %swap3A_437 : vector<16xi32> to vector<16xi32>
      %swap3A_439 = vector.shape_cast %select_n3A_435 : vector<16xi32> to vector<16xi32>
      tpu.vector_store %arg11[%swap3A_436], %swap3A_439 {strides = array<i32>} : memref<128xi32, #tpu.memory_space<vmem>>, vector<16xi32>,
      %get3A_440 = arith.constant 80 : index
      %get3A_441 = tpu.vector_load %arg7[%get3A_440] {strides = array<i32>} : memref<128xi32, #tpu.memory_space<vmem>>, vector<16xi32>,
      %get3A_442 = vector.shape_cast %get3A_441 : vector<16xi32> to vector<16xi32>
      %sub3A_443 = vector.broadcast %mul3A_264 : i32 to vector<16xi32>
      %sub3A_444 = arith.subi %get3A_442, %sub3A_443 : vector<16xi32>
      %add3A_445 = arith.constant 80 : i32
      %add3A_446 = arith.addi %add3A_303, %add3A_445 : i32
      %iota3A_447 = tpu.iota {dimensions = array<i32: 0>} : vector<16xi32>
      %add3A_448 = vector.broadcast %add3A_446 : i32 to vector<16xi32>
      %add3A_449 = arith.addi %add3A_448, %iota3A_447 : vector<16xi32>
      %ge3A_450 = arith.constant 0 : i32
      %ge3A_451 = vector.broadcast %ge3A_450 : i32 to vector<16xi32>
      %ge3A_452 = arith.cmpi sge, %sub3A_444, %ge3A_451 : vector<16xi32>
      %lt3A_453 = arith.constant 25000 : i32
      %lt3A_454 = vector.broadcast %lt3A_453 : i32 to vector<16xi32>
      %lt3A_455 = arith.cmpi slt, %sub3A_444, %lt3A_454 : vector<16xi32>
      %and3A_456 = arith.andi %ge3A_452, %lt3A_455 : vector<16xi1>
      %lt3A_457 = arith.constant 800000 : i32
      %lt3A_458 = vector.broadcast %lt3A_457 : i32 to vector<16xi32>
      %lt3A_459 = arith.cmpi slt, %add3A_449, %lt3A_458 : vector<16xi32>
      %and3A_460 = arith.andi %and3A_456, %lt3A_459 : vector<16xi1>
      %jit3A_461 = arith.constant 25024 : i32
      %broadcast_in_dim3A_462 = vector.broadcast %jit3A_461 : i32 to vector<16xi32>
      %select_n3A_463 = arith.select %and3A_460, %sub3A_444, %broadcast_in_dim3A_462 : vector<16xi1>, vector<16xi32>
      %swap3A_464 = arith.constant 80 : index
      %swap3A_465 = tpu.vector_load %arg11[%swap3A_464] {strides = array<i32>} : memref<128xi32, #tpu.memory_space<vmem>>, vector<16xi32>,
      %swap3A_466 = vector.shape_cast %swap3A_465 : vector<16xi32> to vector<16xi32>
      %swap3A_467 = vector.shape_cast %select_n3A_463 : vector<16xi32> to vector<16xi32>
      tpu.vector_store %arg11[%swap3A_464], %swap3A_467 {strides = array<i32>} : memref<128xi32, #tpu.memory_space<vmem>>, vector<16xi32>,
      %get3A_468 = arith.constant 96 : index
      %get3A_469 = tpu.vector_load %arg7[%get3A_468] {strides = array<i32>} : memref<128xi32, #tpu.memory_space<vmem>>, vector<16xi32>,
      %get3A_470 = vector.shape_cast %get3A_469 : vector<16xi32> to vector<16xi32>
      %sub3A_471 = vector.broadcast %mul3A_264 : i32 to vector<16xi32>
      %sub3A_472 = arith.subi %get3A_470, %sub3A_471 : vector<16xi32>
      %add3A_473 = arith.constant 96 : i32
      %add3A_474 = arith.addi %add3A_303, %add3A_473 : i32
      %iota3A_475 = tpu.iota {dimensions = array<i32: 0>} : vector<16xi32>
      %add3A_476 = vector.broadcast %add3A_474 : i32 to vector<16xi32>
      %add3A_477 = arith.addi %add3A_476, %iota3A_475 : vector<16xi32>
      %ge3A_478 = arith.constant 0 : i32
      %ge3A_479 = vector.broadcast %ge3A_478 : i32 to vector<16xi32>
      %ge3A_480 = arith.cmpi sge, %sub3A_472, %ge3A_479 : vector<16xi32>
      %lt3A_481 = arith.constant 25000 : i32
      %lt3A_482 = vector.broadcast %lt3A_481 : i32 to vector<16xi32>
      %lt3A_483 = arith.cmpi slt, %sub3A_472, %lt3A_482 : vector<16xi32>
      %and3A_484 = arith.andi %ge3A_480, %lt3A_483 : vector<16xi1>
      %lt3A_485 = arith.constant 800000 : i32
      %lt3A_486 = vector.broadcast %lt3A_485 : i32 to vector<16xi32>
      %lt3A_487 = arith.cmpi slt, %add3A_477, %lt3A_486 : vector<16xi32>
      %and3A_488 = arith.andi %and3A_484, %lt3A_487 : vector<16xi1>
      %jit3A_489 = arith.constant 25024 : i32
      %broadcast_in_dim3A_490 = vector.broadcast %jit3A_489 : i32 to vector<16xi32>
      %select_n3A_491 = arith.select %and3A_488, %sub3A_472, %broadcast_in_dim3A_490 : vector<16xi1>, vector<16xi32>
      %swap3A_492 = arith.constant 96 : index
      %swap3A_493 = tpu.vector_load %arg11[%swap3A_492] {strides = array<i32>} : memref<128xi32, #tpu.memory_space<vmem>>, vector<16xi32>,
      %swap3A_494 = vector.shape_cast %swap3A_493 : vector<16xi32> to vector<16xi32>
      %swap3A_495 = vector.shape_cast %select_n3A_491 : vector<16xi32> to vector<16xi32>
      tpu.vector_store %arg11[%swap3A_492], %swap3A_495 {strides = array<i32>} : memref<128xi32, #tpu.memory_space<vmem>>, vector<16xi32>,
      %get3A_496 = arith.constant 112 : index
      %get3A_497 = tpu.vector_load %arg7[%get3A_496] {strides = array<i32>} : memref<128xi32, #tpu.memory_space<vmem>>, vector<16xi32>,
      %get3A_498 = vector.shape_cast %get3A_497 : vector<16xi32> to vector<16xi32>
      %sub3A_499 = vector.broadcast %mul3A_264 : i32 to vector<16xi32>
      %sub3A_500 = arith.subi %get3A_498, %sub3A_499 : vector<16xi32>
      %add3A_501 = arith.constant 112 : i32
      %add3A_502 = arith.addi %add3A_303, %add3A_501 : i32
      %iota3A_503 = tpu.iota {dimensions = array<i32: 0>} : vector<16xi32>
      %add3A_504 = vector.broadcast %add3A_502 : i32 to vector<16xi32>
      %add3A_505 = arith.addi %add3A_504, %iota3A_503 : vector<16xi32>
      %ge3A_506 = arith.constant 0 : i32
      %ge3A_507 = vector.broadcast %ge3A_506 : i32 to vector<16xi32>
      %ge3A_508 = arith.cmpi sge, %sub3A_500, %ge3A_507 : vector<16xi32>
      %lt3A_509 = arith.constant 25000 : i32
      %lt3A_510 = vector.broadcast %lt3A_509 : i32 to vector<16xi32>
      %lt3A_511 = arith.cmpi slt, %sub3A_500, %lt3A_510 : vector<16xi32>
      %and3A_512 = arith.andi %ge3A_508, %lt3A_511 : vector<16xi1>
      %lt3A_513 = arith.constant 800000 : i32
      %lt3A_514 = vector.broadcast %lt3A_513 : i32 to vector<16xi32>
      %lt3A_515 = arith.cmpi slt, %add3A_505, %lt3A_514 : vector<16xi32>
      %and3A_516 = arith.andi %and3A_512, %lt3A_515 : vector<16xi1>
      %jit3A_517 = arith.constant 25024 : i32
      %broadcast_in_dim3A_518 = vector.broadcast %jit3A_517 : i32 to vector<16xi32>
      %select_n3A_519 = arith.select %and3A_516, %sub3A_500, %broadcast_in_dim3A_518 : vector<16xi1>, vector<16xi32>
      %swap3A_520 = arith.constant 112 : index
      %swap3A_521 = tpu.vector_load %arg11[%swap3A_520] {strides = array<i32>} : memref<128xi32, #tpu.memory_space<vmem>>, vector<16xi32>,
      %swap3A_522 = vector.shape_cast %swap3A_521 : vector<16xi32> to vector<16xi32>
      %swap3A_523 = vector.shape_cast %select_n3A_519 : vector<16xi32> to vector<16xi32>
      tpu.vector_store %arg11[%swap3A_520], %swap3A_523 {strides = array<i32>} : memref<128xi32, #tpu.memory_space<vmem>>, vector<16xi32>,
      %parallel_loop3A = arith.constant 0 : i32
      %parallel_loop3A_524 = arith.constant 128 : i32
      %parallel_loop3A_525 = arith.constant 1 : i32
      scf.for %parallel_loop3A_769 = %parallel_loop3A to %parallel_loop3A_524 step %parallel_loop3A_525  : i32 {
        %parallel_loop3A_770 = arith.index_cast %parallel_loop3A_769 : i32 to index
        %parallel_loop3A_771 = arith.constant 0 : index
        %parallel_loop3A_772 = tpu.vector_load %arg12[%parallel_loop3A_770, %parallel_loop3A_771] {strides = array<i32>} : memref<128x64xf32, #tpu.memory_space<vmem>>, vector<1x16xf32>,
        %parallel_loop3A_773 = vector.shape_cast %parallel_loop3A_772 : vector<1x16xf32> to vector<16xf32>
        %parallel_loop3A_774 = arith.index_cast %parallel_loop3A_769 : i32 to index
        %parallel_loop3A_775 = arith.constant 0 : index
        %parallel_loop3A_776 = tpu.vector_load %arg14[%parallel_loop3A_774, %parallel_loop3A_775] {strides = array<i32>} : memref<128x64xf32, #tpu.memory_space<vmem>>, vector<1x16xf32>,
        %parallel_loop3A_777 = vector.shape_cast %parallel_loop3A_776 : vector<1x16xf32> to vector<16xf32>
        %parallel_loop3A_778 = arith.mulf %parallel_loop3A_773, %parallel_loop3A_777 : vector<16xf32>
        %parallel_loop3A_779 = arith.index_cast %parallel_loop3A_769 : i32 to index
        %parallel_loop3A_780 = arith.constant 0 : index
        %parallel_loop3A_781 = tpu.vector_load %arg12[%parallel_loop3A_779, %parallel_loop3A_780] {strides = array<i32>} : memref<128x64xf32, #tpu.memory_space<vmem>>, vector<1x16xf32>,
        %parallel_loop3A_782 = vector.shape_cast %parallel_loop3A_781 : vector<1x16xf32> to vector<16xf32>
        %parallel_loop3A_783 = vector.shape_cast %parallel_loop3A_778 : vector<16xf32> to vector<1x16xf32>
        tpu.vector_store %arg12[%parallel_loop3A_779, %parallel_loop3A_780], %parallel_loop3A_783 {strides = array<i32>} : memref<128x64xf32, #tpu.memory_space<vmem>>, vector<1x16xf32>,
        %parallel_loop3A_784 = arith.index_cast %parallel_loop3A_769 : i32 to index
        %parallel_loop3A_785 = arith.constant 16 : index
        %parallel_loop3A_786 = tpu.vector_load %arg12[%parallel_loop3A_784, %parallel_loop3A_785] {strides = array<i32>} : memref<128x64xf32, #tpu.memory_space<vmem>>, vector<1x16xf32>,
        %parallel_loop3A_787 = vector.shape_cast %parallel_loop3A_786 : vector<1x16xf32> to vector<16xf32>
        %parallel_loop3A_788 = arith.index_cast %parallel_loop3A_769 : i32 to index
        %parallel_loop3A_789 = arith.constant 16 : index
        %parallel_loop3A_790 = tpu.vector_load %arg14[%parallel_loop3A_788, %parallel_loop3A_789] {strides = array<i32>} : memref<128x64xf32, #tpu.memory_space<vmem>>, vector<1x16xf32>,
        %parallel_loop3A_791 = vector.shape_cast %parallel_loop3A_790 : vector<1x16xf32> to vector<16xf32>
        %parallel_loop3A_792 = arith.mulf %parallel_loop3A_787, %parallel_loop3A_791 : vector<16xf32>
        %parallel_loop3A_793 = arith.index_cast %parallel_loop3A_769 : i32 to index
        %parallel_loop3A_794 = arith.constant 16 : index
        %parallel_loop3A_795 = tpu.vector_load %arg12[%parallel_loop3A_793, %parallel_loop3A_794] {strides = array<i32>} : memref<128x64xf32, #tpu.memory_space<vmem>>, vector<1x16xf32>,
        %parallel_loop3A_796 = vector.shape_cast %parallel_loop3A_795 : vector<1x16xf32> to vector<16xf32>
        %parallel_loop3A_797 = vector.shape_cast %parallel_loop3A_792 : vector<16xf32> to vector<1x16xf32>
        tpu.vector_store %arg12[%parallel_loop3A_793, %parallel_loop3A_794], %parallel_loop3A_797 {strides = array<i32>} : memref<128x64xf32, #tpu.memory_space<vmem>>, vector<1x16xf32>,
        %parallel_loop3A_798 = arith.index_cast %parallel_loop3A_769 : i32 to index
        %parallel_loop3A_799 = arith.constant 32 : index
        %parallel_loop3A_800 = tpu.vector_load %arg12[%parallel_loop3A_798, %parallel_loop3A_799] {strides = array<i32>} : memref<128x64xf32, #tpu.memory_space<vmem>>, vector<1x16xf32>,
        %parallel_loop3A_801 = vector.shape_cast %parallel_loop3A_800 : vector<1x16xf32> to vector<16xf32>
        %parallel_loop3A_802 = arith.index_cast %parallel_loop3A_769 : i32 to index
        %parallel_loop3A_803 = arith.constant 32 : index
        %parallel_loop3A_804 = tpu.vector_load %arg14[%parallel_loop3A_802, %parallel_loop3A_803] {strides = array<i32>} : memref<128x64xf32, #tpu.memory_space<vmem>>, vector<1x16xf32>,
        %parallel_loop3A_805 = vector.shape_cast %parallel_loop3A_804 : vector<1x16xf32> to vector<16xf32>
        %parallel_loop3A_806 = arith.mulf %parallel_loop3A_801, %parallel_loop3A_805 : vector<16xf32>
        %parallel_loop3A_807 = arith.index_cast %parallel_loop3A_769 : i32 to index
        %parallel_loop3A_808 = arith.constant 32 : index
        %parallel_loop3A_809 = tpu.vector_load %arg12[%parallel_loop3A_807, %parallel_loop3A_808] {strides = array<i32>} : memref<128x64xf32, #tpu.memory_space<vmem>>, vector<1x16xf32>,
        %parallel_loop3A_810 = vector.shape_cast %parallel_loop3A_809 : vector<1x16xf32> to vector<16xf32>
        %parallel_loop3A_811 = vector.shape_cast %parallel_loop3A_806 : vector<16xf32> to vector<1x16xf32>
        tpu.vector_store %arg12[%parallel_loop3A_807, %parallel_loop3A_808], %parallel_loop3A_811 {strides = array<i32>} : memref<128x64xf32, #tpu.memory_space<vmem>>, vector<1x16xf32>,
        %parallel_loop3A_812 = arith.index_cast %parallel_loop3A_769 : i32 to index
        %parallel_loop3A_813 = arith.constant 48 : index
        %parallel_loop3A_814 = tpu.vector_load %arg12[%parallel_loop3A_812, %parallel_loop3A_813] {strides = array<i32>} : memref<128x64xf32, #tpu.memory_space<vmem>>, vector<1x16xf32>,
        %parallel_loop3A_815 = vector.shape_cast %parallel_loop3A_814 : vector<1x16xf32> to vector<16xf32>
        %parallel_loop3A_816 = arith.index_cast %parallel_loop3A_769 : i32 to index
        %parallel_loop3A_817 = arith.constant 48 : index
        %parallel_loop3A_818 = tpu.vector_load %arg14[%parallel_loop3A_816, %parallel_loop3A_817] {strides = array<i32>} : memref<128x64xf32, #tpu.memory_space<vmem>>, vector<1x16xf32>,
        %parallel_loop3A_819 = vector.shape_cast %parallel_loop3A_818 : vector<1x16xf32> to vector<16xf32>
        %parallel_loop3A_820 = arith.mulf %parallel_loop3A_815, %parallel_loop3A_819 : vector<16xf32>
        %parallel_loop3A_821 = arith.index_cast %parallel_loop3A_769 : i32 to index
        %parallel_loop3A_822 = arith.constant 48 : index
        %parallel_loop3A_823 = tpu.vector_load %arg12[%parallel_loop3A_821, %parallel_loop3A_822] {strides = array<i32>} : memref<128x64xf32, #tpu.memory_space<vmem>>, vector<1x16xf32>,
        %parallel_loop3A_824 = vector.shape_cast %parallel_loop3A_823 : vector<1x16xf32> to vector<16xf32>
        %parallel_loop3A_825 = vector.shape_cast %parallel_loop3A_820 : vector<16xf32> to vector<1x16xf32>
        tpu.vector_store %arg12[%parallel_loop3A_821, %parallel_loop3A_822], %parallel_loop3A_825 {strides = array<i32>} : memref<128x64xf32, #tpu.memory_space<vmem>>, vector<1x16xf32>,
      } {sc.loop_unroll_factor = 4 : i64, sc.parallel_access}
      "tpu.region"() ({
        %run_scoped3A = tpu.sem_alloc : memref<!tpu.dma_semaphore, #tpu.memory_space<semaphore_mem>>
        %dma_start3A_769 = arith.constant 0 : i32
        %dma_start3A_770 = arith.constant 0 : i32
        %dma_start3A_771 = tpu.memref_slice %arg16[%dma_start3A_769, %dma_start3A_770] : memref<25088x64xf32, #tpu.memory_space<vmem_shared>> -> memref<25088x64xf32, #tpu.memory_space<vmem_shared>>
        tpu.enqueue_indirect_dma source(%arg12 : memref<128x64xf32, #tpu.memory_space<vmem>>) target(%dma_start3A_771 : memref<25088x64xf32, #tpu.memory_space<vmem_shared>>) offsets(%arg11 : memref<128xi32, #tpu.memory_space<vmem>>) semaphore(%run_scoped3A : memref<!tpu.dma_semaphore, #tpu.memory_space<semaphore_mem>>) {add = true}
        %dma_wait3A_772 = arith.constant 0 : i32
        %dma_wait3A_773 = arith.constant 0 : i32
        %dma_wait3A_774 = tpu.memref_slice %arg16[%dma_wait3A_772, %dma_wait3A_773] : memref<25088x64xf32, #tpu.memory_space<vmem_shared>> -> memref<25088x64xf32, #tpu.memory_space<vmem_shared>>
        tpu.wait_indirect_dma semaphore(%run_scoped3A : memref<!tpu.dma_semaphore, #tpu.memory_space<semaphore_mem>>) src(%arg12 : memref<128x64xf32, #tpu.memory_space<vmem>>) dst(%dma_wait3A_774 : memref<25088x64xf32, #tpu.memory_space<vmem_shared>>)
        tpu.yield
      }) : () -> ()
      %add3A_526 = arith.constant 2 : i32
      %add3A_527 = arith.addi %mul3A_292, %add3A_526 : i32
      %lt3A_528 = arith.constant 392 : i32
      %lt3A_529 = arith.cmpi slt, %add3A_527, %lt3A_528 : i32
      %convert_element_type3A_530 = arith.extui %lt3A_529 : i1 to i32
      %cond3A_531 = arith.constant 0 : i32
      %cond3A_532 = arith.cmpi ne, %convert_element_type3A_530, %cond3A_531 : i32
      scf.if %cond3A_532 {
        %add3A_769 = arith.constant 2 : i32
        %add3A_770 = arith.addi %mul3A_292, %add3A_769 : i32
        %mul3A_771 = arith.constant 128 : i32
        %mul3A_772 = arith.muli %add3A_770, %mul3A_771 : i32
        %add3A_773 = arith.addi %mul3A_262, %mul3A_772 : i32
        "tpu.region"() ({
          %run_scoped3A = tpu.sem_alloc : memref<!tpu.dma_semaphore, #tpu.memory_space<semaphore_mem>>
          %dma_start3A_777 = tpu.memref_slice %arg4[%add3A_773] : memref<802816xi32, #tpu.memory_space<hbm>> -> memref<128xi32, #tpu.memory_space<hbm>>
          %dma_start3A_778 = tpu.memref_slice %arg4[%add3A_773] : memref<802816xi32, #tpu.memory_space<hbm>> -> memref<128xi32, #tpu.memory_space<hbm>>
          tpu.enqueue_dma source(%dma_start3A_778 : memref<128xi32, #tpu.memory_space<hbm>>) target(%arg7 : memref<128xi32, #tpu.memory_space<vmem>>) target_semaphore(%run_scoped3A : memref<!tpu.dma_semaphore, #tpu.memory_space<semaphore_mem>>)
          %dma_wait3A_779 = tpu.memref_slice %arg4[%add3A_773] : memref<802816xi32, #tpu.memory_space<hbm>> -> memref<128xi32, #tpu.memory_space<hbm>>
          %dma_wait3A_780 = tpu.memref_slice %arg4[%add3A_773] : memref<802816xi32, #tpu.memory_space<hbm>> -> memref<128xi32, #tpu.memory_space<hbm>>
          tpu.wait_dma2 semaphore(%run_scoped3A : memref<!tpu.dma_semaphore, #tpu.memory_space<semaphore_mem>>) src(%dma_wait3A_780 : memref<128xi32, #tpu.memory_space<hbm>>) dst(%arg7 : memref<128xi32, #tpu.memory_space<vmem>>)
          tpu.yield
        }) : () -> ()
        "tpu.region"() ({
          %run_scoped3A = tpu.sem_alloc : memref<!tpu.dma_semaphore, #tpu.memory_space<semaphore_mem>>
          %dma_start3A_777 = tpu.memref_slice %arg5[%add3A_773] : memref<802816xi32, #tpu.memory_space<hbm>> -> memref<128xi32, #tpu.memory_space<hbm>>
          %dma_start3A_778 = tpu.memref_slice %arg5[%add3A_773] : memref<802816xi32, #tpu.memory_space<hbm>> -> memref<128xi32, #tpu.memory_space<hbm>>
          tpu.enqueue_dma source(%dma_start3A_778 : memref<128xi32, #tpu.memory_space<hbm>>) target(%arg9 : memref<128xi32, #tpu.memory_space<vmem>>) target_semaphore(%run_scoped3A : memref<!tpu.dma_semaphore, #tpu.memory_space<semaphore_mem>>)
          %dma_wait3A_779 = tpu.memref_slice %arg5[%add3A_773] : memref<802816xi32, #tpu.memory_space<hbm>> -> memref<128xi32, #tpu.memory_space<hbm>>
          %dma_wait3A_780 = tpu.memref_slice %arg5[%add3A_773] : memref<802816xi32, #tpu.memory_space<hbm>> -> memref<128xi32, #tpu.memory_space<hbm>>
          tpu.wait_dma2 semaphore(%run_scoped3A : memref<!tpu.dma_semaphore, #tpu.memory_space<semaphore_mem>>) src(%dma_wait3A_780 : memref<128xi32, #tpu.memory_space<hbm>>) dst(%arg9 : memref<128xi32, #tpu.memory_space<vmem>>)
          tpu.yield
        }) : () -> ()
        %dma_start3A_774 = arith.constant 0 : i32
        %dma_start3A_775 = arith.constant 0 : i32
        %dma_start3A_776 = tpu.memref_slice %arg2[%dma_start3A_774, %dma_start3A_775] : memref<50176x64xf32, #tpu.memory_space<hbm>> -> memref<50176x64xf32, #tpu.memory_space<hbm>>
        tpu.enqueue_indirect_dma source(%dma_start3A_776 : memref<50176x64xf32, #tpu.memory_space<hbm>>) target(%arg12 : memref<128x64xf32, #tpu.memory_space<vmem>>) offsets(%arg9 : memref<128xi32, #tpu.memory_space<vmem>>) semaphore(%arg17 : memref<!tpu.dma_semaphore, #tpu.memory_space<semaphore_mem>>)
      } else {
      }
      %add3A_533 = arith.constant 1 : i32
      %add3A_534 = arith.addi %mul3A_292, %add3A_533 : i32
      %mul3A_535 = arith.constant 128 : i32
      %mul3A_536 = arith.muli %add3A_534, %mul3A_535 : i32
      %add3A_537 = arith.addi %mul3A_262, %mul3A_536 : i32
      %dma_wait3A_538 = arith.constant 0 : i32
      %dma_wait3A_539 = arith.constant 0 : i32
      %dma_wait3A_540 = tpu.memref_slice %arg2[%dma_wait3A_538, %dma_wait3A_539] : memref<50176x64xf32, #tpu.memory_space<hbm>> -> memref<50176x64xf32, #tpu.memory_space<hbm>>
      tpu.wait_indirect_dma semaphore(%arg18 : memref<!tpu.dma_semaphore, #tpu.memory_space<semaphore_mem>>) src(%dma_wait3A_540 : memref<50176x64xf32, #tpu.memory_space<hbm>>) dst(%arg13 : memref<128x64xf32, #tpu.memory_space<vmem>>)
      "tpu.region"() ({
        %run_scoped3A = tpu.sem_alloc : memref<!tpu.dma_semaphore, #tpu.memory_space<semaphore_mem>>
        %dma_start3A_769 = arith.constant 0 : i32
        %dma_start3A_770 = tpu.memref_slice %arg3[%add3A_537, %dma_start3A_769] : memref<802816x64xf32, #tpu.memory_space<hbm>> -> memref<128x64xf32, #tpu.memory_space<hbm>>
        %dma_start3A_771 = arith.constant 0 : i32
        %dma_start3A_772 = tpu.memref_slice %arg3[%add3A_537, %dma_start3A_771] : memref<802816x64xf32, #tpu.memory_space<hbm>> -> memref<128x64xf32, #tpu.memory_space<hbm>>
        tpu.enqueue_dma source(%dma_start3A_772 : memref<128x64xf32, #tpu.memory_space<hbm>>) target(%arg14 : memref<128x64xf32, #tpu.memory_space<vmem>>) target_semaphore(%run_scoped3A : memref<!tpu.dma_semaphore, #tpu.memory_space<semaphore_mem>>)
        %dma_wait3A_773 = arith.constant 0 : i32
        %dma_wait3A_774 = tpu.memref_slice %arg3[%add3A_537, %dma_wait3A_773] : memref<802816x64xf32, #tpu.memory_space<hbm>> -> memref<128x64xf32, #tpu.memory_space<hbm>>
        %dma_wait3A_775 = arith.constant 0 : i32
        %dma_wait3A_776 = tpu.memref_slice %arg3[%add3A_537, %dma_wait3A_775] : memref<802816x64xf32, #tpu.memory_space<hbm>> -> memref<128x64xf32, #tpu.memory_space<hbm>>
        tpu.wait_dma2 semaphore(%run_scoped3A : memref<!tpu.dma_semaphore, #tpu.memory_space<semaphore_mem>>) src(%dma_wait3A_776 : memref<128x64xf32, #tpu.memory_space<hbm>>) dst(%arg14 : memref<128x64xf32, #tpu.memory_space<vmem>>)
        tpu.yield
      }) : () -> ()
      %get3A_541 = arith.constant 0 : index
      %get3A_542 = tpu.vector_load %arg8[%get3A_541] {strides = array<i32>} : memref<128xi32, #tpu.memory_space<vmem>>, vector<16xi32>,
      %get3A_543 = vector.shape_cast %get3A_542 : vector<16xi32> to vector<16xi32>
      %sub3A_544 = vector.broadcast %mul3A_264 : i32 to vector<16xi32>
      %sub3A_545 = arith.subi %get3A_543, %sub3A_544 : vector<16xi32>
      %add3A_546 = arith.constant 0 : i32
      %add3A_547 = arith.addi %add3A_537, %add3A_546 : i32
      %iota3A_548 = tpu.iota {dimensions = array<i32: 0>} : vector<16xi32>
      %add3A_549 = vector.broadcast %add3A_547 : i32 to vector<16xi32>
      %add3A_550 = arith.addi %add3A_549, %iota3A_548 : vector<16xi32>
      %ge3A_551 = arith.constant 0 : i32
      %ge3A_552 = vector.broadcast %ge3A_551 : i32 to vector<16xi32>
      %ge3A_553 = arith.cmpi sge, %sub3A_545, %ge3A_552 : vector<16xi32>
      %lt3A_554 = arith.constant 25000 : i32
      %lt3A_555 = vector.broadcast %lt3A_554 : i32 to vector<16xi32>
      %lt3A_556 = arith.cmpi slt, %sub3A_545, %lt3A_555 : vector<16xi32>
      %and3A_557 = arith.andi %ge3A_553, %lt3A_556 : vector<16xi1>
      %lt3A_558 = arith.constant 800000 : i32
      %lt3A_559 = vector.broadcast %lt3A_558 : i32 to vector<16xi32>
      %lt3A_560 = arith.cmpi slt, %add3A_550, %lt3A_559 : vector<16xi32>
      %and3A_561 = arith.andi %and3A_557, %lt3A_560 : vector<16xi1>
      %jit3A_562 = arith.constant 25024 : i32
      %broadcast_in_dim3A_563 = vector.broadcast %jit3A_562 : i32 to vector<16xi32>
      %select_n3A_564 = arith.select %and3A_561, %sub3A_545, %broadcast_in_dim3A_563 : vector<16xi1>, vector<16xi32>
      %swap3A_565 = arith.constant 0 : index
      %swap3A_566 = tpu.vector_load %arg11[%swap3A_565] {strides = array<i32>} : memref<128xi32, #tpu.memory_space<vmem>>, vector<16xi32>,
      %swap3A_567 = vector.shape_cast %swap3A_566 : vector<16xi32> to vector<16xi32>
      %swap3A_568 = vector.shape_cast %select_n3A_564 : vector<16xi32> to vector<16xi32>
      tpu.vector_store %arg11[%swap3A_565], %swap3A_568 {strides = array<i32>} : memref<128xi32, #tpu.memory_space<vmem>>, vector<16xi32>,
      %get3A_569 = arith.constant 16 : index
      %get3A_570 = tpu.vector_load %arg8[%get3A_569] {strides = array<i32>} : memref<128xi32, #tpu.memory_space<vmem>>, vector<16xi32>,
      %get3A_571 = vector.shape_cast %get3A_570 : vector<16xi32> to vector<16xi32>
      %sub3A_572 = vector.broadcast %mul3A_264 : i32 to vector<16xi32>
      %sub3A_573 = arith.subi %get3A_571, %sub3A_572 : vector<16xi32>
      %add3A_574 = arith.constant 16 : i32
      %add3A_575 = arith.addi %add3A_537, %add3A_574 : i32
      %iota3A_576 = tpu.iota {dimensions = array<i32: 0>} : vector<16xi32>
      %add3A_577 = vector.broadcast %add3A_575 : i32 to vector<16xi32>
      %add3A_578 = arith.addi %add3A_577, %iota3A_576 : vector<16xi32>
      %ge3A_579 = arith.constant 0 : i32
      %ge3A_580 = vector.broadcast %ge3A_579 : i32 to vector<16xi32>
      %ge3A_581 = arith.cmpi sge, %sub3A_573, %ge3A_580 : vector<16xi32>
      %lt3A_582 = arith.constant 25000 : i32
      %lt3A_583 = vector.broadcast %lt3A_582 : i32 to vector<16xi32>
      %lt3A_584 = arith.cmpi slt, %sub3A_573, %lt3A_583 : vector<16xi32>
      %and3A_585 = arith.andi %ge3A_581, %lt3A_584 : vector<16xi1>
      %lt3A_586 = arith.constant 800000 : i32
      %lt3A_587 = vector.broadcast %lt3A_586 : i32 to vector<16xi32>
      %lt3A_588 = arith.cmpi slt, %add3A_578, %lt3A_587 : vector<16xi32>
      %and3A_589 = arith.andi %and3A_585, %lt3A_588 : vector<16xi1>
      %jit3A_590 = arith.constant 25024 : i32
      %broadcast_in_dim3A_591 = vector.broadcast %jit3A_590 : i32 to vector<16xi32>
      %select_n3A_592 = arith.select %and3A_589, %sub3A_573, %broadcast_in_dim3A_591 : vector<16xi1>, vector<16xi32>
      %swap3A_593 = arith.constant 16 : index
      %swap3A_594 = tpu.vector_load %arg11[%swap3A_593] {strides = array<i32>} : memref<128xi32, #tpu.memory_space<vmem>>, vector<16xi32>,
      %swap3A_595 = vector.shape_cast %swap3A_594 : vector<16xi32> to vector<16xi32>
      %swap3A_596 = vector.shape_cast %select_n3A_592 : vector<16xi32> to vector<16xi32>
      tpu.vector_store %arg11[%swap3A_593], %swap3A_596 {strides = array<i32>} : memref<128xi32, #tpu.memory_space<vmem>>, vector<16xi32>,
      %get3A_597 = arith.constant 32 : index
      %get3A_598 = tpu.vector_load %arg8[%get3A_597] {strides = array<i32>} : memref<128xi32, #tpu.memory_space<vmem>>, vector<16xi32>,
      %get3A_599 = vector.shape_cast %get3A_598 : vector<16xi32> to vector<16xi32>
      %sub3A_600 = vector.broadcast %mul3A_264 : i32 to vector<16xi32>
      %sub3A_601 = arith.subi %get3A_599, %sub3A_600 : vector<16xi32>
      %add3A_602 = arith.constant 32 : i32
      %add3A_603 = arith.addi %add3A_537, %add3A_602 : i32
      %iota3A_604 = tpu.iota {dimensions = array<i32: 0>} : vector<16xi32>
      %add3A_605 = vector.broadcast %add3A_603 : i32 to vector<16xi32>
      %add3A_606 = arith.addi %add3A_605, %iota3A_604 : vector<16xi32>
      %ge3A_607 = arith.constant 0 : i32
      %ge3A_608 = vector.broadcast %ge3A_607 : i32 to vector<16xi32>
      %ge3A_609 = arith.cmpi sge, %sub3A_601, %ge3A_608 : vector<16xi32>
      %lt3A_610 = arith.constant 25000 : i32
      %lt3A_611 = vector.broadcast %lt3A_610 : i32 to vector<16xi32>
      %lt3A_612 = arith.cmpi slt, %sub3A_601, %lt3A_611 : vector<16xi32>
      %and3A_613 = arith.andi %ge3A_609, %lt3A_612 : vector<16xi1>
      %lt3A_614 = arith.constant 800000 : i32
      %lt3A_615 = vector.broadcast %lt3A_614 : i32 to vector<16xi32>
      %lt3A_616 = arith.cmpi slt, %add3A_606, %lt3A_615 : vector<16xi32>
      %and3A_617 = arith.andi %and3A_613, %lt3A_616 : vector<16xi1>
      %jit3A_618 = arith.constant 25024 : i32
      %broadcast_in_dim3A_619 = vector.broadcast %jit3A_618 : i32 to vector<16xi32>
      %select_n3A_620 = arith.select %and3A_617, %sub3A_601, %broadcast_in_dim3A_619 : vector<16xi1>, vector<16xi32>
      %swap3A_621 = arith.constant 32 : index
      %swap3A_622 = tpu.vector_load %arg11[%swap3A_621] {strides = array<i32>} : memref<128xi32, #tpu.memory_space<vmem>>, vector<16xi32>,
      %swap3A_623 = vector.shape_cast %swap3A_622 : vector<16xi32> to vector<16xi32>
      %swap3A_624 = vector.shape_cast %select_n3A_620 : vector<16xi32> to vector<16xi32>
      tpu.vector_store %arg11[%swap3A_621], %swap3A_624 {strides = array<i32>} : memref<128xi32, #tpu.memory_space<vmem>>, vector<16xi32>,
      %get3A_625 = arith.constant 48 : index
      %get3A_626 = tpu.vector_load %arg8[%get3A_625] {strides = array<i32>} : memref<128xi32, #tpu.memory_space<vmem>>, vector<16xi32>,
      %get3A_627 = vector.shape_cast %get3A_626 : vector<16xi32> to vector<16xi32>
      %sub3A_628 = vector.broadcast %mul3A_264 : i32 to vector<16xi32>
      %sub3A_629 = arith.subi %get3A_627, %sub3A_628 : vector<16xi32>
      %add3A_630 = arith.constant 48 : i32
      %add3A_631 = arith.addi %add3A_537, %add3A_630 : i32
      %iota3A_632 = tpu.iota {dimensions = array<i32: 0>} : vector<16xi32>
      %add3A_633 = vector.broadcast %add3A_631 : i32 to vector<16xi32>
      %add3A_634 = arith.addi %add3A_633, %iota3A_632 : vector<16xi32>
      %ge3A_635 = arith.constant 0 : i32
      %ge3A_636 = vector.broadcast %ge3A_635 : i32 to vector<16xi32>
      %ge3A_637 = arith.cmpi sge, %sub3A_629, %ge3A_636 : vector<16xi32>
      %lt3A_638 = arith.constant 25000 : i32
      %lt3A_639 = vector.broadcast %lt3A_638 : i32 to vector<16xi32>
      %lt3A_640 = arith.cmpi slt, %sub3A_629, %lt3A_639 : vector<16xi32>
      %and3A_641 = arith.andi %ge3A_637, %lt3A_640 : vector<16xi1>
      %lt3A_642 = arith.constant 800000 : i32
      %lt3A_643 = vector.broadcast %lt3A_642 : i32 to vector<16xi32>
      %lt3A_644 = arith.cmpi slt, %add3A_634, %lt3A_643 : vector<16xi32>
      %and3A_645 = arith.andi %and3A_641, %lt3A_644 : vector<16xi1>
      %jit3A_646 = arith.constant 25024 : i32
      %broadcast_in_dim3A_647 = vector.broadcast %jit3A_646 : i32 to vector<16xi32>
      %select_n3A_648 = arith.select %and3A_645, %sub3A_629, %broadcast_in_dim3A_647 : vector<16xi1>, vector<16xi32>
      %swap3A_649 = arith.constant 48 : index
      %swap3A_650 = tpu.vector_load %arg11[%swap3A_649] {strides = array<i32>} : memref<128xi32, #tpu.memory_space<vmem>>, vector<16xi32>,
      %swap3A_651 = vector.shape_cast %swap3A_650 : vector<16xi32> to vector<16xi32>
      %swap3A_652 = vector.shape_cast %select_n3A_648 : vector<16xi32> to vector<16xi32>
      tpu.vector_store %arg11[%swap3A_649], %swap3A_652 {strides = array<i32>} : memref<128xi32, #tpu.memory_space<vmem>>, vector<16xi32>,
      %get3A_653 = arith.constant 64 : index
      %get3A_654 = tpu.vector_load %arg8[%get3A_653] {strides = array<i32>} : memref<128xi32, #tpu.memory_space<vmem>>, vector<16xi32>,
      %get3A_655 = vector.shape_cast %get3A_654 : vector<16xi32> to vector<16xi32>
      %sub3A_656 = vector.broadcast %mul3A_264 : i32 to vector<16xi32>
      %sub3A_657 = arith.subi %get3A_655, %sub3A_656 : vector<16xi32>
      %add3A_658 = arith.constant 64 : i32
      %add3A_659 = arith.addi %add3A_537, %add3A_658 : i32
      %iota3A_660 = tpu.iota {dimensions = array<i32: 0>} : vector<16xi32>
      %add3A_661 = vector.broadcast %add3A_659 : i32 to vector<16xi32>
      %add3A_662 = arith.addi %add3A_661, %iota3A_660 : vector<16xi32>
      %ge3A_663 = arith.constant 0 : i32
      %ge3A_664 = vector.broadcast %ge3A_663 : i32 to vector<16xi32>
      %ge3A_665 = arith.cmpi sge, %sub3A_657, %ge3A_664 : vector<16xi32>
      %lt3A_666 = arith.constant 25000 : i32
      %lt3A_667 = vector.broadcast %lt3A_666 : i32 to vector<16xi32>
      %lt3A_668 = arith.cmpi slt, %sub3A_657, %lt3A_667 : vector<16xi32>
      %and3A_669 = arith.andi %ge3A_665, %lt3A_668 : vector<16xi1>
      %lt3A_670 = arith.constant 800000 : i32
      %lt3A_671 = vector.broadcast %lt3A_670 : i32 to vector<16xi32>
      %lt3A_672 = arith.cmpi slt, %add3A_662, %lt3A_671 : vector<16xi32>
      %and3A_673 = arith.andi %and3A_669, %lt3A_672 : vector<16xi1>
      %jit3A_674 = arith.constant 25024 : i32
      %broadcast_in_dim3A_675 = vector.broadcast %jit3A_674 : i32 to vector<16xi32>
      %select_n3A_676 = arith.select %and3A_673, %sub3A_657, %broadcast_in_dim3A_675 : vector<16xi1>, vector<16xi32>
      %swap3A_677 = arith.constant 64 : index
      %swap3A_678 = tpu.vector_load %arg11[%swap3A_677] {strides = array<i32>} : memref<128xi32, #tpu.memory_space<vmem>>, vector<16xi32>,
      %swap3A_679 = vector.shape_cast %swap3A_678 : vector<16xi32> to vector<16xi32>
      %swap3A_680 = vector.shape_cast %select_n3A_676 : vector<16xi32> to vector<16xi32>
      tpu.vector_store %arg11[%swap3A_677], %swap3A_680 {strides = array<i32>} : memref<128xi32, #tpu.memory_space<vmem>>, vector<16xi32>,
      %get3A_681 = arith.constant 80 : index
      %get3A_682 = tpu.vector_load %arg8[%get3A_681] {strides = array<i32>} : memref<128xi32, #tpu.memory_space<vmem>>, vector<16xi32>,
      %get3A_683 = vector.shape_cast %get3A_682 : vector<16xi32> to vector<16xi32>
      %sub3A_684 = vector.broadcast %mul3A_264 : i32 to vector<16xi32>
      %sub3A_685 = arith.subi %get3A_683, %sub3A_684 : vector<16xi32>
      %add3A_686 = arith.constant 80 : i32
      %add3A_687 = arith.addi %add3A_537, %add3A_686 : i32
      %iota3A_688 = tpu.iota {dimensions = array<i32: 0>} : vector<16xi32>
      %add3A_689 = vector.broadcast %add3A_687 : i32 to vector<16xi32>
      %add3A_690 = arith.addi %add3A_689, %iota3A_688 : vector<16xi32>
      %ge3A_691 = arith.constant 0 : i32
      %ge3A_692 = vector.broadcast %ge3A_691 : i32 to vector<16xi32>
      %ge3A_693 = arith.cmpi sge, %sub3A_685, %ge3A_692 : vector<16xi32>
      %lt3A_694 = arith.constant 25000 : i32
      %lt3A_695 = vector.broadcast %lt3A_694 : i32 to vector<16xi32>
      %lt3A_696 = arith.cmpi slt, %sub3A_685, %lt3A_695 : vector<16xi32>
      %and3A_697 = arith.andi %ge3A_693, %lt3A_696 : vector<16xi1>
      %lt3A_698 = arith.constant 800000 : i32
      %lt3A_699 = vector.broadcast %lt3A_698 : i32 to vector<16xi32>
      %lt3A_700 = arith.cmpi slt, %add3A_690, %lt3A_699 : vector<16xi32>
      %and3A_701 = arith.andi %and3A_697, %lt3A_700 : vector<16xi1>
      %jit3A_702 = arith.constant 25024 : i32
      %broadcast_in_dim3A_703 = vector.broadcast %jit3A_702 : i32 to vector<16xi32>
      %select_n3A_704 = arith.select %and3A_701, %sub3A_685, %broadcast_in_dim3A_703 : vector<16xi1>, vector<16xi32>
      %swap3A_705 = arith.constant 80 : index
      %swap3A_706 = tpu.vector_load %arg11[%swap3A_705] {strides = array<i32>} : memref<128xi32, #tpu.memory_space<vmem>>, vector<16xi32>,
      %swap3A_707 = vector.shape_cast %swap3A_706 : vector<16xi32> to vector<16xi32>
      %swap3A_708 = vector.shape_cast %select_n3A_704 : vector<16xi32> to vector<16xi32>
      tpu.vector_store %arg11[%swap3A_705], %swap3A_708 {strides = array<i32>} : memref<128xi32, #tpu.memory_space<vmem>>, vector<16xi32>,
      %get3A_709 = arith.constant 96 : index
      %get3A_710 = tpu.vector_load %arg8[%get3A_709] {strides = array<i32>} : memref<128xi32, #tpu.memory_space<vmem>>, vector<16xi32>,
      %get3A_711 = vector.shape_cast %get3A_710 : vector<16xi32> to vector<16xi32>
      %sub3A_712 = vector.broadcast %mul3A_264 : i32 to vector<16xi32>
      %sub3A_713 = arith.subi %get3A_711, %sub3A_712 : vector<16xi32>
      %add3A_714 = arith.constant 96 : i32
      %add3A_715 = arith.addi %add3A_537, %add3A_714 : i32
      %iota3A_716 = tpu.iota {dimensions = array<i32: 0>} : vector<16xi32>
      %add3A_717 = vector.broadcast %add3A_715 : i32 to vector<16xi32>
      %add3A_718 = arith.addi %add3A_717, %iota3A_716 : vector<16xi32>
      %ge3A_719 = arith.constant 0 : i32
      %ge3A_720 = vector.broadcast %ge3A_719 : i32 to vector<16xi32>
      %ge3A_721 = arith.cmpi sge, %sub3A_713, %ge3A_720 : vector<16xi32>
      %lt3A_722 = arith.constant 25000 : i32
      %lt3A_723 = vector.broadcast %lt3A_722 : i32 to vector<16xi32>
      %lt3A_724 = arith.cmpi slt, %sub3A_713, %lt3A_723 : vector<16xi32>
      %and3A_725 = arith.andi %ge3A_721, %lt3A_724 : vector<16xi1>
      %lt3A_726 = arith.constant 800000 : i32
      %lt3A_727 = vector.broadcast %lt3A_726 : i32 to vector<16xi32>
      %lt3A_728 = arith.cmpi slt, %add3A_718, %lt3A_727 : vector<16xi32>
      %and3A_729 = arith.andi %and3A_725, %lt3A_728 : vector<16xi1>
      %jit3A_730 = arith.constant 25024 : i32
      %broadcast_in_dim3A_731 = vector.broadcast %jit3A_730 : i32 to vector<16xi32>
      %select_n3A_732 = arith.select %and3A_729, %sub3A_713, %broadcast_in_dim3A_731 : vector<16xi1>, vector<16xi32>
      %swap3A_733 = arith.constant 96 : index
      %swap3A_734 = tpu.vector_load %arg11[%swap3A_733] {strides = array<i32>} : memref<128xi32, #tpu.memory_space<vmem>>, vector<16xi32>,
      %swap3A_735 = vector.shape_cast %swap3A_734 : vector<16xi32> to vector<16xi32>
      %swap3A_736 = vector.shape_cast %select_n3A_732 : vector<16xi32> to vector<16xi32>
      tpu.vector_store %arg11[%swap3A_733], %swap3A_736 {strides = array<i32>} : memref<128xi32, #tpu.memory_space<vmem>>, vector<16xi32>,
      %get3A_737 = arith.constant 112 : index
      %get3A_738 = tpu.vector_load %arg8[%get3A_737] {strides = array<i32>} : memref<128xi32, #tpu.memory_space<vmem>>, vector<16xi32>,
      %get3A_739 = vector.shape_cast %get3A_738 : vector<16xi32> to vector<16xi32>
      %sub3A_740 = vector.broadcast %mul3A_264 : i32 to vector<16xi32>
      %sub3A_741 = arith.subi %get3A_739, %sub3A_740 : vector<16xi32>
      %add3A_742 = arith.constant 112 : i32
      %add3A_743 = arith.addi %add3A_537, %add3A_742 : i32
      %iota3A_744 = tpu.iota {dimensions = array<i32: 0>} : vector<16xi32>
      %add3A_745 = vector.broadcast %add3A_743 : i32 to vector<16xi32>
      %add3A_746 = arith.addi %add3A_745, %iota3A_744 : vector<16xi32>
      %ge3A_747 = arith.constant 0 : i32
      %ge3A_748 = vector.broadcast %ge3A_747 : i32 to vector<16xi32>
      %ge3A_749 = arith.cmpi sge, %sub3A_741, %ge3A_748 : vector<16xi32>
      %lt3A_750 = arith.constant 25000 : i32
      %lt3A_751 = vector.broadcast %lt3A_750 : i32 to vector<16xi32>
      %lt3A_752 = arith.cmpi slt, %sub3A_741, %lt3A_751 : vector<16xi32>
      %and3A_753 = arith.andi %ge3A_749, %lt3A_752 : vector<16xi1>
      %lt3A_754 = arith.constant 800000 : i32
      %lt3A_755 = vector.broadcast %lt3A_754 : i32 to vector<16xi32>
      %lt3A_756 = arith.cmpi slt, %add3A_746, %lt3A_755 : vector<16xi32>
      %and3A_757 = arith.andi %and3A_753, %lt3A_756 : vector<16xi1>
      %jit3A_758 = arith.constant 25024 : i32
      %broadcast_in_dim3A_759 = vector.broadcast %jit3A_758 : i32 to vector<16xi32>
      %select_n3A_760 = arith.select %and3A_757, %sub3A_741, %broadcast_in_dim3A_759 : vector<16xi1>, vector<16xi32>
      %swap3A_761 = arith.constant 112 : index
      %swap3A_762 = tpu.vector_load %arg11[%swap3A_761] {strides = array<i32>} : memref<128xi32, #tpu.memory_space<vmem>>, vector<16xi32>,
      %swap3A_763 = vector.shape_cast %swap3A_762 : vector<16xi32> to vector<16xi32>
      %swap3A_764 = vector.shape_cast %select_n3A_760 : vector<16xi32> to vector<16xi32>
      tpu.vector_store %arg11[%swap3A_761], %swap3A_764 {strides = array<i32>} : memref<128xi32, #tpu.memory_space<vmem>>, vector<16xi32>,
      %parallel_loop3A_765 = arith.constant 0 : i32
      %parallel_loop3A_766 = arith.constant 128 : i32
      %parallel_loop3A_767 = arith.constant 1 : i32
      scf.for %parallel_loop3A_769 = %parallel_loop3A_765 to %parallel_loop3A_766 step %parallel_loop3A_767  : i32 {
        %parallel_loop3A_770 = arith.index_cast %parallel_loop3A_769 : i32 to index
        %parallel_loop3A_771 = arith.constant 0 : index
        %parallel_loop3A_772 = tpu.vector_load %arg13[%parallel_loop3A_770, %parallel_loop3A_771] {strides = array<i32>} : memref<128x64xf32, #tpu.memory_space<vmem>>, vector<1x16xf32>,
        %parallel_loop3A_773 = vector.shape_cast %parallel_loop3A_772 : vector<1x16xf32> to vector<16xf32>
        %parallel_loop3A_774 = arith.index_cast %parallel_loop3A_769 : i32 to index
        %parallel_loop3A_775 = arith.constant 0 : index
        %parallel_loop3A_776 = tpu.vector_load %arg14[%parallel_loop3A_774, %parallel_loop3A_775] {strides = array<i32>} : memref<128x64xf32, #tpu.memory_space<vmem>>, vector<1x16xf32>,
        %parallel_loop3A_777 = vector.shape_cast %parallel_loop3A_776 : vector<1x16xf32> to vector<16xf32>
        %parallel_loop3A_778 = arith.mulf %parallel_loop3A_773, %parallel_loop3A_777 : vector<16xf32>
        %parallel_loop3A_779 = arith.index_cast %parallel_loop3A_769 : i32 to index
        %parallel_loop3A_780 = arith.constant 0 : index
        %parallel_loop3A_781 = tpu.vector_load %arg13[%parallel_loop3A_779, %parallel_loop3A_780] {strides = array<i32>} : memref<128x64xf32, #tpu.memory_space<vmem>>, vector<1x16xf32>,
        %parallel_loop3A_782 = vector.shape_cast %parallel_loop3A_781 : vector<1x16xf32> to vector<16xf32>
        %parallel_loop3A_783 = vector.shape_cast %parallel_loop3A_778 : vector<16xf32> to vector<1x16xf32>
        tpu.vector_store %arg13[%parallel_loop3A_779, %parallel_loop3A_780], %parallel_loop3A_783 {strides = array<i32>} : memref<128x64xf32, #tpu.memory_space<vmem>>, vector<1x16xf32>,
        %parallel_loop3A_784 = arith.index_cast %parallel_loop3A_769 : i32 to index
        %parallel_loop3A_785 = arith.constant 16 : index
        %parallel_loop3A_786 = tpu.vector_load %arg13[%parallel_loop3A_784, %parallel_loop3A_785] {strides = array<i32>} : memref<128x64xf32, #tpu.memory_space<vmem>>, vector<1x16xf32>,
        %parallel_loop3A_787 = vector.shape_cast %parallel_loop3A_786 : vector<1x16xf32> to vector<16xf32>
        %parallel_loop3A_788 = arith.index_cast %parallel_loop3A_769 : i32 to index
        %parallel_loop3A_789 = arith.constant 16 : index
        %parallel_loop3A_790 = tpu.vector_load %arg14[%parallel_loop3A_788, %parallel_loop3A_789] {strides = array<i32>} : memref<128x64xf32, #tpu.memory_space<vmem>>, vector<1x16xf32>,
        %parallel_loop3A_791 = vector.shape_cast %parallel_loop3A_790 : vector<1x16xf32> to vector<16xf32>
        %parallel_loop3A_792 = arith.mulf %parallel_loop3A_787, %parallel_loop3A_791 : vector<16xf32>
        %parallel_loop3A_793 = arith.index_cast %parallel_loop3A_769 : i32 to index
        %parallel_loop3A_794 = arith.constant 16 : index
        %parallel_loop3A_795 = tpu.vector_load %arg13[%parallel_loop3A_793, %parallel_loop3A_794] {strides = array<i32>} : memref<128x64xf32, #tpu.memory_space<vmem>>, vector<1x16xf32>,
        %parallel_loop3A_796 = vector.shape_cast %parallel_loop3A_795 : vector<1x16xf32> to vector<16xf32>
        %parallel_loop3A_797 = vector.shape_cast %parallel_loop3A_792 : vector<16xf32> to vector<1x16xf32>
        tpu.vector_store %arg13[%parallel_loop3A_793, %parallel_loop3A_794], %parallel_loop3A_797 {strides = array<i32>} : memref<128x64xf32, #tpu.memory_space<vmem>>, vector<1x16xf32>,
        %parallel_loop3A_798 = arith.index_cast %parallel_loop3A_769 : i32 to index
        %parallel_loop3A_799 = arith.constant 32 : index
        %parallel_loop3A_800 = tpu.vector_load %arg13[%parallel_loop3A_798, %parallel_loop3A_799] {strides = array<i32>} : memref<128x64xf32, #tpu.memory_space<vmem>>, vector<1x16xf32>,
        %parallel_loop3A_801 = vector.shape_cast %parallel_loop3A_800 : vector<1x16xf32> to vector<16xf32>
        %parallel_loop3A_802 = arith.index_cast %parallel_loop3A_769 : i32 to index
        %parallel_loop3A_803 = arith.constant 32 : index
        %parallel_loop3A_804 = tpu.vector_load %arg14[%parallel_loop3A_802, %parallel_loop3A_803] {strides = array<i32>} : memref<128x64xf32, #tpu.memory_space<vmem>>, vector<1x16xf32>,
        %parallel_loop3A_805 = vector.shape_cast %parallel_loop3A_804 : vector<1x16xf32> to vector<16xf32>
        %parallel_loop3A_806 = arith.mulf %parallel_loop3A_801, %parallel_loop3A_805 : vector<16xf32>
        %parallel_loop3A_807 = arith.index_cast %parallel_loop3A_769 : i32 to index
        %parallel_loop3A_808 = arith.constant 32 : index
        %parallel_loop3A_809 = tpu.vector_load %arg13[%parallel_loop3A_807, %parallel_loop3A_808] {strides = array<i32>} : memref<128x64xf32, #tpu.memory_space<vmem>>, vector<1x16xf32>,
        %parallel_loop3A_810 = vector.shape_cast %parallel_loop3A_809 : vector<1x16xf32> to vector<16xf32>
        %parallel_loop3A_811 = vector.shape_cast %parallel_loop3A_806 : vector<16xf32> to vector<1x16xf32>
        tpu.vector_store %arg13[%parallel_loop3A_807, %parallel_loop3A_808], %parallel_loop3A_811 {strides = array<i32>} : memref<128x64xf32, #tpu.memory_space<vmem>>, vector<1x16xf32>,
        %parallel_loop3A_812 = arith.index_cast %parallel_loop3A_769 : i32 to index
        %parallel_loop3A_813 = arith.constant 48 : index
        %parallel_loop3A_814 = tpu.vector_load %arg13[%parallel_loop3A_812, %parallel_loop3A_813] {strides = array<i32>} : memref<128x64xf32, #tpu.memory_space<vmem>>, vector<1x16xf32>,
        %parallel_loop3A_815 = vector.shape_cast %parallel_loop3A_814 : vector<1x16xf32> to vector<16xf32>
        %parallel_loop3A_816 = arith.index_cast %parallel_loop3A_769 : i32 to index
        %parallel_loop3A_817 = arith.constant 48 : index
        %parallel_loop3A_818 = tpu.vector_load %arg14[%parallel_loop3A_816, %parallel_loop3A_817] {strides = array<i32>} : memref<128x64xf32, #tpu.memory_space<vmem>>, vector<1x16xf32>,
        %parallel_loop3A_819 = vector.shape_cast %parallel_loop3A_818 : vector<1x16xf32> to vector<16xf32>
        %parallel_loop3A_820 = arith.mulf %parallel_loop3A_815, %parallel_loop3A_819 : vector<16xf32>
        %parallel_loop3A_821 = arith.index_cast %parallel_loop3A_769 : i32 to index
        %parallel_loop3A_822 = arith.constant 48 : index
        %parallel_loop3A_823 = tpu.vector_load %arg13[%parallel_loop3A_821, %parallel_loop3A_822] {strides = array<i32>} : memref<128x64xf32, #tpu.memory_space<vmem>>, vector<1x16xf32>,
        %parallel_loop3A_824 = vector.shape_cast %parallel_loop3A_823 : vector<1x16xf32> to vector<16xf32>
        %parallel_loop3A_825 = vector.shape_cast %parallel_loop3A_820 : vector<16xf32> to vector<1x16xf32>
        tpu.vector_store %arg13[%parallel_loop3A_821, %parallel_loop3A_822], %parallel_loop3A_825 {strides = array<i32>} : memref<128x64xf32, #tpu.memory_space<vmem>>, vector<1x16xf32>,
      } {sc.loop_unroll_factor = 4 : i64, sc.parallel_access}
      "tpu.region"() ({
        %run_scoped3A = tpu.sem_alloc : memref<!tpu.dma_semaphore, #tpu.memory_space<semaphore_mem>>
        %dma_start3A_769 = arith.constant 0 : i32
        %dma_start3A_770 = arith.constant 0 : i32
        %dma_start3A_771 = tpu.memref_slice %arg16[%dma_start3A_769, %dma_start3A_770] : memref<25088x64xf32, #tpu.memory_space<vmem_shared>> -> memref<25088x64xf32, #tpu.memory_space<vmem_shared>>
        tpu.enqueue_indirect_dma source(%arg13 : memref<128x64xf32, #tpu.memory_space<vmem>>) target(%dma_start3A_771 : memref<25088x64xf32, #tpu.memory_space<vmem_shared>>) offsets(%arg11 : memref<128xi32, #tpu.memory_space<vmem>>) semaphore(%run_scoped3A : memref<!tpu.dma_semaphore, #tpu.memory_space<semaphore_mem>>) {add = true}
        %dma_wait3A_772 = arith.constant 0 : i32
        %dma_wait3A_773 = arith.constant 0 : i32
        %dma_wait3A_774 = tpu.memref_slice %arg16[%dma_wait3A_772, %dma_wait3A_773] : memref<25088x64xf32, #tpu.memory_space<vmem_shared>> -> memref<25088x64xf32, #tpu.memory_space<vmem_shared>>
        tpu.wait_indirect_dma semaphore(%run_scoped3A : memref<!tpu.dma_semaphore, #tpu.memory_space<semaphore_mem>>) src(%arg13 : memref<128x64xf32, #tpu.memory_space<vmem>>) dst(%dma_wait3A_774 : memref<25088x64xf32, #tpu.memory_space<vmem_shared>>)
        tpu.yield
      }) : () -> ()
      %scan3A_768 = arith.constant 0 : i32
      scf.yield %scan3A_768 : i32
    }
    %scan3A_274 = arith.constant 196 : i32
    %barrier3A_275 = arith.constant 0 : index
    tpu.barrier barrier_id(%barrier3A_275)
    %lt3A = arith.constant 15 : i32
    %lt3A_276 = arith.cmpi slt, %arg1, %lt3A : i32
    %convert_element_type3A = arith.extui %lt3A_276 : i1 to i32
    %cond3A = arith.constant 0 : i32
    %cond3A_277 = arith.cmpi ne, %convert_element_type3A, %cond3A : i32
    scf.if %cond3A_277 {
      %mul3A_289 = arith.constant 1568 : i32
      %mul3A_290 = arith.muli %arg1, %mul3A_289 : i32
      %add3A_291 = arith.addi %mul3A_264, %mul3A_290 : i32
      "tpu.region"() ({
        %run_scoped3A = tpu.sem_alloc : memref<!tpu.dma_semaphore, #tpu.memory_space<semaphore_mem>>
        %dma_start3A_292 = arith.constant 0 : i32
        %dma_start3A_293 = tpu.memref_slice %arg6[%add3A_291, %dma_start3A_292] : memref<50176x64xf32, #tpu.memory_space<hbm>> -> memref<1568x64xf32, #tpu.memory_space<hbm>>
        %dma_start3A_294 = arith.constant 0 : i32
        %dma_start3A_295 = tpu.memref_slice %arg16[%mul3A_290, %dma_start3A_294] : memref<25088x64xf32, #tpu.memory_space<vmem_shared>> -> memref<1568x64xf32, #tpu.memory_space<vmem_shared>>
        tpu.enqueue_dma source(%dma_start3A_295 : memref<1568x64xf32, #tpu.memory_space<vmem_shared>>) target(%dma_start3A_293 : memref<1568x64xf32, #tpu.memory_space<hbm>>) target_semaphore(%run_scoped3A : memref<!tpu.dma_semaphore, #tpu.memory_space<semaphore_mem>>)
        %dma_wait3A = arith.constant 0 : i32
        %dma_wait3A_296 = tpu.memref_slice %arg6[%add3A_291, %dma_wait3A] : memref<50176x64xf32, #tpu.memory_space<hbm>> -> memref<1568x64xf32, #tpu.memory_space<hbm>>
        %dma_wait3A_297 = arith.constant 0 : i32
        %dma_wait3A_298 = tpu.memref_slice %arg16[%mul3A_290, %dma_wait3A_297] : memref<25088x64xf32, #tpu.memory_space<vmem_shared>> -> memref<1568x64xf32, #tpu.memory_space<vmem_shared>>
        tpu.wait_dma2 semaphore(%run_scoped3A : memref<!tpu.dma_semaphore, #tpu.memory_space<semaphore_mem>>) src(%dma_wait3A_298 : memref<1568x64xf32, #tpu.memory_space<vmem_shared>>) dst(%dma_wait3A_296 : memref<1568x64xf32, #tpu.memory_space<hbm>>)
        tpu.yield
      }) : () -> ()
    } else {
    }
    %eq3A = arith.constant 15 : i32
    %eq3A_278 = arith.cmpi eq, %arg1, %eq3A : i32
    %convert_element_type3A_279 = arith.extui %eq3A_278 : i1 to i32
    %cond3A_280 = arith.constant 0 : i32
    %cond3A_281 = arith.cmpi ne, %convert_element_type3A_279, %cond3A_280 : i32
    scf.if %cond3A_281 {
      %add3A_289 = arith.constant 23520 : i32
      %add3A_290 = arith.addi %mul3A_264, %add3A_289 : i32
      "tpu.region"() ({
        %run_scoped3A = tpu.sem_alloc : memref<!tpu.dma_semaphore, #tpu.memory_space<semaphore_mem>>
        %dma_start3A_291 = arith.constant 0 : i32
        %dma_start3A_292 = tpu.memref_slice %arg6[%add3A_290, %dma_start3A_291] : memref<50176x64xf32, #tpu.memory_space<hbm>> -> memref<1480x64xf32, #tpu.memory_space<hbm>>
        %dma_start3A_293 = arith.constant 23520 : i32
        %dma_start3A_294 = arith.constant 0 : i32
        %dma_start3A_295 = tpu.memref_slice %arg16[%dma_start3A_293, %dma_start3A_294] : memref<25088x64xf32, #tpu.memory_space<vmem_shared>> -> memref<1480x64xf32, #tpu.memory_space<vmem_shared>>
        tpu.enqueue_dma source(%dma_start3A_295 : memref<1480x64xf32, #tpu.memory_space<vmem_shared>>) target(%dma_start3A_292 : memref<1480x64xf32, #tpu.memory_space<hbm>>) target_semaphore(%run_scoped3A : memref<!tpu.dma_semaphore, #tpu.memory_space<semaphore_mem>>)
        %dma_wait3A = arith.constant 0 : i32
        %dma_wait3A_296 = tpu.memref_slice %arg6[%add3A_290, %dma_wait3A] : memref<50176x64xf32, #tpu.memory_space<hbm>> -> memref<1480x64xf32, #tpu.memory_space<hbm>>
        %dma_wait3A_297 = arith.constant 23520 : i32
        %dma_wait3A_298 = arith.constant 0 : i32
        %dma_wait3A_299 = tpu.memref_slice %arg16[%dma_wait3A_297, %dma_wait3A_298] : memref<25088x64xf32, #tpu.memory_space<vmem_shared>> -> memref<1480x64xf32, #tpu.memory_space<vmem_shared>>
        tpu.wait_dma2 semaphore(%run_scoped3A : memref<!tpu.dma_semaphore, #tpu.memory_space<semaphore_mem>>) src(%dma_wait3A_299 : memref<1480x64xf32, #tpu.memory_space<vmem_shared>>) dst(%dma_wait3A_296 : memref<1480x64xf32, #tpu.memory_space<hbm>>)
        tpu.yield
      }) : () -> ()
    } else {
    }
    %eq3A_282 = arith.constant 1 : i32
    %eq3A_283 = arith.cmpi eq, %arg0, %eq3A_282 : i32
    %eq3A_284 = arith.constant 15 : i32
    %eq3A_285 = arith.cmpi eq, %arg1, %eq3A_284 : i32
    %and3A = arith.andi %eq3A_283, %eq3A_285 : i1
    %convert_element_type3A_286 = arith.extui %and3A : i1 to i32
    %cond3A_287 = arith.constant 0 : i32
    %cond3A_288 = arith.cmpi ne, %convert_element_type3A_286, %cond3A_287 : i32
    scf.if %cond3A_288 {
      %scan3A_289 = arith.constant 0 : i32
      %scan3A_290 = arith.constant 0 : i32
      %scan3A_291 = arith.constant 22 : i32
      %scan3A_292 = arith.addi %scan3A_290, %scan3A_291 : i32
      %scan3A_293 = arith.constant 1 : i32
      %scan3A_294 = scf.for %scan3A_296 = %scan3A_290 to %scan3A_292 step %scan3A_293 iter_args(%scan3A_297 = %scan3A_289) -> (i32)  : i32 {
        %mul3A_298 = arith.constant 8 : i32
        %mul3A_299 = arith.muli %scan3A_296, %mul3A_298 : i32
        %add3A_300 = arith.constant 50000 : i32
        %add3A_301 = arith.addi %add3A_300, %mul3A_299 : i32
        "tpu.region"() ({
          %run_scoped3A = tpu.sem_alloc : memref<!tpu.dma_semaphore, #tpu.memory_space<semaphore_mem>>
          %dma_start3A_303 = arith.constant 0 : i32
          %dma_start3A_304 = tpu.memref_slice %arg6[%add3A_301, %dma_start3A_303] : memref<50176x64xf32, #tpu.memory_space<hbm>> -> memref<8x64xf32, #tpu.memory_space<hbm>>
          %dma_start3A_305 = arith.constant 0 : i32
          %dma_start3A_306 = tpu.memref_slice %arg6[%add3A_301, %dma_start3A_305] : memref<50176x64xf32, #tpu.memory_space<hbm>> -> memref<8x64xf32, #tpu.memory_space<hbm>>
          tpu.enqueue_dma source(%arg15 : memref<8x64xf32, #tpu.memory_space<vmem>>) target(%dma_start3A_306 : memref<8x64xf32, #tpu.memory_space<hbm>>) target_semaphore(%run_scoped3A : memref<!tpu.dma_semaphore, #tpu.memory_space<semaphore_mem>>)
          %dma_wait3A = arith.constant 0 : i32
          %dma_wait3A_307 = tpu.memref_slice %arg6[%add3A_301, %dma_wait3A] : memref<50176x64xf32, #tpu.memory_space<hbm>> -> memref<8x64xf32, #tpu.memory_space<hbm>>
          %dma_wait3A_308 = arith.constant 0 : i32
          %dma_wait3A_309 = tpu.memref_slice %arg6[%add3A_301, %dma_wait3A_308] : memref<50176x64xf32, #tpu.memory_space<hbm>> -> memref<8x64xf32, #tpu.memory_space<hbm>>
          tpu.wait_dma2 semaphore(%run_scoped3A : memref<!tpu.dma_semaphore, #tpu.memory_space<semaphore_mem>>) src(%arg15 : memref<8x64xf32, #tpu.memory_space<vmem>>) dst(%dma_wait3A_309 : memref<8x64xf32, #tpu.memory_space<hbm>>)
          tpu.yield
        }) : () -> ()
        %scan3A_302 = arith.constant 0 : i32
        scf.yield %scan3A_302 : i32
      }
      %scan3A_295 = arith.constant 22 : i32
    } else {
    }
    return
  }
}

module attributes {stable_mosaic.version = 14 : i64} {
  func.func @_k2_body(%arg0: i32, %arg1: memref<2048x16xf32, #tpu.memory_space<vmem>>, %arg2: memref<8x8xf32, #tpu.memory_space<vmem>>, %arg3: memref<8x8xf32, #tpu.memory_space<vmem>>, %arg4: memref<8x64xf32, #tpu.memory_space<vmem>>, %arg5: memref<8x64xf32, #tpu.memory_space<vmem>>, %arg6: memref<64x64xf32, #tpu.memory_space<vmem>>, %arg7: memref<8x64xf32, #tpu.memory_space<vmem>>, %arg8: memref<8x64xf32, #tpu.memory_space<vmem>>, %arg9: memref<8x64xf32, #tpu.memory_space<vmem>>, %arg10: memref<64x64xf32, #tpu.memory_space<vmem>>, %arg11: memref<8x64xf32, #tpu.memory_space<vmem>>, %arg12: memref<8x64xf32, #tpu.memory_space<vmem>>, %arg13: memref<8x64xf32, #tpu.memory_space<vmem>>, %arg14: memref<64x64xf32, #tpu.memory_space<vmem>>, %arg15: memref<8x64xf32, #tpu.memory_space<vmem>>, %arg16: memref<2048x64xf32, #tpu.memory_space<vmem>>, %arg17: memref<2048x64xf32, #tpu.memory_space<vmem>>, %arg18: memref<2048x64xf32, #tpu.memory_space<vmem>>) attributes {dimension_semantics = [#tpu.dimension_semantics<arbitrary>], iteration_bounds = array<i64: 392>, scalar_prefetch = 0 : i64, scratch_operands = 0 : i64, tpu.core_type = #tpu.core_type<tc>, window_params = [{transform_indices = @transform_0, window_bounds = array<i64: 2048, 16>}, {pipeline_mode = #tpu.pipeline_mode<synchronous>, transform_indices = @transform_1, window_bounds = array<i64: 8, 8>}, {pipeline_mode = #tpu.pipeline_mode<synchronous>, transform_indices = @transform_2, window_bounds = array<i64: 8, 8>}, {pipeline_mode = #tpu.pipeline_mode<synchronous>, transform_indices = @transform_3, window_bounds = array<i64: 8, 64>}, {pipeline_mode = #tpu.pipeline_mode<synchronous>, transform_indices = @transform_4, window_bounds = array<i64: 8, 64>}, {pipeline_mode = #tpu.pipeline_mode<synchronous>, transform_indices = @transform_5, window_bounds = array<i64: 64, 64>}, {pipeline_mode = #tpu.pipeline_mode<synchronous>, transform_indices = @transform_6, window_bounds = array<i64: 8, 64>}, {pipeline_mode = #tpu.pipeline_mode<synchronous>, transform_indices = @transform_7, window_bounds = array<i64: 8, 64>}, {pipeline_mode = #tpu.pipeline_mode<synchronous>, transform_indices = @transform_8, window_bounds = array<i64: 8, 64>}, {pipeline_mode = #tpu.pipeline_mode<synchronous>, transform_indices = @transform_9, window_bounds = array<i64: 64, 64>}, {pipeline_mode = #tpu.pipeline_mode<synchronous>, transform_indices = @transform_10, window_bounds = array<i64: 8, 64>}, {pipeline_mode = #tpu.pipeline_mode<synchronous>, transform_indices = @transform_11, window_bounds = array<i64: 8, 64>}, {pipeline_mode = #tpu.pipeline_mode<synchronous>, transform_indices = @transform_12, window_bounds = array<i64: 8, 64>}, {pipeline_mode = #tpu.pipeline_mode<synchronous>, transform_indices = @transform_13, window_bounds = array<i64: 64, 64>}, {pipeline_mode = #tpu.pipeline_mode<synchronous>, transform_indices = @transform_14, window_bounds = array<i64: 8, 64>}, {transform_indices = @transform_15, window_bounds = array<i64: 2048, 64>}, {transform_indices = @transform_16, window_bounds = array<i64: 2048, 64>}, {transform_indices = @transform_17, window_bounds = array<i64: 2048, 64>}]} {
    %get3A = arith.constant 0 : index
    %get3A_0 = arith.constant 0 : index
    %get3A_1 = vector.load %arg1[%get3A, %get3A_0] : memref<2048x16xf32, #tpu.memory_space<vmem>>, vector<2048x16xf32>
    %mul3A = arith.mulf %get3A_1, %get3A_1 : vector<2048x16xf32>
    %reduce_sum3A = arith.constant dense<0.000000e+00> : vector<2048xf32>
    %reduce_sum3A_2 = vector.multi_reduction <add>, %mul3A, %reduce_sum3A [1] : vector<2048x16xf32> to vector<2048xf32>
    %broadcast_in_dim3A = vector.shape_cast %reduce_sum3A_2 : vector<2048xf32> to vector<2048x1xf32>
    %sqrt3A = math.sqrt %broadcast_in_dim3A : vector<2048x1xf32>
    %mul3A_3 = arith.constant 0.628318548 : f32
    %mul3A_4 = vector.broadcast %mul3A_3 : f32 to vector<2048x1xf32>
    %mul3A_5 = arith.mulf %sqrt3A, %mul3A_4 : vector<2048x1xf32>
    %cos3A = math.cos %mul3A_5 : vector<2048x1xf32>
    %add3A = arith.constant 1.000000e+00 : f32
    %add3A_6 = vector.broadcast %add3A : f32 to vector<2048x1xf32>
    %add3A_7 = arith.addf %cos3A, %add3A_6 : vector<2048x1xf32>
    %mul3A_8 = arith.constant 5.000000e-01 : f32
    %mul3A_9 = vector.broadcast %mul3A_8 : f32 to vector<2048x1xf32>
    %mul3A_10 = arith.mulf %mul3A_9, %add3A_7 : vector<2048x1xf32>
    %lt3A = arith.constant 5.000000e+00 : f32
    %lt3A_11 = vector.broadcast %lt3A : f32 to vector<2048x1xf32>
    %lt3A_12 = arith.cmpf olt, %sqrt3A, %lt3A_11 : vector<2048x1xf32>
    %convert_element_type3A = arith.extui %lt3A_12 : vector<2048x1xi1> to vector<2048x1xi32>
    %convert_element_type3A_13 = arith.sitofp %convert_element_type3A : vector<2048x1xi32> to vector<2048x1xf32>
    %mul3A_14 = arith.mulf %mul3A_10, %convert_element_type3A_13 : vector<2048x1xf32>
    %get3A_15 = arith.constant 0 : index
    %get3A_16 = arith.constant 0 : index
    %get3A_17 = vector.load %arg2[%get3A_15, %get3A_16] : memref<8x8xf32, #tpu.memory_space<vmem>>, vector<1x8xf32>
    %get3A_18 = arith.constant 0 : index
    %get3A_19 = arith.constant 0 : index
    %get3A_20 = vector.load %arg3[%get3A_18, %get3A_19] : memref<8x8xf32, #tpu.memory_space<vmem>>, vector<1x8xf32>
    %max3A = arith.constant 1.000000e-01 : f32
    %max3A_21 = vector.broadcast %max3A : f32 to vector<1x8xf32>
    %max3A_22 = arith.maximumf %get3A_20, %max3A_21 : vector<1x8xf32>
    %sub3A = vector.broadcast %sqrt3A : vector<2048x1xf32> to vector<2048x8xf32>
    %sub3A_23 = vector.broadcast %get3A_17 : vector<1x8xf32> to vector<2048x8xf32>
    %sub3A_24 = arith.subf %sub3A, %sub3A_23 : vector<2048x8xf32>
    %div3A = vector.broadcast %max3A_22 : vector<1x8xf32> to vector<2048x8xf32>
    %div3A_25 = arith.divf %sub3A_24, %div3A : vector<2048x8xf32>
    %mul3A_26 = arith.constant -5.000000e-01 : f32
    %mul3A_27 = vector.broadcast %mul3A_26 : f32 to vector<2048x8xf32>
    %mul3A_28 = arith.mulf %mul3A_27, %div3A_25 : vector<2048x8xf32>
    %mul3A_29 = arith.mulf %mul3A_28, %div3A_25 : vector<2048x8xf32>
    %exp3A = math.exp %mul3A_29 : vector<2048x8xf32>
    %mul3A_30 = vector.broadcast %mul3A_14 : vector<2048x1xf32> to vector<2048x8xf32>
    %mul3A_31 = arith.mulf %exp3A, %mul3A_30 : vector<2048x8xf32>
    %get3A_32 = arith.constant 0 : index
    %get3A_33 = arith.constant 0 : index
    %get3A_34 = vector.load %arg4[%get3A_32, %get3A_33] : memref<8x64xf32, #tpu.memory_space<vmem>>, vector<8x64xf32>
    %dot_general3A = arith.constant dense<0.000000e+00> : vector<2048x64xf32>
    %dot_general3A_35 = tpu.matmul %mul3A_31, %get3A_34, %dot_general3A {dimension_numbers = #tpu.dot_dimension_numbers<[1], [0], [0], [1], [0, 0, 1, 1], [], []>, transpose_lhs_hint = false} : vector<2048x8xf32>, vector<8x64xf32>, vector<2048x64xf32> -> vector<2048x64xf32>
    %get3A_36 = arith.constant 0 : index
    %get3A_37 = arith.constant 0 : index
    %get3A_38 = vector.load %arg5[%get3A_36, %get3A_37] : memref<8x64xf32, #tpu.memory_space<vmem>>, vector<1x64xf32>
    %add3A_39 = vector.broadcast %get3A_38 : vector<1x64xf32> to vector<2048x64xf32>
    %add3A_40 = arith.addf %dot_general3A_35, %add3A_39 : vector<2048x64xf32>
    %neg3A = arith.constant 0.000000e+00 : f32
    %neg3A_41 = vector.broadcast %neg3A : f32 to vector<2048x64xf32>
    %neg3A_42 = arith.subf %neg3A_41, %add3A_40 : vector<2048x64xf32>
    %exp3A_43 = math.exp %neg3A_42 : vector<2048x64xf32>
    %add3A_44 = arith.constant 1.000000e+00 : f32
    %add3A_45 = vector.broadcast %add3A_44 : f32 to vector<2048x64xf32>
    %add3A_46 = arith.addf %add3A_45, %exp3A_43 : vector<2048x64xf32>
    %div3A_47 = arith.divf %add3A_40, %add3A_46 : vector<2048x64xf32>
    %get3A_48 = arith.constant 0 : index
    %get3A_49 = arith.constant 0 : index
    %get3A_50 = vector.load %arg6[%get3A_48, %get3A_49] : memref<64x64xf32, #tpu.memory_space<vmem>>, vector<64x64xf32>
    %dot_general3A_51 = arith.constant dense<0.000000e+00> : vector<2048x64xf32>
    %dot_general3A_52 = tpu.matmul %div3A_47, %get3A_50, %dot_general3A_51 {dimension_numbers = #tpu.dot_dimension_numbers<[1], [0], [0], [1], [0, 0, 1, 1], [], []>, transpose_lhs_hint = false} : vector<2048x64xf32>, vector<64x64xf32>, vector<2048x64xf32> -> vector<2048x64xf32>
    %get3A_53 = arith.constant 0 : index
    %get3A_54 = arith.constant 0 : index
    %get3A_55 = vector.load %arg7[%get3A_53, %get3A_54] : memref<8x64xf32, #tpu.memory_space<vmem>>, vector<1x64xf32>
    %add3A_56 = vector.broadcast %get3A_55 : vector<1x64xf32> to vector<2048x64xf32>
    %add3A_57 = arith.addf %dot_general3A_52, %add3A_56 : vector<2048x64xf32>
    %swap3A = arith.constant 0 : index
    %swap3A_58 = arith.constant 0 : index
    %swap3A_59 = vector.load %arg16[%swap3A, %swap3A_58] : memref<2048x64xf32, #tpu.memory_space<vmem>>, vector<2048x64xf32>
    tpu.vector_store %arg16[%swap3A, %swap3A_58], %add3A_57 {strides = array<i32>} : memref<2048x64xf32, #tpu.memory_space<vmem>>, vector<2048x64xf32>,
    %get3A_60 = arith.constant 0 : index
    %get3A_61 = arith.constant 0 : index
    %get3A_62 = vector.load %arg8[%get3A_60, %get3A_61] : memref<8x64xf32, #tpu.memory_space<vmem>>, vector<8x64xf32>
    %dot_general3A_63 = arith.constant dense<0.000000e+00> : vector<2048x64xf32>
    %dot_general3A_64 = tpu.matmul %mul3A_31, %get3A_62, %dot_general3A_63 {dimension_numbers = #tpu.dot_dimension_numbers<[1], [0], [0], [1], [0, 0, 1, 1], [], []>, transpose_lhs_hint = false} : vector<2048x8xf32>, vector<8x64xf32>, vector<2048x64xf32> -> vector<2048x64xf32>
    %get3A_65 = arith.constant 0 : index
    %get3A_66 = arith.constant 0 : index
    %get3A_67 = vector.load %arg9[%get3A_65, %get3A_66] : memref<8x64xf32, #tpu.memory_space<vmem>>, vector<1x64xf32>
    %add3A_68 = vector.broadcast %get3A_67 : vector<1x64xf32> to vector<2048x64xf32>
    %add3A_69 = arith.addf %dot_general3A_64, %add3A_68 : vector<2048x64xf32>
    %neg3A_70 = arith.constant 0.000000e+00 : f32
    %neg3A_71 = vector.broadcast %neg3A_70 : f32 to vector<2048x64xf32>
    %neg3A_72 = arith.subf %neg3A_71, %add3A_69 : vector<2048x64xf32>
    %exp3A_73 = math.exp %neg3A_72 : vector<2048x64xf32>
    %add3A_74 = arith.constant 1.000000e+00 : f32
    %add3A_75 = vector.broadcast %add3A_74 : f32 to vector<2048x64xf32>
    %add3A_76 = arith.addf %add3A_75, %exp3A_73 : vector<2048x64xf32>
    %div3A_77 = arith.divf %add3A_69, %add3A_76 : vector<2048x64xf32>
    %get3A_78 = arith.constant 0 : index
    %get3A_79 = arith.constant 0 : index
    %get3A_80 = vector.load %arg10[%get3A_78, %get3A_79] : memref<64x64xf32, #tpu.memory_space<vmem>>, vector<64x64xf32>
    %dot_general3A_81 = arith.constant dense<0.000000e+00> : vector<2048x64xf32>
    %dot_general3A_82 = tpu.matmul %div3A_77, %get3A_80, %dot_general3A_81 {dimension_numbers = #tpu.dot_dimension_numbers<[1], [0], [0], [1], [0, 0, 1, 1], [], []>, transpose_lhs_hint = false} : vector<2048x64xf32>, vector<64x64xf32>, vector<2048x64xf32> -> vector<2048x64xf32>
    %get3A_83 = arith.constant 0 : index
    %get3A_84 = arith.constant 0 : index
    %get3A_85 = vector.load %arg11[%get3A_83, %get3A_84] : memref<8x64xf32, #tpu.memory_space<vmem>>, vector<1x64xf32>
    %add3A_86 = vector.broadcast %get3A_85 : vector<1x64xf32> to vector<2048x64xf32>
    %add3A_87 = arith.addf %dot_general3A_82, %add3A_86 : vector<2048x64xf32>
    %swap3A_88 = arith.constant 0 : index
    %swap3A_89 = arith.constant 0 : index
    %swap3A_90 = vector.load %arg17[%swap3A_88, %swap3A_89] : memref<2048x64xf32, #tpu.memory_space<vmem>>, vector<2048x64xf32>
    tpu.vector_store %arg17[%swap3A_88, %swap3A_89], %add3A_87 {strides = array<i32>} : memref<2048x64xf32, #tpu.memory_space<vmem>>, vector<2048x64xf32>,
    %get3A_91 = arith.constant 0 : index
    %get3A_92 = arith.constant 0 : index
    %get3A_93 = vector.load %arg12[%get3A_91, %get3A_92] : memref<8x64xf32, #tpu.memory_space<vmem>>, vector<8x64xf32>
    %dot_general3A_94 = arith.constant dense<0.000000e+00> : vector<2048x64xf32>
    %dot_general3A_95 = tpu.matmul %mul3A_31, %get3A_93, %dot_general3A_94 {dimension_numbers = #tpu.dot_dimension_numbers<[1], [0], [0], [1], [0, 0, 1, 1], [], []>, transpose_lhs_hint = false} : vector<2048x8xf32>, vector<8x64xf32>, vector<2048x64xf32> -> vector<2048x64xf32>
    %get3A_96 = arith.constant 0 : index
    %get3A_97 = arith.constant 0 : index
    %get3A_98 = vector.load %arg13[%get3A_96, %get3A_97] : memref<8x64xf32, #tpu.memory_space<vmem>>, vector<1x64xf32>
    %add3A_99 = vector.broadcast %get3A_98 : vector<1x64xf32> to vector<2048x64xf32>
    %add3A_100 = arith.addf %dot_general3A_95, %add3A_99 : vector<2048x64xf32>
    %neg3A_101 = arith.constant 0.000000e+00 : f32
    %neg3A_102 = vector.broadcast %neg3A_101 : f32 to vector<2048x64xf32>
    %neg3A_103 = arith.subf %neg3A_102, %add3A_100 : vector<2048x64xf32>
    %exp3A_104 = math.exp %neg3A_103 : vector<2048x64xf32>
    %add3A_105 = arith.constant 1.000000e+00 : f32
    %add3A_106 = vector.broadcast %add3A_105 : f32 to vector<2048x64xf32>
    %add3A_107 = arith.addf %add3A_106, %exp3A_104 : vector<2048x64xf32>
    %div3A_108 = arith.divf %add3A_100, %add3A_107 : vector<2048x64xf32>
    %get3A_109 = arith.constant 0 : index
    %get3A_110 = arith.constant 0 : index
    %get3A_111 = vector.load %arg14[%get3A_109, %get3A_110] : memref<64x64xf32, #tpu.memory_space<vmem>>, vector<64x64xf32>
    %dot_general3A_112 = arith.constant dense<0.000000e+00> : vector<2048x64xf32>
    %dot_general3A_113 = tpu.matmul %div3A_108, %get3A_111, %dot_general3A_112 {dimension_numbers = #tpu.dot_dimension_numbers<[1], [0], [0], [1], [0, 0, 1, 1], [], []>, transpose_lhs_hint = false} : vector<2048x64xf32>, vector<64x64xf32>, vector<2048x64xf32> -> vector<2048x64xf32>
    %get3A_114 = arith.constant 0 : index
    %get3A_115 = arith.constant 0 : index
    %get3A_116 = vector.load %arg15[%get3A_114, %get3A_115] : memref<8x64xf32, #tpu.memory_space<vmem>>, vector<1x64xf32>
    %add3A_117 = vector.broadcast %get3A_116 : vector<1x64xf32> to vector<2048x64xf32>
    %add3A_118 = arith.addf %dot_general3A_113, %add3A_117 : vector<2048x64xf32>
    %swap3A_119 = arith.constant 0 : index
    %swap3A_120 = arith.constant 0 : index
    %swap3A_121 = vector.load %arg18[%swap3A_119, %swap3A_120] : memref<2048x64xf32, #tpu.memory_space<vmem>>, vector<2048x64xf32>
    tpu.vector_store %arg18[%swap3A_119, %swap3A_120], %add3A_118 {strides = array<i32>} : memref<2048x64xf32, #tpu.memory_space<vmem>>, vector<2048x64xf32>,
    return
  }
  func.func @transform_0(%arg0: i32) -> (i32, i32) {
    %c0_i32 = arith.constant 0 : i32
    %c0_i32_0 = arith.constant 0 : i32
    return %arg0, %c0_i32 : i32, i32
  }
  func.func @transform_1(%arg0: i32) -> (i32, i32) {
    %c0_i32 = arith.constant 0 : i32
    %c0_i32_0 = arith.constant 0 : i32
    %c0_i32_1 = arith.constant 0 : i32
    return %c0_i32, %c0_i32_0 : i32, i32
  }
  func.func @transform_2(%arg0: i32) -> (i32, i32) {
    %c0_i32 = arith.constant 0 : i32
    %c0_i32_0 = arith.constant 0 : i32
    %c0_i32_1 = arith.constant 0 : i32
    return %c0_i32, %c0_i32_0 : i32, i32
  }
  func.func @transform_3(%arg0: i32) -> (i32, i32) {
    %c0_i32 = arith.constant 0 : i32
    %c0_i32_0 = arith.constant 0 : i32
    %c0_i32_1 = arith.constant 0 : i32
    return %c0_i32, %c0_i32_0 : i32, i32
  }
  func.func @transform_4(%arg0: i32) -> (i32, i32) {
    %c0_i32 = arith.constant 0 : i32
    %c0_i32_0 = arith.constant 0 : i32
    %c0_i32_1 = arith.constant 0 : i32
    return %c0_i32, %c0_i32_0 : i32, i32
  }
  func.func @transform_5(%arg0: i32) -> (i32, i32) {
    %c0_i32 = arith.constant 0 : i32
    %c0_i32_0 = arith.constant 0 : i32
    %c0_i32_1 = arith.constant 0 : i32
    return %c0_i32, %c0_i32_0 : i32, i32
  }
  func.func @transform_6(%arg0: i32) -> (i32, i32) {
    %c0_i32 = arith.constant 0 : i32
    %c0_i32_0 = arith.constant 0 : i32
    %c0_i32_1 = arith.constant 0 : i32
    return %c0_i32, %c0_i32_0 : i32, i32
  }
  func.func @transform_7(%arg0: i32) -> (i32, i32) {
    %c0_i32 = arith.constant 0 : i32
    %c0_i32_0 = arith.constant 0 : i32
    %c0_i32_1 = arith.constant 0 : i32
    return %c0_i32, %c0_i32_0 : i32, i32
  }
  func.func @transform_8(%arg0: i32) -> (i32, i32) {
    %c0_i32 = arith.constant 0 : i32
    %c0_i32_0 = arith.constant 0 : i32
    %c0_i32_1 = arith.constant 0 : i32
    return %c0_i32, %c0_i32_0 : i32, i32
  }
  func.func @transform_9(%arg0: i32) -> (i32, i32) {
    %c0_i32 = arith.constant 0 : i32
    %c0_i32_0 = arith.constant 0 : i32
    %c0_i32_1 = arith.constant 0 : i32
    return %c0_i32, %c0_i32_0 : i32, i32
  }
  func.func @transform_10(%arg0: i32) -> (i32, i32) {
    %c0_i32 = arith.constant 0 : i32
    %c0_i32_0 = arith.constant 0 : i32
    %c0_i32_1 = arith.constant 0 : i32
    return %c0_i32, %c0_i32_0 : i32, i32
  }
  func.func @transform_11(%arg0: i32) -> (i32, i32) {
    %c0_i32 = arith.constant 0 : i32
    %c0_i32_0 = arith.constant 0 : i32
    %c0_i32_1 = arith.constant 0 : i32
    return %c0_i32, %c0_i32_0 : i32, i32
  }
  func.func @transform_12(%arg0: i32) -> (i32, i32) {
    %c0_i32 = arith.constant 0 : i32
    %c0_i32_0 = arith.constant 0 : i32
    %c0_i32_1 = arith.constant 0 : i32
    return %c0_i32, %c0_i32_0 : i32, i32
  }
  func.func @transform_13(%arg0: i32) -> (i32, i32) {
    %c0_i32 = arith.constant 0 : i32
    %c0_i32_0 = arith.constant 0 : i32
    %c0_i32_1 = arith.constant 0 : i32
    return %c0_i32, %c0_i32_0 : i32, i32
  }
  func.func @transform_14(%arg0: i32) -> (i32, i32) {
    %c0_i32 = arith.constant 0 : i32
    %c0_i32_0 = arith.constant 0 : i32
    %c0_i32_1 = arith.constant 0 : i32
    return %c0_i32, %c0_i32_0 : i32, i32
  }
  func.func @transform_15(%arg0: i32) -> (i32, i32) {
    %c0_i32 = arith.constant 0 : i32
    %c0_i32_0 = arith.constant 0 : i32
    return %arg0, %c0_i32 : i32, i32
  }
  func.func @transform_16(%arg0: i32) -> (i32, i32) {
    %c0_i32 = arith.constant 0 : i32
    %c0_i32_0 = arith.constant 0 : i32
    return %arg0, %c0_i32 : i32, i32
  }
  func.func @transform_17(%arg0: i32) -> (i32, i32) {
    %c0_i32 = arith.constant 0 : i32
    %c0_i32_0 = arith.constant 0 : i32
    return %arg0, %c0_i32 : i32, i32
  }
}

module attributes {stable_mosaic.version = 14 : i64} {
  func.func @_k4_body(%arg0: i32, %arg1: memref<512x64xf32, #tpu.memory_space<vmem>>, %arg2: memref<512x64xf32, #tpu.memory_space<vmem>>, %arg3: memref<64x64xf32, #tpu.memory_space<vmem>>, %arg4: memref<8x64xf32, #tpu.memory_space<vmem>>, %arg5: memref<64x64xf32, #tpu.memory_space<vmem>>, %arg6: memref<64x64xf32, #tpu.memory_space<vmem>>, %arg7: memref<8x64xf32, #tpu.memory_space<vmem>>, %arg8: memref<64x128xf32, #tpu.memory_space<vmem>>, %arg9: memref<8x128xf32, #tpu.memory_space<vmem>>, %arg10: memref<128x64xf32, #tpu.memory_space<vmem>>, %arg11: memref<8x64xf32, #tpu.memory_space<vmem>>, %arg12: memref<8x64xf32, #tpu.memory_space<vmem>>, %arg13: memref<8x64xf32, #tpu.memory_space<vmem>>, %arg14: memref<512x64xf32, #tpu.memory_space<vmem>>) attributes {dimension_semantics = [#tpu.dimension_semantics<arbitrary>], iteration_bounds = array<i64: 98>, scalar_prefetch = 0 : i64, scratch_operands = 0 : i64, tpu.core_type = #tpu.core_type<tc>, window_params = [{transform_indices = @transform_0, window_bounds = array<i64: 512, 64>}, {transform_indices = @transform_1, window_bounds = array<i64: 512, 64>}, {pipeline_mode = #tpu.pipeline_mode<synchronous>, transform_indices = @transform_2, window_bounds = array<i64: 64, 64>}, {pipeline_mode = #tpu.pipeline_mode<synchronous>, transform_indices = @transform_3, window_bounds = array<i64: 8, 64>}, {pipeline_mode = #tpu.pipeline_mode<synchronous>, transform_indices = @transform_4, window_bounds = array<i64: 64, 64>}, {pipeline_mode = #tpu.pipeline_mode<synchronous>, transform_indices = @transform_5, window_bounds = array<i64: 64, 64>}, {pipeline_mode = #tpu.pipeline_mode<synchronous>, transform_indices = @transform_6, window_bounds = array<i64: 8, 64>}, {pipeline_mode = #tpu.pipeline_mode<synchronous>, transform_indices = @transform_7, window_bounds = array<i64: 64, 128>}, {pipeline_mode = #tpu.pipeline_mode<synchronous>, transform_indices = @transform_8, window_bounds = array<i64: 8, 128>}, {pipeline_mode = #tpu.pipeline_mode<synchronous>, transform_indices = @transform_9, window_bounds = array<i64: 128, 64>}, {pipeline_mode = #tpu.pipeline_mode<synchronous>, transform_indices = @transform_10, window_bounds = array<i64: 8, 64>}, {pipeline_mode = #tpu.pipeline_mode<synchronous>, transform_indices = @transform_11, window_bounds = array<i64: 8, 64>}, {pipeline_mode = #tpu.pipeline_mode<synchronous>, transform_indices = @transform_12, window_bounds = array<i64: 8, 64>}, {transform_indices = @transform_13, window_bounds = array<i64: 512, 64>}]} {
    %get3A = arith.constant 0 : index
    %get3A_0 = arith.constant 0 : index
    %get3A_1 = vector.load %arg1[%get3A, %get3A_0] : memref<512x64xf32, #tpu.memory_space<vmem>>, vector<512x64xf32>
    %get3A_2 = arith.constant 0 : index
    %get3A_3 = arith.constant 0 : index
    %get3A_4 = vector.load %arg2[%get3A_2, %get3A_3] : memref<512x64xf32, #tpu.memory_space<vmem>>, vector<512x64xf32>
    %get3A_5 = arith.constant 0 : index
    %get3A_6 = arith.constant 0 : index
    %get3A_7 = vector.load %arg3[%get3A_5, %get3A_6] : memref<64x64xf32, #tpu.memory_space<vmem>>, vector<64x64xf32>
    %dot_general3A = arith.constant dense<0.000000e+00> : vector<512x64xf32>
    %dot_general3A_8 = tpu.matmul %get3A_1, %get3A_7, %dot_general3A {dimension_numbers = #tpu.dot_dimension_numbers<[1], [0], [0], [1], [0, 0, 1, 1], [], []>, transpose_lhs_hint = false} : vector<512x64xf32>, vector<64x64xf32>, vector<512x64xf32> -> vector<512x64xf32>
    %get3A_9 = arith.constant 0 : index
    %get3A_10 = arith.constant 0 : index
    %get3A_11 = vector.load %arg4[%get3A_9, %get3A_10] : memref<8x64xf32, #tpu.memory_space<vmem>>, vector<1x64xf32>
    %add3A = vector.broadcast %get3A_11 : vector<1x64xf32> to vector<512x64xf32>
    %add3A_12 = arith.addf %dot_general3A_8, %add3A : vector<512x64xf32>
    %get3A_13 = arith.constant 0 : index
    %get3A_14 = arith.constant 0 : index
    %get3A_15 = vector.load %arg5[%get3A_13, %get3A_14] : memref<64x64xf32, #tpu.memory_space<vmem>>, vector<64x64xf32>
    %dot_general3A_16 = arith.constant dense<0.000000e+00> : vector<512x64xf32>
    %dot_general3A_17 = tpu.matmul %add3A_12, %get3A_15, %dot_general3A_16 {dimension_numbers = #tpu.dot_dimension_numbers<[1], [0], [0], [1], [0, 0, 1, 1], [], []>, transpose_lhs_hint = false} : vector<512x64xf32>, vector<64x64xf32>, vector<512x64xf32> -> vector<512x64xf32>
    %get3A_18 = arith.constant 0 : index
    %get3A_19 = arith.constant 0 : index
    %get3A_20 = vector.load %arg6[%get3A_18, %get3A_19] : memref<64x64xf32, #tpu.memory_space<vmem>>, vector<64x64xf32>
    %dot_general3A_21 = arith.constant dense<0.000000e+00> : vector<512x64xf32>
    %dot_general3A_22 = tpu.matmul %get3A_4, %get3A_20, %dot_general3A_21 {dimension_numbers = #tpu.dot_dimension_numbers<[1], [0], [0], [1], [0, 0, 1, 1], [], []>, transpose_lhs_hint = false} : vector<512x64xf32>, vector<64x64xf32>, vector<512x64xf32> -> vector<512x64xf32>
    %add3A_23 = arith.addf %dot_general3A_17, %dot_general3A_22 : vector<512x64xf32>
    %get3A_24 = arith.constant 0 : index
    %get3A_25 = arith.constant 0 : index
    %get3A_26 = vector.load %arg7[%get3A_24, %get3A_25] : memref<8x64xf32, #tpu.memory_space<vmem>>, vector<1x64xf32>
    %add3A_27 = vector.broadcast %get3A_26 : vector<1x64xf32> to vector<512x64xf32>
    %add3A_28 = arith.addf %add3A_23, %add3A_27 : vector<512x64xf32>
    %get3A_29 = arith.constant 0 : index
    %get3A_30 = arith.constant 0 : index
    %get3A_31 = vector.load %arg8[%get3A_29, %get3A_30] : memref<64x128xf32, #tpu.memory_space<vmem>>, vector<64x128xf32>
    %dot_general3A_32 = arith.constant dense<0.000000e+00> : vector<512x128xf32>
    %dot_general3A_33 = tpu.matmul %add3A_28, %get3A_31, %dot_general3A_32 {dimension_numbers = #tpu.dot_dimension_numbers<[1], [0], [0], [1], [0, 0, 1, 1], [], []>, transpose_lhs_hint = false} : vector<512x64xf32>, vector<64x128xf32>, vector<512x128xf32> -> vector<512x128xf32>
    %get3A_34 = arith.constant 0 : index
    %get3A_35 = arith.constant 0 : index
    %get3A_36 = vector.load %arg9[%get3A_34, %get3A_35] : memref<8x128xf32, #tpu.memory_space<vmem>>, vector<1x128xf32>
    %add3A_37 = vector.broadcast %get3A_36 : vector<1x128xf32> to vector<512x128xf32>
    %add3A_38 = arith.addf %dot_general3A_33, %add3A_37 : vector<512x128xf32>
    %neg3A = arith.constant 0.000000e+00 : f32
    %neg3A_39 = vector.broadcast %neg3A : f32 to vector<512x128xf32>
    %neg3A_40 = arith.subf %neg3A_39, %add3A_38 : vector<512x128xf32>
    %exp3A = math.exp %neg3A_40 : vector<512x128xf32>
    %add3A_41 = arith.constant 1.000000e+00 : f32
    %add3A_42 = vector.broadcast %add3A_41 : f32 to vector<512x128xf32>
    %add3A_43 = arith.addf %add3A_42, %exp3A : vector<512x128xf32>
    %div3A = arith.divf %add3A_38, %add3A_43 : vector<512x128xf32>
    %get3A_44 = arith.constant 0 : index
    %get3A_45 = arith.constant 0 : index
    %get3A_46 = vector.load %arg10[%get3A_44, %get3A_45] : memref<128x64xf32, #tpu.memory_space<vmem>>, vector<128x64xf32>
    %dot_general3A_47 = arith.constant dense<0.000000e+00> : vector<512x64xf32>
    %dot_general3A_48 = tpu.matmul %div3A, %get3A_46, %dot_general3A_47 {dimension_numbers = #tpu.dot_dimension_numbers<[1], [0], [0], [1], [0, 0, 1, 1], [], []>, transpose_lhs_hint = false} : vector<512x128xf32>, vector<128x64xf32>, vector<512x64xf32> -> vector<512x64xf32>
    %get3A_49 = arith.constant 0 : index
    %get3A_50 = arith.constant 0 : index
    %get3A_51 = vector.load %arg11[%get3A_49, %get3A_50] : memref<8x64xf32, #tpu.memory_space<vmem>>, vector<1x64xf32>
    %add3A_52 = vector.broadcast %get3A_51 : vector<1x64xf32> to vector<512x64xf32>
    %add3A_53 = arith.addf %dot_general3A_48, %add3A_52 : vector<512x64xf32>
    %add3A_54 = arith.addf %get3A_1, %add3A_53 : vector<512x64xf32>
    %reduce_sum3A = arith.constant dense<0.000000e+00> : vector<512xf32>
    %reduce_sum3A_55 = vector.multi_reduction <add>, %add3A_54, %reduce_sum3A [1] : vector<512x64xf32> to vector<512xf32>
    %broadcast_in_dim3A = vector.shape_cast %reduce_sum3A_55 : vector<512xf32> to vector<512x1xf32>
    %div3A_56 = arith.constant 6.400000e+01 : f32
    %div3A_57 = vector.broadcast %div3A_56 : f32 to vector<512x1xf32>
    %div3A_58 = arith.divf %broadcast_in_dim3A, %div3A_57 : vector<512x1xf32>
    %sub3A = vector.broadcast %div3A_58 : vector<512x1xf32> to vector<512x64xf32>
    %sub3A_59 = arith.subf %add3A_54, %sub3A : vector<512x64xf32>
    %integer_pow3A = arith.mulf %sub3A_59, %sub3A_59 : vector<512x64xf32>
    %reduce_sum3A_60 = arith.constant dense<0.000000e+00> : vector<512xf32>
    %reduce_sum3A_61 = vector.multi_reduction <add>, %integer_pow3A, %reduce_sum3A_60 [1] : vector<512x64xf32> to vector<512xf32>
    %broadcast_in_dim3A_62 = vector.shape_cast %reduce_sum3A_61 : vector<512xf32> to vector<512x1xf32>
    %div3A_63 = arith.constant 6.400000e+01 : f32
    %div3A_64 = vector.broadcast %div3A_63 : f32 to vector<512x1xf32>
    %div3A_65 = arith.divf %broadcast_in_dim3A_62, %div3A_64 : vector<512x1xf32>
    %sub3A_66 = vector.broadcast %div3A_58 : vector<512x1xf32> to vector<512x64xf32>
    %sub3A_67 = arith.subf %add3A_54, %sub3A_66 : vector<512x64xf32>
    %add3A_68 = arith.constant 9.99999974E-6 : f32
    %add3A_69 = vector.broadcast %add3A_68 : f32 to vector<512x1xf32>
    %add3A_70 = arith.addf %div3A_65, %add3A_69 : vector<512x1xf32>
    %sqrt3A = math.sqrt %add3A_70 : vector<512x1xf32>
    %div3A_71 = vector.broadcast %sqrt3A : vector<512x1xf32> to vector<512x64xf32>
    %div3A_72 = arith.divf %sub3A_67, %div3A_71 : vector<512x64xf32>
    %get3A_73 = arith.constant 0 : index
    %get3A_74 = arith.constant 0 : index
    %get3A_75 = vector.load %arg12[%get3A_73, %get3A_74] : memref<8x64xf32, #tpu.memory_space<vmem>>, vector<1x64xf32>
    %mul3A = vector.broadcast %get3A_75 : vector<1x64xf32> to vector<512x64xf32>
    %mul3A_76 = arith.mulf %div3A_72, %mul3A : vector<512x64xf32>
    %get3A_77 = arith.constant 0 : index
    %get3A_78 = arith.constant 0 : index
    %get3A_79 = vector.load %arg13[%get3A_77, %get3A_78] : memref<8x64xf32, #tpu.memory_space<vmem>>, vector<1x64xf32>
    %add3A_80 = vector.broadcast %get3A_79 : vector<1x64xf32> to vector<512x64xf32>
    %add3A_81 = arith.addf %mul3A_76, %add3A_80 : vector<512x64xf32>
    %swap3A = arith.constant 0 : index
    %swap3A_82 = arith.constant 0 : index
    %swap3A_83 = vector.load %arg14[%swap3A, %swap3A_82] : memref<512x64xf32, #tpu.memory_space<vmem>>, vector<512x64xf32>
    tpu.vector_store %arg14[%swap3A, %swap3A_82], %add3A_81 {strides = array<i32>} : memref<512x64xf32, #tpu.memory_space<vmem>>, vector<512x64xf32>,
    return
  }
  func.func @transform_0(%arg0: i32) -> (i32, i32) {
    %c0_i32 = arith.constant 0 : i32
    %c0_i32_0 = arith.constant 0 : i32
    return %arg0, %c0_i32 : i32, i32
  }
  func.func @transform_1(%arg0: i32) -> (i32, i32) {
    %c0_i32 = arith.constant 0 : i32
    %c0_i32_0 = arith.constant 0 : i32
    return %arg0, %c0_i32 : i32, i32
  }
  func.func @transform_2(%arg0: i32) -> (i32, i32) {
    %c0_i32 = arith.constant 0 : i32
    %c0_i32_0 = arith.constant 0 : i32
    %c0_i32_1 = arith.constant 0 : i32
    return %c0_i32, %c0_i32_0 : i32, i32
  }
  func.func @transform_3(%arg0: i32) -> (i32, i32) {
    %c0_i32 = arith.constant 0 : i32
    %c0_i32_0 = arith.constant 0 : i32
    %c0_i32_1 = arith.constant 0 : i32
    return %c0_i32, %c0_i32_0 : i32, i32
  }
  func.func @transform_4(%arg0: i32) -> (i32, i32) {
    %c0_i32 = arith.constant 0 : i32
    %c0_i32_0 = arith.constant 0 : i32
    %c0_i32_1 = arith.constant 0 : i32
    return %c0_i32, %c0_i32_0 : i32, i32
  }
  func.func @transform_5(%arg0: i32) -> (i32, i32) {
    %c0_i32 = arith.constant 0 : i32
    %c0_i32_0 = arith.constant 0 : i32
    %c0_i32_1 = arith.constant 0 : i32
    return %c0_i32, %c0_i32_0 : i32, i32
  }
  func.func @transform_6(%arg0: i32) -> (i32, i32) {
    %c0_i32 = arith.constant 0 : i32
    %c0_i32_0 = arith.constant 0 : i32
    %c0_i32_1 = arith.constant 0 : i32
    return %c0_i32, %c0_i32_0 : i32, i32
  }
  func.func @transform_7(%arg0: i32) -> (i32, i32) {
    %c0_i32 = arith.constant 0 : i32
    %c0_i32_0 = arith.constant 0 : i32
    %c0_i32_1 = arith.constant 0 : i32
    return %c0_i32, %c0_i32_0 : i32, i32
  }
  func.func @transform_8(%arg0: i32) -> (i32, i32) {
    %c0_i32 = arith.constant 0 : i32
    %c0_i32_0 = arith.constant 0 : i32
    %c0_i32_1 = arith.constant 0 : i32
    return %c0_i32, %c0_i32_0 : i32, i32
  }
  func.func @transform_9(%arg0: i32) -> (i32, i32) {
    %c0_i32 = arith.constant 0 : i32
    %c0_i32_0 = arith.constant 0 : i32
    %c0_i32_1 = arith.constant 0 : i32
    return %c0_i32, %c0_i32_0 : i32, i32
  }
  func.func @transform_10(%arg0: i32) -> (i32, i32) {
    %c0_i32 = arith.constant 0 : i32
    %c0_i32_0 = arith.constant 0 : i32
    %c0_i32_1 = arith.constant 0 : i32
    return %c0_i32, %c0_i32_0 : i32, i32
  }
  func.func @transform_11(%arg0: i32) -> (i32, i32) {
    %c0_i32 = arith.constant 0 : i32
    %c0_i32_0 = arith.constant 0 : i32
    %c0_i32_1 = arith.constant 0 : i32
    return %c0_i32, %c0_i32_0 : i32, i32
  }
  func.func @transform_12(%arg0: i32) -> (i32, i32) {
    %c0_i32 = arith.constant 0 : i32
    %c0_i32_0 = arith.constant 0 : i32
    %c0_i32_1 = arith.constant 0 : i32
    return %c0_i32, %c0_i32_0 : i32, i32
  }
  func.func @transform_13(%arg0: i32) -> (i32, i32) {
    %c0_i32 = arith.constant 0 : i32
    %c0_i32_0 = arith.constant 0 : i32
    return %arg0, %c0_i32 : i32, i32
  }
}

module attributes {stable_mosaic.version = 14 : i64} {
  func.func @_k5_body(%arg0: i32, %arg1: memref<512x64xf32, #tpu.memory_space<vmem>>, %arg2: memref<512x16xf32, #tpu.memory_space<vmem>>, %arg3: memref<64x64xf32, #tpu.memory_space<vmem>>, %arg4: memref<8x64xf32, #tpu.memory_space<vmem>>, %arg5: memref<64x32xf32, #tpu.memory_space<vmem>>, %arg6: memref<8x32xf32, #tpu.memory_space<vmem>>, %arg7: memref<32x8xf32, #tpu.memory_space<vmem>>, %arg8: memref<8x8xf32, #tpu.memory_space<vmem>>, %arg9: memref<8x128xf32, #tpu.memory_space<vmem>>) attributes {dimension_semantics = [#tpu.dimension_semantics<arbitrary>], iteration_bounds = array<i64: 98>, scalar_prefetch = 0 : i64, scratch_operands = 0 : i64, tpu.core_type = #tpu.core_type<tc>, window_params = [{transform_indices = @transform_0, window_bounds = array<i64: 512, 64>}, {transform_indices = @transform_1, window_bounds = array<i64: 512, 16>}, {pipeline_mode = #tpu.pipeline_mode<synchronous>, transform_indices = @transform_2, window_bounds = array<i64: 64, 64>}, {pipeline_mode = #tpu.pipeline_mode<synchronous>, transform_indices = @transform_3, window_bounds = array<i64: 8, 64>}, {pipeline_mode = #tpu.pipeline_mode<synchronous>, transform_indices = @transform_4, window_bounds = array<i64: 64, 32>}, {pipeline_mode = #tpu.pipeline_mode<synchronous>, transform_indices = @transform_5, window_bounds = array<i64: 8, 32>}, {pipeline_mode = #tpu.pipeline_mode<synchronous>, transform_indices = @transform_6, window_bounds = array<i64: 32, 8>}, {pipeline_mode = #tpu.pipeline_mode<synchronous>, transform_indices = @transform_7, window_bounds = array<i64: 8, 8>}, {pipeline_mode = #tpu.pipeline_mode<synchronous>, transform_indices = @transform_8, window_bounds = array<i64: 8, 128>}]} {
    %get3A = arith.constant 0 : index
    %get3A_0 = arith.constant 0 : index
    %get3A_1 = vector.load %arg1[%get3A, %get3A_0] : memref<512x64xf32, #tpu.memory_space<vmem>>, vector<512x64xf32>
    %get3A_2 = arith.constant 0 : index
    %get3A_3 = arith.constant 0 : index
    %get3A_4 = vector.load %arg3[%get3A_2, %get3A_3] : memref<64x64xf32, #tpu.memory_space<vmem>>, vector<64x64xf32>
    %dot_general3A = arith.constant dense<0.000000e+00> : vector<512x64xf32>
    %dot_general3A_5 = tpu.matmul %get3A_1, %get3A_4, %dot_general3A {dimension_numbers = #tpu.dot_dimension_numbers<[1], [0], [0], [1], [0, 0, 1, 1], [], []>, transpose_lhs_hint = false} : vector<512x64xf32>, vector<64x64xf32>, vector<512x64xf32> -> vector<512x64xf32>
    %get3A_6 = arith.constant 0 : index
    %get3A_7 = arith.constant 0 : index
    %get3A_8 = vector.load %arg4[%get3A_6, %get3A_7] : memref<8x64xf32, #tpu.memory_space<vmem>>, vector<1x64xf32>
    %add3A = vector.broadcast %get3A_8 : vector<1x64xf32> to vector<512x64xf32>
    %add3A_9 = arith.addf %dot_general3A_5, %add3A : vector<512x64xf32>
    %neg3A = arith.constant 0.000000e+00 : f32
    %neg3A_10 = vector.broadcast %neg3A : f32 to vector<512x64xf32>
    %neg3A_11 = arith.subf %neg3A_10, %add3A_9 : vector<512x64xf32>
    %exp3A = math.exp %neg3A_11 : vector<512x64xf32>
    %add3A_12 = arith.constant 1.000000e+00 : f32
    %add3A_13 = vector.broadcast %add3A_12 : f32 to vector<512x64xf32>
    %add3A_14 = arith.addf %add3A_13, %exp3A : vector<512x64xf32>
    %div3A = arith.divf %add3A_9, %add3A_14 : vector<512x64xf32>
    %get3A_15 = arith.constant 0 : index
    %get3A_16 = arith.constant 0 : index
    %get3A_17 = vector.load %arg5[%get3A_15, %get3A_16] : memref<64x32xf32, #tpu.memory_space<vmem>>, vector<64x32xf32>
    %dot_general3A_18 = arith.constant dense<0.000000e+00> : vector<512x32xf32>
    %dot_general3A_19 = tpu.matmul %div3A, %get3A_17, %dot_general3A_18 {dimension_numbers = #tpu.dot_dimension_numbers<[1], [0], [0], [1], [0, 0, 1, 1], [], []>, transpose_lhs_hint = false} : vector<512x64xf32>, vector<64x32xf32>, vector<512x32xf32> -> vector<512x32xf32>
    %get3A_20 = arith.constant 0 : index
    %get3A_21 = arith.constant 0 : index
    %get3A_22 = vector.load %arg6[%get3A_20, %get3A_21] : memref<8x32xf32, #tpu.memory_space<vmem>>, vector<1x32xf32>
    %add3A_23 = vector.broadcast %get3A_22 : vector<1x32xf32> to vector<512x32xf32>
    %add3A_24 = arith.addf %dot_general3A_19, %add3A_23 : vector<512x32xf32>
    %neg3A_25 = arith.constant 0.000000e+00 : f32
    %neg3A_26 = vector.broadcast %neg3A_25 : f32 to vector<512x32xf32>
    %neg3A_27 = arith.subf %neg3A_26, %add3A_24 : vector<512x32xf32>
    %exp3A_28 = math.exp %neg3A_27 : vector<512x32xf32>
    %add3A_29 = arith.constant 1.000000e+00 : f32
    %add3A_30 = vector.broadcast %add3A_29 : f32 to vector<512x32xf32>
    %add3A_31 = arith.addf %add3A_30, %exp3A_28 : vector<512x32xf32>
    %div3A_32 = arith.divf %add3A_24, %add3A_31 : vector<512x32xf32>
    %get3A_33 = arith.constant 0 : index
    %get3A_34 = arith.constant 0 : index
    %get3A_35 = vector.load %arg7[%get3A_33, %get3A_34] : memref<32x8xf32, #tpu.memory_space<vmem>>, vector<32x8xf32>
    %dot_general3A_36 = arith.constant dense<0.000000e+00> : vector<512x8xf32>
    %dot_general3A_37 = tpu.matmul %div3A_32, %get3A_35, %dot_general3A_36 {dimension_numbers = #tpu.dot_dimension_numbers<[1], [0], [0], [1], [0, 0, 1, 1], [], []>, transpose_lhs_hint = false} : vector<512x32xf32>, vector<32x8xf32>, vector<512x8xf32> -> vector<512x8xf32>
    %slice3A = vector.extract_strided_slice %dot_general3A_37 {offsets = [0, 0], sizes = [512, 1], strides = [1, 1]} : vector<512x8xf32> to vector<512x1xf32>
    %get3A_38 = arith.constant 0 : index
    %get3A_39 = arith.constant 0 : index
    %get3A_40 = vector.load %arg8[%get3A_38, %get3A_39] : memref<8x8xf32, #tpu.memory_space<vmem>>, vector<1x1xf32>
    %add3A_41 = vector.broadcast %get3A_40 : vector<1x1xf32> to vector<512x1xf32>
    %add3A_42 = arith.addf %slice3A, %add3A_41 : vector<512x1xf32>
    %get3A_43 = arith.constant 0 : index
    %get3A_44 = arith.constant 0 : index
    %get3A_45 = vector.load %arg2[%get3A_43, %get3A_44] : memref<512x16xf32, #tpu.memory_space<vmem>>, vector<512x1xf32>
    %add3A_46 = arith.addf %add3A_42, %get3A_45 : vector<512x1xf32>
    %mul3A = arith.constant 512 : i32
    %mul3A_47 = arith.muli %arg0, %mul3A : i32
    %iota3A = tpu.iota {dimensions = array<i32: 0>} : vector<512x1xi32>
    %add3A_48 = vector.broadcast %mul3A_47 : i32 to vector<512x1xi32>
    %add3A_49 = arith.addi %add3A_48, %iota3A : vector<512x1xi32>
    %lt3A = arith.constant 50000 : i32
    %lt3A_50 = vector.broadcast %lt3A : i32 to vector<512x1xi32>
    %lt3A_51 = arith.cmpi slt, %add3A_49, %lt3A_50 : vector<512x1xi32>
    %jit3A = arith.constant 0.000000e+00 : f32
    %broadcast_in_dim3A = vector.broadcast %jit3A : f32 to vector<512x1xf32>
    %select_n3A = arith.select %lt3A_51, %add3A_46, %broadcast_in_dim3A : vector<512x1xi1>, vector<512x1xf32>
    %reduce_sum3A = vector.shape_cast %select_n3A : vector<512x1xf32> to vector<1x512x1xf32>
    %reduce_sum3A_52 = arith.constant dense<0.000000e+00> : vector<1xf32>
    %reduce_sum3A_53 = vector.multi_reduction <add>, %reduce_sum3A, %reduce_sum3A_52 [1, 2] : vector<1x512x1xf32> to vector<1xf32>
    %reduce_sum3A_54 = vector.shape_cast %reduce_sum3A_53 : vector<1xf32> to vector<1x1x1xf32>
    %reduce_sum3A_55 = vector.extract %reduce_sum3A_54[0, 0, 0] : f32 from vector<1x1x1xf32>
    %iota3A_56 = tpu.iota {dimensions = array<i32: 0>} : vector<8x128xi32>
    %iota3A_57 = tpu.iota {dimensions = array<i32: 1>} : vector<8x128xi32>
    %add3A_58 = arith.addi %iota3A_56, %iota3A_57 : vector<8x128xi32>
    %eq3A = arith.constant 0 : i32
    %eq3A_59 = vector.broadcast %eq3A : i32 to vector<8x128xi32>
    %eq3A_60 = arith.cmpi eq, %add3A_58, %eq3A_59 : vector<8x128xi32>
    %jit3A_61 = arith.constant 0.000000e+00 : f32
    %broadcast_in_dim3A_62 = vector.broadcast %reduce_sum3A_55 : f32 to vector<8x128xf32>
    %broadcast_in_dim3A_63 = vector.broadcast %jit3A_61 : f32 to vector<8x128xf32>
    %select_n3A_64 = arith.select %eq3A_60, %broadcast_in_dim3A_62, %broadcast_in_dim3A_63 : vector<8x128xi1>, vector<8x128xf32>
    %eq3A_65 = arith.constant 0 : i32
    %eq3A_66 = arith.cmpi eq, %arg0, %eq3A_65 : i32
    %convert_element_type3A = arith.extui %eq3A_66 : i1 to i32
    %cond3A = arith.constant 0 : i32
    %cond3A_67 = arith.cmpi ne, %convert_element_type3A, %cond3A : i32
    scf.if %cond3A_67 {
      %broadcast_in_dim3A_74 = arith.constant 0.000000e+00 : f32
      %broadcast_in_dim3A_75 = vector.broadcast %broadcast_in_dim3A_74 : f32 to vector<8x128xf32>
      %swap3A_76 = arith.constant 0 : index
      %swap3A_77 = arith.constant 0 : index
      %swap3A_78 = vector.load %arg9[%swap3A_76, %swap3A_77] : memref<8x128xf32, #tpu.memory_space<vmem>>, vector<8x128xf32>
      tpu.vector_store %arg9[%swap3A_76, %swap3A_77], %broadcast_in_dim3A_75 {strides = array<i32>} : memref<8x128xf32, #tpu.memory_space<vmem>>, vector<8x128xf32>,
    } else {
    }
    %get3A_68 = arith.constant 0 : index
    %get3A_69 = arith.constant 0 : index
    %get3A_70 = vector.load %arg9[%get3A_68, %get3A_69] : memref<8x128xf32, #tpu.memory_space<vmem>>, vector<8x128xf32>
    %add3A_71 = arith.addf %get3A_70, %select_n3A_64 : vector<8x128xf32>
    %swap3A = arith.constant 0 : index
    %swap3A_72 = arith.constant 0 : index
    %swap3A_73 = vector.load %arg9[%swap3A, %swap3A_72] : memref<8x128xf32, #tpu.memory_space<vmem>>, vector<8x128xf32>
    tpu.vector_store %arg9[%swap3A, %swap3A_72], %add3A_71 {strides = array<i32>} : memref<8x128xf32, #tpu.memory_space<vmem>>, vector<8x128xf32>,
    return
  }
  func.func @transform_0(%arg0: i32) -> (i32, i32) {
    %c0_i32 = arith.constant 0 : i32
    %c0_i32_0 = arith.constant 0 : i32
    return %arg0, %c0_i32 : i32, i32
  }
  func.func @transform_1(%arg0: i32) -> (i32, i32) {
    %c0_i32 = arith.constant 0 : i32
    %c0_i32_0 = arith.constant 0 : i32
    return %arg0, %c0_i32 : i32, i32
  }
  func.func @transform_2(%arg0: i32) -> (i32, i32) {
    %c0_i32 = arith.constant 0 : i32
    %c0_i32_0 = arith.constant 0 : i32
    %c0_i32_1 = arith.constant 0 : i32
    return %c0_i32, %c0_i32_0 : i32, i32
  }
  func.func @transform_3(%arg0: i32) -> (i32, i32) {
    %c0_i32 = arith.constant 0 : i32
    %c0_i32_0 = arith.constant 0 : i32
    %c0_i32_1 = arith.constant 0 : i32
    return %c0_i32, %c0_i32_0 : i32, i32
  }
  func.func @transform_4(%arg0: i32) -> (i32, i32) {
    %c0_i32 = arith.constant 0 : i32
    %c0_i32_0 = arith.constant 0 : i32
    %c0_i32_1 = arith.constant 0 : i32
    return %c0_i32, %c0_i32_0 : i32, i32
  }
  func.func @transform_5(%arg0: i32) -> (i32, i32) {
    %c0_i32 = arith.constant 0 : i32
    %c0_i32_0 = arith.constant 0 : i32
    %c0_i32_1 = arith.constant 0 : i32
    return %c0_i32, %c0_i32_0 : i32, i32
  }
  func.func @transform_6(%arg0: i32) -> (i32, i32) {
    %c0_i32 = arith.constant 0 : i32
    %c0_i32_0 = arith.constant 0 : i32
    %c0_i32_1 = arith.constant 0 : i32
    return %c0_i32, %c0_i32_0 : i32, i32
  }
  func.func @transform_7(%arg0: i32) -> (i32, i32) {
    %c0_i32 = arith.constant 0 : i32
    %c0_i32_0 = arith.constant 0 : i32
    %c0_i32_1 = arith.constant 0 : i32
    return %c0_i32, %c0_i32_0 : i32, i32
  }
  func.func @transform_8(%arg0: i32) -> (i32, i32) {
    %c0_i32 = arith.constant 0 : i32
    %c0_i32_0 = arith.constant 0 : i32
    %c0_i32_1 = arith.constant 0 : i32
    return %c0_i32, %c0_i32_0 : i32, i32
  }
}

</mosaic_0001>

<sc_bundles>
// kernel: kernel.12.cloned.1.call-start
scs
__scs_entry_jumppad:
0x0: {  	(pc) =	sbr.rel $0x88, $3  }
0x1: {  	(tag) =	ssettag $0x0;
	lr =	simm.s32 $0x1  }
0x2: {  	[smem:$0x3F6A] =	sst lr;
	_ =	strace $0xD0000000  }
0x3: {  	_ = 	snop  }
0x4: {  	_ = 	snop  }
0x5: {  	_ = 	snop  }
0x6: {  	_ = 	snop  }
0x7: {  	_ = 	snop  }
__scs_overlays_trampoline_lowered:
0x8: {  	[smem:$0x3F79] =	sst s0  }
0x9: {  	[smem:$0x3F7A] =	sst s1  }
0xa: {  	[smem:$0x3F7B] =	sst s2  }
0xb: {  	[smem:$0x3F7C] =	sst s3  }
0xc: {  	[smem:$0x3F7D] =	sst s4  }
0xd: {  	[smem:$0x3F7E] =	sst s5  }
0xe: {  	[smem:$0x3F7F] =	sst s6  }
0xf: {  	[smem:$0x3F80] =	sst s7  }
0x10: {  	[smem:$0x3F81] =	sst s8  }
0x11: {  	[smem:$0x3F82] =	sst s9;
	s0 =	simm.s32 @!p0 $0x0  }
0x12: {  	s1 =	sld [smem:$0x3F68];
	s0 =	simm.s32 @p0 $0x1  }
0x13: {  	[smem:$0x3F83] =	sst s0;
	s0 =	simm.s32 @!p1 $0x0  }
0x14: {  	s2 =	sld [smem:$0x3F67];
	s0 =	simm.s32 @p1 $0x1  }
0x15: {  	[smem:$0x3F84] =	sst s0;
	s0 =	simm.s32 @!p2 $0x0  }
0x16: {  	s3 =	sld [smem:$0x3FDB];
	s0 =	simm.s32 @p2 $0x1  }
0x17: {  	s4 =	simm.s32 $0x1BF5;
	[smem:$0x3F86] =	sst s0  }
0x18: {  	s0 =	sld [smem:$0x3F69];
	_ =	swait.ge [sflag:s4], $0x0  }
0x19: {  	s7 =	sld [smem:$0x3F6A]  }
0x1a: {  	s8 =	sadd.s32 $0xFFFFE003, lr  }
0x1b: {  	s9 =	sadd.s32 $0xFFFFFEF7, lr;
	s5 =	simm.s32 $0xFFFFFFFF;
	p2 =	slt.u32 s8, $0xFFFFF086  }
0x1c: {  	p1 =	slt.u32 s9, $0xF7A;
	s5 =	simm.s32 @!p2 $0x0  }
0x1d: {  	s5 =	simm.s32 @p1 $0x1;
	p0 =	seq.s32 s7, s2  }
0x1e: {  	s7 =	smul.u32 @!p0 $0xF7A, s2;
	p2 =	seq.s32 @!p0 s5, $0x0  }
0x1f: {  	s9 =	smul.u32 $0xF7A, s1;
	s8 =	simm.s32 @!p0 $0x1BF5;
	p2 =	por !p2, p0  }
0x20: {  	[sflag:s8] =	ssyncset.s32 @!p0 $0xFFFFF086;
	s6 =	sadd.s32 @!p0 s3, s7;
	s7 =	simm.s32 @!p0 $0x108  }
0x21: {  	s3 =	sadd.s32 s3, s9;
	s6 =	sadd.s32 @!p0 $0x88, s6;
	s7 =	simm.s32 @p2 $0x1082  }
0x22: {  	[simem:s7], [sflag:s8] =	dma.local @!p0 [hbm:s6], $0xF7A  }
0x23: {  	s9 =	sor.u32 $0xD0000000, s2;
	s6 =	simm.s32 $0x108;
	_ =	swait.ge @!p0 [sflag:s8], $0x0  }
0x24: {  	s3 =	sadd.s32 $0x88, s3;
	s6 =	simm.s32 @!p1 $0x1082;
	[sflag:s4] =	ssyncset.s32 $0xFFFFF086  }
0x25: {  	[simem:s6], [sflag:s4] =	dma.local [hbm:s3], $0xF7A  }
0x26: {  	[smem:$0x3F6A] =	sst s1;
	(tag) =	ssettag s2;
	_ =	strace s9  }
0x27: {  	s1 =	sld [smem:$0x3F7A]  }
0x28: {  	s2 =	sld [smem:$0x3F7B]  }
0x29: {  	s4 =	sld [smem:$0x3F7D]  }
0x2a: {  	p0 =	seq.s32 s5, $0x0;
	s5 =	sld [smem:$0x3F7E]  }
0x2b: {  	s6 =	sld [smem:$0x3F7F]  }
0x2c: {  	s7 =	sld [smem:$0x3F80]  }
0x2d: {  	s3 =	simm.s32 $0x108;
	s8 =	sld [smem:$0x3F81]  }
0x2e: {  	s3 =	simm.s32 @!p0 $0x1082;
	s9 =	sld [smem:$0x3F82]  }
0x2f: {  	lr =	sadd.s32 s0, s3;
	s0 =	sld [smem:$0x3F79]  }
0x30: {  	s3 =	sld [smem:$0x3F7C]  }
0x31: {  	[smem:$0x3F85] =	sst s10  }
0x32: {  	s10 =	sld [smem:$0x3F83];
	_ =	sdelay $0x3  }
0x33: {  	p0 =	seq.s32 s10, $0x1;
	s10 =	sld [smem:$0x3F85];
	_ =	sdelay $0x3  }
0x34: {  	[smem:$0x3F85] =	sst s10  }
0x35: {  	s10 =	sld [smem:$0x3F84];
	_ =	sdelay $0x3  }
0x36: {  	p1 =	seq.s32 s10, $0x1;
	s10 =	sld [smem:$0x3F85];
	_ =	sdelay $0x3  }
0x37: {  	[smem:$0x3F85] =	sst s10  }
0x38: {  	s10 =	sld [smem:$0x3F86]  }
0x39: {  	_ = 	snop;
	(pc) =	sbr.ind lr, $3  }
0x3a: {  	_ = 	snop  }
0x3b: {  	_ = 	snop  }
0x3c: {  	p2 =	seq.s32 s10, $0x1;
	s10 =	sld [smem:$0x3F85]  }
0x3d: {  	_ =	shalt  }
0x3e: {  	_ =	shalt  }
0x3f: {  	_ =	shalt  }
0x40: {  	_ =	shalt  }
0x41: {  	_ =	shalt  }
0x42: {  	_ =	shalt  }
0x43: {  	_ =	shalt  }
0x44: {  	_ =	shalt  }
0x45: {  	_ =	shalt  }
0x46: {  	_ =	shalt  }
0x47: {  	_ =	shalt  }
0x48: {  	_ =	shalt  }
0x49: {  	_ =	shalt  }
0x4a: {  	_ =	shalt  }
0x4b: {  	_ =	shalt  }
0x4c: {  	_ =	shalt  }
0x4d: {  	_ =	shalt  }
0x4e: {  	_ =	shalt  }
0x4f: {  	_ =	shalt  }
0x50: {  	_ =	shalt  }
0x51: {  	_ =	shalt  }
0x52: {  	_ =	shalt  }
0x53: {  	_ =	shalt  }
0x54: {  	_ =	shalt  }
0x55: {  	_ =	shalt  }
0x56: {  	_ =	shalt  }
0x57: {  	_ =	shalt  }
0x58: {  	_ =	shalt  }
0x59: {  	_ =	shalt  }
0x5a: {  	_ =	shalt  }
0x5b: {  	_ =	shalt  }
0x5c: {  	_ =	shalt  }
0x5d: {  	_ =	shalt  }
0x5e: {  	_ =	shalt  }
0x5f: {  	_ =	shalt  }
0x60: {  	_ =	shalt  }
0x61: {  	_ =	shalt  }
0x62: {  	_ =	shalt  }
0x63: {  	_ =	shalt  }
0x64: {  	_ =	shalt  }
0x65: {  	_ =	shalt  }
0x66: {  	_ =	shalt  }
0x67: {  	_ =	shalt  }
0x68: {  	_ =	shalt  }
0x69: {  	_ =	shalt  }
0x6a: {  	_ =	shalt  }
0x6b: {  	_ =	shalt  }
0x6c: {  	_ =	shalt  }
0x6d: {  	_ =	shalt  }
0x6e: {  	_ =	shalt  }
0x6f: {  	_ =	shalt  }
0x70: {  	_ =	shalt  }
0x71: {  	_ =	shalt  }
0x72: {  	_ =	shalt  }
0x73: {  	_ =	shalt  }
0x74: {  	_ =	shalt  }
0x75: {  	_ =	shalt  }
0x76: {  	_ =	shalt  }
0x77: {  	_ =	shalt  }
0x78: {  	_ =	shalt  }
0x79: {  	_ =	shalt  }
0x7a: {  	_ =	shalt  }
0x7b: {  	_ =	shalt  }
0x7c: {  	_ =	shalt  }
0x7d: {  	_ =	shalt  }
0x7e: {  	_ =	shalt  }
0x7f: {  	_ =	shalt  }
0x80: {  	_ =	shalt  }
0x81: {  	_ =	shalt  }
0x82: {  	_ =	shalt  }
0x83: {  	_ =	shalt  }
0x84: {  	_ =	shalt  }
0x85: {  	_ =	shalt  }
0x86: {  	_ =	shalt  }
0x87: {  	_ =	shalt  }
.Lfunc_end0:
.L_simem_size_0:
called_computation_lowered:
.L_overlay_start_0:
0x88: {  	s2 =	sld [smem:$0x3FD9]  }
0x89: {  	s3 =	sld [smem:$0x3FFE];
	_ =	sdelay $0x1  }
0x8a: {  	s1 =	srdreg.scid  }
0x8b: {  	s0 =	sand.u32 $0x1, s1  }
0x8c: {  	s17 =	sshll.u32 s0, $0xA;
	s2 =	sadd.s32 s3, s2  }
0x8d: {  	s2 =	sadd.s32 s2, s17  }
0x8e: {  	[smem:$0x3F91] =	sst s2  }
0x8f: {  	_ = 	snop  }
0x90: {  	(tm) =	ssettm $0x1  }
0x91: {  	s18 =	sld [smem:$0x3FFB];
	_ =	sdelay $0x3  }
0x92: {  	_ =	strace s18  }
0x93: {  	s2 =	sld [smem:$0x3FFC];
	_ =	sdelay $0x3  }
0x94: {  	_ =	strace s2  }
0x95: {  	s2 =	sld [smem:$0x3FFD];
	_ =	sdelay $0x3  }
0x96: {  	_ =	strace s2  }
0x97: {  	_ =	strace $0x8FFFFFFF  }
0x98: {  	s19 =	sld [smem:$0x3FDB];
	_ =	sdelay $0x1  }
0x99: {  	s20 =	simm.s32 $_scs_section_size  }
0x9a: {  	s4 =	simm.s32 $_size__tile_overlayer_lowered;
	s5 =	simm.s32 $_tile_overlayer_lowered  }
0x9b: {  	s6 =	simm.s32 $0x1BFF;
	s21 =	sshll.u32 s5, $0x1;
	s3 =	sadd.s32 s20, s19  }
0x9c: {  	s22 =	simm.s32 $0x0;
	s4 =	sshll.u32 s4, $0x1;
	s5 =	sadd.s32 s21, s3  }
0x9d: {  	[timem:s22], [sflag:s6] =	dma.local [hbm:s5], s4  }
0x9e: {  	_ =	swait.ge [sflag:s6], s4  }
0x9f: {  	s4 =	ssub.s32 $0x0, s4;
	[sflag:s6] =	ssyncset.done $0x0  }
0xa0: {  	[sflag:s6] =	ssyncadd.s32 s4;
	_ =	sdelay $0x1  }
0xa1: {  	s23 =	simm.s32 $0x1B8B  }
0xa2: {  	_ =	swait.ge [sflag:s23], $0x1  }
0xa3: {  	[sflag:s23] =	ssyncset.done $0x0  }
0xa4: {  	[sflag:s23] =	ssyncadd.s32 $0xFFFFFFFF  }
0xa5: {  	s4 =	sld [smem:$0x0]  }
0xa6: {  	s5 =	sand.u32 $0xFFFFFFFE, s1  }
0xa7: {  	p0 =	sne.s32 s1, s5  }
0xa8: {  	s5 =	sshll.u32 @p0 s5, $0xE  }
0xa9: {  	s5 =	sadd.s32 @p0 $0x11B8D, s5;
	s6 =	sshll.u32 @p0 s4, $0x11  }
0xaa: {  	s5 =	sor.u32 @p0 s6, s5  }
0xab: {  	[sflag:s5] =	ssyncadd.remote.s32 @p0 $0x1;
	_ =	sdelay $0x1  }
0xac: {  	s5 =	simm.s32 @p0 $0x1B8D  }
0xad: {  	_ =	swait.eq @p0 [sflag:s5], $0x1  }
0xae: {  	[sflag:s5] =	ssyncadd.s32 @p0 $0xFFFFFFFF  }
0xaf: {  	s6 =	sshll.u32 @!p0 s1, $0xE  }
0xb0: {  	s6 =	sor.u32 @!p0 $0x4000, s6;
	s5 =	simm.s32 @!p0 $0x1B8D  }
0xb1: {  	s4 =	sshll.u32 @!p0 s4, $0x11;
	s6 =	sadd.s32 @!p0 $0x11B8D, s6;
	_ =	swait.eq @!p0 [sflag:s5], $0x1  }
0xb2: {  	s4 =	sor.u32 @!p0 s4, s6;
	[sflag:s5] =	ssyncadd.s32 @!p0 $0xFFFFFFFF  }
0xb3: {  	s25 =	simm.s32 $0x1B8E;
	s24 =	sld [smem:$0x3FFE];
	[sflag:s4] =	ssyncadd.remote.s32 @!p0 $0x1  }
0xb4: {  	s26 =	simm.s32 $execute0_lowered;
	[smem:$0x3FD2] =	sst s25  }
0xb5: {  	s5 =	sshll.u32 s26, $0x1;
	_ =	strace $0x80000049;
	[dreg:$0x1] =	wrdreg $0xFFFFFFFF  }
0xb6: {  	s28 =	simm.s32 $_size_execute0_lowered;
	s3 =	sadd.s32 s3, s5;
	[dreg:$0x0] =	wrdreg $0x0  }
0xb7: {  	s5 =	sshll.u32 s28, $0x1;
	[dreg:$0x2] =	wrdreg s3  }
0xb8: {  	[dreg:$0x3] =	wrdreg s5  }
0xb9: {  	[dreg:$0x4] =	wrdreg $0xC0  }
0xba: {  	_ =	task [dreg:s22], $0x5FFFF  }
0xbb: {  	[dreg:$0x1] =	wrdreg $0xFFFFFFFF  }
0xbc: {  	[dreg:$0x0] =	wrdreg $0x60  }
0xbd: {  	[dreg:$0x2] =	wrdreg s24  }
0xbe: {  	[dreg:$0x3] =	wrdreg $0x9  }
0xbf: {  	_ =	task.clear_ibuf [dreg:s22], $0x4FFFF;
	_ =	strace $0x90000049  }
0xc0: {  	s29 =	simm.s32 $0x9;
	_ =	strace $0x8000004B  }
0xc1: {  	_ =	swait.ge [sflag:s29], $0x1  }
0xc2: {  	[sflag:s29] =	ssyncadd.s32 $0xFFFFFFFF  }
0xc3: {  	_ =	strace $0x9000004B  }
0xc4: {  	_ =	sfence  }
0xc5: {  	s30 =	sld [smem:$0x0];
	_ =	sdelay $0x2  }
0xc6: {  	s31 =	sshll.u32 s1, $0xD;
	s1 =	sshrl.u32 s1, $0x2  }
0xc7: {  	s4 =	sand.u32 $0x4000, s31;
	s1 =	sadd.s32 s1, s30  }
0xc8: {  	s0 =	sor.u32 s4, s0;
	s1 =	sshll.u32 s1, $0x11  }
0xc9: {  	s0 =	sor.u32 s1, s0  }
0xca: {  	s0 =	sadd.s32 $0x8F2B, s0  }
0xcb: {  	[sflag:s0] =	ssyncadd.remote.s32 $0x1  }
0xcc: {  	_ =	sfence.sel $0xFFFF  }
0xcd: {  	[dreg:$0x0] =	wrdreg $0xFFFFFFFF;
	(pc) =	sbr.abs _section_cstart, $3  }
0xce: {  	[dreg:$0x1] =	wrdreg $0xFFFFFFFF  }
0xcf: {  	_ =	task.clear_ibuf [dreg:s22], $0x2FFFF;
	_ =	strace $0x9FFFFFFF  }
0xd0: {  	(tm) =	ssettm $0x7FFFFFFF  }
0xd1: {  	_ =	shalt  }
tec
execute0_lowered:
.L_overlay_start_1:
0x0: {  	(tag) =	ssettag $0x1  }
0x1: {  	s0 =	stileid.u32  }
0x2: {  	s1 =	srdreg.scid;
	s3 =	smul.u32 $0xC40, s0  }
0x3: {  	s6 =	rddreg [dreg:$0x0];
	s7 =	smul.u32 $0x6200, s0  }
0x4: {  	s2 =	simm.s32 $0x0;
	s5 =	sand.u32 $0x1, s1;
	s8 =	smul.u32 $0x1880, s0  }
0x5: {  	s12 =	simm.s32 $0x1C70;
	s1 =	rddreg [dreg:$0x1];
	s4 =	smul.u32 $0x620, s5  }
0x6: {  	s13 =	simm.s32 $0x0;
	[smem:$0x7FF] =	sst s2;
	s10 =	smul.u32 $0xC40, s5  }
0x7: {  	_ =	strace $0x8000004A;
	s11 =	ssub.s32 $0x2, s5;
	s5 =	smul.u32 $0x3100, s5  }
0x8: {  	s7 =	sadd.s32 s7, s6;
	s31 =	sshrl.u32 s11, $0x1;
	s3 =	sadd.s32 s4, s3  }
0x9: {  	s4 =	sadd.s32 $0x3B800, s6;
	s7 =	sadd.s32 s5, s7;
	s3 =	sshrl.u32 s3, $0x3  }
0xa: {  	s7 =	sadd.s32 $0x3BA00, s7;
	s9 =	sadd.s32 s3, s6;
	s3 =	sadd.s32 $0x3B400, s6  }
0xb: {  	s6 =	sadd.s32 s8, s6;
	s8 =	ssub.s32 s11, s31;
	s11 =	simm.s32 $0x1  }
0xc: {  	s6 =	sadd.s32 s10, s6;
	s5 =	smax.u32 s8, $0x1;
	s8 =	sadd.s32 $0x39A00, s9  }
0xd: {  	s9 =	simm.s32 $0x2;
	s10 =	simm.s32 $0x70;
	s6 =	sadd.s32 $0x9DA00, s6  }
.LBB2_1:
0xe: {  	s14 =	sadd.s32 $0x0, s8  }
0xf: {  	[tilespmem:s2], [sflag:$0x2] =	stream.linear.gather [hbm4b:s14+s2], $0x70, $0x38;
	[tilespmem:$0x2370] =	vst v63  }
0x10: {  	_ =	swait.ge [sflag:s9], $0x70  }
0x11: {  	[sflag:s9] =	ssyncset.done $0x0  }
0x12: {  	[sflag:s9] =	ssyncadd.s32 $0xFFFFFF90  }
0x13: {  	[tilespmem:s10], [sflag:$0x1] =	stream.indirect.gather [hbm4b:s3+s10], $0x40, s2, s10, $0xb8;
	[tilespmem:$0x2370] =	vst v63  }
0x14: {  	_ =	swait.ge [sflag:s11], $0x1C00  }
0x15: {  	[sflag:s11] =	ssyncset.done $0x0  }
0x16: {  	[sflag:s11] =	ssyncadd.s32 $0xFFFFE400  }
0x17: {  	[tilespmem:s12], [sflag:$0x1] =	stream.indirect.gather [hbm4b:s4+s10], $0x10, s2, s10, $0xb8;
	[tilespmem:$0x2370] =	vst v63  }
0x18: {  	_ =	swait.ge [sflag:s11], $0x700  }
0x19: {  	[sflag:s11] =	ssyncset.done $0x0  }
0x1a: {  	[sflag:s11] =	ssyncadd.s32 $0xFFFFF900  }
0x1b: {  	[hbm4b:s7+s2] =	stream.linear.scatter [tilespmem:s10], [sflag:$0x2], $0x1C00, $0x38;
	[tilespmem:$0x2370] =	vst v63  }
0x1c: {  	_ =	swait.ge [sflag:s9], $0x1C00  }
0x1d: {  	[sflag:s9] =	ssyncset.done $0x0  }
0x1e: {  	[sflag:s9] =	ssyncadd.s32 $0xFFFFE400  }
0x1f: {  	[hbm4b:s6+s2] =	stream.linear.scatter [tilespmem:s12], [sflag:$0x2], $0x700, $0x38;
	[tilespmem:$0x2370] =	vst v63  }
0x20: {  	s16 =	simm.s32 $0xE;
	s17 =	simm.s32 $0x1C;
	_ =	swait.ge [sflag:s9], $0x700  }
0x21: {  	s15 =	sadd.s32 $0x380, s7;
	s14 =	sadd.s32 $0xE0, s6;
	[sflag:s9] =	ssyncset.done $0x0  }
.LBB2_2:
0x22: {  	s18 =	sadd.s32 s16, s8  }
0x23: {  	[sflag:s9] =	ssyncadd.s32 $0xFFFFF900;
	s16 =	smov.u32 s17;
	s19 =	sadd.s32 $0xE, s17  }
0x24: {  	[tilespmem:s2], [sflag:$0x2] =	stream.linear.gather [hbm4b:s18+s2], $0x70, $0x38;
	[tilespmem:$0x2370] =	vst v63  }
0x25: {  	p0 =	sne.s32 s17, $0xB6;
	_ =	swait.ge [sflag:s9], $0x70  }
0x26: {  	[sflag:s9] =	ssyncset.done $0x0  }
0x27: {  	[sflag:s9] =	ssyncadd.s32 $0xFFFFFF90  }
0x28: {  	[tilespmem:s10], [sflag:$0x1] =	stream.indirect.gather [hbm4b:s3+s10], $0x40, s2, s10, $0xb8;
	[tilespmem:$0x2370] =	vst v63  }
0x29: {  	_ =	swait.ge [sflag:s11], $0x1C00  }
0x2a: {  	[sflag:s11] =	ssyncset.done $0x0  }
0x2b: {  	[sflag:s11] =	ssyncadd.s32 $0xFFFFE400  }
0x2c: {  	[tilespmem:s12], [sflag:$0x1] =	stream.indirect.gather [hbm4b:s4+s10], $0x10, s2, s10, $0xb8;
	[tilespmem:$0x2370] =	vst v63  }
0x2d: {  	_ =	swait.ge [sflag:s11], $0x700  }
0x2e: {  	[sflag:s11] =	ssyncset.done $0x0  }
0x2f: {  	[sflag:s11] =	ssyncadd.s32 $0xFFFFF900  }
0x30: {  	[hbm4b:s15+s2] =	stream.linear.scatter [tilespmem:s10], [sflag:$0x2], $0x1C00, $0x38;
	[tilespmem:$0x2370] =	vst v63  }
0x31: {  	_ =	swait.ge [sflag:s9], $0x1C00  }
.Ltmp0:
0x32: {  	[sflag:s9] =	ssyncset.done $0x0;
	(pc) =	sbr.rel @p0 .LBB2_2-.Ltmp0, $4  }
0x33: {  	[sflag:s9] =	ssyncadd.s32 $0xFFFFE400  }
0x34: {  	[hbm4b:s14+s2] =	stream.linear.scatter [tilespmem:s12], [sflag:$0x2], $0x700, $0x38;
	[tilespmem:$0x2370] =	vst v63  }
0x35: {  	s17 =	smov.u32 s19;
	_ =	swait.ge [sflag:s9], $0x700  }
0x36: {  	s15 =	sadd.s32 $0x380, s15;
	s14 =	sadd.s32 $0xE0, s14;
	[sflag:s9] =	ssyncset.done $0x0  }
0x37: {  	s16 =	sadd.s32 s16, s8;
	[sflag:s9] =	ssyncadd.s32 $0xFFFFF900  }
0x38: {  	[tilespmem:s2], [sflag:$0x2] =	stream.linear.gather [hbm4b:s16+s2], $0x70, $0x38;
	[tilespmem:$0x2370] =	vst v63  }
0x39: {  	_ =	swait.ge [sflag:s9], $0x70  }
0x3a: {  	[sflag:s9] =	ssyncset.done $0x0  }
0x3b: {  	[sflag:s9] =	ssyncadd.s32 $0xFFFFFF90  }
0x3c: {  	[tilespmem:s10], [sflag:$0x1] =	stream.indirect.gather [hbm4b:s3+s10], $0x40, s2, s10, $0xb8;
	[tilespmem:$0x2370] =	vst v63  }
0x3d: {  	_ =	swait.ge [sflag:s11], $0x1C00  }
0x3e: {  	[sflag:s11] =	ssyncset.done $0x0  }
0x3f: {  	[sflag:s11] =	ssyncadd.s32 $0xFFFFE400  }
0x40: {  	[tilespmem:s12], [sflag:$0x1] =	stream.indirect.gather [hbm4b:s4+s10], $0x10, s2, s10, $0xb8;
	[tilespmem:$0x2370] =	vst v63  }
0x41: {  	_ =	swait.ge [sflag:s11], $0x700  }
0x42: {  	[sflag:s11] =	ssyncset.done $0x0  }
0x43: {  	[sflag:s11] =	ssyncadd.s32 $0xFFFFF900  }
0x44: {  	[hbm4b:s15+s2] =	stream.linear.scatter [tilespmem:s10], [sflag:$0x2], $0x1C00, $0x38;
	[tilespmem:$0x2370] =	vst v63  }
0x45: {  	s13 =	sadd.s32 $0x1, s13;
	_ =	swait.ge [sflag:s9], $0x1C00  }
0x46: {  	p0 =	sne.s32 s13, s5;
	[sflag:s9] =	ssyncset.done $0x0  }
.Ltmp1:
0x47: {  	[sflag:s9] =	ssyncadd.s32 $0xFFFFE400;
	(pc) =	sbr.rel @p0 .LBB2_1-.Ltmp1, $4  }
0x48: {  	[hbm4b:s14+s2] =	stream.linear.scatter [tilespmem:s12], [sflag:$0x2], $0x700, $0x38;
	[tilespmem:$0x2370] =	vst v63  }
0x49: {  	_ =	swait.ge [sflag:s9], $0x700  }
0x4a: {  	[sflag:s9] =	ssyncset.done $0x0  }
0x4b: {  	[sflag:s9] =	ssyncadd.s32 $0xFFFFF900  }
0x4c: {  	_ =	sfence.sel $0x180000  }
0x4d: {  	[bflag:$0x0] =	sbarrier.arrive $0xFFFF  }
0x4e: {  	p0 =	sne.s32 s0, $0x0;
	_ =	strace $0x9000004A  }
0x4f: {  	s0 =	sadd.s32 @!p0 $0x100000, s1;
	[bflag:$0x2] =	sbarrier.arrive $0xFFFF  }
0x50: {  	[sflag:s0] =	ssyncadd.tile.s32 @!p0 $0x1;
	_ =	shalt  }
.Lfunc_end2:
_tile_overlayer_lowered:
.L_overlay_start_2:
0x51: {  	(tag) =	ssettag $0x2  }
0x52: {  	s0 =	rddreg [dreg:$0x0];
	s2 =	stileid.u32  }
0x53: {  	s1 =	rddreg [dreg:$0x1];
	p0 =	sne.s32 s2, $0x0  }
0x54: {  	s3 =	rddreg [dreg:$0x2];
	[bflag:$0x3] =	sbarrier.arrive $0xFFFF;
	s2 =	simm.s32 @!p0 $0x1C02  }
0x55: {  	[timem:s3], [sflag:s2] =	dma.local @!p0 [hbm:s0], s1  }
0x56: {  	s0 =	simm.s32 @!p0 $0x2  }
0x57: {  	_ =	swait.ge @!p0 [sflag:s0], s1  }
0x58: {  	s1 =	ssub.s32 @!p0 $0x0, s1;
	[sflag:s0] =	ssyncset.done @!p0 $0x0  }
0x59: {  	[sflag:s0] =	ssyncadd.s32 @!p0 s1  }
0x5a: {  	[bflag:$0x3] =	sbarrier.arrive $0xFFFF  }
0x5b: {  	_ =	shalt  }

// kernel: kernel.15.cloned.1.call-start
scs
__scs_entry_jumppad:
0x0: {  	(pc) =	sbr.rel $0x88, $3  }
0x1: {  	(tag) =	ssettag $0x0;
	lr =	simm.s32 $0x1  }
0x2: {  	[smem:$0x3F6A] =	sst lr;
	_ =	strace $0xD0000000  }
0x3: {  	_ = 	snop  }
0x4: {  	_ = 	snop  }
0x5: {  	_ = 	snop  }
0x6: {  	_ = 	snop  }
0x7: {  	_ = 	snop  }
__scs_overlays_trampoline_lowered:
0x8: {  	[smem:$0x3F79] =	sst s0  }
0x9: {  	[smem:$0x3F7A] =	sst s1  }
0xa: {  	[smem:$0x3F7B] =	sst s2  }
0xb: {  	[smem:$0x3F7C] =	sst s3  }
0xc: {  	[smem:$0x3F7D] =	sst s4  }
0xd: {  	[smem:$0x3F7E] =	sst s5  }
0xe: {  	[smem:$0x3F7F] =	sst s6  }
0xf: {  	[smem:$0x3F80] =	sst s7  }
0x10: {  	[smem:$0x3F81] =	sst s8  }
0x11: {  	[smem:$0x3F82] =	sst s9;
	s0 =	simm.s32 @!p0 $0x0  }
0x12: {  	s1 =	sld [smem:$0x3F68];
	s0 =	simm.s32 @p0 $0x1  }
0x13: {  	[smem:$0x3F83] =	sst s0;
	s0 =	simm.s32 @!p1 $0x0  }
0x14: {  	s2 =	sld [smem:$0x3F67];
	s0 =	simm.s32 @p1 $0x1  }
0x15: {  	[smem:$0x3F84] =	sst s0;
	s0 =	simm.s32 @!p2 $0x0  }
0x16: {  	s3 =	sld [smem:$0x3FDB];
	s0 =	simm.s32 @p2 $0x1  }
0x17: {  	s4 =	simm.s32 $0x1BF5;
	[smem:$0x3F86] =	sst s0  }
0x18: {  	s0 =	sld [smem:$0x3F69];
	_ =	swait.ge [sflag:s4], $0x0  }
0x19: {  	s7 =	sld [smem:$0x3F6A]  }
0x1a: {  	s8 =	sadd.s32 $0xFFFFE003, lr  }
0x1b: {  	s9 =	sadd.s32 $0xFFFFFEF7, lr;
	s5 =	simm.s32 $0xFFFFFFFF;
	p2 =	slt.u32 s8, $0xFFFFF086  }
0x1c: {  	p1 =	slt.u32 s9, $0xF7A;
	s5 =	simm.s32 @!p2 $0x0  }
0x1d: {  	s5 =	simm.s32 @p1 $0x1;
	p0 =	seq.s32 s7, s2  }
0x1e: {  	s7 =	smul.u32 @!p0 $0xF7A, s2;
	p2 =	seq.s32 @!p0 s5, $0x0  }
0x1f: {  	s9 =	smul.u32 $0xF7A, s1;
	s8 =	simm.s32 @!p0 $0x1BF5;
	p2 =	por !p2, p0  }
0x20: {  	[sflag:s8] =	ssyncset.s32 @!p0 $0xFFFFF086;
	s6 =	sadd.s32 @!p0 s3, s7;
	s7 =	simm.s32 @!p0 $0x108  }
0x21: {  	s3 =	sadd.s32 s3, s9;
	s6 =	sadd.s32 @!p0 $0x88, s6;
	s7 =	simm.s32 @p2 $0x1082  }
0x22: {  	[simem:s7], [sflag:s8] =	dma.local @!p0 [hbm:s6], $0xF7A  }
0x23: {  	s9 =	sor.u32 $0xD0000000, s2;
	s6 =	simm.s32 $0x108;
	_ =	swait.ge @!p0 [sflag:s8], $0x0  }
0x24: {  	s3 =	sadd.s32 $0x88, s3;
	s6 =	simm.s32 @!p1 $0x1082;
	[sflag:s4] =	ssyncset.s32 $0xFFFFF086  }
0x25: {  	[simem:s6], [sflag:s4] =	dma.local [hbm:s3], $0xF7A  }
0x26: {  	[smem:$0x3F6A] =	sst s1;
	(tag) =	ssettag s2;
	_ =	strace s9  }
0x27: {  	s1 =	sld [smem:$0x3F7A]  }
0x28: {  	s2 =	sld [smem:$0x3F7B]  }
0x29: {  	s4 =	sld [smem:$0x3F7D]  }
0x2a: {  	p0 =	seq.s32 s5, $0x0;
	s5 =	sld [smem:$0x3F7E]  }
0x2b: {  	s6 =	sld [smem:$0x3F7F]  }
0x2c: {  	s7 =	sld [smem:$0x3F80]  }
0x2d: {  	s3 =	simm.s32 $0x108;
	s8 =	sld [smem:$0x3F81]  }
0x2e: {  	s3 =	simm.s32 @!p0 $0x1082;
	s9 =	sld [smem:$0x3F82]  }
0x2f: {  	lr =	sadd.s32 s0, s3;
	s0 =	sld [smem:$0x3F79]  }
0x30: {  	s3 =	sld [smem:$0x3F7C]  }
0x31: {  	[smem:$0x3F85] =	sst s10  }
0x32: {  	s10 =	sld [smem:$0x3F83];
	_ =	sdelay $0x3  }
0x33: {  	p0 =	seq.s32 s10, $0x1;
	s10 =	sld [smem:$0x3F85];
	_ =	sdelay $0x3  }
0x34: {  	[smem:$0x3F85] =	sst s10  }
0x35: {  	s10 =	sld [smem:$0x3F84];
	_ =	sdelay $0x3  }
0x36: {  	p1 =	seq.s32 s10, $0x1;
	s10 =	sld [smem:$0x3F85];
	_ =	sdelay $0x3  }
0x37: {  	[smem:$0x3F85] =	sst s10  }
0x38: {  	s10 =	sld [smem:$0x3F86]  }
0x39: {  	_ = 	snop;
	(pc) =	sbr.ind lr, $3  }
0x3a: {  	_ = 	snop  }
0x3b: {  	_ = 	snop  }
0x3c: {  	p2 =	seq.s32 s10, $0x1;
	s10 =	sld [smem:$0x3F85]  }
0x3d: {  	_ =	shalt  }
0x3e: {  	_ =	shalt  }
0x3f: {  	_ =	shalt  }
0x40: {  	_ =	shalt  }
0x41: {  	_ =	shalt  }
0x42: {  	_ =	shalt  }
0x43: {  	_ =	shalt  }
0x44: {  	_ =	shalt  }
0x45: {  	_ =	shalt  }
0x46: {  	_ =	shalt  }
0x47: {  	_ =	shalt  }
0x48: {  	_ =	shalt  }
0x49: {  	_ =	shalt  }
0x4a: {  	_ =	shalt  }
0x4b: {  	_ =	shalt  }
0x4c: {  	_ =	shalt  }
0x4d: {  	_ =	shalt  }
0x4e: {  	_ =	shalt  }
0x4f: {  	_ =	shalt  }
0x50: {  	_ =	shalt  }
0x51: {  	_ =	shalt  }
0x52: {  	_ =	shalt  }
0x53: {  	_ =	shalt  }
0x54: {  	_ =	shalt  }
0x55: {  	_ =	shalt  }
0x56: {  	_ =	shalt  }
0x57: {  	_ =	shalt  }
0x58: {  	_ =	shalt  }
0x59: {  	_ =	shalt  }
0x5a: {  	_ =	shalt  }
0x5b: {  	_ =	shalt  }
0x5c: {  	_ =	shalt  }
0x5d: {  	_ =	shalt  }
0x5e: {  	_ =	shalt  }
0x5f: {  	_ =	shalt  }
0x60: {  	_ =	shalt  }
0x61: {  	_ =	shalt  }
0x62: {  	_ =	shalt  }
0x63: {  	_ =	shalt  }
0x64: {  	_ =	shalt  }
0x65: {  	_ =	shalt  }
0x66: {  	_ =	shalt  }
0x67: {  	_ =	shalt  }
0x68: {  	_ =	shalt  }
0x69: {  	_ =	shalt  }
0x6a: {  	_ =	shalt  }
0x6b: {  	_ =	shalt  }
0x6c: {  	_ =	shalt  }
0x6d: {  	_ =	shalt  }
0x6e: {  	_ =	shalt  }
0x6f: {  	_ =	shalt  }
0x70: {  	_ =	shalt  }
0x71: {  	_ =	shalt  }
0x72: {  	_ =	shalt  }
0x73: {  	_ =	shalt  }
0x74: {  	_ =	shalt  }
0x75: {  	_ =	shalt  }
0x76: {  	_ =	shalt  }
0x77: {  	_ =	shalt  }
0x78: {  	_ =	shalt  }
0x79: {  	_ =	shalt  }
0x7a: {  	_ =	shalt  }
0x7b: {  	_ =	shalt  }
0x7c: {  	_ =	shalt  }
0x7d: {  	_ =	shalt  }
0x7e: {  	_ =	shalt  }
0x7f: {  	_ =	shalt  }
0x80: {  	_ =	shalt  }
0x81: {  	_ =	shalt  }
0x82: {  	_ =	shalt  }
0x83: {  	_ =	shalt  }
0x84: {  	_ =	shalt  }
0x85: {  	_ =	shalt  }
0x86: {  	_ =	shalt  }
0x87: {  	_ =	shalt  }
.Lfunc_end0:
.L_simem_size_0:
called_computation.1_lowered:
.L_overlay_start_0:
0x88: {  	s2 =	sld [smem:$0x3FD9]  }
0x89: {  	s3 =	sld [smem:$0x3FFE];
	_ =	sdelay $0x1  }
0x8a: {  	s1 =	srdreg.scid  }
0x8b: {  	s0 =	sand.u32 $0x1, s1  }
0x8c: {  	s16 =	sshll.u32 s0, $0xA;
	s2 =	sadd.s32 s3, s2  }
0x8d: {  	s2 =	sadd.s32 s2, s16  }
0x8e: {  	[smem:$0x3F91] =	sst s2  }
0x8f: {  	_ = 	snop  }
0x90: {  	(tm) =	ssettm $0x1  }
0x91: {  	s17 =	sld [smem:$0x3FFB];
	_ =	sdelay $0x3  }
0x92: {  	_ =	strace s17  }
0x93: {  	s2 =	sld [smem:$0x3FFC];
	_ =	sdelay $0x3  }
0x94: {  	_ =	strace s2  }
0x95: {  	s2 =	sld [smem:$0x3FFD];
	_ =	sdelay $0x3  }
0x96: {  	_ =	strace s2  }
0x97: {  	_ =	strace $0x8FFFFFFF  }
0x98: {  	s18 =	sld [smem:$0x3FDB];
	_ =	sdelay $0x1  }
0x99: {  	s19 =	simm.s32 $_scs_section_size  }
0x9a: {  	s4 =	simm.s32 $_size__tile_overlayer_lowered;
	s5 =	simm.s32 $_tile_overlayer_lowered  }
0x9b: {  	s22 =	simm.s32 $0x1BFF;
	s21 =	sshll.u32 s5, $0x1;
	s2 =	sadd.s32 s19, s18  }
0x9c: {  	s6 =	simm.s32 $0x0;
	s20 =	sshll.u32 s4, $0x1;
	s4 =	sadd.s32 s21, s2  }
0x9d: {  	[timem:s6], [sflag:s22] =	dma.local [hbm:s4], s20  }
0x9e: {  	_ =	swait.ge [sflag:s22], s20  }
0x9f: {  	s3 =	ssub.s32 $0x0, s20;
	[sflag:s22] =	ssyncset.done $0x0  }
0xa0: {  	[sflag:s22] =	ssyncadd.s32 s3;
	_ =	sdelay $0x1  }
0xa1: {  	s23 =	simm.s32 $0x1B8B  }
0xa2: {  	_ =	swait.ge [sflag:s23], $0x1  }
0xa3: {  	[sflag:s23] =	ssyncset.done $0x0  }
0xa4: {  	s25 =	simm.s32 $0x1B8E;
	s24 =	sld [smem:$0x3FFE];
	[sflag:s23] =	ssyncadd.s32 $0xFFFFFFFF  }
0xa5: {  	s26 =	simm.s32 $execute0_lowered;
	[smem:$0x3FD2] =	sst s25  }
0xa6: {  	s4 =	sshll.u32 s26, $0x1;
	_ =	strace $0x80000046;
	[dreg:$0x1] =	wrdreg $0xFFFFFFFF  }
0xa7: {  	s28 =	simm.s32 $_size_execute0_lowered;
	s2 =	sadd.s32 s2, s4;
	[dreg:$0x0] =	wrdreg $0x0  }
0xa8: {  	s4 =	sshll.u32 s28, $0x1;
	[dreg:$0x2] =	wrdreg s2  }
0xa9: {  	[dreg:$0x3] =	wrdreg s4  }
0xaa: {  	[dreg:$0x4] =	wrdreg $0xC0  }
0xab: {  	_ =	task [dreg:s6], $0x5FFFF  }
0xac: {  	[dreg:$0x1] =	wrdreg $0xFFFFFFFF  }
0xad: {  	[dreg:$0x0] =	wrdreg $0x60  }
0xae: {  	[dreg:$0x2] =	wrdreg s24  }
0xaf: {  	[dreg:$0x3] =	wrdreg $0xA  }
0xb0: {  	_ =	task.clear_ibuf [dreg:s6], $0x4FFFF;
	_ =	strace $0x90000046  }
0xb1: {  	s29 =	simm.s32 $0xA;
	_ =	strace $0x80000048  }
0xb2: {  	_ =	swait.ge [sflag:s29], $0x1  }
0xb3: {  	[sflag:s29] =	ssyncadd.s32 $0xFFFFFFFF  }
0xb4: {  	_ =	strace $0x90000048  }
0xb5: {  	_ =	sfence  }
0xb6: {  	s30 =	sld [smem:$0x0];
	_ =	sdelay $0x2  }
0xb7: {  	s31 =	sshll.u32 s1, $0xD;
	s1 =	sshrl.u32 s1, $0x2  }
0xb8: {  	s3 =	sand.u32 $0x4000, s31;
	s1 =	sadd.s32 s1, s30  }
0xb9: {  	s0 =	sor.u32 s3, s0;
	s1 =	sshll.u32 s1, $0x11  }
0xba: {  	s0 =	sor.u32 s1, s0  }
0xbb: {  	s0 =	sadd.s32 $0x8F2B, s0  }
0xbc: {  	[sflag:s0] =	ssyncadd.remote.s32 $0x1  }
0xbd: {  	_ =	sfence.sel $0xFFFF  }
0xbe: {  	[dreg:$0x0] =	wrdreg $0xFFFFFFFF;
	(pc) =	sbr.abs _section_cstart, $3  }
0xbf: {  	[dreg:$0x1] =	wrdreg $0xFFFFFFFF  }
0xc0: {  	_ =	task.clear_ibuf [dreg:s6], $0x2FFFF;
	_ =	strace $0x9FFFFFFF  }
0xc1: {  	(tm) =	ssettm $0x7FFFFFFF  }
tec
execute0_lowered:
.L_overlay_start_1:
0x0: {  	(tag) =	ssettag $0x1  }
0x1: {  	s6 =	rddreg [dreg:$0x0]  }
0x2: {  	s0 =	rddreg [dreg:$0x1];
	s1 =	simm.s32 $0x0;
	s2 =	srdreg.scid  }
0x3: {  	s11 =	simm.s32 $0x100;
	s12 =	simm.s32 $0x1;
	s13 =	simm.s32 $0x900  }
0x4: {  	s14 =	simm.s32 $0x0;
	[smem:$0x7FF] =	sst s1;
	s7 =	sand.u32 $0x1, s2  }
0x5: {  	s3 =	sadd.s32 $0xFD000, s6;
	s2 =	stileid.u32;
	s4 =	sadd.s32 $0x21200, s6  }
0x6: {  	s5 =	sadd.s32 $0x8A00, s6;
	s6 =	sadd.s32 $0x115800, s6;
	s8 =	ssub.s32 $0x2, s7  }
0x7: {  	_ =	strace $0x80000047;
	s10 =	sshll.u32 s2, $0x1;
	s9 =	sshrl.u32 s8, $0x1  }
0x8: {  	s7 =	sor.u32 s7, s10;
	s10 =	simm.s32 $0x80;
	s8 =	ssub.s32 s8, s9  }
0x9: {  	s7 =	smul.u32 $0x6200, s7;
	s9 =	simm.s32 $0x2;
	s8 =	smax.u32 s8, $0x1  }
.LBB2_1:
0xa: {  	s15 =	simm.s32 $0x0  }
.LBB2_2:
0xb: {  	s16 =	sshll.u32 s15, $0x7  }
0xc: {  	s16 =	sadd.s32 s7, s16  }
0xd: {  	s17 =	sshrl.u32 s16, $0x3  }
0xe: {  	s18 =	sadd.s32 s4, s17  }
0xf: {  	[tilespmem:s1], [sflag:$0x2] =	stream.linear.gather [hbm4b:s18+s1], $0x80, $0x38;
	[tilespmem:$0x1100] =	vst v63  }
0x10: {  	_ =	swait.ge [sflag:s9], $0x80  }
0x11: {  	[sflag:s9] =	ssyncset.done $0x0  }
0x12: {  	s17 =	sadd.s32 s5, s17;
	[sflag:s9] =	ssyncadd.s32 $0xFFFFFF80  }
0x13: {  	[tilespmem:s10], [sflag:$0x2] =	stream.linear.gather [hbm4b:s17+s1], $0x80, $0x38;
	[tilespmem:$0x1100] =	vst v63  }
0x14: {  	_ =	swait.ge [sflag:s9], $0x80  }
0x15: {  	[sflag:s9] =	ssyncset.done $0x0  }
0x16: {  	[sflag:s9] =	ssyncadd.s32 $0xFFFFFF80  }
0x17: {  	[tilespmem:s11], [sflag:$0x1] =	stream.indirect.gather [hbm4b:s3+s10], $0x10, s10, s10, $0xb8;
	[tilespmem:$0x1100] =	vst v63  }
0x18: {  	_ =	swait.ge [sflag:s12], $0x800  }
0x19: {  	[sflag:s12] =	ssyncset.done $0x0  }
0x1a: {  	[sflag:s12] =	ssyncadd.s32 $0xFFFFF800  }
0x1b: {  	[tilespmem:s13], [sflag:$0x1] =	stream.indirect.gather [hbm4b:s3+s10], $0x10, s1, s10, $0xb8;
	[tilespmem:$0x1100] =	vst v63  }
0x1c: {  	_ =	swait.ge [sflag:s12], $0x800  }
0x1d: {  	[sflag:s12] =	ssyncset.done $0x0  }
0x1e: {  	s17 =	simm.s32 $0x120;
	[sflag:s12] =	ssyncadd.s32 $0xFFFFF800  }
0x1f: {  	s18 =	simm.s32 $0x920;
	v5 =	vld [tilespmem:s17+$0x10]  }
0x20: {  	v6 =	vld [tilespmem:s18+$0x10]  }
0x21: {  	v2 =	vld [tilespmem:s18+$0xFFFFFFE0]  }
0x22: {  	v0 =	vld [tilespmem:s17+$0xFFFFFFF0]  }
0x23: {  	v4 =	vld [tilespmem:s18+$0xFFFFFFF0]  }
0x24: {  	v1 =	vld [tilespmem:s17+$0x0]  }
0x25: {  	v3 =	vld [tilespmem:s18+$0x0];
	v6 =	vsub.f32 v5, v6  }
0x26: {  	s19 =	simm.s32 $0x0;
	s20 =	simm.s32 $0x160;
	v5 =	vld [tilespmem:s17+$0xFFFFFFE0]  }
.LBB2_3:
0x27: {  	v7 =	vld [tilespmem:s20+$0x10];
	[tilespmem:s17+$0x10] =	vst v6;
	s18 =	sadd.s32 $0x40, s18  }
0x28: {  	s19 =	sadd.s32 $0x4, s19;
	v6 =	vld [tilespmem:s18+$0x10];
	v4 =	vsub.f32 v0, v4  }
0x29: {  	p0 =	slt.u32 s19, $0x7C;
	v8 =	vld [tilespmem:s18+$0xFFFFFFE0]  }
.Ltmp0:
0x2a: {  	v0 =	vld [tilespmem:s20+$0xFFFFFFF0];
	[tilespmem:s17+$0xFFFFFFF0] =	vst v4;
	v3 =	vsub.f32 v1, v3;
	(pc) =	sbr.rel @p0 .LBB2_3-.Ltmp0, $4  }
0x2b: {  	v4 =	vld [tilespmem:s18+$0xFFFFFFF0];
	v9 =	vsub.f32 v5, v2  }
0x2c: {  	v1 =	vld [tilespmem:s20+$0x0];
	[tilespmem:s17+$0x0] =	vst v3  }
0x2d: {  	v3 =	vld [tilespmem:s18+$0x0];
	v6 =	vsub.f32 v7, v6;
	[tilespmem:s17+$0xFFFFFFE0] =	vst v9;
	s17 =	smov.u32 s20  }
0x2e: {  	s20 =	sadd.s32 $0x40, s20;
	v5 =	vld [tilespmem:s17+$0xFFFFFFE0];
	v2 =	vmov v8  }
0x2f: {  	_ =	sdelay $0x1  }
0x30: {  	v0 =	vsub.f32 v0, v4  }
0x31: {  	[tilespmem:s17+$0x10] =	vst v6;
	v1 =	vsub.f32 v1, v3  }
0x32: {  	s15 =	sadd.s32 $0x1, s15;
	[tilespmem:s17+$0xFFFFFFF0] =	vst v0;
	v63 =	vsub.f32 v5, v2  }
0x33: {  	s16 =	sshll.u32 s16, $0x1;
	p0 =	sne.s32 s15, $0xC4;
	[tilespmem:s17+$0x0] =	vst v1  }
.Ltmp1:
0x34: {  	s16 =	sadd.s32 s6, s16;
	[tilespmem:s17+$0xFFFFFFE0] =	vst v63;
	(pc) =	sbr.rel @p0 .LBB2_2-.Ltmp1, $4  }
0x35: {  	[hbm4b:s16+s1] =	stream.linear.scatter [tilespmem:s11], [sflag:$0x2], $0x800, $0x38;
	[tilespmem:$0x1100] =	vst v63  }
0x36: {  	_ =	swait.ge [sflag:s9], $0x800  }
0x37: {  	[sflag:s9] =	ssyncset.done $0x0  }
0x38: {  	[sflag:s9] =	ssyncadd.s32 $0xFFFFF800  }
0x39: {  	s14 =	sadd.s32 $0x1, s14  }
0x3a: {  	p0 =	sne.s32 s14, s8  }
.Ltmp2:
0x3b: {  	_ = 	snop;
	(pc) =	sbr.rel @p0 .LBB2_1-.Ltmp2, $1  }
0x3c: {  	_ =	sdelay $0x3  }
0x3d: {  	_ =	sfence.sel $0x180000  }
0x3e: {  	[bflag:$0x0] =	sbarrier.arrive $0xFFFF  }
0x3f: {  	p0 =	sne.s32 s2, $0x0;
	_ =	strace $0x90000047  }
0x40: {  	s0 =	sadd.s32 @!p0 $0x100000, s0;
	[bflag:$0x2] =	sbarrier.arrive $0xFFFF  }
0x41: {  	[sflag:s0] =	ssyncadd.tile.s32 @!p0 $0x1;
	_ =	shalt  }
.Lfunc_end2:
_tile_overlayer_lowered:
.L_overlay_start_2:
0x42: {  	(tag) =	ssettag $0x2  }
0x43: {  	s0 =	rddreg [dreg:$0x0];
	s2 =	stileid.u32  }
0x44: {  	s1 =	rddreg [dreg:$0x1];
	p0 =	sne.s32 s2, $0x0  }
0x45: {  	s3 =	rddreg [dreg:$0x2];
	[bflag:$0x3] =	sbarrier.arrive $0xFFFF;
	s2 =	simm.s32 @!p0 $0x1C02  }
0x46: {  	[timem:s3], [sflag:s2] =	dma.local @!p0 [hbm:s0], s1  }
0x47: {  	s0 =	simm.s32 @!p0 $0x2  }
0x48: {  	_ =	swait.ge @!p0 [sflag:s0], s1  }
0x49: {  	s1 =	ssub.s32 @!p0 $0x0, s1;
	[sflag:s0] =	ssyncset.done @!p0 $0x0  }
0x4a: {  	[sflag:s0] =	ssyncadd.s32 @!p0 s1  }
0x4b: {  	[bflag:$0x3] =	sbarrier.arrive $0xFFFF  }
0x4c: {  	_ =	shalt  }

// kernel: kernel.18.cloned.1.call-start
scs
__scs_entry_jumppad:
0x0: {  	(pc) =	sbr.rel $0x88, $3  }
0x1: {  	(tag) =	ssettag $0x0;
	lr =	simm.s32 $0x1  }
0x2: {  	[smem:$0x3F6A] =	sst lr;
	_ =	strace $0xD0000000  }
0x3: {  	_ = 	snop  }
0x4: {  	_ = 	snop  }
0x5: {  	_ = 	snop  }
0x6: {  	_ = 	snop  }
0x7: {  	_ = 	snop  }
__scs_overlays_trampoline_lowered:
0x8: {  	[smem:$0x3F79] =	sst s0  }
0x9: {  	[smem:$0x3F7A] =	sst s1  }
0xa: {  	[smem:$0x3F7B] =	sst s2  }
0xb: {  	[smem:$0x3F7C] =	sst s3  }
0xc: {  	[smem:$0x3F7D] =	sst s4  }
0xd: {  	[smem:$0x3F7E] =	sst s5  }
0xe: {  	[smem:$0x3F7F] =	sst s6  }
0xf: {  	[smem:$0x3F80] =	sst s7  }
0x10: {  	[smem:$0x3F81] =	sst s8  }
0x11: {  	[smem:$0x3F82] =	sst s9;
	s0 =	simm.s32 @!p0 $0x0  }
0x12: {  	s1 =	sld [smem:$0x3F68];
	s0 =	simm.s32 @p0 $0x1  }
0x13: {  	[smem:$0x3F83] =	sst s0;
	s0 =	simm.s32 @!p1 $0x0  }
0x14: {  	s2 =	sld [smem:$0x3F67];
	s0 =	simm.s32 @p1 $0x1  }
0x15: {  	[smem:$0x3F84] =	sst s0;
	s0 =	simm.s32 @!p2 $0x0  }
0x16: {  	s3 =	sld [smem:$0x3FDB];
	s0 =	simm.s32 @p2 $0x1  }
0x17: {  	s4 =	simm.s32 $0x1BF5;
	[smem:$0x3F86] =	sst s0  }
0x18: {  	s0 =	sld [smem:$0x3F69];
	_ =	swait.ge [sflag:s4], $0x0  }
0x19: {  	s7 =	sld [smem:$0x3F6A]  }
0x1a: {  	s8 =	sadd.s32 $0xFFFFE003, lr  }
0x1b: {  	s9 =	sadd.s32 $0xFFFFFEF7, lr;
	s5 =	simm.s32 $0xFFFFFFFF;
	p2 =	slt.u32 s8, $0xFFFFF086  }
0x1c: {  	p1 =	slt.u32 s9, $0xF7A;
	s5 =	simm.s32 @!p2 $0x0  }
0x1d: {  	s5 =	simm.s32 @p1 $0x1;
	p0 =	seq.s32 s7, s2  }
0x1e: {  	s7 =	smul.u32 @!p0 $0xF7A, s2;
	p2 =	seq.s32 @!p0 s5, $0x0  }
0x1f: {  	s9 =	smul.u32 $0xF7A, s1;
	s8 =	simm.s32 @!p0 $0x1BF5;
	p2 =	por !p2, p0  }
0x20: {  	[sflag:s8] =	ssyncset.s32 @!p0 $0xFFFFF086;
	s6 =	sadd.s32 @!p0 s3, s7;
	s7 =	simm.s32 @!p0 $0x108  }
0x21: {  	s3 =	sadd.s32 s3, s9;
	s6 =	sadd.s32 @!p0 $0x88, s6;
	s7 =	simm.s32 @p2 $0x1082  }
0x22: {  	[simem:s7], [sflag:s8] =	dma.local @!p0 [hbm:s6], $0xF7A  }
0x23: {  	s9 =	sor.u32 $0xD0000000, s2;
	s6 =	simm.s32 $0x108;
	_ =	swait.ge @!p0 [sflag:s8], $0x0  }
0x24: {  	s3 =	sadd.s32 $0x88, s3;
	s6 =	simm.s32 @!p1 $0x1082;
	[sflag:s4] =	ssyncset.s32 $0xFFFFF086  }
0x25: {  	[simem:s6], [sflag:s4] =	dma.local [hbm:s3], $0xF7A  }
0x26: {  	[smem:$0x3F6A] =	sst s1;
	(tag) =	ssettag s2;
	_ =	strace s9  }
0x27: {  	s1 =	sld [smem:$0x3F7A]  }
0x28: {  	s2 =	sld [smem:$0x3F7B]  }
0x29: {  	s4 =	sld [smem:$0x3F7D]  }
0x2a: {  	p0 =	seq.s32 s5, $0x0;
	s5 =	sld [smem:$0x3F7E]  }
0x2b: {  	s6 =	sld [smem:$0x3F7F]  }
0x2c: {  	s7 =	sld [smem:$0x3F80]  }
0x2d: {  	s3 =	simm.s32 $0x108;
	s8 =	sld [smem:$0x3F81]  }
0x2e: {  	s3 =	simm.s32 @!p0 $0x1082;
	s9 =	sld [smem:$0x3F82]  }
0x2f: {  	lr =	sadd.s32 s0, s3;
	s0 =	sld [smem:$0x3F79]  }
0x30: {  	s3 =	sld [smem:$0x3F7C]  }
0x31: {  	[smem:$0x3F85] =	sst s10  }
0x32: {  	s10 =	sld [smem:$0x3F83];
	_ =	sdelay $0x3  }
0x33: {  	p0 =	seq.s32 s10, $0x1;
	s10 =	sld [smem:$0x3F85];
	_ =	sdelay $0x3  }
0x34: {  	[smem:$0x3F85] =	sst s10  }
0x35: {  	s10 =	sld [smem:$0x3F84];
	_ =	sdelay $0x3  }
0x36: {  	p1 =	seq.s32 s10, $0x1;
	s10 =	sld [smem:$0x3F85];
	_ =	sdelay $0x3  }
0x37: {  	[smem:$0x3F85] =	sst s10  }
0x38: {  	s10 =	sld [smem:$0x3F86]  }
0x39: {  	_ = 	snop;
	(pc) =	sbr.ind lr, $3  }
0x3a: {  	_ = 	snop  }
0x3b: {  	_ = 	snop  }
0x3c: {  	p2 =	seq.s32 s10, $0x1;
	s10 =	sld [smem:$0x3F85]  }
0x3d: {  	_ =	shalt  }
0x3e: {  	_ =	shalt  }
0x3f: {  	_ =	shalt  }
0x40: {  	_ =	shalt  }
0x41: {  	_ =	shalt  }
0x42: {  	_ =	shalt  }
0x43: {  	_ =	shalt  }
0x44: {  	_ =	shalt  }
0x45: {  	_ =	shalt  }
0x46: {  	_ =	shalt  }
0x47: {  	_ =	shalt  }
0x48: {  	_ =	shalt  }
0x49: {  	_ =	shalt  }
0x4a: {  	_ =	shalt  }
0x4b: {  	_ =	shalt  }
0x4c: {  	_ =	shalt  }
0x4d: {  	_ =	shalt  }
0x4e: {  	_ =	shalt  }
0x4f: {  	_ =	shalt  }
0x50: {  	_ =	shalt  }
0x51: {  	_ =	shalt  }
0x52: {  	_ =	shalt  }
0x53: {  	_ =	shalt  }
0x54: {  	_ =	shalt  }
0x55: {  	_ =	shalt  }
0x56: {  	_ =	shalt  }
0x57: {  	_ =	shalt  }
0x58: {  	_ =	shalt  }
0x59: {  	_ =	shalt  }
0x5a: {  	_ =	shalt  }
0x5b: {  	_ =	shalt  }
0x5c: {  	_ =	shalt  }
0x5d: {  	_ =	shalt  }
0x5e: {  	_ =	shalt  }
0x5f: {  	_ =	shalt  }
0x60: {  	_ =	shalt  }
0x61: {  	_ =	shalt  }
0x62: {  	_ =	shalt  }
0x63: {  	_ =	shalt  }
0x64: {  	_ =	shalt  }
0x65: {  	_ =	shalt  }
0x66: {  	_ =	shalt  }
0x67: {  	_ =	shalt  }
0x68: {  	_ =	shalt  }
0x69: {  	_ =	shalt  }
0x6a: {  	_ =	shalt  }
0x6b: {  	_ =	shalt  }
0x6c: {  	_ =	shalt  }
0x6d: {  	_ =	shalt  }
0x6e: {  	_ =	shalt  }
0x6f: {  	_ =	shalt  }
0x70: {  	_ =	shalt  }
0x71: {  	_ =	shalt  }
0x72: {  	_ =	shalt  }
0x73: {  	_ =	shalt  }
0x74: {  	_ =	shalt  }
0x75: {  	_ =	shalt  }
0x76: {  	_ =	shalt  }
0x77: {  	_ =	shalt  }
0x78: {  	_ =	shalt  }
0x79: {  	_ =	shalt  }
0x7a: {  	_ =	shalt  }
0x7b: {  	_ =	shalt  }
0x7c: {  	_ =	shalt  }
0x7d: {  	_ =	shalt  }
0x7e: {  	_ =	shalt  }
0x7f: {  	_ =	shalt  }
0x80: {  	_ =	shalt  }
0x81: {  	_ =	shalt  }
0x82: {  	_ =	shalt  }
0x83: {  	_ =	shalt  }
0x84: {  	_ =	shalt  }
0x85: {  	_ =	shalt  }
0x86: {  	_ =	shalt  }
0x87: {  	_ =	shalt  }
.Lfunc_end0:
.L_simem_size_0:
called_computation.2_lowered:
.L_overlay_start_0:
0x88: {  	s2 =	sld [smem:$0x3FD9]  }
0x89: {  	s3 =	sld [smem:$0x3FFE];
	_ =	sdelay $0x1  }
0x8a: {  	s1 =	srdreg.scid  }
0x8b: {  	s0 =	sand.u32 $0x1, s1  }
0x8c: {  	s16 =	sshll.u32 s0, $0xA;
	s2 =	sadd.s32 s3, s2  }
0x8d: {  	s2 =	sadd.s32 s2, s16  }
0x8e: {  	[smem:$0x3F91] =	sst s2  }
0x8f: {  	_ = 	snop  }
0x90: {  	(tm) =	ssettm $0x1  }
0x91: {  	s17 =	sld [smem:$0x3FFB];
	_ =	sdelay $0x3  }
0x92: {  	_ =	strace s17  }
0x93: {  	s2 =	sld [smem:$0x3FFC];
	_ =	sdelay $0x3  }
0x94: {  	_ =	strace s2  }
0x95: {  	s2 =	sld [smem:$0x3FFD];
	_ =	sdelay $0x3  }
0x96: {  	_ =	strace s2  }
0x97: {  	_ =	strace $0x8FFFFFFF  }
0x98: {  	s18 =	sld [smem:$0x3FDB];
	_ =	sdelay $0x1  }
0x99: {  	s19 =	simm.s32 $_scs_section_size  }
0x9a: {  	s4 =	simm.s32 $_size__tile_overlayer_lowered;
	s5 =	simm.s32 $_tile_overlayer_lowered  }
0x9b: {  	s22 =	simm.s32 $0x1BFF;
	s21 =	sshll.u32 s5, $0x1;
	s2 =	sadd.s32 s19, s18  }
0x9c: {  	s6 =	simm.s32 $0x0;
	s20 =	sshll.u32 s4, $0x1;
	s4 =	sadd.s32 s21, s2  }
0x9d: {  	[timem:s6], [sflag:s22] =	dma.local [hbm:s4], s20  }
0x9e: {  	_ =	swait.ge [sflag:s22], s20  }
0x9f: {  	s3 =	ssub.s32 $0x0, s20;
	[sflag:s22] =	ssyncset.done $0x0  }
0xa0: {  	[sflag:s22] =	ssyncadd.s32 s3;
	_ =	sdelay $0x1  }
0xa1: {  	s23 =	simm.s32 $0x1B8B  }
0xa2: {  	_ =	swait.ge [sflag:s23], $0x1  }
0xa3: {  	[sflag:s23] =	ssyncset.done $0x0  }
0xa4: {  	s25 =	simm.s32 $0x1B8E;
	s24 =	sld [smem:$0x3FFE];
	[sflag:s23] =	ssyncadd.s32 $0xFFFFFFFF  }
0xa5: {  	s26 =	simm.s32 $execute0_lowered;
	[smem:$0x3FD2] =	sst s25  }
0xa6: {  	s4 =	sshll.u32 s26, $0x1;
	_ =	strace $0x8000004C;
	[dreg:$0x1] =	wrdreg $0xFFFFFFFF  }
0xa7: {  	s28 =	simm.s32 $_size_execute0_lowered;
	s2 =	sadd.s32 s2, s4;
	[dreg:$0x0] =	wrdreg $0x0  }
0xa8: {  	s4 =	sshll.u32 s28, $0x1;
	[dreg:$0x2] =	wrdreg s2  }
0xa9: {  	[dreg:$0x3] =	wrdreg s4  }
0xaa: {  	[dreg:$0x4] =	wrdreg $0xC0  }
0xab: {  	_ =	task [dreg:s6], $0x5FFFF  }
0xac: {  	[dreg:$0x1] =	wrdreg $0xFFFFFFFF  }
0xad: {  	[dreg:$0x0] =	wrdreg $0x60  }
0xae: {  	[dreg:$0x2] =	wrdreg s24  }
0xaf: {  	[dreg:$0x3] =	wrdreg $0x64800  }
0xb0: {  	[dreg:$0x4] =	wrdreg $0x9  }
0xb1: {  	_ =	task.clear_ibuf [dreg:s6], $0x5FFFF;
	_ =	strace $0x9000004C  }
0xb2: {  	s29 =	simm.s32 $0x9;
	_ =	strace $0x8000004E  }
0xb3: {  	_ =	swait.ge [sflag:s29], $0x1  }
0xb4: {  	[sflag:s29] =	ssyncadd.s32 $0xFFFFFFFF  }
0xb5: {  	_ =	strace $0x9000004E  }
0xb6: {  	_ =	sfence  }
0xb7: {  	s30 =	sld [smem:$0x0];
	_ =	sdelay $0x2  }
0xb8: {  	s31 =	sshll.u32 s1, $0xD;
	s1 =	sshrl.u32 s1, $0x2  }
0xb9: {  	s3 =	sand.u32 $0x4000, s31;
	s1 =	sadd.s32 s1, s30  }
0xba: {  	s0 =	sor.u32 s3, s0;
	s1 =	sshll.u32 s1, $0x11  }
0xbb: {  	s0 =	sor.u32 s1, s0  }
0xbc: {  	s0 =	sadd.s32 $0x8F2B, s0  }
0xbd: {  	[sflag:s0] =	ssyncadd.remote.s32 $0x1  }
0xbe: {  	_ =	sfence.sel $0xFFFF  }
0xbf: {  	[dreg:$0x0] =	wrdreg $0xFFFFFFFF;
	(pc) =	sbr.abs _section_cstart, $3  }
0xc0: {  	[dreg:$0x1] =	wrdreg $0xFFFFFFFF  }
0xc1: {  	_ =	task.clear_ibuf [dreg:s6], $0x2FFFF;
	_ =	strace $0x9FFFFFFF  }
0xc2: {  	(tm) =	ssettm $0x7FFFFFFF  }
0xc3: {  	_ =	shalt  }
tec
execute0_lowered:
.L_overlay_start_1:
0x0: {  	(tag) =	ssettag $0x1  }
0x1: {  	s0 =	rddreg [dreg:$0x0]  }
0x2: {  	s1 =	rddreg [dreg:$0x1]  }
0x3: {  	s3 =	simm.s32 $0x0;
	s24 =	stileid.u32;
	s2 =	srdreg.scid  }
0x4: {  	s18 =	simm.s32 $0x3;
	s19 =	simm.s32 $0x100;
	s20 =	simm.s32 $0x80  }
0x5: {  	s21 =	simm.s32 $0x280;
	s28 =	simm.s32 $0x200;
	s29 =	simm.s32 $0x2  }
0x6: {  	s31 =	simm.s32 $0x0;
	[smem:$0x7FF] =	sst s3;
	s10 =	smul.u32 $0x620, s24  }
0x7: {  	s4 =	sadd.s32 $0x3BA00, s0;
	s5 =	sadd.s32 $0xB6200, s0;
	s9 =	smul.u32 $0x62000, s24  }
0x8: {  	s6 =	sadd.s32 $0x21200, s0;
	s7 =	sadd.s32 $0x8A00, s0;
	s8 =	smul.u32 $0xC400, s24  }
0x9: {  	s2 =	sand.u32 $0x1, s2;
	s13 =	sadd.s32 $0x6D6200, s0;
	s26 =	sadd.s32 $0x16F800, s1  }
0xa: {  	p1 =	seq.s32 s24, $0xF;
	_ =	strace $0x8000004D;
	s14 =	smul.u32 $0x61A8, s2  }
0xb: {  	s11 =	ssub.s32 $0x2, s2;
	s16 =	smul.u32 $0x186A00, s2;
	p0 =	seq.s32 s2, $0x1  }
0xc: {  	s30 =	sshrl.u32 s26, $0x3;
	s26 =	simm.s32 $0x4280;
	s12 =	sshrl.u32 s11, $0x1  }
0xd: {  	s9 =	sshrl.u32 s9, $0x2;
	s15 =	sshrl.u32 s8, $0x3;
	[dreg:$0x6] =	wrdreg s30  }
0xe: {  	s17 =	ssub.s32 s11, s12;
	s9 =	sadd.s32 s9, s1;
	s22 =	sadd.s32 s6, s15  }
0xf: {  	s11 =	sadd.s32 s7, s15;
	s10 =	sadd.s32 s10, s14;
	s23 =	sshrl.u32 s16, $0x3  }
.Ltmp0:
0x10: {  	s12 =	sor.u32 $0x100, s8;
	[dreg:$0x3] =	wrdreg s22;
	(pc) =	sbr.rel .LBB2_1-.Ltmp0, $4  }
0x11: {  	s10 =	sshll.u32 s10, $0x3;
	s15 =	sadd.s32 s13, s23;
	s16 =	smax.u32 s17, $0x1  }
0x12: {  	s17 =	simm.s32 $0x6280;
	s22 =	simm.s32 $0x180;
	s10 =	sadd.s32 s13, s10  }
0x13: {  	s23 =	simm.s32 $0x2280;
	s25 =	sadd.s32 $0x2DF00, s15;
	[dreg:$0x4] =	wrdreg s10  }
0x14: {  	v1 =	vimm.f32 $0.0e+00;
	vm0 =	vmxor vm0, vm0;
	v0 =	vmov s14;
	s15 =	sadd.s32 $0x737C80, s0;
	[dreg:$0x5] =	wrdreg s25;
	s25 =	simm.s32 $0x1  }
.LBB2_10:
0x15: {  	s0 =	stileid.u32  }
0x16: {  	s0 =	sshll.u32 s0, $0x6  }
0x17: {  	s2 =	sshrl.u32 s9, $0x3;
	s10 =	rddreg [dreg:$0x4];
	s0 =	sor.u32 $0x1C03, s0  }
0x18: {  	[hbm:s10], [sflag:s0] =	dma.local [spmem:s2], $0x3100  }
0x19: {  	_ =	swait.ge [sflag:s18], $0x3100  }
0x1a: {  	[sflag:s18] =	ssyncset.done $0x0  }
0x1b: {  	[sflag:s18] =	ssyncadd.s32 $0xFFFFCF00  }
.LBB2_15:
0x1c: {  	s31 =	sadd.s32 $0x1, s31  }
0x1d: {  	p2 =	sne.s32 s31, s16  }
.Ltmp1:
0x1e: {  	_ = 	snop;
	(pc) =	sbr.rel @!p2 .LBB2_16-.Ltmp1, $1  }
0x1f: {  	_ =	sdelay $0x3  }
.LBB2_1:
0x20: {  	[tilespmem:$0x6280] =	vst v1  }
0x21: {  	[tilespmem:$0x6290] =	vst v1  }
0x22: {  	[tilespmem:$0x62A0] =	vst v1  }
0x23: {  	[tilespmem:$0x62B0] =	vst v1  }
0x24: {  	[tilespmem:$0x62C0] =	vst v1  }
0x25: {  	[tilespmem:$0x62D0] =	vst v1  }
0x26: {  	[tilespmem:$0x62E0] =	vst v1  }
0x27: {  	[tilespmem:$0x62F0] =	vst v1  }
0x28: {  	[tilespmem:$0x6300] =	vst v1  }
0x29: {  	[tilespmem:$0x6310] =	vst v1  }
0x2a: {  	[tilespmem:$0x6320] =	vst v1  }
0x2b: {  	[tilespmem:$0x6330] =	vst v1  }
0x2c: {  	[tilespmem:$0x6340] =	vst v1  }
0x2d: {  	[tilespmem:$0x6350] =	vst v1  }
0x2e: {  	[tilespmem:$0x6360] =	vst v1  }
0x2f: {  	[tilespmem:$0x6370] =	vst v1  }
0x30: {  	[tilespmem:$0x6380] =	vst v1  }
0x31: {  	[tilespmem:$0x6390] =	vst v1  }
0x32: {  	[tilespmem:$0x63A0] =	vst v1  }
0x33: {  	[tilespmem:$0x63B0] =	vst v1  }
0x34: {  	[tilespmem:$0x63C0] =	vst v1  }
0x35: {  	[tilespmem:$0x63D0] =	vst v1  }
0x36: {  	[tilespmem:$0x63E0] =	vst v1  }
0x37: {  	[tilespmem:$0x63F0] =	vst v1  }
0x38: {  	[tilespmem:$0x6400] =	vst v1  }
0x39: {  	[tilespmem:$0x6410] =	vst v1  }
0x3a: {  	[tilespmem:$0x6420] =	vst v1  }
0x3b: {  	[tilespmem:$0x6430] =	vst v1  }
0x3c: {  	[tilespmem:$0x6440] =	vst v1  }
0x3d: {  	[tilespmem:$0x6450] =	vst v1  }
0x3e: {  	[tilespmem:$0x6460] =	vst v1  }
0x3f: {  	[tilespmem:$0x6470] =	vst v1;
	s0 =	sadd.s32 $0x0, s9  }
0x40: {  	[spmem:s0] =	stream.linear.scatter [tilespmem:s17], [sflag:$0x3], $0x200, $0x38;
	[tilespmem:$0x1EC80] =	vst v63  }
0x41: {  	s0 =	simm.s32 $0x800;
	_ =	swait.ge [sflag:s18], $0x200  }
.LBB2_2:
0x42: {  	s2 =	sshra.s32 s0, $0x2;
	[sflag:s18] =	ssyncset.done $0x0;
	p2 =	sne.s32 s0, $0x61800  }
.Ltmp2:
0x43: {  	s2 =	sadd.s32 s2, s9;
	[sflag:s18] =	ssyncadd.s32 $0xFFFFFE00;
	(pc) =	sbr.rel @p2 .LBB2_2-.Ltmp2, $3  }
0x44: {  	[spmem:s2] =	stream.linear.scatter [tilespmem:s17], [sflag:$0x3], $0x200, $0x38;
	[tilespmem:$0x1EC80] =	vst v63  }
0x45: {  	s0 =	sadd.s32 $0x800, s0;
	_ =	sdelay $0x1  }
0x46: {  	_ =	swait.ge [sflag:s18], $0x200  }
0x47: {  	[sflag:s18] =	ssyncset.done $0x0  }
0x48: {  	[sflag:s18] =	ssyncadd.s32 $0xFFFFFE00  }
0x49: {  	[bflag:$0x0] =	sbarrier.arrive $0xFFFF  }
0x4a: {  	s0 =	simm.s32 $0x0;
	s2 =	rddreg [dreg:$0x3]  }
0x4b: {  	[tilespmem:s0], [sflag:$0x3] =	stream.linear.gather [hbm4b:s2+s0], $0x80, $0x38;
	[tilespmem:$0x1EC80] =	vst v63  }
0x4c: {  	_ =	swait.ge [sflag:s18], $0x80  }
0x4d: {  	[sflag:s18] =	ssyncset.done $0x0  }
0x4e: {  	[sflag:s18] =	ssyncadd.s32 $0xFFFFFF80  }
0x4f: {  	[tilespmem:s19], [sflag:$0x3] =	stream.linear.gather [hbm4b:s11+s0], $0x80, $0x38;
	[tilespmem:$0x1EC80] =	vst v63  }
0x50: {  	_ =	swait.ge [sflag:s18], $0x80  }
0x51: {  	[sflag:s18] =	ssyncset.done $0x0  }
0x52: {  	[sflag:s18] =	ssyncadd.s32 $0xFFFFFF80  }
0x53: {  	[tilespmem:s21], [sflag:$0x1] =	stream.indirect.gather [hbm4b:s4+s20], $0x40, s19, s20, $0xb8;
	[tilespmem:$0x1EC80] =	vst v63  }
.LBB2_4:
0x54: {  	s2 =	sshll.u32 s0, $0x8  }
0x55: {  	s10 =	sadd.s32 s8, s2  }
0x56: {  	s30 =	sadd.s32 $0x80, s10  }
0x57: {  	s13 =	sshrl.u32 s30, $0x3  }
0x58: {  	s14 =	sadd.s32 s6, s13  }
0x59: {  	[tilespmem:s20], [sflag:$0x3] =	stream.linear.gather [hbm4b:s14+s3], $0x80, $0x38;
	[tilespmem:$0x1EC80] =	vst v63  }
0x5a: {  	_ =	swait.ge [sflag:s18], $0x80  }
0x5b: {  	[sflag:s18] =	ssyncset.done $0x0  }
0x5c: {  	s13 =	sadd.s32 s7, s13;
	[sflag:s18] =	ssyncadd.s32 $0xFFFFFF80  }
0x5d: {  	[tilespmem:s22], [sflag:$0x3] =	stream.linear.gather [hbm4b:s13+s3], $0x80, $0x38;
	[tilespmem:$0x1EC80] =	vst v63  }
0x5e: {  	_ =	swait.ge [sflag:s18], $0x80  }
0x5f: {  	[sflag:s18] =	ssyncset.done $0x0  }
0x60: {  	[sflag:s18] =	ssyncadd.s32 $0xFFFFFF80  }
0x61: {  	[tilespmem:s23], [sflag:$0x2] =	stream.indirect.gather [hbm4b:s4+s20], $0x40, s22, s20, $0xb8;
	[tilespmem:$0x1EC80] =	vst v63  }
0x62: {  	_ =	swait.ge [sflag:s25], $0x2000  }
0x63: {  	s24 =	sshll.u32 s10, $0x3;
	[sflag:s25] =	ssyncset.done $0x0  }
0x64: {  	s13 =	sadd.s32 s5, s24;
	[sflag:s25] =	ssyncadd.s32 $0xFFFFE000  }
0x65: {  	[tilespmem:s26], [sflag:$0x3] =	stream.linear.gather [hbm4b:s13+s3], $0x2000, $0x38;
	[tilespmem:$0x1EC80] =	vst v63  }
0x66: {  	_ =	swait.ge [sflag:s18], $0x2000  }
0x67: {  	[sflag:s18] =	ssyncset.done $0x0  }
0x68: {  	[sflag:s18] =	ssyncadd.s32 $0xFFFFE000  }
0x69: {  	v2 =	vld [tilespmem:$0x0]  }
0x6a: {  	v3 =	vld [tilespmem:$0x10]  }
0x6b: {  	v4 =	vld [tilespmem:$0x20]  }
0x6c: {  	v5 =	vld [tilespmem:$0x30]  }
0x6d: {  	v6 =	vld [tilespmem:$0x40]  }
0x6e: {  	v7 =	vld [tilespmem:$0x50]  }
0x6f: {  	vm1 =	vmmov vm0;
	p2 =	slt.u32 s10, $0xC3500;
	s14 =	sor.u32 $0x10, s10  }
0x70: {  	vm3 =	vmmov vm0;
	vm1 =	vmneg @p2 vm1;
	p2 =	slt.u32 s14, $0xC3500  }
0x71: {  	vm4 =	vmmov vm0;
	vm3 =	vmneg @p2 vm3;
	v2 =	vsub.s32 v2, v0  }
0x72: {  	v3 =	vsub.s32 v3, v0;
	v4 =	vsub.s32 v4, v0;
	v5 =	vsub.s32 v5, v0  }
0x73: {  	v6 =	vsub.s32 v6, v0;
	v7 =	vsub.s32 v7, v0;
	vm2 =	vlt.u32 v2, $0x61A8  }
0x74: {  	s24 =	sor.u32 $0x20, s10;
	vm15 =	vlt.u32 v6, $0x61A8;
	vm1 =	vmand vm1, vm2;
	vm2 =	vlt.u32 v3, $0x61A8  }
0x75: {  	p2 =	slt.u32 s24, $0xC3500;
	v8 =	vld [tilespmem:$0x60];
	v2 =	vnsel vm1, $0x61C0, v2;
	vm1 =	vmand vm3, vm2;
	vm2 =	vmmov vm0  }
0x76: {  	s14 =	sor.u32 $0x30, s10;
	v9 =	vld [tilespmem:$0x70];
	vm5 =	vlt.u32 v7, $0x61A8;
	vm3 =	vlt.u32 v4, $0x61A8;
	vm2 =	vmneg @p2 vm2  }
0x77: {  	s24 =	sor.u32 $0x40, s10;
	p2 =	slt.u32 s14, $0xC3500;
	v3 =	vnsel vm1, $0x61C0, v3;
	vm2 =	vmand vm2, vm3;
	vm3 =	vlt.u32 v5, $0x61A8  }
0x78: {  	s14 =	sor.u32 $0x50, s10;
	vm4 =	vmneg @p2 vm4;
	p2 =	slt.u32 s24, $0xC3500;
	v4 =	vnsel vm2, $0x61C0, v4;
	vm2 =	vmmov vm0  }
0x79: {  	vm1 =	vmand vm4, vm3;
	vm3 =	vmmov vm0;
	vm2 =	vmneg @p2 vm2;
	p2 =	slt.u32 s14, $0xC3500  }
0x7a: {  	[tilespmem:$0x200] =	vst v2;
	v2 =	vnsel vm1, $0x61C0, v5;
	v5 =	vsub.s32 v8, v0;
	vm3 =	vmneg @p2 vm3  }
0x7b: {  	s24 =	sor.u32 $0x60, s10;
	vm1 =	vmand vm2, vm15;
	[tilespmem:$0x230] =	vst v2;
	v2 =	vsub.s32 v9, v0;
	vm2 =	vmand vm3, vm5  }
0x7c: {  	[tilespmem:$0x210] =	vst v3;
	s10 =	sor.u32 $0x70, s10;
	p2 =	slt.u32 s24, $0xC3500;
	v3 =	vnsel vm1, $0x61C0, v6;
	vm1 =	vmmov vm0;
	vm3 =	vmmov vm0  }
0x7d: {  	[tilespmem:$0x220] =	vst v4;
	v4 =	vnsel vm2, $0x61C0, v7;
	vm2 =	vlt.u32 v5, $0x61A8;
	vm1 =	vmneg @p2 vm1;
	p2 =	slt.u32 s10, $0xC3500  }
0x7e: {  	[tilespmem:$0x240] =	vst v3;
	vm1 =	vmand vm1, vm2;
	vm2 =	vlt.u32 v2, $0x61A8;
	vm3 =	vmneg @p2 vm3  }
0x7f: {  	[tilespmem:$0x250] =	vst v4;
	v3 =	vnsel vm1, $0x61C0, v5;
	vm1 =	vmand vm3, vm2  }
0x80: {  	[tilespmem:$0x260] =	vst v3;
	v2 =	vnsel vm1, $0x61C0, v2  }
0x81: {  	s13 =	simm.s32 $0x300;
	[tilespmem:$0x270] =	vst v2  }
0x82: {  	s14 =	simm.s32 $0x4300;
	v2 =	vld [tilespmem:s13+$0x40]  }
0x83: {  	v3 =	vld [tilespmem:s14+$0x40]  }
0x84: {  	v4 =	vld [tilespmem:s13+$0xFFFFFFC0]  }
0x85: {  	v5 =	vld [tilespmem:s14+$0xFFFFFFC0]  }
0x86: {  	v6 =	vld [tilespmem:s13+$0x0]  }
0x87: {  	v7 =	vld [tilespmem:s14+$0x0]  }
0x88: {  	v8 =	vld [tilespmem:s13+$0xFFFFFF80];
	v2 =	vmul.f32 v3, v2  }
0x89: {  	v3 =	vld [tilespmem:s14+$0xFFFFFF80]  }
0x8a: {  	[tilespmem:s13+$0x40] =	vst v2;
	v2 =	vld [tilespmem:s13+$0x50]  }
0x8b: {  	v4 =	vmul.f32 v5, v4;
	v5 =	vld [tilespmem:s14+$0x50]  }
0x8c: {  	v9 =	vld [tilespmem:s13+$0xFFFFFF90]  }
0x8d: {  	[tilespmem:s13+$0xFFFFFFC0] =	vst v4;
	v4 =	vmul.f32 v7, v6;
	v6 =	vld [tilespmem:s13+$0xFFFFFFD0]  }
0x8e: {  	v7 =	vld [tilespmem:s14+$0xFFFFFFD0];
	v3 =	vmul.f32 v3, v8  }
0x8f: {  	[tilespmem:s13+$0x0] =	vst v4;
	v4 =	vld [tilespmem:s13+$0x10]  }
0x90: {  	v8 =	vld [tilespmem:s14+$0x10];
	[tilespmem:s13+$0xFFFFFF80] =	vst v3;
	v2 =	vmul.f32 v5, v2  }
0x91: {  	v3 =	vld [tilespmem:s14+$0xFFFFFF90]  }
0x92: {  	[tilespmem:s13+$0x50] =	vst v2;
	v2 =	vld [tilespmem:s13+$0x60]  }
0x93: {  	v5 =	vmul.f32 v7, v6;
	v6 =	vld [tilespmem:s14+$0x60]  }
0x94: {  	v7 =	vld [tilespmem:s13+$0xFFFFFFA0]  }
0x95: {  	[tilespmem:s13+$0xFFFFFFD0] =	vst v5;
	v4 =	vmul.f32 v8, v4;
	v5 =	vld [tilespmem:s13+$0xFFFFFFE0]  }
0x96: {  	v8 =	vld [tilespmem:s14+$0xFFFFFFE0];
	v3 =	vmul.f32 v3, v9  }
0x97: {  	[tilespmem:s13+$0x10] =	vst v4;
	v4 =	vld [tilespmem:s13+$0x20]  }
0x98: {  	v9 =	vld [tilespmem:s14+$0x20];
	[tilespmem:s13+$0xFFFFFF90] =	vst v3;
	v2 =	vmul.f32 v6, v2  }
0x99: {  	v6 =	vld [tilespmem:s14+$0xFFFFFFA0]  }
0x9a: {  	v10 =	vld [tilespmem:s13+$0x70];
	[tilespmem:s13+$0x60] =	vst v2  }
0x9b: {  	v3 =	vmul.f32 v8, v5;
	v8 =	vld [tilespmem:s14+$0x70]  }
0x9c: {  	v2 =	vld [tilespmem:s13+$0xFFFFFFB0]  }
0x9d: {  	[tilespmem:s13+$0xFFFFFFE0] =	vst v3;
	v4 =	vmul.f32 v9, v4;
	v3 =	vld [tilespmem:s13+$0xFFFFFFF0]  }
0x9e: {  	v5 =	vld [tilespmem:s14+$0xFFFFFFF0];
	v6 =	vmul.f32 v6, v7  }
0x9f: {  	[tilespmem:s13+$0x20] =	vst v4;
	v4 =	vld [tilespmem:s13+$0x30]  }
0xa0: {  	[tilespmem:s13+$0xFFFFFFA0] =	vst v6;
	v6 =	vld [tilespmem:s14+$0x30];
	v8 =	vmul.f32 v8, v10  }
0xa1: {  	s24 =	simm.s32 $0x0;
	s10 =	simm.s32 $0x400;
	v7 =	vld [tilespmem:s14+$0xFFFFFFB0]  }
.LBB2_5:
0xa2: {  	v9 =	vld [tilespmem:s10+$0x40];
	[tilespmem:s13+$0x70] =	vst v8;
	s14 =	sadd.s32 $0x100, s14  }
0xa3: {  	s24 =	sadd.s32 $0x4, s24;
	v8 =	vld [tilespmem:s14+$0x40];
	v3 =	vmul.f32 v5, v3  }
0xa4: {  	p2 =	slt.u32 s24, $0x7C;
	v5 =	vld [tilespmem:s14+$0xFFFFFF80]  }
0xa5: {  	v10 =	vld [tilespmem:s10+$0xFFFFFFC0];
	[tilespmem:s13+$0xFFFFFFF0] =	vst v3;
	v3 =	vmul.f32 v6, v4  }
0xa6: {  	v4 =	vld [tilespmem:s14+$0xFFFFFFC0];
	v2 =	vmul.f32 v7, v2  }
0xa7: {  	v6 =	vld [tilespmem:s10+$0x0];
	[tilespmem:s13+$0x30] =	vst v3  }
0xa8: {  	v3 =	vld [tilespmem:s14+$0x0];
	v7 =	vmul.f32 v8, v9;
	[tilespmem:s13+$0xFFFFFFB0] =	vst v2;
	s13 =	smov.u32 s10  }
0xa9: {  	v2 =	vld [tilespmem:s10+$0xFFFFFF80]  }
0xaa: {  	[tilespmem:s10+$0x40] =	vst v7;
	v7 =	vld [tilespmem:s10+$0x50]  }
0xab: {  	v4 =	vmul.f32 v4, v10;
	v8 =	vld [tilespmem:s14+$0x50]  }
0xac: {  	v9 =	vld [tilespmem:s10+$0xFFFFFF90]  }
0xad: {  	[tilespmem:s10+$0xFFFFFFC0] =	vst v4;
	v4 =	vld [tilespmem:s10+$0xFFFFFFD0];
	v3 =	vmul.f32 v3, v6  }
0xae: {  	v2 =	vmul.f32 v5, v2;
	v5 =	vld [tilespmem:s14+$0xFFFFFFD0]  }
0xaf: {  	[tilespmem:s10+$0x0] =	vst v3;
	v3 =	vld [tilespmem:s10+$0x10]  }
0xb0: {  	[tilespmem:s10+$0xFFFFFF80] =	vst v2;
	v2 =	vld [tilespmem:s14+$0x10];
	v6 =	vmul.f32 v8, v7  }
0xb1: {  	v7 =	vld [tilespmem:s14+$0xFFFFFF90]  }
0xb2: {  	[tilespmem:s10+$0x50] =	vst v6;
	v6 =	vld [tilespmem:s10+$0x60]  }
0xb3: {  	v4 =	vmul.f32 v5, v4;
	v5 =	vld [tilespmem:s14+$0x60]  }
0xb4: {  	v8 =	vld [tilespmem:s10+$0xFFFFFFA0]  }
0xb5: {  	[tilespmem:s10+$0xFFFFFFD0] =	vst v4;
	v4 =	vld [tilespmem:s10+$0xFFFFFFE0];
	v2 =	vmul.f32 v2, v3  }
0xb6: {  	v3 =	vmul.f32 v7, v9;
	v7 =	vld [tilespmem:s14+$0xFFFFFFE0]  }
0xb7: {  	[tilespmem:s10+$0x10] =	vst v2;
	v9 =	vld [tilespmem:s10+$0x20]  }
0xb8: {  	[tilespmem:s10+$0xFFFFFF90] =	vst v3;
	v10 =	vld [tilespmem:s14+$0x20];
	v2 =	vmul.f32 v5, v6  }
0xb9: {  	v5 =	vld [tilespmem:s14+$0xFFFFFFA0]  }
0xba: {  	[tilespmem:s10+$0x60] =	vst v2;
	v11 =	vld [tilespmem:s10+$0x70]  }
0xbb: {  	v3 =	vmul.f32 v7, v4;
	v7 =	vld [tilespmem:s14+$0x70]  }
0xbc: {  	v2 =	vld [tilespmem:s10+$0xFFFFFFB0]  }
.Ltmp3:
0xbd: {  	[tilespmem:s10+$0xFFFFFFE0] =	vst v3;
	v3 =	vld [tilespmem:s10+$0xFFFFFFF0];
	v4 =	vmul.f32 v10, v9;
	(pc) =	sbr.rel @p2 .LBB2_5-.Ltmp3, $4  }
0xbe: {  	v6 =	vmul.f32 v5, v8;
	v5 =	vld [tilespmem:s14+$0xFFFFFFF0]  }
0xbf: {  	[tilespmem:s10+$0x20] =	vst v4;
	v4 =	vld [tilespmem:s10+$0x30]  }
0xc0: {  	[tilespmem:s10+$0xFFFFFFA0] =	vst v6;
	v6 =	vld [tilespmem:s14+$0x30];
	v8 =	vmul.f32 v7, v11  }
0xc1: {  	s10 =	sadd.s32 $0x100, s10;
	v7 =	vld [tilespmem:s14+$0xFFFFFFB0]  }
0xc2: {  	_ =	sdelay $0x1  }
0xc3: {  	v3 =	vmul.f32 v5, v3  }
0xc4: {  	[tilespmem:s13+$0x70] =	vst v8;
	v4 =	vmul.f32 v6, v4  }
0xc5: {  	[tilespmem:s13+$0xFFFFFFF0] =	vst v3;
	v2 =	vmul.f32 v7, v2  }
0xc6: {  	[tilespmem:s13+$0x30] =	vst v4  }
0xc7: {  	p2 =	seq.s32 s0, $0xC3;
	[tilespmem:s13+$0xFFFFFFB0] =	vst v2  }
0xc8: {  	[spmem:s1] =	stream.indirect.scatter.add.f32 [tilespmem:s21], [sflag:$0x3], $0x40, s28, s20, $0xb8;
	[tilespmem:$0x1EC80] =	vst v63  }
0xc9: {  	s2 =	sadd.s32 @!p2 s2, s12;
	_ =	swait.ge [sflag:s18], $0x2000  }
0xca: {  	s2 =	sshrl.u32 @!p2 s2, $0x3;
	[sflag:s18] =	ssyncset.done $0x0  }
0xcb: {  	s10 =	sadd.s32 @!p2 s6, s2;
	s13 =	simm.s32 @!p2 $0x0;
	[sflag:s18] =	ssyncadd.s32 $0xFFFFE000  }
0xcc: {  	[tilespmem:s13], [sflag:$0x3] =	stream.linear.gather @!p2 [hbm4b:s10+s13], $0x80, $0x38;
	[tilespmem:$0x1EC80] =	vst v63  }
0xcd: {  	s10 =	simm.s32 @!p2 $0x3  }
0xce: {  	_ =	swait.ge @!p2 [sflag:s10], $0x80  }
0xcf: {  	[sflag:s10] =	ssyncset.done @!p2 $0x0  }
0xd0: {  	s14 =	simm.s32 @!p2 $0x100;
	s2 =	sadd.s32 @!p2 s7, s2;
	[sflag:s10] =	ssyncadd.s32 @!p2 $0xFFFFFF80  }
0xd1: {  	[tilespmem:s14], [sflag:$0x3] =	stream.linear.gather @!p2 [hbm4b:s2+s13], $0x80, $0x38;
	[tilespmem:$0x1EC80] =	vst v63  }
0xd2: {  	_ =	swait.ge @!p2 [sflag:s10], $0x80  }
0xd3: {  	[sflag:s10] =	ssyncset.done @!p2 $0x0  }
0xd4: {  	s2 =	simm.s32 @!p2 $0x80;
	[sflag:s10] =	ssyncadd.s32 @!p2 $0xFFFFFF80;
	s10 =	simm.s32 @!p2 $0x280  }
0xd5: {  	[tilespmem:s10], [sflag:$0x1] =	stream.indirect.gather @!p2 [hbm4b:s4+s2], $0x40, s14, s2, $0xb8;
	[tilespmem:$0x1EC80] =	vst v63  }
0xd6: {  	_ =	swait.ge [sflag:s29], $0x2000  }
0xd7: {  	s13 =	sshll.u32 s30, $0x3;
	[sflag:s29] =	ssyncset.done $0x0  }
0xd8: {  	s2 =	sadd.s32 s5, s13;
	[sflag:s29] =	ssyncadd.s32 $0xFFFFE000  }
0xd9: {  	[tilespmem:s26], [sflag:$0x3] =	stream.linear.gather [hbm4b:s2+s3], $0x2000, $0x38;
	[tilespmem:$0x1EC80] =	vst v63  }
0xda: {  	_ =	swait.ge [sflag:s18], $0x2000  }
0xdb: {  	[sflag:s18] =	ssyncset.done $0x0  }
0xdc: {  	[sflag:s18] =	ssyncadd.s32 $0xFFFFE000  }
0xdd: {  	v2 =	vld [tilespmem:$0x80]  }
0xde: {  	v3 =	vld [tilespmem:$0x90]  }
0xdf: {  	v4 =	vld [tilespmem:$0xA0]  }
0xe0: {  	v5 =	vld [tilespmem:$0xB0]  }
0xe1: {  	v6 =	vld [tilespmem:$0xC0]  }
0xe2: {  	v7 =	vld [tilespmem:$0xD0]  }
0xe3: {  	vm1 =	vmmov vm0;
	p2 =	slt.u32 s30, $0xC3500;
	s14 =	sor.u32 $0x10, s30  }
0xe4: {  	vm3 =	vmmov vm0;
	vm1 =	vmneg @p2 vm1;
	p2 =	slt.u32 s14, $0xC3500  }
0xe5: {  	vm4 =	vmmov vm0;
	vm3 =	vmneg @p2 vm3;
	v2 =	vsub.s32 v2, v0  }
0xe6: {  	v3 =	vsub.s32 v3, v0;
	v4 =	vsub.s32 v4, v0;
	v5 =	vsub.s32 v5, v0  }
0xe7: {  	v6 =	vsub.s32 v6, v0;
	v7 =	vsub.s32 v7, v0;
	vm2 =	vlt.u32 v2, $0x61A8  }
0xe8: {  	s24 =	sor.u32 $0x20, s30;
	vm15 =	vlt.u32 v6, $0x61A8;
	vm1 =	vmand vm1, vm2;
	vm2 =	vlt.u32 v3, $0x61A8  }
0xe9: {  	p2 =	slt.u32 s24, $0xC3500;
	v8 =	vld [tilespmem:$0xE0];
	v2 =	vnsel vm1, $0x61C0, v2;
	vm1 =	vmand vm3, vm2;
	vm2 =	vmmov vm0  }
0xea: {  	s10 =	sor.u32 $0x30, s30;
	v9 =	vld [tilespmem:$0xF0];
	vm5 =	vlt.u32 v7, $0x61A8;
	vm3 =	vlt.u32 v4, $0x61A8;
	vm2 =	vmneg @p2 vm2  }
0xeb: {  	s13 =	sor.u32 $0x40, s30;
	p2 =	slt.u32 s10, $0xC3500;
	v3 =	vnsel vm1, $0x61C0, v3;
	vm2 =	vmand vm2, vm3;
	vm3 =	vlt.u32 v5, $0x61A8  }
0xec: {  	s14 =	sor.u32 $0x50, s30;
	vm4 =	vmneg @p2 vm4;
	p2 =	slt.u32 s13, $0xC3500;
	v4 =	vnsel vm2, $0x61C0, v4;
	vm2 =	vmmov vm0  }
0xed: {  	vm1 =	vmand vm4, vm3;
	vm3 =	vmmov vm0;
	vm2 =	vmneg @p2 vm2;
	p2 =	slt.u32 s14, $0xC3500  }
0xee: {  	[tilespmem:$0x200] =	vst v2;
	v2 =	vnsel vm1, $0x61C0, v5;
	v5 =	vsub.s32 v8, v0;
	vm3 =	vmneg @p2 vm3  }
0xef: {  	s24 =	sor.u32 $0x60, s30;
	vm1 =	vmand vm2, vm15;
	[tilespmem:$0x230] =	vst v2;
	v2 =	vsub.s32 v9, v0;
	vm2 =	vmand vm3, vm5  }
0xf0: {  	s30 =	sor.u32 $0x70, s30;
	[tilespmem:$0x210] =	vst v3;
	p2 =	slt.u32 s24, $0xC3500;
	v3 =	vnsel vm1, $0x61C0, v6;
	vm1 =	vmmov vm0;
	vm3 =	vmmov vm0  }
0xf1: {  	[tilespmem:$0x220] =	vst v4;
	v4 =	vnsel vm2, $0x61C0, v7;
	vm2 =	vlt.u32 v5, $0x61A8;
	vm1 =	vmneg @p2 vm1;
	p2 =	slt.u32 s30, $0xC3500  }
0xf2: {  	[tilespmem:$0x240] =	vst v3;
	vm1 =	vmand vm1, vm2;
	vm2 =	vlt.u32 v2, $0x61A8;
	vm3 =	vmneg @p2 vm3  }
0xf3: {  	[tilespmem:$0x250] =	vst v4;
	v3 =	vnsel vm1, $0x61C0, v5;
	vm1 =	vmand vm3, vm2  }
0xf4: {  	[tilespmem:$0x260] =	vst v3;
	v2 =	vnsel vm1, $0x61C0, v2  }
0xf5: {  	s2 =	simm.s32 $0x2300;
	[tilespmem:$0x270] =	vst v2  }
0xf6: {  	s13 =	simm.s32 $0x4300;
	v2 =	vld [tilespmem:s2+$0x40]  }
0xf7: {  	v3 =	vld [tilespmem:s13+$0x40]  }
0xf8: {  	v4 =	vld [tilespmem:s2+$0xFFFFFFC0]  }
0xf9: {  	v5 =	vld [tilespmem:s13+$0xFFFFFFC0]  }
0xfa: {  	v6 =	vld [tilespmem:s2+$0x0]  }
0xfb: {  	v7 =	vld [tilespmem:s13+$0x0]  }
0xfc: {  	v8 =	vld [tilespmem:s2+$0xFFFFFF80];
	v2 =	vmul.f32 v3, v2  }
0xfd: {  	v3 =	vld [tilespmem:s13+$0xFFFFFF80]  }
0xfe: {  	[tilespmem:s2+$0x40] =	vst v2;
	v2 =	vld [tilespmem:s2+$0x50]  }
0xff: {  	v4 =	vmul.f32 v5, v4;
	v5 =	vld [tilespmem:s13+$0x50]  }
0x100: {  	v9 =	vld [tilespmem:s2+$0xFFFFFF90]  }
0x101: {  	[tilespmem:s2+$0xFFFFFFC0] =	vst v4;
	v4 =	vmul.f32 v7, v6;
	v6 =	vld [tilespmem:s2+$0xFFFFFFD0]  }
0x102: {  	v7 =	vld [tilespmem:s13+$0xFFFFFFD0];
	v3 =	vmul.f32 v3, v8  }
0x103: {  	[tilespmem:s2+$0x0] =	vst v4;
	v4 =	vld [tilespmem:s2+$0x10]  }
0x104: {  	v8 =	vld [tilespmem:s13+$0x10];
	[tilespmem:s2+$0xFFFFFF80] =	vst v3;
	v2 =	vmul.f32 v5, v2  }
0x105: {  	v3 =	vld [tilespmem:s13+$0xFFFFFF90]  }
0x106: {  	[tilespmem:s2+$0x50] =	vst v2;
	v2 =	vld [tilespmem:s2+$0x60]  }
0x107: {  	v5 =	vmul.f32 v7, v6;
	v6 =	vld [tilespmem:s13+$0x60]  }
0x108: {  	v7 =	vld [tilespmem:s2+$0xFFFFFFA0]  }
0x109: {  	[tilespmem:s2+$0xFFFFFFD0] =	vst v5;
	v4 =	vmul.f32 v8, v4;
	v5 =	vld [tilespmem:s2+$0xFFFFFFE0]  }
0x10a: {  	v8 =	vld [tilespmem:s13+$0xFFFFFFE0];
	v3 =	vmul.f32 v3, v9  }
0x10b: {  	[tilespmem:s2+$0x10] =	vst v4;
	v4 =	vld [tilespmem:s2+$0x20]  }
0x10c: {  	v9 =	vld [tilespmem:s13+$0x20];
	[tilespmem:s2+$0xFFFFFF90] =	vst v3;
	v2 =	vmul.f32 v6, v2  }
0x10d: {  	v6 =	vld [tilespmem:s13+$0xFFFFFFA0]  }
0x10e: {  	v10 =	vld [tilespmem:s2+$0x70];
	[tilespmem:s2+$0x60] =	vst v2  }
0x10f: {  	v3 =	vmul.f32 v8, v5;
	v8 =	vld [tilespmem:s13+$0x70]  }
0x110: {  	v2 =	vld [tilespmem:s2+$0xFFFFFFB0]  }
0x111: {  	[tilespmem:s2+$0xFFFFFFE0] =	vst v3;
	v4 =	vmul.f32 v9, v4;
	v3 =	vld [tilespmem:s2+$0xFFFFFFF0]  }
0x112: {  	v5 =	vld [tilespmem:s13+$0xFFFFFFF0];
	v6 =	vmul.f32 v6, v7  }
0x113: {  	[tilespmem:s2+$0x20] =	vst v4;
	v4 =	vld [tilespmem:s2+$0x30]  }
0x114: {  	[tilespmem:s2+$0xFFFFFFA0] =	vst v6;
	v6 =	vld [tilespmem:s13+$0x30];
	v8 =	vmul.f32 v8, v10  }
0x115: {  	s10 =	simm.s32 $0x2400;
	s14 =	simm.s32 $0x0;
	v7 =	vld [tilespmem:s13+$0xFFFFFFB0]  }
.LBB2_7:
0x116: {  	v9 =	vld [tilespmem:s10+$0x40];
	[tilespmem:s2+$0x70] =	vst v8;
	s13 =	sadd.s32 $0x100, s13  }
0x117: {  	s14 =	sadd.s32 $0x4, s14;
	v8 =	vld [tilespmem:s13+$0x40];
	v3 =	vmul.f32 v5, v3  }
0x118: {  	p2 =	slt.u32 s14, $0x7C;
	v5 =	vld [tilespmem:s13+$0xFFFFFF80]  }
0x119: {  	v10 =	vld [tilespmem:s10+$0xFFFFFFC0];
	[tilespmem:s2+$0xFFFFFFF0] =	vst v3;
	v3 =	vmul.f32 v6, v4  }
0x11a: {  	v4 =	vld [tilespmem:s13+$0xFFFFFFC0];
	v2 =	vmul.f32 v7, v2  }
0x11b: {  	v6 =	vld [tilespmem:s10+$0x0];
	[tilespmem:s2+$0x30] =	vst v3  }
0x11c: {  	v3 =	vld [tilespmem:s13+$0x0];
	v7 =	vmul.f32 v8, v9;
	[tilespmem:s2+$0xFFFFFFB0] =	vst v2;
	s2 =	smov.u32 s10  }
0x11d: {  	v2 =	vld [tilespmem:s10+$0xFFFFFF80]  }
0x11e: {  	[tilespmem:s10+$0x40] =	vst v7;
	v7 =	vld [tilespmem:s10+$0x50]  }
0x11f: {  	v4 =	vmul.f32 v4, v10;
	v8 =	vld [tilespmem:s13+$0x50]  }
0x120: {  	v9 =	vld [tilespmem:s10+$0xFFFFFF90]  }
0x121: {  	[tilespmem:s10+$0xFFFFFFC0] =	vst v4;
	v4 =	vld [tilespmem:s10+$0xFFFFFFD0];
	v3 =	vmul.f32 v3, v6  }
0x122: {  	v2 =	vmul.f32 v5, v2;
	v5 =	vld [tilespmem:s13+$0xFFFFFFD0]  }
0x123: {  	[tilespmem:s10+$0x0] =	vst v3;
	v3 =	vld [tilespmem:s10+$0x10]  }
0x124: {  	[tilespmem:s10+$0xFFFFFF80] =	vst v2;
	v2 =	vld [tilespmem:s13+$0x10];
	v6 =	vmul.f32 v8, v7  }
0x125: {  	v7 =	vld [tilespmem:s13+$0xFFFFFF90]  }
0x126: {  	[tilespmem:s10+$0x50] =	vst v6;
	v6 =	vld [tilespmem:s10+$0x60]  }
0x127: {  	v4 =	vmul.f32 v5, v4;
	v5 =	vld [tilespmem:s13+$0x60]  }
0x128: {  	v8 =	vld [tilespmem:s10+$0xFFFFFFA0]  }
0x129: {  	[tilespmem:s10+$0xFFFFFFD0] =	vst v4;
	v4 =	vld [tilespmem:s10+$0xFFFFFFE0];
	v2 =	vmul.f32 v2, v3  }
0x12a: {  	v3 =	vmul.f32 v7, v9;
	v7 =	vld [tilespmem:s13+$0xFFFFFFE0]  }
0x12b: {  	[tilespmem:s10+$0x10] =	vst v2;
	v9 =	vld [tilespmem:s10+$0x20]  }
0x12c: {  	[tilespmem:s10+$0xFFFFFF90] =	vst v3;
	v10 =	vld [tilespmem:s13+$0x20];
	v2 =	vmul.f32 v5, v6  }
0x12d: {  	v5 =	vld [tilespmem:s13+$0xFFFFFFA0]  }
0x12e: {  	[tilespmem:s10+$0x60] =	vst v2;
	v11 =	vld [tilespmem:s10+$0x70]  }
0x12f: {  	v3 =	vmul.f32 v7, v4;
	v7 =	vld [tilespmem:s13+$0x70]  }
0x130: {  	v2 =	vld [tilespmem:s10+$0xFFFFFFB0]  }
.Ltmp4:
0x131: {  	[tilespmem:s10+$0xFFFFFFE0] =	vst v3;
	v3 =	vld [tilespmem:s10+$0xFFFFFFF0];
	v4 =	vmul.f32 v10, v9;
	(pc) =	sbr.rel @p2 .LBB2_7-.Ltmp4, $4  }
0x132: {  	v6 =	vmul.f32 v5, v8;
	v5 =	vld [tilespmem:s13+$0xFFFFFFF0]  }
0x133: {  	[tilespmem:s10+$0x20] =	vst v4;
	v4 =	vld [tilespmem:s10+$0x30]  }
0x134: {  	[tilespmem:s10+$0xFFFFFFA0] =	vst v6;
	v6 =	vld [tilespmem:s13+$0x30];
	v8 =	vmul.f32 v7, v11  }
0x135: {  	s10 =	sadd.s32 $0x100, s10;
	v7 =	vld [tilespmem:s13+$0xFFFFFFB0]  }
0x136: {  	_ =	sdelay $0x1  }
0x137: {  	v3 =	vmul.f32 v5, v3  }
0x138: {  	[tilespmem:s2+$0x70] =	vst v8;
	v4 =	vmul.f32 v6, v4  }
0x139: {  	s0 =	sadd.s32 $0x1, s0;
	[tilespmem:s2+$0xFFFFFFF0] =	vst v3;
	v2 =	vmul.f32 v7, v2  }
0x13a: {  	p2 =	sne.s32 s0, $0xC4;
	[tilespmem:s2+$0x30] =	vst v4  }
.Ltmp5:
0x13b: {  	[tilespmem:s2+$0xFFFFFFB0] =	vst v2;
	(pc) =	sbr.rel @p2 .LBB2_4-.Ltmp5, $4  }
0x13c: {  	[spmem:s1] =	stream.indirect.scatter.add.f32 [tilespmem:s23], [sflag:$0x3], $0x40, s28, s20, $0xb8;
	[tilespmem:$0x1EC80] =	vst v63  }
0x13d: {  	_ =	swait.ge [sflag:s18], $0x2000  }
0x13e: {  	[sflag:s18] =	ssyncset.done $0x0  }
0x13f: {  	[sflag:s18] =	ssyncadd.s32 $0xFFFFE000  }
.Ltmp6:
0x140: {  	(pc) =	sbr.rel @!p1 .LBB2_10-.Ltmp6, $2  }
0x141: {  	_ =	sdelay $0x1  }
0x142: {  	[bflag:$0x0] =	sbarrier.arrive $0xFFFF;
	_ =	sdelay $0x1  }
0x143: {  	s0 =	rddreg [dreg:$0x5]  }
.Ltmp7:
0x144: {  	s2 =	rddreg [dreg:$0x6];
	s10 =	simm.s32 $0x1FC3;
	(pc) =	sbr.rel @!p0 .LBB2_15-.Ltmp7, $4  }
0x145: {  	[hbm:s0], [sflag:s10] =	dma.local [spmem:s2], $0x2E40  }
0x146: {  	_ =	swait.ge [sflag:s18], $0x2E40  }
0x147: {  	[sflag:s18] =	ssyncset.done $0x0  }
0x148: {  	s0 =	simm.s32 $0x0;
	[sflag:s18] =	ssyncadd.s32 $0xFFFFD1C0  }
0x149: {  	s2 =	sadd.s32 s0, s15  }
0x14a: {  	[hbm4b:s2+s3] =	stream.linear.scatter [tilespmem:s17], [sflag:$0x3], $0x200, $0x38;
	[tilespmem:$0x1EC80] =	vst v63  }
0x14b: {  	_ =	swait.ge [sflag:s18], $0x200  }
0x14c: {  	s0 =	sadd.s32 $0x40, s0;
	[sflag:s18] =	ssyncset.done $0x0  }
.LBB2_13:
0x14d: {  	s2 =	sadd.s32 s0, s15;
	[sflag:s18] =	ssyncadd.s32 $0xFFFFFE00;
	p2 =	sne.s32 s0, $0x540  }
0x14e: {  	[hbm4b:s2+s3] =	stream.linear.scatter [tilespmem:s17], [sflag:$0x3], $0x200, $0x38;
	[tilespmem:$0x1EC80] =	vst v63  }
.Ltmp8:
0x14f: {  	_ = 	snop;
	(pc) =	sbr.rel @p2 .LBB2_13-.Ltmp8, $4  }
0x150: {  	_ = 	snop  }
0x151: {  	s0 =	sadd.s32 $0x40, s0  }
0x152: {  	_ =	swait.ge [sflag:s18], $0x200  }
0x153: {  	[sflag:s18] =	ssyncset.done $0x0  }
.Ltmp9:
0x154: {  	(pc) =	sbr.rel .LBB2_15-.Ltmp9, $2  }
0x155: {  	_ =	sdelay $0x2  }
0x156: {  	[sflag:s18] =	ssyncadd.s32 $0xFFFFFE00  }
.LBB2_16:
0x157: {  	_ =	sfence.sel $0x180000  }
0x158: {  	[bflag:$0x0] =	sbarrier.arrive $0xFFFF  }
0x159: {  	_ =	strace $0x9000004D  }
0x15a: {  	s0 =	stileid.u32;
	[bflag:$0x2] =	sbarrier.arrive $0xFFFF  }
0x15b: {  	p0 =	sne.s32 s0, $0x0;
	s0 =	rddreg [dreg:$0x2]  }
0x15c: {  	s0 =	sadd.s32 @!p0 $0x100000, s0  }
0x15d: {  	[sflag:s0] =	ssyncadd.tile.s32 @!p0 $0x1;
	_ =	shalt  }
.Lfunc_end2:
_tile_overlayer_lowered:
.L_overlay_start_2:
0x15e: {  	(tag) =	ssettag $0x2  }
0x15f: {  	s0 =	rddreg [dreg:$0x0];
	s2 =	stileid.u32  }
0x160: {  	s1 =	rddreg [dreg:$0x1];
	p0 =	sne.s32 s2, $0x0  }
0x161: {  	s3 =	rddreg [dreg:$0x2];
	[bflag:$0x3] =	sbarrier.arrive $0xFFFF;
	s2 =	simm.s32 @!p0 $0x1C03  }
0x162: {  	[timem:s3], [sflag:s2] =	dma.local @!p0 [hbm:s0], s1  }
0x163: {  	s0 =	simm.s32 @!p0 $0x3  }
0x164: {  	_ =	swait.ge @!p0 [sflag:s0], s1  }
0x165: {  	s1 =	ssub.s32 @!p0 $0x0, s1;
	[sflag:s0] =	ssyncset.done @!p0 $0x0  }
0x166: {  	[sflag:s0] =	ssyncadd.s32 @!p0 s1  }
0x167: {  	[bflag:$0x3] =	sbarrier.arrive $0xFFFF  }
0x168: {  	_ =	shalt  }

// kernel: kernel.21.cloned.1.call-start
scs
__scs_entry_jumppad:
0x0: {  	(pc) =	sbr.rel $0x88, $3  }
0x1: {  	(tag) =	ssettag $0x0;
	lr =	simm.s32 $0x1  }
0x2: {  	[smem:$0x3F6A] =	sst lr;
	_ =	strace $0xD0000000  }
0x3: {  	_ = 	snop  }
0x4: {  	_ = 	snop  }
0x5: {  	_ = 	snop  }
0x6: {  	_ = 	snop  }
0x7: {  	_ = 	snop  }
__scs_overlays_trampoline_lowered:
0x8: {  	[smem:$0x3F79] =	sst s0  }
0x9: {  	[smem:$0x3F7A] =	sst s1  }
0xa: {  	[smem:$0x3F7B] =	sst s2  }
0xb: {  	[smem:$0x3F7C] =	sst s3  }
0xc: {  	[smem:$0x3F7D] =	sst s4  }
0xd: {  	[smem:$0x3F7E] =	sst s5  }
0xe: {  	[smem:$0x3F7F] =	sst s6  }
0xf: {  	[smem:$0x3F80] =	sst s7  }
0x10: {  	[smem:$0x3F81] =	sst s8  }
0x11: {  	[smem:$0x3F82] =	sst s9;
	s0 =	simm.s32 @!p0 $0x0  }
0x12: {  	s1 =	sld [smem:$0x3F68];
	s0 =	simm.s32 @p0 $0x1  }
0x13: {  	[smem:$0x3F83] =	sst s0;
	s0 =	simm.s32 @!p1 $0x0  }
0x14: {  	s2 =	sld [smem:$0x3F67];
	s0 =	simm.s32 @p1 $0x1  }
0x15: {  	[smem:$0x3F84] =	sst s0;
	s0 =	simm.s32 @!p2 $0x0  }
0x16: {  	s3 =	sld [smem:$0x3FDB];
	s0 =	simm.s32 @p2 $0x1  }
0x17: {  	s4 =	simm.s32 $0x1BF5;
	[smem:$0x3F86] =	sst s0  }
0x18: {  	s0 =	sld [smem:$0x3F69];
	_ =	swait.ge [sflag:s4], $0x0  }
0x19: {  	s7 =	sld [smem:$0x3F6A]  }
0x1a: {  	s8 =	sadd.s32 $0xFFFFE003, lr  }
0x1b: {  	s9 =	sadd.s32 $0xFFFFFEF7, lr;
	s5 =	simm.s32 $0xFFFFFFFF;
	p2 =	slt.u32 s8, $0xFFFFF086  }
0x1c: {  	p1 =	slt.u32 s9, $0xF7A;
	s5 =	simm.s32 @!p2 $0x0  }
0x1d: {  	s5 =	simm.s32 @p1 $0x1;
	p0 =	seq.s32 s7, s2  }
0x1e: {  	s7 =	smul.u32 @!p0 $0xF7A, s2;
	p2 =	seq.s32 @!p0 s5, $0x0  }
0x1f: {  	s9 =	smul.u32 $0xF7A, s1;
	s8 =	simm.s32 @!p0 $0x1BF5;
	p2 =	por !p2, p0  }
0x20: {  	[sflag:s8] =	ssyncset.s32 @!p0 $0xFFFFF086;
	s6 =	sadd.s32 @!p0 s3, s7;
	s7 =	simm.s32 @!p0 $0x108  }
0x21: {  	s3 =	sadd.s32 s3, s9;
	s6 =	sadd.s32 @!p0 $0x88, s6;
	s7 =	simm.s32 @p2 $0x1082  }
0x22: {  	[simem:s7], [sflag:s8] =	dma.local @!p0 [hbm:s6], $0xF7A  }
0x23: {  	s9 =	sor.u32 $0xD0000000, s2;
	s6 =	simm.s32 $0x108;
	_ =	swait.ge @!p0 [sflag:s8], $0x0  }
0x24: {  	s3 =	sadd.s32 $0x88, s3;
	s6 =	simm.s32 @!p1 $0x1082;
	[sflag:s4] =	ssyncset.s32 $0xFFFFF086  }
0x25: {  	[simem:s6], [sflag:s4] =	dma.local [hbm:s3], $0xF7A  }
0x26: {  	[smem:$0x3F6A] =	sst s1;
	(tag) =	ssettag s2;
	_ =	strace s9  }
0x27: {  	s1 =	sld [smem:$0x3F7A]  }
0x28: {  	s2 =	sld [smem:$0x3F7B]  }
0x29: {  	s4 =	sld [smem:$0x3F7D]  }
0x2a: {  	p0 =	seq.s32 s5, $0x0;
	s5 =	sld [smem:$0x3F7E]  }
0x2b: {  	s6 =	sld [smem:$0x3F7F]  }
0x2c: {  	s7 =	sld [smem:$0x3F80]  }
0x2d: {  	s3 =	simm.s32 $0x108;
	s8 =	sld [smem:$0x3F81]  }
0x2e: {  	s3 =	simm.s32 @!p0 $0x1082;
	s9 =	sld [smem:$0x3F82]  }
0x2f: {  	lr =	sadd.s32 s0, s3;
	s0 =	sld [smem:$0x3F79]  }
0x30: {  	s3 =	sld [smem:$0x3F7C]  }
0x31: {  	[smem:$0x3F85] =	sst s10  }
0x32: {  	s10 =	sld [smem:$0x3F83];
	_ =	sdelay $0x3  }
0x33: {  	p0 =	seq.s32 s10, $0x1;
	s10 =	sld [smem:$0x3F85];
	_ =	sdelay $0x3  }
0x34: {  	[smem:$0x3F85] =	sst s10  }
0x35: {  	s10 =	sld [smem:$0x3F84];
	_ =	sdelay $0x3  }
0x36: {  	p1 =	seq.s32 s10, $0x1;
	s10 =	sld [smem:$0x3F85];
	_ =	sdelay $0x3  }
0x37: {  	[smem:$0x3F85] =	sst s10  }
0x38: {  	s10 =	sld [smem:$0x3F86]  }
0x39: {  	_ = 	snop;
	(pc) =	sbr.ind lr, $3  }
0x3a: {  	_ = 	snop  }
0x3b: {  	_ = 	snop  }
0x3c: {  	p2 =	seq.s32 s10, $0x1;
	s10 =	sld [smem:$0x3F85]  }
0x3d: {  	_ =	shalt  }
0x3e: {  	_ =	shalt  }
0x3f: {  	_ =	shalt  }
0x40: {  	_ =	shalt  }
0x41: {  	_ =	shalt  }
0x42: {  	_ =	shalt  }
0x43: {  	_ =	shalt  }
0x44: {  	_ =	shalt  }
0x45: {  	_ =	shalt  }
0x46: {  	_ =	shalt  }
0x47: {  	_ =	shalt  }
0x48: {  	_ =	shalt  }
0x49: {  	_ =	shalt  }
0x4a: {  	_ =	shalt  }
0x4b: {  	_ =	shalt  }
0x4c: {  	_ =	shalt  }
0x4d: {  	_ =	shalt  }
0x4e: {  	_ =	shalt  }
0x4f: {  	_ =	shalt  }
0x50: {  	_ =	shalt  }
0x51: {  	_ =	shalt  }
0x52: {  	_ =	shalt  }
0x53: {  	_ =	shalt  }
0x54: {  	_ =	shalt  }
0x55: {  	_ =	shalt  }
0x56: {  	_ =	shalt  }
0x57: {  	_ =	shalt  }
0x58: {  	_ =	shalt  }
0x59: {  	_ =	shalt  }
0x5a: {  	_ =	shalt  }
0x5b: {  	_ =	shalt  }
0x5c: {  	_ =	shalt  }
0x5d: {  	_ =	shalt  }
0x5e: {  	_ =	shalt  }
0x5f: {  	_ =	shalt  }
0x60: {  	_ =	shalt  }
0x61: {  	_ =	shalt  }
0x62: {  	_ =	shalt  }
0x63: {  	_ =	shalt  }
0x64: {  	_ =	shalt  }
0x65: {  	_ =	shalt  }
0x66: {  	_ =	shalt  }
0x67: {  	_ =	shalt  }
0x68: {  	_ =	shalt  }
0x69: {  	_ =	shalt  }
0x6a: {  	_ =	shalt  }
0x6b: {  	_ =	shalt  }
0x6c: {  	_ =	shalt  }
0x6d: {  	_ =	shalt  }
0x6e: {  	_ =	shalt  }
0x6f: {  	_ =	shalt  }
0x70: {  	_ =	shalt  }
0x71: {  	_ =	shalt  }
0x72: {  	_ =	shalt  }
0x73: {  	_ =	shalt  }
0x74: {  	_ =	shalt  }
0x75: {  	_ =	shalt  }
0x76: {  	_ =	shalt  }
0x77: {  	_ =	shalt  }
0x78: {  	_ =	shalt  }
0x79: {  	_ =	shalt  }
0x7a: {  	_ =	shalt  }
0x7b: {  	_ =	shalt  }
0x7c: {  	_ =	shalt  }
0x7d: {  	_ =	shalt  }
0x7e: {  	_ =	shalt  }
0x7f: {  	_ =	shalt  }
0x80: {  	_ =	shalt  }
0x81: {  	_ =	shalt  }
0x82: {  	_ =	shalt  }
0x83: {  	_ =	shalt  }
0x84: {  	_ =	shalt  }
0x85: {  	_ =	shalt  }
0x86: {  	_ =	shalt  }
0x87: {  	_ =	shalt  }
.Lfunc_end0:
.L_simem_size_0:
called_computation.3_lowered:
.L_overlay_start_0:
0x88: {  	s2 =	sld [smem:$0x3FD9]  }
0x89: {  	s3 =	sld [smem:$0x3FFE];
	_ =	sdelay $0x1  }
0x8a: {  	s1 =	srdreg.scid  }
0x8b: {  	s0 =	sand.u32 $0x1, s1  }
0x8c: {  	s16 =	sshll.u32 s0, $0xA;
	s2 =	sadd.s32 s3, s2  }
0x8d: {  	s2 =	sadd.s32 s2, s16  }
0x8e: {  	[smem:$0x3F91] =	sst s2  }
0x8f: {  	_ = 	snop  }
0x90: {  	(tm) =	ssettm $0x1  }
0x91: {  	s17 =	sld [smem:$0x3FFB];
	_ =	sdelay $0x3  }
0x92: {  	_ =	strace s17  }
0x93: {  	s2 =	sld [smem:$0x3FFC];
	_ =	sdelay $0x3  }
0x94: {  	_ =	strace s2  }
0x95: {  	s2 =	sld [smem:$0x3FFD];
	_ =	sdelay $0x3  }
0x96: {  	_ =	strace s2  }
0x97: {  	_ =	strace $0x8FFFFFFF  }
0x98: {  	s18 =	sld [smem:$0x3FDB];
	_ =	sdelay $0x1  }
0x99: {  	s19 =	simm.s32 $_scs_section_size  }
0x9a: {  	s4 =	simm.s32 $_size__tile_overlayer_lowered;
	s5 =	simm.s32 $_tile_overlayer_lowered  }
0x9b: {  	s22 =	simm.s32 $0x1BFF;
	s21 =	sshll.u32 s5, $0x1;
	s2 =	sadd.s32 s19, s18  }
0x9c: {  	s6 =	simm.s32 $0x0;
	s20 =	sshll.u32 s4, $0x1;
	s4 =	sadd.s32 s21, s2  }
0x9d: {  	[timem:s6], [sflag:s22] =	dma.local [hbm:s4], s20  }
0x9e: {  	_ =	swait.ge [sflag:s22], s20  }
0x9f: {  	s3 =	ssub.s32 $0x0, s20;
	[sflag:s22] =	ssyncset.done $0x0  }
0xa0: {  	[sflag:s22] =	ssyncadd.s32 s3;
	_ =	sdelay $0x1  }
0xa1: {  	s23 =	simm.s32 $0x1B8B  }
0xa2: {  	_ =	swait.ge [sflag:s23], $0x1  }
0xa3: {  	[sflag:s23] =	ssyncset.done $0x0  }
0xa4: {  	s25 =	simm.s32 $0x1B8E;
	s24 =	sld [smem:$0x3FFE];
	[sflag:s23] =	ssyncadd.s32 $0xFFFFFFFF  }
0xa5: {  	s26 =	simm.s32 $execute0_lowered;
	[smem:$0x3FD2] =	sst s25  }
0xa6: {  	s4 =	sshll.u32 s26, $0x1;
	_ =	strace $0x8000004F;
	[dreg:$0x1] =	wrdreg $0xFFFFFFFF  }
0xa7: {  	s28 =	simm.s32 $_size_execute0_lowered;
	s2 =	sadd.s32 s2, s4;
	[dreg:$0x0] =	wrdreg $0x0  }
0xa8: {  	s4 =	sshll.u32 s28, $0x1;
	[dreg:$0x2] =	wrdreg s2  }
0xa9: {  	[dreg:$0x3] =	wrdreg s4  }
0xaa: {  	[dreg:$0x4] =	wrdreg $0xC0  }
0xab: {  	_ =	task [dreg:s6], $0x5FFFF  }
0xac: {  	[dreg:$0x1] =	wrdreg $0xFFFFFFFF  }
0xad: {  	[dreg:$0x0] =	wrdreg $0x60  }
0xae: {  	[dreg:$0x2] =	wrdreg s24  }
0xaf: {  	[dreg:$0x3] =	wrdreg $0x64800  }
0xb0: {  	[dreg:$0x4] =	wrdreg $0x9  }
0xb1: {  	_ =	task.clear_ibuf [dreg:s6], $0x5FFFF;
	_ =	strace $0x9000004F  }
0xb2: {  	s29 =	simm.s32 $0x9;
	_ =	strace $0x80000051  }
0xb3: {  	_ =	swait.ge [sflag:s29], $0x1  }
0xb4: {  	[sflag:s29] =	ssyncadd.s32 $0xFFFFFFFF  }
0xb5: {  	_ =	strace $0x90000051  }
0xb6: {  	_ =	sfence  }
0xb7: {  	s30 =	sld [smem:$0x0];
	_ =	sdelay $0x2  }
0xb8: {  	s31 =	sshll.u32 s1, $0xD;
	s1 =	sshrl.u32 s1, $0x2  }
0xb9: {  	s3 =	sand.u32 $0x4000, s31;
	s1 =	sadd.s32 s1, s30  }
0xba: {  	s0 =	sor.u32 s3, s0;
	s1 =	sshll.u32 s1, $0x11  }
0xbb: {  	s0 =	sor.u32 s1, s0  }
0xbc: {  	s0 =	sadd.s32 $0x8F2B, s0  }
0xbd: {  	[sflag:s0] =	ssyncadd.remote.s32 $0x1  }
0xbe: {  	_ =	sfence.sel $0xFFFF  }
0xbf: {  	[dreg:$0x0] =	wrdreg $0xFFFFFFFF;
	(pc) =	sbr.abs _section_cstart, $3  }
0xc0: {  	[dreg:$0x1] =	wrdreg $0xFFFFFFFF  }
0xc1: {  	_ =	task.clear_ibuf [dreg:s6], $0x2FFFF;
	_ =	strace $0x9FFFFFFF  }
0xc2: {  	(tm) =	ssettm $0x7FFFFFFF  }
0xc3: {  	_ =	shalt  }
tec
execute0_lowered:
.L_overlay_start_1:
0x0: {  	(tag) =	ssettag $0x1  }
0x1: {  	s0 =	rddreg [dreg:$0x0]  }
0x2: {  	s1 =	rddreg [dreg:$0x1]  }
0x3: {  	s3 =	simm.s32 $0x0;
	s24 =	stileid.u32;
	s2 =	srdreg.scid  }
0x4: {  	s18 =	simm.s32 $0x3;
	s19 =	simm.s32 $0x100;
	s20 =	simm.s32 $0x80  }
0x5: {  	s21 =	simm.s32 $0x280;
	s28 =	simm.s32 $0x200;
	s29 =	simm.s32 $0x2  }
0x6: {  	s31 =	simm.s32 $0x0;
	[smem:$0x7FF] =	sst s3;
	s4 =	sadd.s32 $0x39A00, s0  }
0x7: {  	s5 =	sadd.s32 $0x7FC200, s0;
	s10 =	smul.u32 $0x620, s24;
	s6 =	sadd.s32 $0x21200, s0  }
0x8: {  	s2 =	sand.u32 $0x1, s2;
	s9 =	smul.u32 $0x62000, s24;
	s7 =	sadd.s32 $0x8A00, s0  }
0x9: {  	s8 =	smul.u32 $0xC400, s24;
	s13 =	sadd.s32 $0xB6200, s0;
	s26 =	sadd.s32 $0x16F800, s1  }
0xa: {  	p1 =	seq.s32 s24, $0xF;
	_ =	strace $0x80000050;
	s14 =	smul.u32 $0x61A8, s2  }
0xb: {  	s11 =	ssub.s32 $0x2, s2;
	s16 =	smul.u32 $0x186A00, s2;
	p0 =	seq.s32 s2, $0x1  }
0xc: {  	s30 =	sshrl.u32 s26, $0x3;
	s26 =	simm.s32 $0x4280;
	s12 =	sshrl.u32 s11, $0x1  }
0xd: {  	s9 =	sshrl.u32 s9, $0x2;
	s15 =	sshrl.u32 s8, $0x3;
	[dreg:$0x6] =	wrdreg s30  }
0xe: {  	s17 =	ssub.s32 s11, s12;
	s9 =	sadd.s32 s9, s1;
	s22 =	sadd.s32 s6, s15  }
0xf: {  	s11 =	sadd.s32 s7, s15;
	s10 =	sadd.s32 s10, s14;
	s23 =	sshrl.u32 s16, $0x3  }
.Ltmp0:
0x10: {  	s12 =	sor.u32 $0x100, s8;
	[dreg:$0x3] =	wrdreg s22;
	(pc) =	sbr.rel .LBB2_1-.Ltmp0, $4  }
0x11: {  	s10 =	sshll.u32 s10, $0x3;
	s15 =	sadd.s32 s13, s23;
	s16 =	smax.u32 s17, $0x1  }
0x12: {  	s17 =	simm.s32 $0x6280;
	s22 =	simm.s32 $0x180;
	s10 =	sadd.s32 s13, s10  }
0x13: {  	s23 =	simm.s32 $0x2280;
	s25 =	sadd.s32 $0x2DF00, s15;
	[dreg:$0x4] =	wrdreg s10  }
0x14: {  	v1 =	vimm.f32 $0.0e+00;
	vm0 =	vmxor vm0, vm0;
	v0 =	vmov s14;
	s15 =	sadd.s32 $0x117C80, s0;
	[dreg:$0x5] =	wrdreg s25;
	s25 =	simm.s32 $0x1  }
.LBB2_10:
0x15: {  	s0 =	stileid.u32  }
0x16: {  	s0 =	sshll.u32 s0, $0x6  }
0x17: {  	s2 =	sshrl.u32 s9, $0x3;
	s10 =	rddreg [dreg:$0x4];
	s0 =	sor.u32 $0x1C03, s0  }
0x18: {  	[hbm:s10], [sflag:s0] =	dma.local [spmem:s2], $0x3100  }
0x19: {  	_ =	swait.ge [sflag:s18], $0x3100  }
0x1a: {  	[sflag:s18] =	ssyncset.done $0x0  }
0x1b: {  	[sflag:s18] =	ssyncadd.s32 $0xFFFFCF00  }
.LBB2_15:
0x1c: {  	s31 =	sadd.s32 $0x1, s31  }
0x1d: {  	p2 =	sne.s32 s31, s16  }
.Ltmp1:
0x1e: {  	_ = 	snop;
	(pc) =	sbr.rel @!p2 .LBB2_16-.Ltmp1, $1  }
0x1f: {  	_ =	sdelay $0x3  }
.LBB2_1:
0x20: {  	[tilespmem:$0x6280] =	vst v1  }
0x21: {  	[tilespmem:$0x6290] =	vst v1  }
0x22: {  	[tilespmem:$0x62A0] =	vst v1  }
0x23: {  	[tilespmem:$0x62B0] =	vst v1  }
0x24: {  	[tilespmem:$0x62C0] =	vst v1  }
0x25: {  	[tilespmem:$0x62D0] =	vst v1  }
0x26: {  	[tilespmem:$0x62E0] =	vst v1  }
0x27: {  	[tilespmem:$0x62F0] =	vst v1  }
0x28: {  	[tilespmem:$0x6300] =	vst v1  }
0x29: {  	[tilespmem:$0x6310] =	vst v1  }
0x2a: {  	[tilespmem:$0x6320] =	vst v1  }
0x2b: {  	[tilespmem:$0x6330] =	vst v1  }
0x2c: {  	[tilespmem:$0x6340] =	vst v1  }
0x2d: {  	[tilespmem:$0x6350] =	vst v1  }
0x2e: {  	[tilespmem:$0x6360] =	vst v1  }
0x2f: {  	[tilespmem:$0x6370] =	vst v1  }
0x30: {  	[tilespmem:$0x6380] =	vst v1  }
0x31: {  	[tilespmem:$0x6390] =	vst v1  }
0x32: {  	[tilespmem:$0x63A0] =	vst v1  }
0x33: {  	[tilespmem:$0x63B0] =	vst v1  }
0x34: {  	[tilespmem:$0x63C0] =	vst v1  }
0x35: {  	[tilespmem:$0x63D0] =	vst v1  }
0x36: {  	[tilespmem:$0x63E0] =	vst v1  }
0x37: {  	[tilespmem:$0x63F0] =	vst v1  }
0x38: {  	[tilespmem:$0x6400] =	vst v1  }
0x39: {  	[tilespmem:$0x6410] =	vst v1  }
0x3a: {  	[tilespmem:$0x6420] =	vst v1  }
0x3b: {  	[tilespmem:$0x6430] =	vst v1  }
0x3c: {  	[tilespmem:$0x6440] =	vst v1  }
0x3d: {  	[tilespmem:$0x6450] =	vst v1  }
0x3e: {  	[tilespmem:$0x6460] =	vst v1  }
0x3f: {  	[tilespmem:$0x6470] =	vst v1;
	s0 =	sadd.s32 $0x0, s9  }
0x40: {  	[spmem:s0] =	stream.linear.scatter [tilespmem:s17], [sflag:$0x3], $0x200, $0x38;
	[tilespmem:$0x1EC80] =	vst v63  }
0x41: {  	s0 =	simm.s32 $0x800;
	_ =	swait.ge [sflag:s18], $0x200  }
.LBB2_2:
0x42: {  	s2 =	sshra.s32 s0, $0x2;
	[sflag:s18] =	ssyncset.done $0x0;
	p2 =	sne.s32 s0, $0x61800  }
.Ltmp2:
0x43: {  	s2 =	sadd.s32 s2, s9;
	[sflag:s18] =	ssyncadd.s32 $0xFFFFFE00;
	(pc) =	sbr.rel @p2 .LBB2_2-.Ltmp2, $3  }
0x44: {  	[spmem:s2] =	stream.linear.scatter [tilespmem:s17], [sflag:$0x3], $0x200, $0x38;
	[tilespmem:$0x1EC80] =	vst v63  }
0x45: {  	s0 =	sadd.s32 $0x800, s0;
	_ =	sdelay $0x1  }
0x46: {  	_ =	swait.ge [sflag:s18], $0x200  }
0x47: {  	[sflag:s18] =	ssyncset.done $0x0  }
0x48: {  	[sflag:s18] =	ssyncadd.s32 $0xFFFFFE00  }
0x49: {  	[bflag:$0x0] =	sbarrier.arrive $0xFFFF  }
0x4a: {  	s0 =	simm.s32 $0x0;
	s2 =	rddreg [dreg:$0x3]  }
0x4b: {  	[tilespmem:s0], [sflag:$0x3] =	stream.linear.gather [hbm4b:s2+s0], $0x80, $0x38;
	[tilespmem:$0x1EC80] =	vst v63  }
0x4c: {  	_ =	swait.ge [sflag:s18], $0x80  }
0x4d: {  	[sflag:s18] =	ssyncset.done $0x0  }
0x4e: {  	[sflag:s18] =	ssyncadd.s32 $0xFFFFFF80  }
0x4f: {  	[tilespmem:s19], [sflag:$0x3] =	stream.linear.gather [hbm4b:s11+s0], $0x80, $0x38;
	[tilespmem:$0x1EC80] =	vst v63  }
0x50: {  	_ =	swait.ge [sflag:s18], $0x80  }
0x51: {  	[sflag:s18] =	ssyncset.done $0x0  }
0x52: {  	[sflag:s18] =	ssyncadd.s32 $0xFFFFFF80  }
0x53: {  	[tilespmem:s21], [sflag:$0x1] =	stream.indirect.gather [hbm4b:s4+s20], $0x40, s19, s20, $0xb8;
	[tilespmem:$0x1EC80] =	vst v63  }
.LBB2_4:
0x54: {  	s2 =	sshll.u32 s0, $0x8  }
0x55: {  	s10 =	sadd.s32 s8, s2  }
0x56: {  	s30 =	sadd.s32 $0x80, s10  }
0x57: {  	s13 =	sshrl.u32 s30, $0x3  }
0x58: {  	s14 =	sadd.s32 s6, s13  }
0x59: {  	[tilespmem:s20], [sflag:$0x3] =	stream.linear.gather [hbm4b:s14+s3], $0x80, $0x38;
	[tilespmem:$0x1EC80] =	vst v63  }
0x5a: {  	_ =	swait.ge [sflag:s18], $0x80  }
0x5b: {  	[sflag:s18] =	ssyncset.done $0x0  }
0x5c: {  	s13 =	sadd.s32 s7, s13;
	[sflag:s18] =	ssyncadd.s32 $0xFFFFFF80  }
0x5d: {  	[tilespmem:s22], [sflag:$0x3] =	stream.linear.gather [hbm4b:s13+s3], $0x80, $0x38;
	[tilespmem:$0x1EC80] =	vst v63  }
0x5e: {  	_ =	swait.ge [sflag:s18], $0x80  }
0x5f: {  	[sflag:s18] =	ssyncset.done $0x0  }
0x60: {  	[sflag:s18] =	ssyncadd.s32 $0xFFFFFF80  }
0x61: {  	[tilespmem:s23], [sflag:$0x2] =	stream.indirect.gather [hbm4b:s4+s20], $0x40, s22, s20, $0xb8;
	[tilespmem:$0x1EC80] =	vst v63  }
0x62: {  	_ =	swait.ge [sflag:s25], $0x2000  }
0x63: {  	s24 =	sshll.u32 s10, $0x3;
	[sflag:s25] =	ssyncset.done $0x0  }
0x64: {  	s13 =	sadd.s32 s5, s24;
	[sflag:s25] =	ssyncadd.s32 $0xFFFFE000  }
0x65: {  	[tilespmem:s26], [sflag:$0x3] =	stream.linear.gather [hbm4b:s13+s3], $0x2000, $0x38;
	[tilespmem:$0x1EC80] =	vst v63  }
0x66: {  	_ =	swait.ge [sflag:s18], $0x2000  }
0x67: {  	[sflag:s18] =	ssyncset.done $0x0  }
0x68: {  	[sflag:s18] =	ssyncadd.s32 $0xFFFFE000  }
0x69: {  	v2 =	vld [tilespmem:$0x0]  }
0x6a: {  	v3 =	vld [tilespmem:$0x10]  }
0x6b: {  	v4 =	vld [tilespmem:$0x20]  }
0x6c: {  	v5 =	vld [tilespmem:$0x30]  }
0x6d: {  	v6 =	vld [tilespmem:$0x40]  }
0x6e: {  	v7 =	vld [tilespmem:$0x50]  }
0x6f: {  	vm1 =	vmmov vm0;
	p2 =	slt.u32 s10, $0xC3500;
	s14 =	sor.u32 $0x10, s10  }
0x70: {  	vm3 =	vmmov vm0;
	vm1 =	vmneg @p2 vm1;
	p2 =	slt.u32 s14, $0xC3500  }
0x71: {  	vm4 =	vmmov vm0;
	vm3 =	vmneg @p2 vm3;
	v2 =	vsub.s32 v2, v0  }
0x72: {  	v3 =	vsub.s32 v3, v0;
	v4 =	vsub.s32 v4, v0;
	v5 =	vsub.s32 v5, v0  }
0x73: {  	v6 =	vsub.s32 v6, v0;
	v7 =	vsub.s32 v7, v0;
	vm2 =	vlt.u32 v2, $0x61A8  }
0x74: {  	s24 =	sor.u32 $0x20, s10;
	vm15 =	vlt.u32 v6, $0x61A8;
	vm1 =	vmand vm1, vm2;
	vm2 =	vlt.u32 v3, $0x61A8  }
0x75: {  	p2 =	slt.u32 s24, $0xC3500;
	v8 =	vld [tilespmem:$0x60];
	v2 =	vnsel vm1, $0x61C0, v2;
	vm1 =	vmand vm3, vm2;
	vm2 =	vmmov vm0  }
0x76: {  	s14 =	sor.u32 $0x30, s10;
	v9 =	vld [tilespmem:$0x70];
	vm5 =	vlt.u32 v7, $0x61A8;
	vm3 =	vlt.u32 v4, $0x61A8;
	vm2 =	vmneg @p2 vm2  }
0x77: {  	s24 =	sor.u32 $0x40, s10;
	p2 =	slt.u32 s14, $0xC3500;
	v3 =	vnsel vm1, $0x61C0, v3;
	vm2 =	vmand vm2, vm3;
	vm3 =	vlt.u32 v5, $0x61A8  }
0x78: {  	s14 =	sor.u32 $0x50, s10;
	vm4 =	vmneg @p2 vm4;
	p2 =	slt.u32 s24, $0xC3500;
	v4 =	vnsel vm2, $0x61C0, v4;
	vm2 =	vmmov vm0  }
0x79: {  	vm1 =	vmand vm4, vm3;
	vm3 =	vmmov vm0;
	vm2 =	vmneg @p2 vm2;
	p2 =	slt.u32 s14, $0xC3500  }
0x7a: {  	[tilespmem:$0x200] =	vst v2;
	v2 =	vnsel vm1, $0x61C0, v5;
	v5 =	vsub.s32 v8, v0;
	vm3 =	vmneg @p2 vm3  }
0x7b: {  	s24 =	sor.u32 $0x60, s10;
	vm1 =	vmand vm2, vm15;
	[tilespmem:$0x230] =	vst v2;
	v2 =	vsub.s32 v9, v0;
	vm2 =	vmand vm3, vm5  }
0x7c: {  	[tilespmem:$0x210] =	vst v3;
	s10 =	sor.u32 $0x70, s10;
	p2 =	slt.u32 s24, $0xC3500;
	v3 =	vnsel vm1, $0x61C0, v6;
	vm1 =	vmmov vm0;
	vm3 =	vmmov vm0  }
0x7d: {  	[tilespmem:$0x220] =	vst v4;
	v4 =	vnsel vm2, $0x61C0, v7;
	vm2 =	vlt.u32 v5, $0x61A8;
	vm1 =	vmneg @p2 vm1;
	p2 =	slt.u32 s10, $0xC3500  }
0x7e: {  	[tilespmem:$0x240] =	vst v3;
	vm1 =	vmand vm1, vm2;
	vm2 =	vlt.u32 v2, $0x61A8;
	vm3 =	vmneg @p2 vm3  }
0x7f: {  	[tilespmem:$0x250] =	vst v4;
	v3 =	vnsel vm1, $0x61C0, v5;
	vm1 =	vmand vm3, vm2  }
0x80: {  	[tilespmem:$0x260] =	vst v3;
	v2 =	vnsel vm1, $0x61C0, v2  }
0x81: {  	s13 =	simm.s32 $0x300;
	[tilespmem:$0x270] =	vst v2  }
0x82: {  	s14 =	simm.s32 $0x4300;
	v2 =	vld [tilespmem:s13+$0x40]  }
0x83: {  	v3 =	vld [tilespmem:s14+$0x40]  }
0x84: {  	v4 =	vld [tilespmem:s13+$0xFFFFFFC0]  }
0x85: {  	v5 =	vld [tilespmem:s14+$0xFFFFFFC0]  }
0x86: {  	v6 =	vld [tilespmem:s13+$0x0]  }
0x87: {  	v7 =	vld [tilespmem:s14+$0x0]  }
0x88: {  	v8 =	vld [tilespmem:s13+$0xFFFFFF80];
	v2 =	vmul.f32 v3, v2  }
0x89: {  	v3 =	vld [tilespmem:s14+$0xFFFFFF80]  }
0x8a: {  	[tilespmem:s13+$0x40] =	vst v2;
	v2 =	vld [tilespmem:s13+$0x50]  }
0x8b: {  	v4 =	vmul.f32 v5, v4;
	v5 =	vld [tilespmem:s14+$0x50]  }
0x8c: {  	v9 =	vld [tilespmem:s13+$0xFFFFFF90]  }
0x8d: {  	[tilespmem:s13+$0xFFFFFFC0] =	vst v4;
	v4 =	vmul.f32 v7, v6;
	v6 =	vld [tilespmem:s13+$0xFFFFFFD0]  }
0x8e: {  	v7 =	vld [tilespmem:s14+$0xFFFFFFD0];
	v3 =	vmul.f32 v3, v8  }
0x8f: {  	[tilespmem:s13+$0x0] =	vst v4;
	v4 =	vld [tilespmem:s13+$0x10]  }
0x90: {  	v8 =	vld [tilespmem:s14+$0x10];
	[tilespmem:s13+$0xFFFFFF80] =	vst v3;
	v2 =	vmul.f32 v5, v2  }
0x91: {  	v3 =	vld [tilespmem:s14+$0xFFFFFF90]  }
0x92: {  	[tilespmem:s13+$0x50] =	vst v2;
	v2 =	vld [tilespmem:s13+$0x60]  }
0x93: {  	v5 =	vmul.f32 v7, v6;
	v6 =	vld [tilespmem:s14+$0x60]  }
0x94: {  	v7 =	vld [tilespmem:s13+$0xFFFFFFA0]  }
0x95: {  	[tilespmem:s13+$0xFFFFFFD0] =	vst v5;
	v4 =	vmul.f32 v8, v4;
	v5 =	vld [tilespmem:s13+$0xFFFFFFE0]  }
0x96: {  	v8 =	vld [tilespmem:s14+$0xFFFFFFE0];
	v3 =	vmul.f32 v3, v9  }
0x97: {  	[tilespmem:s13+$0x10] =	vst v4;
	v4 =	vld [tilespmem:s13+$0x20]  }
0x98: {  	v9 =	vld [tilespmem:s14+$0x20];
	[tilespmem:s13+$0xFFFFFF90] =	vst v3;
	v2 =	vmul.f32 v6, v2  }
0x99: {  	v6 =	vld [tilespmem:s14+$0xFFFFFFA0]  }
0x9a: {  	v10 =	vld [tilespmem:s13+$0x70];
	[tilespmem:s13+$0x60] =	vst v2  }
0x9b: {  	v3 =	vmul.f32 v8, v5;
	v8 =	vld [tilespmem:s14+$0x70]  }
0x9c: {  	v2 =	vld [tilespmem:s13+$0xFFFFFFB0]  }
0x9d: {  	[tilespmem:s13+$0xFFFFFFE0] =	vst v3;
	v4 =	vmul.f32 v9, v4;
	v3 =	vld [tilespmem:s13+$0xFFFFFFF0]  }
0x9e: {  	v5 =	vld [tilespmem:s14+$0xFFFFFFF0];
	v6 =	vmul.f32 v6, v7  }
0x9f: {  	[tilespmem:s13+$0x20] =	vst v4;
	v4 =	vld [tilespmem:s13+$0x30]  }
0xa0: {  	[tilespmem:s13+$0xFFFFFFA0] =	vst v6;
	v6 =	vld [tilespmem:s14+$0x30];
	v8 =	vmul.f32 v8, v10  }
0xa1: {  	s24 =	simm.s32 $0x0;
	s10 =	simm.s32 $0x400;
	v7 =	vld [tilespmem:s14+$0xFFFFFFB0]  }
.LBB2_5:
0xa2: {  	v9 =	vld [tilespmem:s10+$0x40];
	[tilespmem:s13+$0x70] =	vst v8;
	s14 =	sadd.s32 $0x100, s14  }
0xa3: {  	s24 =	sadd.s32 $0x4, s24;
	v8 =	vld [tilespmem:s14+$0x40];
	v3 =	vmul.f32 v5, v3  }
0xa4: {  	p2 =	slt.u32 s24, $0x7C;
	v5 =	vld [tilespmem:s14+$0xFFFFFF80]  }
0xa5: {  	v10 =	vld [tilespmem:s10+$0xFFFFFFC0];
	[tilespmem:s13+$0xFFFFFFF0] =	vst v3;
	v3 =	vmul.f32 v6, v4  }
0xa6: {  	v4 =	vld [tilespmem:s14+$0xFFFFFFC0];
	v2 =	vmul.f32 v7, v2  }
0xa7: {  	v6 =	vld [tilespmem:s10+$0x0];
	[tilespmem:s13+$0x30] =	vst v3  }
0xa8: {  	v3 =	vld [tilespmem:s14+$0x0];
	v7 =	vmul.f32 v8, v9;
	[tilespmem:s13+$0xFFFFFFB0] =	vst v2;
	s13 =	smov.u32 s10  }
0xa9: {  	v2 =	vld [tilespmem:s10+$0xFFFFFF80]  }
0xaa: {  	[tilespmem:s10+$0x40] =	vst v7;
	v7 =	vld [tilespmem:s10+$0x50]  }
0xab: {  	v4 =	vmul.f32 v4, v10;
	v8 =	vld [tilespmem:s14+$0x50]  }
0xac: {  	v9 =	vld [tilespmem:s10+$0xFFFFFF90]  }
0xad: {  	[tilespmem:s10+$0xFFFFFFC0] =	vst v4;
	v4 =	vld [tilespmem:s10+$0xFFFFFFD0];
	v3 =	vmul.f32 v3, v6  }
0xae: {  	v2 =	vmul.f32 v5, v2;
	v5 =	vld [tilespmem:s14+$0xFFFFFFD0]  }
0xaf: {  	[tilespmem:s10+$0x0] =	vst v3;
	v3 =	vld [tilespmem:s10+$0x10]  }
0xb0: {  	[tilespmem:s10+$0xFFFFFF80] =	vst v2;
	v2 =	vld [tilespmem:s14+$0x10];
	v6 =	vmul.f32 v8, v7  }
0xb1: {  	v7 =	vld [tilespmem:s14+$0xFFFFFF90]  }
0xb2: {  	[tilespmem:s10+$0x50] =	vst v6;
	v6 =	vld [tilespmem:s10+$0x60]  }
0xb3: {  	v4 =	vmul.f32 v5, v4;
	v5 =	vld [tilespmem:s14+$0x60]  }
0xb4: {  	v8 =	vld [tilespmem:s10+$0xFFFFFFA0]  }
0xb5: {  	[tilespmem:s10+$0xFFFFFFD0] =	vst v4;
	v4 =	vld [tilespmem:s10+$0xFFFFFFE0];
	v2 =	vmul.f32 v2, v3  }
0xb6: {  	v3 =	vmul.f32 v7, v9;
	v7 =	vld [tilespmem:s14+$0xFFFFFFE0]  }
0xb7: {  	[tilespmem:s10+$0x10] =	vst v2;
	v9 =	vld [tilespmem:s10+$0x20]  }
0xb8: {  	[tilespmem:s10+$0xFFFFFF90] =	vst v3;
	v10 =	vld [tilespmem:s14+$0x20];
	v2 =	vmul.f32 v5, v6  }
0xb9: {  	v5 =	vld [tilespmem:s14+$0xFFFFFFA0]  }
0xba: {  	[tilespmem:s10+$0x60] =	vst v2;
	v11 =	vld [tilespmem:s10+$0x70]  }
0xbb: {  	v3 =	vmul.f32 v7, v4;
	v7 =	vld [tilespmem:s14+$0x70]  }
0xbc: {  	v2 =	vld [tilespmem:s10+$0xFFFFFFB0]  }
.Ltmp3:
0xbd: {  	[tilespmem:s10+$0xFFFFFFE0] =	vst v3;
	v3 =	vld [tilespmem:s10+$0xFFFFFFF0];
	v4 =	vmul.f32 v10, v9;
	(pc) =	sbr.rel @p2 .LBB2_5-.Ltmp3, $4  }
0xbe: {  	v6 =	vmul.f32 v5, v8;
	v5 =	vld [tilespmem:s14+$0xFFFFFFF0]  }
0xbf: {  	[tilespmem:s10+$0x20] =	vst v4;
	v4 =	vld [tilespmem:s10+$0x30]  }
0xc0: {  	[tilespmem:s10+$0xFFFFFFA0] =	vst v6;
	v6 =	vld [tilespmem:s14+$0x30];
	v8 =	vmul.f32 v7, v11  }
0xc1: {  	s10 =	sadd.s32 $0x100, s10;
	v7 =	vld [tilespmem:s14+$0xFFFFFFB0]  }
0xc2: {  	_ =	sdelay $0x1  }
0xc3: {  	v3 =	vmul.f32 v5, v3  }
0xc4: {  	[tilespmem:s13+$0x70] =	vst v8;
	v4 =	vmul.f32 v6, v4  }
0xc5: {  	[tilespmem:s13+$0xFFFFFFF0] =	vst v3;
	v2 =	vmul.f32 v7, v2  }
0xc6: {  	[tilespmem:s13+$0x30] =	vst v4  }
0xc7: {  	p2 =	seq.s32 s0, $0xC3;
	[tilespmem:s13+$0xFFFFFFB0] =	vst v2  }
0xc8: {  	[spmem:s1] =	stream.indirect.scatter.add.f32 [tilespmem:s21], [sflag:$0x3], $0x40, s28, s20, $0xb8;
	[tilespmem:$0x1EC80] =	vst v63  }
0xc9: {  	s2 =	sadd.s32 @!p2 s2, s12;
	_ =	swait.ge [sflag:s18], $0x2000  }
0xca: {  	s2 =	sshrl.u32 @!p2 s2, $0x3;
	[sflag:s18] =	ssyncset.done $0x0  }
0xcb: {  	s10 =	sadd.s32 @!p2 s6, s2;
	s13 =	simm.s32 @!p2 $0x0;
	[sflag:s18] =	ssyncadd.s32 $0xFFFFE000  }
0xcc: {  	[tilespmem:s13], [sflag:$0x3] =	stream.linear.gather @!p2 [hbm4b:s10+s13], $0x80, $0x38;
	[tilespmem:$0x1EC80] =	vst v63  }
0xcd: {  	s10 =	simm.s32 @!p2 $0x3  }
0xce: {  	_ =	swait.ge @!p2 [sflag:s10], $0x80  }
0xcf: {  	[sflag:s10] =	ssyncset.done @!p2 $0x0  }
0xd0: {  	s14 =	simm.s32 @!p2 $0x100;
	s2 =	sadd.s32 @!p2 s7, s2;
	[sflag:s10] =	ssyncadd.s32 @!p2 $0xFFFFFF80  }
0xd1: {  	[tilespmem:s14], [sflag:$0x3] =	stream.linear.gather @!p2 [hbm4b:s2+s13], $0x80, $0x38;
	[tilespmem:$0x1EC80] =	vst v63  }
0xd2: {  	_ =	swait.ge @!p2 [sflag:s10], $0x80  }
0xd3: {  	[sflag:s10] =	ssyncset.done @!p2 $0x0  }
0xd4: {  	s2 =	simm.s32 @!p2 $0x80;
	[sflag:s10] =	ssyncadd.s32 @!p2 $0xFFFFFF80;
	s10 =	simm.s32 @!p2 $0x280  }
0xd5: {  	[tilespmem:s10], [sflag:$0x1] =	stream.indirect.gather @!p2 [hbm4b:s4+s2], $0x40, s14, s2, $0xb8;
	[tilespmem:$0x1EC80] =	vst v63  }
0xd6: {  	_ =	swait.ge [sflag:s29], $0x2000  }
0xd7: {  	s13 =	sshll.u32 s30, $0x3;
	[sflag:s29] =	ssyncset.done $0x0  }
0xd8: {  	s2 =	sadd.s32 s5, s13;
	[sflag:s29] =	ssyncadd.s32 $0xFFFFE000  }
0xd9: {  	[tilespmem:s26], [sflag:$0x3] =	stream.linear.gather [hbm4b:s2+s3], $0x2000, $0x38;
	[tilespmem:$0x1EC80] =	vst v63  }
0xda: {  	_ =	swait.ge [sflag:s18], $0x2000  }
0xdb: {  	[sflag:s18] =	ssyncset.done $0x0  }
0xdc: {  	[sflag:s18] =	ssyncadd.s32 $0xFFFFE000  }
0xdd: {  	v2 =	vld [tilespmem:$0x80]  }
0xde: {  	v3 =	vld [tilespmem:$0x90]  }
0xdf: {  	v4 =	vld [tilespmem:$0xA0]  }
0xe0: {  	v5 =	vld [tilespmem:$0xB0]  }
0xe1: {  	v6 =	vld [tilespmem:$0xC0]  }
0xe2: {  	v7 =	vld [tilespmem:$0xD0]  }
0xe3: {  	vm1 =	vmmov vm0;
	p2 =	slt.u32 s30, $0xC3500;
	s14 =	sor.u32 $0x10, s30  }
0xe4: {  	vm3 =	vmmov vm0;
	vm1 =	vmneg @p2 vm1;
	p2 =	slt.u32 s14, $0xC3500  }
0xe5: {  	vm4 =	vmmov vm0;
	vm3 =	vmneg @p2 vm3;
	v2 =	vsub.s32 v2, v0  }
0xe6: {  	v3 =	vsub.s32 v3, v0;
	v4 =	vsub.s32 v4, v0;
	v5 =	vsub.s32 v5, v0  }
0xe7: {  	v6 =	vsub.s32 v6, v0;
	v7 =	vsub.s32 v7, v0;
	vm2 =	vlt.u32 v2, $0x61A8  }
0xe8: {  	s24 =	sor.u32 $0x20, s30;
	vm15 =	vlt.u32 v6, $0x61A8;
	vm1 =	vmand vm1, vm2;
	vm2 =	vlt.u32 v3, $0x61A8  }
0xe9: {  	p2 =	slt.u32 s24, $0xC3500;
	v8 =	vld [tilespmem:$0xE0];
	v2 =	vnsel vm1, $0x61C0, v2;
	vm1 =	vmand vm3, vm2;
	vm2 =	vmmov vm0  }
0xea: {  	s10 =	sor.u32 $0x30, s30;
	v9 =	vld [tilespmem:$0xF0];
	vm5 =	vlt.u32 v7, $0x61A8;
	vm3 =	vlt.u32 v4, $0x61A8;
	vm2 =	vmneg @p2 vm2  }
0xeb: {  	s13 =	sor.u32 $0x40, s30;
	p2 =	slt.u32 s10, $0xC3500;
	v3 =	vnsel vm1, $0x61C0, v3;
	vm2 =	vmand vm2, vm3;
	vm3 =	vlt.u32 v5, $0x61A8  }
0xec: {  	s14 =	sor.u32 $0x50, s30;
	vm4 =	vmneg @p2 vm4;
	p2 =	slt.u32 s13, $0xC3500;
	v4 =	vnsel vm2, $0x61C0, v4;
	vm2 =	vmmov vm0  }
0xed: {  	vm1 =	vmand vm4, vm3;
	vm3 =	vmmov vm0;
	vm2 =	vmneg @p2 vm2;
	p2 =	slt.u32 s14, $0xC3500  }
0xee: {  	[tilespmem:$0x200] =	vst v2;
	v2 =	vnsel vm1, $0x61C0, v5;
	v5 =	vsub.s32 v8, v0;
	vm3 =	vmneg @p2 vm3  }
0xef: {  	s24 =	sor.u32 $0x60, s30;
	vm1 =	vmand vm2, vm15;
	[tilespmem:$0x230] =	vst v2;
	v2 =	vsub.s32 v9, v0;
	vm2 =	vmand vm3, vm5  }
0xf0: {  	s30 =	sor.u32 $0x70, s30;
	[tilespmem:$0x210] =	vst v3;
	p2 =	slt.u32 s24, $0xC3500;
	v3 =	vnsel vm1, $0x61C0, v6;
	vm1 =	vmmov vm0;
	vm3 =	vmmov vm0  }
0xf1: {  	[tilespmem:$0x220] =	vst v4;
	v4 =	vnsel vm2, $0x61C0, v7;
	vm2 =	vlt.u32 v5, $0x61A8;
	vm1 =	vmneg @p2 vm1;
	p2 =	slt.u32 s30, $0xC3500  }
0xf2: {  	[tilespmem:$0x240] =	vst v3;
	vm1 =	vmand vm1, vm2;
	vm2 =	vlt.u32 v2, $0x61A8;
	vm3 =	vmneg @p2 vm3  }
0xf3: {  	[tilespmem:$0x250] =	vst v4;
	v3 =	vnsel vm1, $0x61C0, v5;
	vm1 =	vmand vm3, vm2  }
0xf4: {  	[tilespmem:$0x260] =	vst v3;
	v2 =	vnsel vm1, $0x61C0, v2  }
0xf5: {  	s2 =	simm.s32 $0x2300;
	[tilespmem:$0x270] =	vst v2  }
0xf6: {  	s13 =	simm.s32 $0x4300;
	v2 =	vld [tilespmem:s2+$0x40]  }
0xf7: {  	v3 =	vld [tilespmem:s13+$0x40]  }
0xf8: {  	v4 =	vld [tilespmem:s2+$0xFFFFFFC0]  }
0xf9: {  	v5 =	vld [tilespmem:s13+$0xFFFFFFC0]  }
0xfa: {  	v6 =	vld [tilespmem:s2+$0x0]  }
0xfb: {  	v7 =	vld [tilespmem:s13+$0x0]  }
0xfc: {  	v8 =	vld [tilespmem:s2+$0xFFFFFF80];
	v2 =	vmul.f32 v3, v2  }
0xfd: {  	v3 =	vld [tilespmem:s13+$0xFFFFFF80]  }
0xfe: {  	[tilespmem:s2+$0x40] =	vst v2;
	v2 =	vld [tilespmem:s2+$0x50]  }
0xff: {  	v4 =	vmul.f32 v5, v4;
	v5 =	vld [tilespmem:s13+$0x50]  }
0x100: {  	v9 =	vld [tilespmem:s2+$0xFFFFFF90]  }
0x101: {  	[tilespmem:s2+$0xFFFFFFC0] =	vst v4;
	v4 =	vmul.f32 v7, v6;
	v6 =	vld [tilespmem:s2+$0xFFFFFFD0]  }
0x102: {  	v7 =	vld [tilespmem:s13+$0xFFFFFFD0];
	v3 =	vmul.f32 v3, v8  }
0x103: {  	[tilespmem:s2+$0x0] =	vst v4;
	v4 =	vld [tilespmem:s2+$0x10]  }
0x104: {  	v8 =	vld [tilespmem:s13+$0x10];
	[tilespmem:s2+$0xFFFFFF80] =	vst v3;
	v2 =	vmul.f32 v5, v2  }
0x105: {  	v3 =	vld [tilespmem:s13+$0xFFFFFF90]  }
0x106: {  	[tilespmem:s2+$0x50] =	vst v2;
	v2 =	vld [tilespmem:s2+$0x60]  }
0x107: {  	v5 =	vmul.f32 v7, v6;
	v6 =	vld [tilespmem:s13+$0x60]  }
0x108: {  	v7 =	vld [tilespmem:s2+$0xFFFFFFA0]  }
0x109: {  	[tilespmem:s2+$0xFFFFFFD0] =	vst v5;
	v4 =	vmul.f32 v8, v4;
	v5 =	vld [tilespmem:s2+$0xFFFFFFE0]  }
0x10a: {  	v8 =	vld [tilespmem:s13+$0xFFFFFFE0];
	v3 =	vmul.f32 v3, v9  }
0x10b: {  	[tilespmem:s2+$0x10] =	vst v4;
	v4 =	vld [tilespmem:s2+$0x20]  }
0x10c: {  	v9 =	vld [tilespmem:s13+$0x20];
	[tilespmem:s2+$0xFFFFFF90] =	vst v3;
	v2 =	vmul.f32 v6, v2  }
0x10d: {  	v6 =	vld [tilespmem:s13+$0xFFFFFFA0]  }
0x10e: {  	v10 =	vld [tilespmem:s2+$0x70];
	[tilespmem:s2+$0x60] =	vst v2  }
0x10f: {  	v3 =	vmul.f32 v8, v5;
	v8 =	vld [tilespmem:s13+$0x70]  }
0x110: {  	v2 =	vld [tilespmem:s2+$0xFFFFFFB0]  }
0x111: {  	[tilespmem:s2+$0xFFFFFFE0] =	vst v3;
	v4 =	vmul.f32 v9, v4;
	v3 =	vld [tilespmem:s2+$0xFFFFFFF0]  }
0x112: {  	v5 =	vld [tilespmem:s13+$0xFFFFFFF0];
	v6 =	vmul.f32 v6, v7  }
0x113: {  	[tilespmem:s2+$0x20] =	vst v4;
	v4 =	vld [tilespmem:s2+$0x30]  }
0x114: {  	[tilespmem:s2+$0xFFFFFFA0] =	vst v6;
	v6 =	vld [tilespmem:s13+$0x30];
	v8 =	vmul.f32 v8, v10  }
0x115: {  	s10 =	simm.s32 $0x2400;
	s14 =	simm.s32 $0x0;
	v7 =	vld [tilespmem:s13+$0xFFFFFFB0]  }
.LBB2_7:
0x116: {  	v9 =	vld [tilespmem:s10+$0x40];
	[tilespmem:s2+$0x70] =	vst v8;
	s13 =	sadd.s32 $0x100, s13  }
0x117: {  	s14 =	sadd.s32 $0x4, s14;
	v8 =	vld [tilespmem:s13+$0x40];
	v3 =	vmul.f32 v5, v3  }
0x118: {  	p2 =	slt.u32 s14, $0x7C;
	v5 =	vld [tilespmem:s13+$0xFFFFFF80]  }
0x119: {  	v10 =	vld [tilespmem:s10+$0xFFFFFFC0];
	[tilespmem:s2+$0xFFFFFFF0] =	vst v3;
	v3 =	vmul.f32 v6, v4  }
0x11a: {  	v4 =	vld [tilespmem:s13+$0xFFFFFFC0];
	v2 =	vmul.f32 v7, v2  }
0x11b: {  	v6 =	vld [tilespmem:s10+$0x0];
	[tilespmem:s2+$0x30] =	vst v3  }
0x11c: {  	v3 =	vld [tilespmem:s13+$0x0];
	v7 =	vmul.f32 v8, v9;
	[tilespmem:s2+$0xFFFFFFB0] =	vst v2;
	s2 =	smov.u32 s10  }
0x11d: {  	v2 =	vld [tilespmem:s10+$0xFFFFFF80]  }
0x11e: {  	[tilespmem:s10+$0x40] =	vst v7;
	v7 =	vld [tilespmem:s10+$0x50]  }
0x11f: {  	v4 =	vmul.f32 v4, v10;
	v8 =	vld [tilespmem:s13+$0x50]  }
0x120: {  	v9 =	vld [tilespmem:s10+$0xFFFFFF90]  }
0x121: {  	[tilespmem:s10+$0xFFFFFFC0] =	vst v4;
	v4 =	vld [tilespmem:s10+$0xFFFFFFD0];
	v3 =	vmul.f32 v3, v6  }
0x122: {  	v2 =	vmul.f32 v5, v2;
	v5 =	vld [tilespmem:s13+$0xFFFFFFD0]  }
0x123: {  	[tilespmem:s10+$0x0] =	vst v3;
	v3 =	vld [tilespmem:s10+$0x10]  }
0x124: {  	[tilespmem:s10+$0xFFFFFF80] =	vst v2;
	v2 =	vld [tilespmem:s13+$0x10];
	v6 =	vmul.f32 v8, v7  }
0x125: {  	v7 =	vld [tilespmem:s13+$0xFFFFFF90]  }
0x126: {  	[tilespmem:s10+$0x50] =	vst v6;
	v6 =	vld [tilespmem:s10+$0x60]  }
0x127: {  	v4 =	vmul.f32 v5, v4;
	v5 =	vld [tilespmem:s13+$0x60]  }
0x128: {  	v8 =	vld [tilespmem:s10+$0xFFFFFFA0]  }
0x129: {  	[tilespmem:s10+$0xFFFFFFD0] =	vst v4;
	v4 =	vld [tilespmem:s10+$0xFFFFFFE0];
	v2 =	vmul.f32 v2, v3  }
0x12a: {  	v3 =	vmul.f32 v7, v9;
	v7 =	vld [tilespmem:s13+$0xFFFFFFE0]  }
0x12b: {  	[tilespmem:s10+$0x10] =	vst v2;
	v9 =	vld [tilespmem:s10+$0x20]  }
0x12c: {  	[tilespmem:s10+$0xFFFFFF90] =	vst v3;
	v10 =	vld [tilespmem:s13+$0x20];
	v2 =	vmul.f32 v5, v6  }
0x12d: {  	v5 =	vld [tilespmem:s13+$0xFFFFFFA0]  }
0x12e: {  	[tilespmem:s10+$0x60] =	vst v2;
	v11 =	vld [tilespmem:s10+$0x70]  }
0x12f: {  	v3 =	vmul.f32 v7, v4;
	v7 =	vld [tilespmem:s13+$0x70]  }
0x130: {  	v2 =	vld [tilespmem:s10+$0xFFFFFFB0]  }
.Ltmp4:
0x131: {  	[tilespmem:s10+$0xFFFFFFE0] =	vst v3;
	v3 =	vld [tilespmem:s10+$0xFFFFFFF0];
	v4 =	vmul.f32 v10, v9;
	(pc) =	sbr.rel @p2 .LBB2_7-.Ltmp4, $4  }
0x132: {  	v6 =	vmul.f32 v5, v8;
	v5 =	vld [tilespmem:s13+$0xFFFFFFF0]  }
0x133: {  	[tilespmem:s10+$0x20] =	vst v4;
	v4 =	vld [tilespmem:s10+$0x30]  }
0x134: {  	[tilespmem:s10+$0xFFFFFFA0] =	vst v6;
	v6 =	vld [tilespmem:s13+$0x30];
	v8 =	vmul.f32 v7, v11  }
0x135: {  	s10 =	sadd.s32 $0x100, s10;
	v7 =	vld [tilespmem:s13+$0xFFFFFFB0]  }
0x136: {  	_ =	sdelay $0x1  }
0x137: {  	v3 =	vmul.f32 v5, v3  }
0x138: {  	[tilespmem:s2+$0x70] =	vst v8;
	v4 =	vmul.f32 v6, v4  }
0x139: {  	s0 =	sadd.s32 $0x1, s0;
	[tilespmem:s2+$0xFFFFFFF0] =	vst v3;
	v2 =	vmul.f32 v7, v2  }
0x13a: {  	p2 =	sne.s32 s0, $0xC4;
	[tilespmem:s2+$0x30] =	vst v4  }
.Ltmp5:
0x13b: {  	[tilespmem:s2+$0xFFFFFFB0] =	vst v2;
	(pc) =	sbr.rel @p2 .LBB2_4-.Ltmp5, $4  }
0x13c: {  	[spmem:s1] =	stream.indirect.scatter.add.f32 [tilespmem:s23], [sflag:$0x3], $0x40, s28, s20, $0xb8;
	[tilespmem:$0x1EC80] =	vst v63  }
0x13d: {  	_ =	swait.ge [sflag:s18], $0x2000  }
0x13e: {  	[sflag:s18] =	ssyncset.done $0x0  }
0x13f: {  	[sflag:s18] =	ssyncadd.s32 $0xFFFFE000  }
.Ltmp6:
0x140: {  	(pc) =	sbr.rel @!p1 .LBB2_10-.Ltmp6, $2  }
0x141: {  	_ =	sdelay $0x1  }
0x142: {  	[bflag:$0x0] =	sbarrier.arrive $0xFFFF;
	_ =	sdelay $0x1  }
0x143: {  	s0 =	rddreg [dreg:$0x5]  }
.Ltmp7:
0x144: {  	s2 =	rddreg [dreg:$0x6];
	s10 =	simm.s32 $0x1FC3;
	(pc) =	sbr.rel @!p0 .LBB2_15-.Ltmp7, $4  }
0x145: {  	[hbm:s0], [sflag:s10] =	dma.local [spmem:s2], $0x2E40  }
0x146: {  	_ =	swait.ge [sflag:s18], $0x2E40  }
0x147: {  	[sflag:s18] =	ssyncset.done $0x0  }
0x148: {  	s0 =	simm.s32 $0x0;
	[sflag:s18] =	ssyncadd.s32 $0xFFFFD1C0  }
0x149: {  	s2 =	sadd.s32 s0, s15  }
0x14a: {  	[hbm4b:s2+s3] =	stream.linear.scatter [tilespmem:s17], [sflag:$0x3], $0x200, $0x38;
	[tilespmem:$0x1EC80] =	vst v63  }
0x14b: {  	_ =	swait.ge [sflag:s18], $0x200  }
0x14c: {  	s0 =	sadd.s32 $0x40, s0;
	[sflag:s18] =	ssyncset.done $0x0  }
.LBB2_13:
0x14d: {  	s2 =	sadd.s32 s0, s15;
	[sflag:s18] =	ssyncadd.s32 $0xFFFFFE00;
	p2 =	sne.s32 s0, $0x540  }
0x14e: {  	[hbm4b:s2+s3] =	stream.linear.scatter [tilespmem:s17], [sflag:$0x3], $0x200, $0x38;
	[tilespmem:$0x1EC80] =	vst v63  }
.Ltmp8:
0x14f: {  	_ = 	snop;
	(pc) =	sbr.rel @p2 .LBB2_13-.Ltmp8, $4  }
0x150: {  	_ = 	snop  }
0x151: {  	s0 =	sadd.s32 $0x40, s0  }
0x152: {  	_ =	swait.ge [sflag:s18], $0x200  }
0x153: {  	[sflag:s18] =	ssyncset.done $0x0  }
.Ltmp9:
0x154: {  	(pc) =	sbr.rel .LBB2_15-.Ltmp9, $2  }
0x155: {  	_ =	sdelay $0x2  }
0x156: {  	[sflag:s18] =	ssyncadd.s32 $0xFFFFFE00  }
.LBB2_16:
0x157: {  	_ =	sfence.sel $0x180000  }
0x158: {  	[bflag:$0x0] =	sbarrier.arrive $0xFFFF  }
0x159: {  	_ =	strace $0x90000050  }
0x15a: {  	s0 =	stileid.u32;
	[bflag:$0x2] =	sbarrier.arrive $0xFFFF  }
0x15b: {  	p0 =	sne.s32 s0, $0x0;
	s0 =	rddreg [dreg:$0x2]  }
0x15c: {  	s0 =	sadd.s32 @!p0 $0x100000, s0  }
0x15d: {  	[sflag:s0] =	ssyncadd.tile.s32 @!p0 $0x1;
	_ =	shalt  }
.Lfunc_end2:
_tile_overlayer_lowered:
.L_overlay_start_2:
0x15e: {  	(tag) =	ssettag $0x2  }
0x15f: {  	s0 =	rddreg [dreg:$0x0];
	s2 =	stileid.u32  }
0x160: {  	s1 =	rddreg [dreg:$0x1];
	p0 =	sne.s32 s2, $0x0  }
0x161: {  	s3 =	rddreg [dreg:$0x2];
	[bflag:$0x3] =	sbarrier.arrive $0xFFFF;
	s2 =	simm.s32 @!p0 $0x1C03  }
0x162: {  	[timem:s3], [sflag:s2] =	dma.local @!p0 [hbm:s0], s1  }
0x163: {  	s0 =	simm.s32 @!p0 $0x3  }
0x164: {  	_ =	swait.ge @!p0 [sflag:s0], s1  }
0x165: {  	s1 =	ssub.s32 @!p0 $0x0, s1;
	[sflag:s0] =	ssyncset.done @!p0 $0x0  }
0x166: {  	[sflag:s0] =	ssyncadd.s32 @!p0 s1  }
0x167: {  	[bflag:$0x3] =	sbarrier.arrive $0xFFFF  }
0x168: {  	_ =	shalt  }

// kernel: kernel.24.cloned.1.call-start
scs
__scs_entry_jumppad:
0x0: {  	(pc) =	sbr.rel $0x88, $3  }
0x1: {  	(tag) =	ssettag $0x0;
	lr =	simm.s32 $0x1  }
0x2: {  	[smem:$0x3F6A] =	sst lr;
	_ =	strace $0xD0000000  }
0x3: {  	_ = 	snop  }
0x4: {  	_ = 	snop  }
0x5: {  	_ = 	snop  }
0x6: {  	_ = 	snop  }
0x7: {  	_ = 	snop  }
__scs_overlays_trampoline_lowered:
0x8: {  	[smem:$0x3F79] =	sst s0  }
0x9: {  	[smem:$0x3F7A] =	sst s1  }
0xa: {  	[smem:$0x3F7B] =	sst s2  }
0xb: {  	[smem:$0x3F7C] =	sst s3  }
0xc: {  	[smem:$0x3F7D] =	sst s4  }
0xd: {  	[smem:$0x3F7E] =	sst s5  }
0xe: {  	[smem:$0x3F7F] =	sst s6  }
0xf: {  	[smem:$0x3F80] =	sst s7  }
0x10: {  	[smem:$0x3F81] =	sst s8  }
0x11: {  	[smem:$0x3F82] =	sst s9;
	s0 =	simm.s32 @!p0 $0x0  }
0x12: {  	s1 =	sld [smem:$0x3F68];
	s0 =	simm.s32 @p0 $0x1  }
0x13: {  	[smem:$0x3F83] =	sst s0;
	s0 =	simm.s32 @!p1 $0x0  }
0x14: {  	s2 =	sld [smem:$0x3F67];
	s0 =	simm.s32 @p1 $0x1  }
0x15: {  	[smem:$0x3F84] =	sst s0;
	s0 =	simm.s32 @!p2 $0x0  }
0x16: {  	s3 =	sld [smem:$0x3FDB];
	s0 =	simm.s32 @p2 $0x1  }
0x17: {  	s4 =	simm.s32 $0x1BF5;
	[smem:$0x3F86] =	sst s0  }
0x18: {  	s0 =	sld [smem:$0x3F69];
	_ =	swait.ge [sflag:s4], $0x0  }
0x19: {  	s7 =	sld [smem:$0x3F6A]  }
0x1a: {  	s8 =	sadd.s32 $0xFFFFE003, lr  }
0x1b: {  	s9 =	sadd.s32 $0xFFFFFEF7, lr;
	s5 =	simm.s32 $0xFFFFFFFF;
	p2 =	slt.u32 s8, $0xFFFFF086  }
0x1c: {  	p1 =	slt.u32 s9, $0xF7A;
	s5 =	simm.s32 @!p2 $0x0  }
0x1d: {  	s5 =	simm.s32 @p1 $0x1;
	p0 =	seq.s32 s7, s2  }
0x1e: {  	s7 =	smul.u32 @!p0 $0xF7A, s2;
	p2 =	seq.s32 @!p0 s5, $0x0  }
0x1f: {  	s9 =	smul.u32 $0xF7A, s1;
	s8 =	simm.s32 @!p0 $0x1BF5;
	p2 =	por !p2, p0  }
0x20: {  	[sflag:s8] =	ssyncset.s32 @!p0 $0xFFFFF086;
	s6 =	sadd.s32 @!p0 s3, s7;
	s7 =	simm.s32 @!p0 $0x108  }
0x21: {  	s3 =	sadd.s32 s3, s9;
	s6 =	sadd.s32 @!p0 $0x88, s6;
	s7 =	simm.s32 @p2 $0x1082  }
0x22: {  	[simem:s7], [sflag:s8] =	dma.local @!p0 [hbm:s6], $0xF7A  }
0x23: {  	s9 =	sor.u32 $0xD0000000, s2;
	s6 =	simm.s32 $0x108;
	_ =	swait.ge @!p0 [sflag:s8], $0x0  }
0x24: {  	s3 =	sadd.s32 $0x88, s3;
	s6 =	simm.s32 @!p1 $0x1082;
	[sflag:s4] =	ssyncset.s32 $0xFFFFF086  }
0x25: {  	[simem:s6], [sflag:s4] =	dma.local [hbm:s3], $0xF7A  }
0x26: {  	[smem:$0x3F6A] =	sst s1;
	(tag) =	ssettag s2;
	_ =	strace s9  }
0x27: {  	s1 =	sld [smem:$0x3F7A]  }
0x28: {  	s2 =	sld [smem:$0x3F7B]  }
0x29: {  	s4 =	sld [smem:$0x3F7D]  }
0x2a: {  	p0 =	seq.s32 s5, $0x0;
	s5 =	sld [smem:$0x3F7E]  }
0x2b: {  	s6 =	sld [smem:$0x3F7F]  }
0x2c: {  	s7 =	sld [smem:$0x3F80]  }
0x2d: {  	s3 =	simm.s32 $0x108;
	s8 =	sld [smem:$0x3F81]  }
0x2e: {  	s3 =	simm.s32 @!p0 $0x1082;
	s9 =	sld [smem:$0x3F82]  }
0x2f: {  	lr =	sadd.s32 s0, s3;
	s0 =	sld [smem:$0x3F79]  }
0x30: {  	s3 =	sld [smem:$0x3F7C]  }
0x31: {  	[smem:$0x3F85] =	sst s10  }
0x32: {  	s10 =	sld [smem:$0x3F83];
	_ =	sdelay $0x3  }
0x33: {  	p0 =	seq.s32 s10, $0x1;
	s10 =	sld [smem:$0x3F85];
	_ =	sdelay $0x3  }
0x34: {  	[smem:$0x3F85] =	sst s10  }
0x35: {  	s10 =	sld [smem:$0x3F84];
	_ =	sdelay $0x3  }
0x36: {  	p1 =	seq.s32 s10, $0x1;
	s10 =	sld [smem:$0x3F85];
	_ =	sdelay $0x3  }
0x37: {  	[smem:$0x3F85] =	sst s10  }
0x38: {  	s10 =	sld [smem:$0x3F86]  }
0x39: {  	_ = 	snop;
	(pc) =	sbr.ind lr, $3  }
0x3a: {  	_ = 	snop  }
0x3b: {  	_ = 	snop  }
0x3c: {  	p2 =	seq.s32 s10, $0x1;
	s10 =	sld [smem:$0x3F85]  }
0x3d: {  	_ =	shalt  }
0x3e: {  	_ =	shalt  }
0x3f: {  	_ =	shalt  }
0x40: {  	_ =	shalt  }
0x41: {  	_ =	shalt  }
0x42: {  	_ =	shalt  }
0x43: {  	_ =	shalt  }
0x44: {  	_ =	shalt  }
0x45: {  	_ =	shalt  }
0x46: {  	_ =	shalt  }
0x47: {  	_ =	shalt  }
0x48: {  	_ =	shalt  }
0x49: {  	_ =	shalt  }
0x4a: {  	_ =	shalt  }
0x4b: {  	_ =	shalt  }
0x4c: {  	_ =	shalt  }
0x4d: {  	_ =	shalt  }
0x4e: {  	_ =	shalt  }
0x4f: {  	_ =	shalt  }
0x50: {  	_ =	shalt  }
0x51: {  	_ =	shalt  }
0x52: {  	_ =	shalt  }
0x53: {  	_ =	shalt  }
0x54: {  	_ =	shalt  }
0x55: {  	_ =	shalt  }
0x56: {  	_ =	shalt  }
0x57: {  	_ =	shalt  }
0x58: {  	_ =	shalt  }
0x59: {  	_ =	shalt  }
0x5a: {  	_ =	shalt  }
0x5b: {  	_ =	shalt  }
0x5c: {  	_ =	shalt  }
0x5d: {  	_ =	shalt  }
0x5e: {  	_ =	shalt  }
0x5f: {  	_ =	shalt  }
0x60: {  	_ =	shalt  }
0x61: {  	_ =	shalt  }
0x62: {  	_ =	shalt  }
0x63: {  	_ =	shalt  }
0x64: {  	_ =	shalt  }
0x65: {  	_ =	shalt  }
0x66: {  	_ =	shalt  }
0x67: {  	_ =	shalt  }
0x68: {  	_ =	shalt  }
0x69: {  	_ =	shalt  }
0x6a: {  	_ =	shalt  }
0x6b: {  	_ =	shalt  }
0x6c: {  	_ =	shalt  }
0x6d: {  	_ =	shalt  }
0x6e: {  	_ =	shalt  }
0x6f: {  	_ =	shalt  }
0x70: {  	_ =	shalt  }
0x71: {  	_ =	shalt  }
0x72: {  	_ =	shalt  }
0x73: {  	_ =	shalt  }
0x74: {  	_ =	shalt  }
0x75: {  	_ =	shalt  }
0x76: {  	_ =	shalt  }
0x77: {  	_ =	shalt  }
0x78: {  	_ =	shalt  }
0x79: {  	_ =	shalt  }
0x7a: {  	_ =	shalt  }
0x7b: {  	_ =	shalt  }
0x7c: {  	_ =	shalt  }
0x7d: {  	_ =	shalt  }
0x7e: {  	_ =	shalt  }
0x7f: {  	_ =	shalt  }
0x80: {  	_ =	shalt  }
0x81: {  	_ =	shalt  }
0x82: {  	_ =	shalt  }
0x83: {  	_ =	shalt  }
0x84: {  	_ =	shalt  }
0x85: {  	_ =	shalt  }
0x86: {  	_ =	shalt  }
0x87: {  	_ =	shalt  }
.Lfunc_end0:
.L_simem_size_0:
called_computation.4_lowered:
.L_overlay_start_0:
0x88: {  	s2 =	sld [smem:$0x3FD9]  }
0x89: {  	s3 =	sld [smem:$0x3FFE];
	_ =	sdelay $0x1  }
0x8a: {  	s1 =	srdreg.scid  }
0x8b: {  	s0 =	sand.u32 $0x1, s1  }
0x8c: {  	s16 =	sshll.u32 s0, $0xA;
	s2 =	sadd.s32 s3, s2  }
0x8d: {  	s2 =	sadd.s32 s2, s16  }
0x8e: {  	[smem:$0x3F91] =	sst s2  }
0x8f: {  	_ = 	snop  }
0x90: {  	(tm) =	ssettm $0x1  }
0x91: {  	s17 =	sld [smem:$0x3FFB];
	_ =	sdelay $0x3  }
0x92: {  	_ =	strace s17  }
0x93: {  	s2 =	sld [smem:$0x3FFC];
	_ =	sdelay $0x3  }
0x94: {  	_ =	strace s2  }
0x95: {  	s2 =	sld [smem:$0x3FFD];
	_ =	sdelay $0x3  }
0x96: {  	_ =	strace s2  }
0x97: {  	_ =	strace $0x8FFFFFFF  }
0x98: {  	s18 =	sld [smem:$0x3FDB];
	_ =	sdelay $0x1  }
0x99: {  	s19 =	simm.s32 $_scs_section_size  }
0x9a: {  	s4 =	simm.s32 $_size__tile_overlayer_lowered;
	s5 =	simm.s32 $_tile_overlayer_lowered  }
0x9b: {  	s22 =	simm.s32 $0x1BFF;
	s21 =	sshll.u32 s5, $0x1;
	s2 =	sadd.s32 s19, s18  }
0x9c: {  	s6 =	simm.s32 $0x0;
	s20 =	sshll.u32 s4, $0x1;
	s4 =	sadd.s32 s21, s2  }
0x9d: {  	[timem:s6], [sflag:s22] =	dma.local [hbm:s4], s20  }
0x9e: {  	_ =	swait.ge [sflag:s22], s20  }
0x9f: {  	s3 =	ssub.s32 $0x0, s20;
	[sflag:s22] =	ssyncset.done $0x0  }
0xa0: {  	[sflag:s22] =	ssyncadd.s32 s3;
	_ =	sdelay $0x1  }
0xa1: {  	s23 =	simm.s32 $0x1B8B  }
0xa2: {  	_ =	swait.ge [sflag:s23], $0x1  }
0xa3: {  	[sflag:s23] =	ssyncset.done $0x0  }
0xa4: {  	s25 =	simm.s32 $0x1B8E;
	s24 =	sld [smem:$0x3FFE];
	[sflag:s23] =	ssyncadd.s32 $0xFFFFFFFF  }
0xa5: {  	s26 =	simm.s32 $execute0_lowered;
	[smem:$0x3FD2] =	sst s25  }
0xa6: {  	s4 =	sshll.u32 s26, $0x1;
	_ =	strace $0x80000052;
	[dreg:$0x1] =	wrdreg $0xFFFFFFFF  }
0xa7: {  	s28 =	simm.s32 $_size_execute0_lowered;
	s2 =	sadd.s32 s2, s4;
	[dreg:$0x0] =	wrdreg $0x0  }
0xa8: {  	s4 =	sshll.u32 s28, $0x1;
	[dreg:$0x2] =	wrdreg s2  }
0xa9: {  	[dreg:$0x3] =	wrdreg s4  }
0xaa: {  	[dreg:$0x4] =	wrdreg $0xC0  }
0xab: {  	_ =	task [dreg:s6], $0x5FFFF  }
0xac: {  	[dreg:$0x1] =	wrdreg $0xFFFFFFFF  }
0xad: {  	[dreg:$0x0] =	wrdreg $0x60  }
0xae: {  	[dreg:$0x2] =	wrdreg s24  }
0xaf: {  	[dreg:$0x3] =	wrdreg $0x64800  }
0xb0: {  	[dreg:$0x4] =	wrdreg $0x9  }
0xb1: {  	_ =	task.clear_ibuf [dreg:s6], $0x5FFFF;
	_ =	strace $0x90000052  }
0xb2: {  	s29 =	simm.s32 $0x9;
	_ =	strace $0x80000054  }
0xb3: {  	_ =	swait.ge [sflag:s29], $0x1  }
0xb4: {  	[sflag:s29] =	ssyncadd.s32 $0xFFFFFFFF  }
0xb5: {  	_ =	strace $0x90000054  }
0xb6: {  	_ =	sfence  }
0xb7: {  	s30 =	sld [smem:$0x0];
	_ =	sdelay $0x2  }
0xb8: {  	s31 =	sshll.u32 s1, $0xD;
	s1 =	sshrl.u32 s1, $0x2  }
0xb9: {  	s3 =	sand.u32 $0x4000, s31;
	s1 =	sadd.s32 s1, s30  }
0xba: {  	s0 =	sor.u32 s3, s0;
	s1 =	sshll.u32 s1, $0x11  }
0xbb: {  	s0 =	sor.u32 s1, s0  }
0xbc: {  	s0 =	sadd.s32 $0x8F2B, s0  }
0xbd: {  	[sflag:s0] =	ssyncadd.remote.s32 $0x1  }
0xbe: {  	_ =	sfence.sel $0xFFFF  }
0xbf: {  	[dreg:$0x0] =	wrdreg $0xFFFFFFFF;
	(pc) =	sbr.abs _section_cstart, $3  }
0xc0: {  	[dreg:$0x1] =	wrdreg $0xFFFFFFFF  }
0xc1: {  	_ =	task.clear_ibuf [dreg:s6], $0x2FFFF;
	_ =	strace $0x9FFFFFFF  }
0xc2: {  	(tm) =	ssettm $0x7FFFFFFF  }
0xc3: {  	_ =	shalt  }
tec
execute0_lowered:
.L_overlay_start_1:
0x0: {  	(tag) =	ssettag $0x1  }
0x1: {  	s0 =	rddreg [dreg:$0x0]  }
0x2: {  	s1 =	rddreg [dreg:$0x1]  }
0x3: {  	s3 =	simm.s32 $0x0;
	s24 =	stileid.u32;
	s2 =	srdreg.scid  }
0x4: {  	s18 =	simm.s32 $0x3;
	s19 =	simm.s32 $0x100;
	s20 =	simm.s32 $0x80  }
0x5: {  	s21 =	simm.s32 $0x280;
	s28 =	simm.s32 $0x200;
	s29 =	simm.s32 $0x2  }
0x6: {  	s31 =	simm.s32 $0x0;
	[smem:$0x7FF] =	sst s3;
	s10 =	smul.u32 $0x620, s24  }
0x7: {  	s4 =	sadd.s32 $0x39A00, s0;
	s5 =	sadd.s32 $0xE1C200, s0;
	s9 =	smul.u32 $0x62000, s24  }
0x8: {  	s6 =	sadd.s32 $0x21200, s0;
	s7 =	sadd.s32 $0x8A00, s0;
	s8 =	smul.u32 $0xC400, s24  }
0x9: {  	s2 =	sand.u32 $0x1, s2;
	s13 =	sadd.s32 $0x17A200, s0;
	s26 =	sadd.s32 $0x16F800, s1  }
0xa: {  	p1 =	seq.s32 s24, $0xF;
	_ =	strace $0x80000053;
	s14 =	smul.u32 $0x61A8, s2  }
0xb: {  	s11 =	ssub.s32 $0x2, s2;
	s16 =	smul.u32 $0x186A00, s2;
	p0 =	seq.s32 s2, $0x1  }
0xc: {  	s30 =	sshrl.u32 s26, $0x3;
	s26 =	simm.s32 $0x4280;
	s12 =	sshrl.u32 s11, $0x1  }
0xd: {  	s9 =	sshrl.u32 s9, $0x2;
	s15 =	sshrl.u32 s8, $0x3;
	[dreg:$0x6] =	wrdreg s30  }
0xe: {  	s17 =	ssub.s32 s11, s12;
	s9 =	sadd.s32 s9, s1;
	s22 =	sadd.s32 s6, s15  }
0xf: {  	s11 =	sadd.s32 s7, s15;
	s10 =	sadd.s32 s10, s14;
	s23 =	sshrl.u32 s16, $0x3  }
.Ltmp0:
0x10: {  	s12 =	sor.u32 $0x100, s8;
	[dreg:$0x3] =	wrdreg s22;
	(pc) =	sbr.rel .LBB2_1-.Ltmp0, $4  }
0x11: {  	s10 =	sshll.u32 s10, $0x3;
	s15 =	sadd.s32 s13, s23;
	s16 =	smax.u32 s17, $0x1  }
0x12: {  	s17 =	simm.s32 $0x6280;
	s22 =	simm.s32 $0x180;
	s10 =	sadd.s32 s13, s10  }
0x13: {  	s23 =	simm.s32 $0x2280;
	s25 =	sadd.s32 $0x2DF00, s15;
	[dreg:$0x4] =	wrdreg s10  }
0x14: {  	v1 =	vimm.f32 $0.0e+00;
	vm0 =	vmxor vm0, vm0;
	v0 =	vmov s14;
	s15 =	sadd.s32 $0x1DBC80, s0;
	[dreg:$0x5] =	wrdreg s25;
	s25 =	simm.s32 $0x1  }
.LBB2_10:
0x15: {  	s0 =	stileid.u32  }
0x16: {  	s0 =	sshll.u32 s0, $0x6  }
0x17: {  	s2 =	sshrl.u32 s9, $0x3;
	s10 =	rddreg [dreg:$0x4];
	s0 =	sor.u32 $0x1C03, s0  }
0x18: {  	[hbm:s10], [sflag:s0] =	dma.local [spmem:s2], $0x3100  }
0x19: {  	_ =	swait.ge [sflag:s18], $0x3100  }
0x1a: {  	[sflag:s18] =	ssyncset.done $0x0  }
0x1b: {  	[sflag:s18] =	ssyncadd.s32 $0xFFFFCF00  }
.LBB2_15:
0x1c: {  	s31 =	sadd.s32 $0x1, s31  }
0x1d: {  	p2 =	sne.s32 s31, s16  }
.Ltmp1:
0x1e: {  	_ = 	snop;
	(pc) =	sbr.rel @!p2 .LBB2_16-.Ltmp1, $1  }
0x1f: {  	_ =	sdelay $0x3  }
.LBB2_1:
0x20: {  	[tilespmem:$0x6280] =	vst v1  }
0x21: {  	[tilespmem:$0x6290] =	vst v1  }
0x22: {  	[tilespmem:$0x62A0] =	vst v1  }
0x23: {  	[tilespmem:$0x62B0] =	vst v1  }
0x24: {  	[tilespmem:$0x62C0] =	vst v1  }
0x25: {  	[tilespmem:$0x62D0] =	vst v1  }
0x26: {  	[tilespmem:$0x62E0] =	vst v1  }
0x27: {  	[tilespmem:$0x62F0] =	vst v1  }
0x28: {  	[tilespmem:$0x6300] =	vst v1  }
0x29: {  	[tilespmem:$0x6310] =	vst v1  }
0x2a: {  	[tilespmem:$0x6320] =	vst v1  }
0x2b: {  	[tilespmem:$0x6330] =	vst v1  }
0x2c: {  	[tilespmem:$0x6340] =	vst v1  }
0x2d: {  	[tilespmem:$0x6350] =	vst v1  }
0x2e: {  	[tilespmem:$0x6360] =	vst v1  }
0x2f: {  	[tilespmem:$0x6370] =	vst v1  }
0x30: {  	[tilespmem:$0x6380] =	vst v1  }
0x31: {  	[tilespmem:$0x6390] =	vst v1  }
0x32: {  	[tilespmem:$0x63A0] =	vst v1  }
0x33: {  	[tilespmem:$0x63B0] =	vst v1  }
0x34: {  	[tilespmem:$0x63C0] =	vst v1  }
0x35: {  	[tilespmem:$0x63D0] =	vst v1  }
0x36: {  	[tilespmem:$0x63E0] =	vst v1  }
0x37: {  	[tilespmem:$0x63F0] =	vst v1  }
0x38: {  	[tilespmem:$0x6400] =	vst v1  }
0x39: {  	[tilespmem:$0x6410] =	vst v1  }
0x3a: {  	[tilespmem:$0x6420] =	vst v1  }
0x3b: {  	[tilespmem:$0x6430] =	vst v1  }
0x3c: {  	[tilespmem:$0x6440] =	vst v1  }
0x3d: {  	[tilespmem:$0x6450] =	vst v1  }
0x3e: {  	[tilespmem:$0x6460] =	vst v1  }
0x3f: {  	[tilespmem:$0x6470] =	vst v1;
	s0 =	sadd.s32 $0x0, s9  }
0x40: {  	[spmem:s0] =	stream.linear.scatter [tilespmem:s17], [sflag:$0x3], $0x200, $0x38;
	[tilespmem:$0x1EC80] =	vst v63  }
0x41: {  	s0 =	simm.s32 $0x800;
	_ =	swait.ge [sflag:s18], $0x200  }
.LBB2_2:
0x42: {  	s2 =	sshra.s32 s0, $0x2;
	[sflag:s18] =	ssyncset.done $0x0;
	p2 =	sne.s32 s0, $0x61800  }
.Ltmp2:
0x43: {  	s2 =	sadd.s32 s2, s9;
	[sflag:s18] =	ssyncadd.s32 $0xFFFFFE00;
	(pc) =	sbr.rel @p2 .LBB2_2-.Ltmp2, $3  }
0x44: {  	[spmem:s2] =	stream.linear.scatter [tilespmem:s17], [sflag:$0x3], $0x200, $0x38;
	[tilespmem:$0x1EC80] =	vst v63  }
0x45: {  	s0 =	sadd.s32 $0x800, s0;
	_ =	sdelay $0x1  }
0x46: {  	_ =	swait.ge [sflag:s18], $0x200  }
0x47: {  	[sflag:s18] =	ssyncset.done $0x0  }
0x48: {  	[sflag:s18] =	ssyncadd.s32 $0xFFFFFE00  }
0x49: {  	[bflag:$0x0] =	sbarrier.arrive $0xFFFF  }
0x4a: {  	s0 =	simm.s32 $0x0;
	s2 =	rddreg [dreg:$0x3]  }
0x4b: {  	[tilespmem:s0], [sflag:$0x3] =	stream.linear.gather [hbm4b:s2+s0], $0x80, $0x38;
	[tilespmem:$0x1EC80] =	vst v63  }
0x4c: {  	_ =	swait.ge [sflag:s18], $0x80  }
0x4d: {  	[sflag:s18] =	ssyncset.done $0x0  }
0x4e: {  	[sflag:s18] =	ssyncadd.s32 $0xFFFFFF80  }
0x4f: {  	[tilespmem:s19], [sflag:$0x3] =	stream.linear.gather [hbm4b:s11+s0], $0x80, $0x38;
	[tilespmem:$0x1EC80] =	vst v63  }
0x50: {  	_ =	swait.ge [sflag:s18], $0x80  }
0x51: {  	[sflag:s18] =	ssyncset.done $0x0  }
0x52: {  	[sflag:s18] =	ssyncadd.s32 $0xFFFFFF80  }
0x53: {  	[tilespmem:s21], [sflag:$0x1] =	stream.indirect.gather [hbm4b:s4+s20], $0x40, s19, s20, $0xb8;
	[tilespmem:$0x1EC80] =	vst v63  }
.LBB2_4:
0x54: {  	s2 =	sshll.u32 s0, $0x8  }
0x55: {  	s10 =	sadd.s32 s8, s2  }
0x56: {  	s30 =	sadd.s32 $0x80, s10  }
0x57: {  	s13 =	sshrl.u32 s30, $0x3  }
0x58: {  	s14 =	sadd.s32 s6, s13  }
0x59: {  	[tilespmem:s20], [sflag:$0x3] =	stream.linear.gather [hbm4b:s14+s3], $0x80, $0x38;
	[tilespmem:$0x1EC80] =	vst v63  }
0x5a: {  	_ =	swait.ge [sflag:s18], $0x80  }
0x5b: {  	[sflag:s18] =	ssyncset.done $0x0  }
0x5c: {  	s13 =	sadd.s32 s7, s13;
	[sflag:s18] =	ssyncadd.s32 $0xFFFFFF80  }
0x5d: {  	[tilespmem:s22], [sflag:$0x3] =	stream.linear.gather [hbm4b:s13+s3], $0x80, $0x38;
	[tilespmem:$0x1EC80] =	vst v63  }
0x5e: {  	_ =	swait.ge [sflag:s18], $0x80  }
0x5f: {  	[sflag:s18] =	ssyncset.done $0x0  }
0x60: {  	[sflag:s18] =	ssyncadd.s32 $0xFFFFFF80  }
0x61: {  	[tilespmem:s23], [sflag:$0x2] =	stream.indirect.gather [hbm4b:s4+s20], $0x40, s22, s20, $0xb8;
	[tilespmem:$0x1EC80] =	vst v63  }
0x62: {  	_ =	swait.ge [sflag:s25], $0x2000  }
0x63: {  	s24 =	sshll.u32 s10, $0x3;
	[sflag:s25] =	ssyncset.done $0x0  }
0x64: {  	s13 =	sadd.s32 s5, s24;
	[sflag:s25] =	ssyncadd.s32 $0xFFFFE000  }
0x65: {  	[tilespmem:s26], [sflag:$0x3] =	stream.linear.gather [hbm4b:s13+s3], $0x2000, $0x38;
	[tilespmem:$0x1EC80] =	vst v63  }
0x66: {  	_ =	swait.ge [sflag:s18], $0x2000  }
0x67: {  	[sflag:s18] =	ssyncset.done $0x0  }
0x68: {  	[sflag:s18] =	ssyncadd.s32 $0xFFFFE000  }
0x69: {  	v2 =	vld [tilespmem:$0x0]  }
0x6a: {  	v3 =	vld [tilespmem:$0x10]  }
0x6b: {  	v4 =	vld [tilespmem:$0x20]  }
0x6c: {  	v5 =	vld [tilespmem:$0x30]  }
0x6d: {  	v6 =	vld [tilespmem:$0x40]  }
0x6e: {  	v7 =	vld [tilespmem:$0x50]  }
0x6f: {  	vm1 =	vmmov vm0;
	p2 =	slt.u32 s10, $0xC3500;
	s14 =	sor.u32 $0x10, s10  }
0x70: {  	vm3 =	vmmov vm0;
	vm1 =	vmneg @p2 vm1;
	p2 =	slt.u32 s14, $0xC3500  }
0x71: {  	vm4 =	vmmov vm0;
	vm3 =	vmneg @p2 vm3;
	v2 =	vsub.s32 v2, v0  }
0x72: {  	v3 =	vsub.s32 v3, v0;
	v4 =	vsub.s32 v4, v0;
	v5 =	vsub.s32 v5, v0  }
0x73: {  	v6 =	vsub.s32 v6, v0;
	v7 =	vsub.s32 v7, v0;
	vm2 =	vlt.u32 v2, $0x61A8  }
0x74: {  	s24 =	sor.u32 $0x20, s10;
	vm15 =	vlt.u32 v6, $0x61A8;
	vm1 =	vmand vm1, vm2;
	vm2 =	vlt.u32 v3, $0x61A8  }
0x75: {  	p2 =	slt.u32 s24, $0xC3500;
	v8 =	vld [tilespmem:$0x60];
	v2 =	vnsel vm1, $0x61C0, v2;
	vm1 =	vmand vm3, vm2;
	vm2 =	vmmov vm0  }
0x76: {  	s14 =	sor.u32 $0x30, s10;
	v9 =	vld [tilespmem:$0x70];
	vm5 =	vlt.u32 v7, $0x61A8;
	vm3 =	vlt.u32 v4, $0x61A8;
	vm2 =	vmneg @p2 vm2  }
0x77: {  	s24 =	sor.u32 $0x40, s10;
	p2 =	slt.u32 s14, $0xC3500;
	v3 =	vnsel vm1, $0x61C0, v3;
	vm2 =	vmand vm2, vm3;
	vm3 =	vlt.u32 v5, $0x61A8  }
0x78: {  	s14 =	sor.u32 $0x50, s10;
	vm4 =	vmneg @p2 vm4;
	p2 =	slt.u32 s24, $0xC3500;
	v4 =	vnsel vm2, $0x61C0, v4;
	vm2 =	vmmov vm0  }
0x79: {  	vm1 =	vmand vm4, vm3;
	vm3 =	vmmov vm0;
	vm2 =	vmneg @p2 vm2;
	p2 =	slt.u32 s14, $0xC3500  }
0x7a: {  	[tilespmem:$0x200] =	vst v2;
	v2 =	vnsel vm1, $0x61C0, v5;
	v5 =	vsub.s32 v8, v0;
	vm3 =	vmneg @p2 vm3  }
0x7b: {  	s24 =	sor.u32 $0x60, s10;
	vm1 =	vmand vm2, vm15;
	[tilespmem:$0x230] =	vst v2;
	v2 =	vsub.s32 v9, v0;
	vm2 =	vmand vm3, vm5  }
0x7c: {  	[tilespmem:$0x210] =	vst v3;
	s10 =	sor.u32 $0x70, s10;
	p2 =	slt.u32 s24, $0xC3500;
	v3 =	vnsel vm1, $0x61C0, v6;
	vm1 =	vmmov vm0;
	vm3 =	vmmov vm0  }
0x7d: {  	[tilespmem:$0x220] =	vst v4;
	v4 =	vnsel vm2, $0x61C0, v7;
	vm2 =	vlt.u32 v5, $0x61A8;
	vm1 =	vmneg @p2 vm1;
	p2 =	slt.u32 s10, $0xC3500  }
0x7e: {  	[tilespmem:$0x240] =	vst v3;
	vm1 =	vmand vm1, vm2;
	vm2 =	vlt.u32 v2, $0x61A8;
	vm3 =	vmneg @p2 vm3  }
0x7f: {  	[tilespmem:$0x250] =	vst v4;
	v3 =	vnsel vm1, $0x61C0, v5;
	vm1 =	vmand vm3, vm2  }
0x80: {  	[tilespmem:$0x260] =	vst v3;
	v2 =	vnsel vm1, $0x61C0, v2  }
0x81: {  	s13 =	simm.s32 $0x300;
	[tilespmem:$0x270] =	vst v2  }
0x82: {  	s14 =	simm.s32 $0x4300;
	v2 =	vld [tilespmem:s13+$0x40]  }
0x83: {  	v3 =	vld [tilespmem:s14+$0x40]  }
0x84: {  	v4 =	vld [tilespmem:s13+$0xFFFFFFC0]  }
0x85: {  	v5 =	vld [tilespmem:s14+$0xFFFFFFC0]  }
0x86: {  	v6 =	vld [tilespmem:s13+$0x0]  }
0x87: {  	v7 =	vld [tilespmem:s14+$0x0]  }
0x88: {  	v8 =	vld [tilespmem:s13+$0xFFFFFF80];
	v2 =	vmul.f32 v3, v2  }
0x89: {  	v3 =	vld [tilespmem:s14+$0xFFFFFF80]  }
0x8a: {  	[tilespmem:s13+$0x40] =	vst v2;
	v2 =	vld [tilespmem:s13+$0x50]  }
0x8b: {  	v4 =	vmul.f32 v5, v4;
	v5 =	vld [tilespmem:s14+$0x50]  }
0x8c: {  	v9 =	vld [tilespmem:s13+$0xFFFFFF90]  }
0x8d: {  	[tilespmem:s13+$0xFFFFFFC0] =	vst v4;
	v4 =	vmul.f32 v7, v6;
	v6 =	vld [tilespmem:s13+$0xFFFFFFD0]  }
0x8e: {  	v7 =	vld [tilespmem:s14+$0xFFFFFFD0];
	v3 =	vmul.f32 v3, v8  }
0x8f: {  	[tilespmem:s13+$0x0] =	vst v4;
	v4 =	vld [tilespmem:s13+$0x10]  }
0x90: {  	v8 =	vld [tilespmem:s14+$0x10];
	[tilespmem:s13+$0xFFFFFF80] =	vst v3;
	v2 =	vmul.f32 v5, v2  }
0x91: {  	v3 =	vld [tilespmem:s14+$0xFFFFFF90]  }
0x92: {  	[tilespmem:s13+$0x50] =	vst v2;
	v2 =	vld [tilespmem:s13+$0x60]  }
0x93: {  	v5 =	vmul.f32 v7, v6;
	v6 =	vld [tilespmem:s14+$0x60]  }
0x94: {  	v7 =	vld [tilespmem:s13+$0xFFFFFFA0]  }
0x95: {  	[tilespmem:s13+$0xFFFFFFD0] =	vst v5;
	v4 =	vmul.f32 v8, v4;
	v5 =	vld [tilespmem:s13+$0xFFFFFFE0]  }
0x96: {  	v8 =	vld [tilespmem:s14+$0xFFFFFFE0];
	v3 =	vmul.f32 v3, v9  }
0x97: {  	[tilespmem:s13+$0x10] =	vst v4;
	v4 =	vld [tilespmem:s13+$0x20]  }
0x98: {  	v9 =	vld [tilespmem:s14+$0x20];
	[tilespmem:s13+$0xFFFFFF90] =	vst v3;
	v2 =	vmul.f32 v6, v2  }
0x99: {  	v6 =	vld [tilespmem:s14+$0xFFFFFFA0]  }
0x9a: {  	v10 =	vld [tilespmem:s13+$0x70];
	[tilespmem:s13+$0x60] =	vst v2  }
0x9b: {  	v3 =	vmul.f32 v8, v5;
	v8 =	vld [tilespmem:s14+$0x70]  }
0x9c: {  	v2 =	vld [tilespmem:s13+$0xFFFFFFB0]  }
0x9d: {  	[tilespmem:s13+$0xFFFFFFE0] =	vst v3;
	v4 =	vmul.f32 v9, v4;
	v3 =	vld [tilespmem:s13+$0xFFFFFFF0]  }
0x9e: {  	v5 =	vld [tilespmem:s14+$0xFFFFFFF0];
	v6 =	vmul.f32 v6, v7  }
0x9f: {  	[tilespmem:s13+$0x20] =	vst v4;
	v4 =	vld [tilespmem:s13+$0x30]  }
0xa0: {  	[tilespmem:s13+$0xFFFFFFA0] =	vst v6;
	v6 =	vld [tilespmem:s14+$0x30];
	v8 =	vmul.f32 v8, v10  }
0xa1: {  	s24 =	simm.s32 $0x0;
	s10 =	simm.s32 $0x400;
	v7 =	vld [tilespmem:s14+$0xFFFFFFB0]  }
.LBB2_5:
0xa2: {  	v9 =	vld [tilespmem:s10+$0x40];
	[tilespmem:s13+$0x70] =	vst v8;
	s14 =	sadd.s32 $0x100, s14  }
0xa3: {  	s24 =	sadd.s32 $0x4, s24;
	v8 =	vld [tilespmem:s14+$0x40];
	v3 =	vmul.f32 v5, v3  }
0xa4: {  	p2 =	slt.u32 s24, $0x7C;
	v5 =	vld [tilespmem:s14+$0xFFFFFF80]  }
0xa5: {  	v10 =	vld [tilespmem:s10+$0xFFFFFFC0];
	[tilespmem:s13+$0xFFFFFFF0] =	vst v3;
	v3 =	vmul.f32 v6, v4  }
0xa6: {  	v4 =	vld [tilespmem:s14+$0xFFFFFFC0];
	v2 =	vmul.f32 v7, v2  }
0xa7: {  	v6 =	vld [tilespmem:s10+$0x0];
	[tilespmem:s13+$0x30] =	vst v3  }
0xa8: {  	v3 =	vld [tilespmem:s14+$0x0];
	v7 =	vmul.f32 v8, v9;
	[tilespmem:s13+$0xFFFFFFB0] =	vst v2;
	s13 =	smov.u32 s10  }
0xa9: {  	v2 =	vld [tilespmem:s10+$0xFFFFFF80]  }
0xaa: {  	[tilespmem:s10+$0x40] =	vst v7;
	v7 =	vld [tilespmem:s10+$0x50]  }
0xab: {  	v4 =	vmul.f32 v4, v10;
	v8 =	vld [tilespmem:s14+$0x50]  }
0xac: {  	v9 =	vld [tilespmem:s10+$0xFFFFFF90]  }
0xad: {  	[tilespmem:s10+$0xFFFFFFC0] =	vst v4;
	v4 =	vld [tilespmem:s10+$0xFFFFFFD0];
	v3 =	vmul.f32 v3, v6  }
0xae: {  	v2 =	vmul.f32 v5, v2;
	v5 =	vld [tilespmem:s14+$0xFFFFFFD0]  }
0xaf: {  	[tilespmem:s10+$0x0] =	vst v3;
	v3 =	vld [tilespmem:s10+$0x10]  }
0xb0: {  	[tilespmem:s10+$0xFFFFFF80] =	vst v2;
	v2 =	vld [tilespmem:s14+$0x10];
	v6 =	vmul.f32 v8, v7  }
0xb1: {  	v7 =	vld [tilespmem:s14+$0xFFFFFF90]  }
0xb2: {  	[tilespmem:s10+$0x50] =	vst v6;
	v6 =	vld [tilespmem:s10+$0x60]  }
0xb3: {  	v4 =	vmul.f32 v5, v4;
	v5 =	vld [tilespmem:s14+$0x60]  }
0xb4: {  	v8 =	vld [tilespmem:s10+$0xFFFFFFA0]  }
0xb5: {  	[tilespmem:s10+$0xFFFFFFD0] =	vst v4;
	v4 =	vld [tilespmem:s10+$0xFFFFFFE0];
	v2 =	vmul.f32 v2, v3  }
0xb6: {  	v3 =	vmul.f32 v7, v9;
	v7 =	vld [tilespmem:s14+$0xFFFFFFE0]  }
0xb7: {  	[tilespmem:s10+$0x10] =	vst v2;
	v9 =	vld [tilespmem:s10+$0x20]  }
0xb8: {  	[tilespmem:s10+$0xFFFFFF90] =	vst v3;
	v10 =	vld [tilespmem:s14+$0x20];
	v2 =	vmul.f32 v5, v6  }
0xb9: {  	v5 =	vld [tilespmem:s14+$0xFFFFFFA0]  }
0xba: {  	[tilespmem:s10+$0x60] =	vst v2;
	v11 =	vld [tilespmem:s10+$0x70]  }
0xbb: {  	v3 =	vmul.f32 v7, v4;
	v7 =	vld [tilespmem:s14+$0x70]  }
0xbc: {  	v2 =	vld [tilespmem:s10+$0xFFFFFFB0]  }
.Ltmp3:
0xbd: {  	[tilespmem:s10+$0xFFFFFFE0] =	vst v3;
	v3 =	vld [tilespmem:s10+$0xFFFFFFF0];
	v4 =	vmul.f32 v10, v9;
	(pc) =	sbr.rel @p2 .LBB2_5-.Ltmp3, $4  }
0xbe: {  	v6 =	vmul.f32 v5, v8;
	v5 =	vld [tilespmem:s14+$0xFFFFFFF0]  }
0xbf: {  	[tilespmem:s10+$0x20] =	vst v4;
	v4 =	vld [tilespmem:s10+$0x30]  }
0xc0: {  	[tilespmem:s10+$0xFFFFFFA0] =	vst v6;
	v6 =	vld [tilespmem:s14+$0x30];
	v8 =	vmul.f32 v7, v11  }
0xc1: {  	s10 =	sadd.s32 $0x100, s10;
	v7 =	vld [tilespmem:s14+$0xFFFFFFB0]  }
0xc2: {  	_ =	sdelay $0x1  }
0xc3: {  	v3 =	vmul.f32 v5, v3  }
0xc4: {  	[tilespmem:s13+$0x70] =	vst v8;
	v4 =	vmul.f32 v6, v4  }
0xc5: {  	[tilespmem:s13+$0xFFFFFFF0] =	vst v3;
	v2 =	vmul.f32 v7, v2  }
0xc6: {  	[tilespmem:s13+$0x30] =	vst v4  }
0xc7: {  	p2 =	seq.s32 s0, $0xC3;
	[tilespmem:s13+$0xFFFFFFB0] =	vst v2  }
0xc8: {  	[spmem:s1] =	stream.indirect.scatter.add.f32 [tilespmem:s21], [sflag:$0x3], $0x40, s28, s20, $0xb8;
	[tilespmem:$0x1EC80] =	vst v63  }
0xc9: {  	s2 =	sadd.s32 @!p2 s2, s12;
	_ =	swait.ge [sflag:s18], $0x2000  }
0xca: {  	s2 =	sshrl.u32 @!p2 s2, $0x3;
	[sflag:s18] =	ssyncset.done $0x0  }
0xcb: {  	s10 =	sadd.s32 @!p2 s6, s2;
	s13 =	simm.s32 @!p2 $0x0;
	[sflag:s18] =	ssyncadd.s32 $0xFFFFE000  }
0xcc: {  	[tilespmem:s13], [sflag:$0x3] =	stream.linear.gather @!p2 [hbm4b:s10+s13], $0x80, $0x38;
	[tilespmem:$0x1EC80] =	vst v63  }
0xcd: {  	s10 =	simm.s32 @!p2 $0x3  }
0xce: {  	_ =	swait.ge @!p2 [sflag:s10], $0x80  }
0xcf: {  	[sflag:s10] =	ssyncset.done @!p2 $0x0  }
0xd0: {  	s14 =	simm.s32 @!p2 $0x100;
	s2 =	sadd.s32 @!p2 s7, s2;
	[sflag:s10] =	ssyncadd.s32 @!p2 $0xFFFFFF80  }
0xd1: {  	[tilespmem:s14], [sflag:$0x3] =	stream.linear.gather @!p2 [hbm4b:s2+s13], $0x80, $0x38;
	[tilespmem:$0x1EC80] =	vst v63  }
0xd2: {  	_ =	swait.ge @!p2 [sflag:s10], $0x80  }
0xd3: {  	[sflag:s10] =	ssyncset.done @!p2 $0x0  }
0xd4: {  	s2 =	simm.s32 @!p2 $0x80;
	[sflag:s10] =	ssyncadd.s32 @!p2 $0xFFFFFF80;
	s10 =	simm.s32 @!p2 $0x280  }
0xd5: {  	[tilespmem:s10], [sflag:$0x1] =	stream.indirect.gather @!p2 [hbm4b:s4+s2], $0x40, s14, s2, $0xb8;
	[tilespmem:$0x1EC80] =	vst v63  }
0xd6: {  	_ =	swait.ge [sflag:s29], $0x2000  }
0xd7: {  	s13 =	sshll.u32 s30, $0x3;
	[sflag:s29] =	ssyncset.done $0x0  }
0xd8: {  	s2 =	sadd.s32 s5, s13;
	[sflag:s29] =	ssyncadd.s32 $0xFFFFE000  }
0xd9: {  	[tilespmem:s26], [sflag:$0x3] =	stream.linear.gather [hbm4b:s2+s3], $0x2000, $0x38;
	[tilespmem:$0x1EC80] =	vst v63  }
0xda: {  	_ =	swait.ge [sflag:s18], $0x2000  }
0xdb: {  	[sflag:s18] =	ssyncset.done $0x0  }
0xdc: {  	[sflag:s18] =	ssyncadd.s32 $0xFFFFE000  }
0xdd: {  	v2 =	vld [tilespmem:$0x80]  }
0xde: {  	v3 =	vld [tilespmem:$0x90]  }
0xdf: {  	v4 =	vld [tilespmem:$0xA0]  }
0xe0: {  	v5 =	vld [tilespmem:$0xB0]  }
0xe1: {  	v6 =	vld [tilespmem:$0xC0]  }
0xe2: {  	v7 =	vld [tilespmem:$0xD0]  }
0xe3: {  	vm1 =	vmmov vm0;
	p2 =	slt.u32 s30, $0xC3500;
	s14 =	sor.u32 $0x10, s30  }
0xe4: {  	vm3 =	vmmov vm0;
	vm1 =	vmneg @p2 vm1;
	p2 =	slt.u32 s14, $0xC3500  }
0xe5: {  	vm4 =	vmmov vm0;
	vm3 =	vmneg @p2 vm3;
	v2 =	vsub.s32 v2, v0  }
0xe6: {  	v3 =	vsub.s32 v3, v0;
	v4 =	vsub.s32 v4, v0;
	v5 =	vsub.s32 v5, v0  }
0xe7: {  	v6 =	vsub.s32 v6, v0;
	v7 =	vsub.s32 v7, v0;
	vm2 =	vlt.u32 v2, $0x61A8  }
0xe8: {  	s24 =	sor.u32 $0x20, s30;
	vm15 =	vlt.u32 v6, $0x61A8;
	vm1 =	vmand vm1, vm2;
	vm2 =	vlt.u32 v3, $0x61A8  }
0xe9: {  	p2 =	slt.u32 s24, $0xC3500;
	v8 =	vld [tilespmem:$0xE0];
	v2 =	vnsel vm1, $0x61C0, v2;
	vm1 =	vmand vm3, vm2;
	vm2 =	vmmov vm0  }
0xea: {  	s10 =	sor.u32 $0x30, s30;
	v9 =	vld [tilespmem:$0xF0];
	vm5 =	vlt.u32 v7, $0x61A8;
	vm3 =	vlt.u32 v4, $0x61A8;
	vm2 =	vmneg @p2 vm2  }
0xeb: {  	s13 =	sor.u32 $0x40, s30;
	p2 =	slt.u32 s10, $0xC3500;
	v3 =	vnsel vm1, $0x61C0, v3;
	vm2 =	vmand vm2, vm3;
	vm3 =	vlt.u32 v5, $0x61A8  }
0xec: {  	s14 =	sor.u32 $0x50, s30;
	vm4 =	vmneg @p2 vm4;
	p2 =	slt.u32 s13, $0xC3500;
	v4 =	vnsel vm2, $0x61C0, v4;
	vm2 =	vmmov vm0  }
0xed: {  	vm1 =	vmand vm4, vm3;
	vm3 =	vmmov vm0;
	vm2 =	vmneg @p2 vm2;
	p2 =	slt.u32 s14, $0xC3500  }
0xee: {  	[tilespmem:$0x200] =	vst v2;
	v2 =	vnsel vm1, $0x61C0, v5;
	v5 =	vsub.s32 v8, v0;
	vm3 =	vmneg @p2 vm3  }
0xef: {  	s24 =	sor.u32 $0x60, s30;
	vm1 =	vmand vm2, vm15;
	[tilespmem:$0x230] =	vst v2;
	v2 =	vsub.s32 v9, v0;
	vm2 =	vmand vm3, vm5  }
0xf0: {  	s30 =	sor.u32 $0x70, s30;
	[tilespmem:$0x210] =	vst v3;
	p2 =	slt.u32 s24, $0xC3500;
	v3 =	vnsel vm1, $0x61C0, v6;
	vm1 =	vmmov vm0;
	vm3 =	vmmov vm0  }
0xf1: {  	[tilespmem:$0x220] =	vst v4;
	v4 =	vnsel vm2, $0x61C0, v7;
	vm2 =	vlt.u32 v5, $0x61A8;
	vm1 =	vmneg @p2 vm1;
	p2 =	slt.u32 s30, $0xC3500  }
0xf2: {  	[tilespmem:$0x240] =	vst v3;
	vm1 =	vmand vm1, vm2;
	vm2 =	vlt.u32 v2, $0x61A8;
	vm3 =	vmneg @p2 vm3  }
0xf3: {  	[tilespmem:$0x250] =	vst v4;
	v3 =	vnsel vm1, $0x61C0, v5;
	vm1 =	vmand vm3, vm2  }
0xf4: {  	[tilespmem:$0x260] =	vst v3;
	v2 =	vnsel vm1, $0x61C0, v2  }
0xf5: {  	s2 =	simm.s32 $0x2300;
	[tilespmem:$0x270] =	vst v2  }
0xf6: {  	s13 =	simm.s32 $0x4300;
	v2 =	vld [tilespmem:s2+$0x40]  }
0xf7: {  	v3 =	vld [tilespmem:s13+$0x40]  }
0xf8: {  	v4 =	vld [tilespmem:s2+$0xFFFFFFC0]  }
0xf9: {  	v5 =	vld [tilespmem:s13+$0xFFFFFFC0]  }
0xfa: {  	v6 =	vld [tilespmem:s2+$0x0]  }
0xfb: {  	v7 =	vld [tilespmem:s13+$0x0]  }
0xfc: {  	v8 =	vld [tilespmem:s2+$0xFFFFFF80];
	v2 =	vmul.f32 v3, v2  }
0xfd: {  	v3 =	vld [tilespmem:s13+$0xFFFFFF80]  }
0xfe: {  	[tilespmem:s2+$0x40] =	vst v2;
	v2 =	vld [tilespmem:s2+$0x50]  }
0xff: {  	v4 =	vmul.f32 v5, v4;
	v5 =	vld [tilespmem:s13+$0x50]  }
0x100: {  	v9 =	vld [tilespmem:s2+$0xFFFFFF90]  }
0x101: {  	[tilespmem:s2+$0xFFFFFFC0] =	vst v4;
	v4 =	vmul.f32 v7, v6;
	v6 =	vld [tilespmem:s2+$0xFFFFFFD0]  }
0x102: {  	v7 =	vld [tilespmem:s13+$0xFFFFFFD0];
	v3 =	vmul.f32 v3, v8  }
0x103: {  	[tilespmem:s2+$0x0] =	vst v4;
	v4 =	vld [tilespmem:s2+$0x10]  }
0x104: {  	v8 =	vld [tilespmem:s13+$0x10];
	[tilespmem:s2+$0xFFFFFF80] =	vst v3;
	v2 =	vmul.f32 v5, v2  }
0x105: {  	v3 =	vld [tilespmem:s13+$0xFFFFFF90]  }
0x106: {  	[tilespmem:s2+$0x50] =	vst v2;
	v2 =	vld [tilespmem:s2+$0x60]  }
0x107: {  	v5 =	vmul.f32 v7, v6;
	v6 =	vld [tilespmem:s13+$0x60]  }
0x108: {  	v7 =	vld [tilespmem:s2+$0xFFFFFFA0]  }
0x109: {  	[tilespmem:s2+$0xFFFFFFD0] =	vst v5;
	v4 =	vmul.f32 v8, v4;
	v5 =	vld [tilespmem:s2+$0xFFFFFFE0]  }
0x10a: {  	v8 =	vld [tilespmem:s13+$0xFFFFFFE0];
	v3 =	vmul.f32 v3, v9  }
0x10b: {  	[tilespmem:s2+$0x10] =	vst v4;
	v4 =	vld [tilespmem:s2+$0x20]  }
0x10c: {  	v9 =	vld [tilespmem:s13+$0x20];
	[tilespmem:s2+$0xFFFFFF90] =	vst v3;
	v2 =	vmul.f32 v6, v2  }
0x10d: {  	v6 =	vld [tilespmem:s13+$0xFFFFFFA0]  }
0x10e: {  	v10 =	vld [tilespmem:s2+$0x70];
	[tilespmem:s2+$0x60] =	vst v2  }
0x10f: {  	v3 =	vmul.f32 v8, v5;
	v8 =	vld [tilespmem:s13+$0x70]  }
0x110: {  	v2 =	vld [tilespmem:s2+$0xFFFFFFB0]  }
0x111: {  	[tilespmem:s2+$0xFFFFFFE0] =	vst v3;
	v4 =	vmul.f32 v9, v4;
	v3 =	vld [tilespmem:s2+$0xFFFFFFF0]  }
0x112: {  	v5 =	vld [tilespmem:s13+$0xFFFFFFF0];
	v6 =	vmul.f32 v6, v7  }
0x113: {  	[tilespmem:s2+$0x20] =	vst v4;
	v4 =	vld [tilespmem:s2+$0x30]  }
0x114: {  	[tilespmem:s2+$0xFFFFFFA0] =	vst v6;
	v6 =	vld [tilespmem:s13+$0x30];
	v8 =	vmul.f32 v8, v10  }
0x115: {  	s10 =	simm.s32 $0x2400;
	s14 =	simm.s32 $0x0;
	v7 =	vld [tilespmem:s13+$0xFFFFFFB0]  }
.LBB2_7:
0x116: {  	v9 =	vld [tilespmem:s10+$0x40];
	[tilespmem:s2+$0x70] =	vst v8;
	s13 =	sadd.s32 $0x100, s13  }
0x117: {  	s14 =	sadd.s32 $0x4, s14;
	v8 =	vld [tilespmem:s13+$0x40];
	v3 =	vmul.f32 v5, v3  }
0x118: {  	p2 =	slt.u32 s14, $0x7C;
	v5 =	vld [tilespmem:s13+$0xFFFFFF80]  }
0x119: {  	v10 =	vld [tilespmem:s10+$0xFFFFFFC0];
	[tilespmem:s2+$0xFFFFFFF0] =	vst v3;
	v3 =	vmul.f32 v6, v4  }
0x11a: {  	v4 =	vld [tilespmem:s13+$0xFFFFFFC0];
	v2 =	vmul.f32 v7, v2  }
0x11b: {  	v6 =	vld [tilespmem:s10+$0x0];
	[tilespmem:s2+$0x30] =	vst v3  }
0x11c: {  	v3 =	vld [tilespmem:s13+$0x0];
	v7 =	vmul.f32 v8, v9;
	[tilespmem:s2+$0xFFFFFFB0] =	vst v2;
	s2 =	smov.u32 s10  }
0x11d: {  	v2 =	vld [tilespmem:s10+$0xFFFFFF80]  }
0x11e: {  	[tilespmem:s10+$0x40] =	vst v7;
	v7 =	vld [tilespmem:s10+$0x50]  }
0x11f: {  	v4 =	vmul.f32 v4, v10;
	v8 =	vld [tilespmem:s13+$0x50]  }
0x120: {  	v9 =	vld [tilespmem:s10+$0xFFFFFF90]  }
0x121: {  	[tilespmem:s10+$0xFFFFFFC0] =	vst v4;
	v4 =	vld [tilespmem:s10+$0xFFFFFFD0];
	v3 =	vmul.f32 v3, v6  }
0x122: {  	v2 =	vmul.f32 v5, v2;
	v5 =	vld [tilespmem:s13+$0xFFFFFFD0]  }
0x123: {  	[tilespmem:s10+$0x0] =	vst v3;
	v3 =	vld [tilespmem:s10+$0x10]  }
0x124: {  	[tilespmem:s10+$0xFFFFFF80] =	vst v2;
	v2 =	vld [tilespmem:s13+$0x10];
	v6 =	vmul.f32 v8, v7  }
0x125: {  	v7 =	vld [tilespmem:s13+$0xFFFFFF90]  }
0x126: {  	[tilespmem:s10+$0x50] =	vst v6;
	v6 =	vld [tilespmem:s10+$0x60]  }
0x127: {  	v4 =	vmul.f32 v5, v4;
	v5 =	vld [tilespmem:s13+$0x60]  }
0x128: {  	v8 =	vld [tilespmem:s10+$0xFFFFFFA0]  }
0x129: {  	[tilespmem:s10+$0xFFFFFFD0] =	vst v4;
	v4 =	vld [tilespmem:s10+$0xFFFFFFE0];
	v2 =	vmul.f32 v2, v3  }
0x12a: {  	v3 =	vmul.f32 v7, v9;
	v7 =	vld [tilespmem:s13+$0xFFFFFFE0]  }
0x12b: {  	[tilespmem:s10+$0x10] =	vst v2;
	v9 =	vld [tilespmem:s10+$0x20]  }
0x12c: {  	[tilespmem:s10+$0xFFFFFF90] =	vst v3;
	v10 =	vld [tilespmem:s13+$0x20];
	v2 =	vmul.f32 v5, v6  }
0x12d: {  	v5 =	vld [tilespmem:s13+$0xFFFFFFA0]  }
0x12e: {  	[tilespmem:s10+$0x60] =	vst v2;
	v11 =	vld [tilespmem:s10+$0x70]  }
0x12f: {  	v3 =	vmul.f32 v7, v4;
	v7 =	vld [tilespmem:s13+$0x70]  }
0x130: {  	v2 =	vld [tilespmem:s10+$0xFFFFFFB0]  }
.Ltmp4:
0x131: {  	[tilespmem:s10+$0xFFFFFFE0] =	vst v3;
	v3 =	vld [tilespmem:s10+$0xFFFFFFF0];
	v4 =	vmul.f32 v10, v9;
	(pc) =	sbr.rel @p2 .LBB2_7-.Ltmp4, $4  }
0x132: {  	v6 =	vmul.f32 v5, v8;
	v5 =	vld [tilespmem:s13+$0xFFFFFFF0]  }
0x133: {  	[tilespmem:s10+$0x20] =	vst v4;
	v4 =	vld [tilespmem:s10+$0x30]  }
0x134: {  	[tilespmem:s10+$0xFFFFFFA0] =	vst v6;
	v6 =	vld [tilespmem:s13+$0x30];
	v8 =	vmul.f32 v7, v11  }
0x135: {  	s10 =	sadd.s32 $0x100, s10;
	v7 =	vld [tilespmem:s13+$0xFFFFFFB0]  }
0x136: {  	_ =	sdelay $0x1  }
0x137: {  	v3 =	vmul.f32 v5, v3  }
0x138: {  	[tilespmem:s2+$0x70] =	vst v8;
	v4 =	vmul.f32 v6, v4  }
0x139: {  	s0 =	sadd.s32 $0x1, s0;
	[tilespmem:s2+$0xFFFFFFF0] =	vst v3;
	v2 =	vmul.f32 v7, v2  }
0x13a: {  	p2 =	sne.s32 s0, $0xC4;
	[tilespmem:s2+$0x30] =	vst v4  }
.Ltmp5:
0x13b: {  	[tilespmem:s2+$0xFFFFFFB0] =	vst v2;
	(pc) =	sbr.rel @p2 .LBB2_4-.Ltmp5, $4  }
0x13c: {  	[spmem:s1] =	stream.indirect.scatter.add.f32 [tilespmem:s23], [sflag:$0x3], $0x40, s28, s20, $0xb8;
	[tilespmem:$0x1EC80] =	vst v63  }
0x13d: {  	_ =	swait.ge [sflag:s18], $0x2000  }
0x13e: {  	[sflag:s18] =	ssyncset.done $0x0  }
0x13f: {  	[sflag:s18] =	ssyncadd.s32 $0xFFFFE000  }
.Ltmp6:
0x140: {  	(pc) =	sbr.rel @!p1 .LBB2_10-.Ltmp6, $2  }
0x141: {  	_ =	sdelay $0x1  }
0x142: {  	[bflag:$0x0] =	sbarrier.arrive $0xFFFF;
	_ =	sdelay $0x1  }
0x143: {  	s0 =	rddreg [dreg:$0x5]  }
.Ltmp7:
0x144: {  	s2 =	rddreg [dreg:$0x6];
	s10 =	simm.s32 $0x1FC3;
	(pc) =	sbr.rel @!p0 .LBB2_15-.Ltmp7, $4  }
0x145: {  	[hbm:s0], [sflag:s10] =	dma.local [spmem:s2], $0x2E40  }
0x146: {  	_ =	swait.ge [sflag:s18], $0x2E40  }
0x147: {  	[sflag:s18] =	ssyncset.done $0x0  }
0x148: {  	s0 =	simm.s32 $0x0;
	[sflag:s18] =	ssyncadd.s32 $0xFFFFD1C0  }
0x149: {  	s2 =	sadd.s32 s0, s15  }
0x14a: {  	[hbm4b:s2+s3] =	stream.linear.scatter [tilespmem:s17], [sflag:$0x3], $0x200, $0x38;
	[tilespmem:$0x1EC80] =	vst v63  }
0x14b: {  	_ =	swait.ge [sflag:s18], $0x200  }
0x14c: {  	s0 =	sadd.s32 $0x40, s0;
	[sflag:s18] =	ssyncset.done $0x0  }
.LBB2_13:
0x14d: {  	s2 =	sadd.s32 s0, s15;
	[sflag:s18] =	ssyncadd.s32 $0xFFFFFE00;
	p2 =	sne.s32 s0, $0x540  }
0x14e: {  	[hbm4b:s2+s3] =	stream.linear.scatter [tilespmem:s17], [sflag:$0x3], $0x200, $0x38;
	[tilespmem:$0x1EC80] =	vst v63  }
.Ltmp8:
0x14f: {  	_ = 	snop;
	(pc) =	sbr.rel @p2 .LBB2_13-.Ltmp8, $4  }
0x150: {  	_ = 	snop  }
0x151: {  	s0 =	sadd.s32 $0x40, s0  }
0x152: {  	_ =	swait.ge [sflag:s18], $0x200  }
0x153: {  	[sflag:s18] =	ssyncset.done $0x0  }
.Ltmp9:
0x154: {  	(pc) =	sbr.rel .LBB2_15-.Ltmp9, $2  }
0x155: {  	_ =	sdelay $0x2  }
0x156: {  	[sflag:s18] =	ssyncadd.s32 $0xFFFFFE00  }
.LBB2_16:
0x157: {  	_ =	sfence.sel $0x180000  }
0x158: {  	[bflag:$0x0] =	sbarrier.arrive $0xFFFF  }
0x159: {  	_ =	strace $0x90000053  }
0x15a: {  	s0 =	stileid.u32;
	[bflag:$0x2] =	sbarrier.arrive $0xFFFF  }
0x15b: {  	p0 =	sne.s32 s0, $0x0;
	s0 =	rddreg [dreg:$0x2]  }
0x15c: {  	s0 =	sadd.s32 @!p0 $0x100000, s0  }
0x15d: {  	[sflag:s0] =	ssyncadd.tile.s32 @!p0 $0x1;
	_ =	shalt  }
.Lfunc_end2:
_tile_overlayer_lowered:
.L_overlay_start_2:
0x15e: {  	(tag) =	ssettag $0x2  }
0x15f: {  	s0 =	rddreg [dreg:$0x0];
	s2 =	stileid.u32  }
0x160: {  	s1 =	rddreg [dreg:$0x1];
	p0 =	sne.s32 s2, $0x0  }
0x161: {  	s3 =	rddreg [dreg:$0x2];
	[bflag:$0x3] =	sbarrier.arrive $0xFFFF;
	s2 =	simm.s32 @!p0 $0x1C03  }
0x162: {  	[timem:s3], [sflag:s2] =	dma.local @!p0 [hbm:s0], s1  }
0x163: {  	s0 =	simm.s32 @!p0 $0x3  }
0x164: {  	_ =	swait.ge @!p0 [sflag:s0], s1  }
0x165: {  	s1 =	ssub.s32 @!p0 $0x0, s1;
	[sflag:s0] =	ssyncset.done @!p0 $0x0  }
0x166: {  	[sflag:s0] =	ssyncadd.s32 @!p0 s1  }
0x167: {  	[bflag:$0x3] =	sbarrier.arrive $0xFFFF  }
0x168: {  	_ =	shalt  }

</sc_bundles>
